<compile_context>
chip_gen: v7x
topology: tpu7x:2x2x1
jax: 0.10.2.dev20260603
libtpu: 0.0.44.dev20260713+nightly
codegen_flags: <defaults>
</compile_context>

<pallas_src>
import functools

import jax
import jax.numpy as jnp
import numpy as np
from jax import lax
from jax.experimental import pallas as pl
from jax.experimental.pallas import tpu as pltpu
from jax.experimental.pallas import tpu_sc as plsc

N = 10000
E = 320000
C = 128
T = 12

NSUB = 16
NCORES = 2
NW = NSUB * NCORES
KW = 80
ACHUNKS = (E // NW) // KW
NPS = N // NSUB
ROWS_BUF = 125
EPS = E // NSUB
EPSX = EPS + NPS + 15
ECX = EPSX // KW

_LO_COLS = np.concatenate(
    [np.arange(g * 32, g * 32 + 16) for g in range(C // 32)]).astype(np.int32)
_HI_COLS = _LO_COLS + 16


def _rne_bf16_bits(y):
    v = lax.bitcast_convert_type(y, jnp.int32)
    return v + (jnp.int32(0x7FFF) + ((v >> 16) & 1))


def _mm_body(x_ref, wlo_ref, whi_ref, o_ref):
    x = x_ref[...]
    ylo = jnp.dot(x, wlo_ref[...], preferred_element_type=jnp.float32)
    yhi = jnp.dot(x, whi_ref[...], preferred_element_type=jnp.float32)
    lo = (_rne_bf16_bits(ylo) >> 16) & jnp.int32(0xFFFF)
    hi = _rne_bf16_bits(yhi) & jnp.int32(-65536)
    o_ref[...] = lo | hi


def _dis_body(degp_ref, dis_ref, selfn_ref):
    deg = degp_ref[0, :] + degp_ref[1, :] + 1.0
    dis_ref[...] = lax.rsqrt(deg)
    selfn_ref[...] = 1.0 / deg


def _deg_kernel(col_hbm, ew_hbm, degp_hbm, acc, zbuf, ew_v, col_v):
    c = lax.axis_index("c")
    s = lax.axis_index("s")
    wid = s * NCORES + c

    @pl.when(s == 0)
    def _():
        @pl.loop(0, 2000, step=16)
        def _(i):
            zbuf[pl.ds(i, 16)] = jnp.zeros((16,), jnp.float32)

        for kk in range(N // 2000):
            pltpu.sync_copy(zbuf, acc.at[pl.ds(kk * 2000, 2000)])

    plsc.subcore_barrier()

    pltpu.sync_copy(ew_hbm.at[pl.ds(pl.multiple_of(wid * (E // NW), 8), E // NW)],
                    ew_v)
    pltpu.sync_copy(col_hbm.at[wid], col_v)

    @pl.loop(0, ACHUNKS)
    def _(cc):
        pltpu.sync_copy(ew_v.at[pl.ds(pl.multiple_of(cc * KW, 8), KW)],
                        acc.at[col_v.at[cc]], add=True)

    plsc.subcore_barrier()

    @pl.when(s == 0)
    def _():
        pltpu.sync_copy(acc, degp_hbm.at[c])


def _norm_kernel(recA_hbm, dis_hbm, nrm_hbm, dis_v, rec_v, nrm_v, rsem, wsem):
    c = lax.axis_index("c")
    s = lax.axis_index("s")
    wid = s * NCORES + c

    pltpu.sync_copy(dis_hbm, dis_v)

    def rstart(i, b):
        pltpu.async_copy(recA_hbm.at[wid].at[i], rec_v.at[b], rsem.at[b])

    def rwait(i, b):
        pltpu.make_async_copy(recA_hbm.at[wid].at[i], rec_v.at[b],
                              rsem.at[b]).wait()

    def wstart(i, b):
        pltpu.async_copy(nrm_v.at[b], nrm_hbm.at[wid].at[i], wsem.at[b])

    def wwait(i, b):
        pltpu.make_async_copy(nrm_v.at[b], nrm_hbm.at[wid].at[i],
                              wsem.at[b]).wait()

    def compute(b):
        for k in range(KW // 16):
            r16 = rec_v[b, 0, pl.ds(k * 16, 16)]
            c16 = rec_v[b, 1, pl.ds(k * 16, 16)]
            ew16 = plsc.bitcast(rec_v[b, 2, pl.ds(k * 16, 16)], jnp.float32)
            nr = plsc.load_gather(dis_v, [r16])
            nc = plsc.load_gather(dis_v, [c16])
            nrm_v[b, pl.ds(k * 16, 16)] = nr * ew16 * nc

    rstart(0, 0)

    @pl.loop(0, ACHUNKS - 1, step=2)
    def _(i0):
        for b in (0, 1):
            i = i0 + b
            o = 1 - b
            rstart(i + 1, o)
            rwait(i, b)

            @pl.when(i > 1)
            def _():
                wwait(i - 2, b)

            compute(b)
            wstart(i, b)

    last = ACHUNKS - 1
    rwait(last, 0)
    wwait(last - 2, 0)
    compute(0)
    wstart(last, 0)
    wwait(last - 1, 1)
    wwait(last, 0)


def _msg_kernel(h_hbm, idxt_hbm, rec_hbm, b_hbm, out_hbm,
                acc, b_v, buf0, msg_v, fbuf, rec_v, idx_v,
                gsem, ssem, rsem, isem):
    c = lax.axis_index("c")
    s = lax.axis_index("s")

    pltpu.sync_copy(b_hbm, b_v)

    r0 = s * NPS
    t0 = c * (T // NCORES)

    def rec_start(i, b):
        pltpu.async_copy(rec_hbm.at[s].at[i], rec_v.at[b], rsem.at[b])

    def rec_wait(i, b):
        pltpu.make_async_copy(rec_hbm.at[s].at[i], rec_v.at[b],
                              rsem.at[b]).wait()

    def idx_start(t, i, b):
        pltpu.async_copy(idxt_hbm.at[t].at[s].at[i], idx_v.at[b], isem.at[b])

    def idx_wait(t, i, b):
        pltpu.make_async_copy(idxt_hbm.at[t].at[s].at[i], idx_v.at[b],
                              isem.at[b]).wait()

    def gather_start(b):
        pltpu.async_copy(h_hbm.at[idx_v.at[b]], msg_v.at[b], gsem.at[b])

    def gather_wait(b):
        pltpu.make_async_copy(h_hbm.at[idx_v.at[b]], msg_v.at[b],
                              gsem.at[b]).wait()

    def scale(b):
        @plsc.parallel_loop(0, KW, step=1, unroll=8)
        def _(e):
            sp = plsc.bitcast(
                plsc.load_gather(rec_v.at[b], [
                    jnp.zeros((16,), jnp.int32) + 1,
                    jnp.zeros((16,), jnp.int32) + e]), jnp.float32)
            for k in range(C // 32):
                xi = msg_v[b, e, pl.ds(k * 16, 16)]
                fe = plsc.bitcast(xi << 16, jnp.float32) * sp
                fo = plsc.bitcast(xi & jnp.int32(-65536), jnp.float32) * sp
                fbuf[b, e, pl.ds(k * 32, 16)] = fe
                fbuf[b, e, pl.ds(k * 32 + 16, 16)] = fo

    def scat_start(b):
        pltpu.async_copy(fbuf.at[b], acc.at[rec_v.at[b].at[0]], ssem.at[b],
                         add=True)

    def scat_wait(b):
        pltpu.make_async_copy(fbuf.at[b], acc.at[rec_v.at[b].at[0]],
                              ssem.at[b]).wait()

    @pl.loop(0, T // NCORES)
    def _(ti):
        t = t0 + ti
        base = pl.multiple_of(t * N, 8)

        idx_start(t, 0, 0)
        idx_start(t, 1, 1)
        rec_start(0, 0)

        @plsc.parallel_loop(0, ROWS_BUF, step=1, unroll=4)
        def _(j):
            for k in range(C // 16):
                buf0[j, pl.ds(k * 16, 16)] = jnp.zeros((16,), jnp.float32)

        @pl.loop(0, NPS // ROWS_BUF)
        def _(cb):
            pltpu.sync_copy(buf0, acc.at[pl.ds(r0 + cb * ROWS_BUF, ROWS_BUF)])

        idx_wait(t, 0, 0)
        gather_start(0)
        plsc.subcore_barrier()

        @pl.loop(0, ECX, step=2)
        def _(i0):
            for b in (0, 1):
                i = i0 + b
                o = 1 - b

                @pl.when(i > 0)
                def _():
                    scat_wait(o)

                @pl.when(i + 1 < ECX)
                def _():
                    rec_start(i + 1, o)

                gather_wait(b)

                @pl.when(i + 2 < ECX)
                def _():
                    idx_start(t, i + 2, b)

                @pl.when(i + 1 < ECX)
                def _():
                    idx_wait(t, i + 1, o)
                    gather_start(o)

                rec_wait(i, b)
                scale(b)
                scat_start(b)

        scat_wait((ECX - 1) % 2)
        plsc.subcore_barrier()

        @pl.loop(0, NPS // ROWS_BUF)
        def _(cb):
            off = r0 + cb * ROWS_BUF
            pltpu.sync_copy(acc.at[pl.ds(off, ROWS_BUF)], buf0)

            @plsc.parallel_loop(0, ROWS_BUF, step=1, unroll=4)
            def _(j):
                for k in range(C // 16):
                    v = buf0[j, pl.ds(k * 16, 16)] + b_v[pl.ds(k * 16, 16)]
                    buf0[j, pl.ds(k * 16, 16)] = jnp.maximum(v, 0.0)

            pltpu.sync_copy(buf0, out_hbm.at[pl.ds(base + off, ROWS_BUF)])

        plsc.subcore_barrier()


@jax.jit
def kernel(x, edge_index, edge_attr, W, b):
    col = edge_index[1]

    x2 = jnp.transpose(x, (2, 0, 1)).reshape(T * N, C)

    h = pl.pallas_call(
        _mm_body,
        grid=(T * N // 2000,),
        in_specs=[pl.BlockSpec((2000, C), lambda i: (i, 0)),
                  pl.BlockSpec((C, C // 2), lambda i: (0, 0)),
                  pl.BlockSpec((C, C // 2), lambda i: (0, 0))],
        out_specs=pl.BlockSpec((2000, C // 2), lambda i: (i, 0)),
        out_shape=jax.ShapeDtypeStruct((T * N, C // 2), jnp.int32),
    )(x2, W[:, _LO_COLS], W[:, _HI_COLS])

    mesh = plsc.VectorSubcoreMesh(core_axis_name="c", subcore_axis_name="s")
    sc_params = pltpu.CompilerParams(use_tc_tiling_on_sc=False,
                                     needs_layout_passes=False)

    deg_call = functools.partial(
        pl.kernel,
        out_type=jax.ShapeDtypeStruct((NCORES, N), jnp.float32),
        mesh=mesh,
        compiler_params=sc_params,
        scratch_types=[
            pltpu.VMEM_SHARED((N,), jnp.float32),
            pltpu.VMEM((2000,), jnp.float32),
            pltpu.VMEM((E // NW,), jnp.float32),
            pltpu.VMEM((ACHUNKS, KW), jnp.int32),
        ],
    )
    degp = deg_call(_deg_kernel)(col.reshape(NW, ACHUNKS, KW), edge_attr)

    dis, selfn = pl.pallas_call(
        _dis_body,
        out_shape=(jax.ShapeDtypeStruct((N,), jnp.float32),
                   jax.ShapeDtypeStruct((N,), jnp.float32)),
    )(degp)

    ew_bits = lax.bitcast_convert_type(edge_attr, jnp.int32)
    rec_a = jnp.concatenate([edge_index, ew_bits[None, :]], axis=0)
    rec_a = rec_a.reshape(3, NW, ACHUNKS, KW).transpose(1, 2, 0, 3)
    norm_call = functools.partial(
        pl.kernel,
        out_type=jax.ShapeDtypeStruct((NW, ACHUNKS, KW), jnp.float32),
        mesh=mesh,
        compiler_params=sc_params,
        scratch_types=[
            pltpu.VMEM((N,), jnp.float32),
            pltpu.VMEM((2, 3, KW), jnp.int32),
            pltpu.VMEM((2, KW), jnp.float32),
            pltpu.SemaphoreType.DMA((2,)),
            pltpu.SemaphoreType.DMA((2,)),
        ],
    )
    nrm = norm_call(_norm_kernel)(rec_a, dis)

    row = edge_index[0]
    selfsrc = jnp.arange(N, dtype=jnp.int32).reshape(NSUB, NPS)
    zi = jnp.zeros((NSUB, EPSX - EPS - NPS), jnp.int32)
    zf = jnp.zeros((NSUB, EPSX - EPS - NPS), jnp.float32)
    row_x = jnp.concatenate([row.reshape(NSUB, EPS), selfsrc, zi], axis=1)
    col_x = jnp.concatenate([col.reshape(NSUB, EPS), selfsrc, zi], axis=1)
    nrm_x = jnp.concatenate(
        [nrm.reshape(NSUB, EPS), selfn.reshape(NSUB, NPS), zf], axis=1)
    rec = jnp.stack([col_x, lax.bitcast_convert_type(nrm_x, jnp.int32)])
    rec_c = rec.reshape(2, NSUB, ECX, KW).transpose(1, 2, 0, 3)
    idxt = (row_x[None]
            + (jnp.arange(T, dtype=jnp.int32) * N)[:, None, None])
    idxt = idxt.reshape(T, NSUB, ECX, KW)

    msg_call = functools.partial(
        pl.kernel,
        out_type=jax.ShapeDtypeStruct((T * N, C), jnp.float32),
        mesh=mesh,
        compiler_params=sc_params,
        scratch_types=[
            pltpu.VMEM_SHARED((N, C), jnp.float32),
            pltpu.VMEM((C,), jnp.float32),
            pltpu.VMEM((ROWS_BUF, C), jnp.float32),
            pltpu.VMEM((2, KW, C // 2), jnp.int32),
            pltpu.VMEM((2, KW, C), jnp.float32),
            pltpu.VMEM((2, 2, KW), jnp.int32),
            pltpu.VMEM((2, KW), jnp.int32),
            pltpu.SemaphoreType.DMA((2,)),
            pltpu.SemaphoreType.DMA((2,)),
            pltpu.SemaphoreType.DMA((2,)),
            pltpu.SemaphoreType.DMA((2,)),
        ],
    )
    outf = msg_call(_msg_kernel)(h, idxt, rec_c, b)

    return outf.reshape(T, N, C).transpose(1, 2, 0)

# --- scband reference (transcript-rebuilt; emitter-appended) ---
"""Pipeline reference for scband-spatial-graph-conv-49323404427949 (READ-ONLY COPY).

The authoritative reference and input builder live on the scoring server;
editing this copy changes nothing except your own understanding.
"""

import jax, jax.numpy as jnp
import numpy as np

N = 10000
E = 320000
C_IN = 128
C_OUT = 128
T = 12


def setup_inputs(seed: int = 0) -> dict:
    key = jax.random.key(seed)
    k1, k2, k3, k4 = jax.random.split(key, 4)
    x = jax.random.normal(k1, (N, C_IN, T), dtype=jnp.float32)
    edge_index = jax.random.randint(k2, (2, E), 0, N, dtype=jnp.int32)
    edge_attr = jax.random.uniform(k3, (E,), dtype=jnp.float32)
    W = jax.random.normal(k4, (C_IN, C_OUT), dtype=jnp.float32) / np.sqrt(C_IN)
    b = jnp.zeros((C_OUT,), dtype=jnp.float32)
    return {"x": x, "edge_index": edge_index, "edge_attr": edge_attr, "W": W, "b": b}


def _gcn_conv(x_t, edge_index, edge_weight, W, b):
    # PyG GCNConv: add self-loops (weight 1), symmetric normalization,
    # h = x @ W, out[col] += norm * h[row], then + bias.
    n = x_t.shape[0]
    self_idx = jnp.arange(n, dtype=edge_index.dtype)
    row = jnp.concatenate([edge_index[0], self_idx])
    col = jnp.concatenate([edge_index[1], self_idx])
    ew = jnp.concatenate([edge_weight, jnp.ones((n,), dtype=edge_weight.dtype)])
    deg = jax.ops.segment_sum(ew, col, num_segments=n)
    deg_inv_sqrt = jnp.where(deg > 0, 1.0 / jnp.sqrt(deg), 0.0)
    norm = deg_inv_sqrt[row] * ew * deg_inv_sqrt[col]
    h = x_t @ W
    msg = norm[:, None] * jnp.take(h, row, axis=0)
    out = jax.ops.segment_sum(msg, col, num_segments=n)
    return out + b


def reference(x, edge_index, edge_attr, W, b):
    # SpatialGraphConv.forward: apply the same GCNConv to every temporal slice,
    # ReLU each, then stack along the temporal axis (dim=2).
    outs = []
    for t in range(x.shape[2]):
        x_t = x[:, :, t]
        y_t = _gcn_conv(x_t, edge_index, edge_attr, W, b)
        y_t = jax.nn.relu(y_t)
        outs.append(y_t)
    return jnp.stack(outs, axis=2)

if __name__ == "__main__":
    import jax
    _d = setup_inputs()
    print(jax.jit(kernel)(*tuple(_d.values())))

</pallas_src>

<mosaic_0001>
#map = affine_map<(d0, d1) -> (0, 0)>
#map1 = affine_map<(d0, d1) -> (0, 0, 0, 0)>
#map2 = affine_map<(d0, d1) -> (0)>
module attributes {stable_mosaic.version = 14 : i64} {
  func.func @_msg_kernel(%arg0: i32, %arg1: i32, %arg2: memref<120000x64xi32, #tpu.memory_space<hbm>>, %arg3: memref<12x16x258x80xi32, #tpu.memory_space<hbm>>, %arg4: memref<16x258x2x80xi32, #tpu.memory_space<hbm>>, %arg5: memref<128xf32, #tpu.memory_space<hbm>>, %arg6: memref<120000x128xf32, #tpu.memory_space<hbm>>, %arg7: memref<10000x128xf32, #tpu.memory_space<vmem_shared>>, %arg8: memref<128xf32, #tpu.memory_space<vmem>>, %arg9: memref<125x128xf32, #tpu.memory_space<vmem>>, %arg10: memref<2x80x64xi32, #tpu.memory_space<vmem>>, %arg11: memref<2x80x128xf32, #tpu.memory_space<vmem>>, %arg12: memref<2x2x80xi32, #tpu.memory_space<vmem>>, %arg13: memref<2x80xi32, #tpu.memory_space<vmem>>, %arg14: memref<2x!tpu.dma_semaphore, #tpu.memory_space<semaphore_mem>>, %arg15: memref<2x!tpu.dma_semaphore, #tpu.memory_space<semaphore_mem>>, %arg16: memref<2x!tpu.dma_semaphore, #tpu.memory_space<semaphore_mem>>, %arg17: memref<2x!tpu.dma_semaphore, #tpu.memory_space<semaphore_mem>>) attributes {dimension_semantics = [#tpu.dimension_semantics<core_parallel>, #tpu.dimension_semantics<subcore_parallel>], iteration_bounds = array<i64: 2, 16>, scalar_prefetch = 0 : i64, scratch_operands = 11 : i64, tpu.core_type = #tpu.core_type<sc_vector_subcore>, window_params = [{transform_indices = #map}, {transform_indices = #map1}, {transform_indices = #map1}, {transform_indices = #map2}, {transform_indices = #map}]} {
    "tpu.region"() ({
      %run_scoped3A = tpu.sem_alloc : memref<!tpu.dma_semaphore, #tpu.memory_space<semaphore_mem>>
      tpu.enqueue_dma source(%arg5 : memref<128xf32, #tpu.memory_space<hbm>>) target(%arg8 : memref<128xf32, #tpu.memory_space<vmem>>) target_semaphore(%run_scoped3A : memref<!tpu.dma_semaphore, #tpu.memory_space<semaphore_mem>>)
      tpu.wait_dma2 semaphore(%run_scoped3A : memref<!tpu.dma_semaphore, #tpu.memory_space<semaphore_mem>>) src(%arg5 : memref<128xf32, #tpu.memory_space<hbm>>) dst(%arg8 : memref<128xf32, #tpu.memory_space<vmem>>)
      tpu.yield
    }) : () -> ()
    %mul3A = arith.constant 625 : i32
    %mul3A_0 = arith.muli %arg1, %mul3A : i32
    %mul3A_1 = arith.constant 6 : i32
    %mul3A_2 = arith.muli %arg0, %mul3A_1 : i32
    %scan3A = arith.constant 0 : i32
    %scan3A_3 = arith.constant 6 : i32
    %scan3A_4 = arith.addi %scan3A, %scan3A_3 : i32
    %scan3A_5 = arith.constant 1 : i32
    scf.for %scan3A_7 = %scan3A to %scan3A_4 step %scan3A_5  : i32 {
      %mul3A_8 = arith.constant 1 : i32
      %mul3A_9 = arith.muli %scan3A_7, %mul3A_8 : i32
      %add3A = arith.constant 0 : i32
      %add3A_10 = arith.addi %add3A, %mul3A_9 : i32
      %add3A_11 = arith.addi %mul3A_2, %add3A_10 : i32
      %mul3A_12 = arith.constant 10000 : i32
      %mul3A_13 = arith.muli %add3A_11, %mul3A_12 : i32
      %multiple_of3A = tpu.assume_multiple %mul3A_13, 8 : i32
      %dma_start3A = arith.constant 0 : i32
      %dma_start3A_14 = arith.constant 0 : i32
      %dma_start3A_15 = arith.constant 0 : i32
      %dma_start3A_16 = arith.constant 0 : i32
      %dma_start3A_17 = tpu.memref_slice %arg13[%dma_start3A_14, %dma_start3A_16] : memref<2x80xi32, #tpu.memory_space<vmem>> -> memref<1x80xi32, #tpu.memory_space<vmem>>
      %dma_start3A_18 = tpu.memref_squeeze %dma_start3A_17 : memref<1x80xi32, #tpu.memory_space<vmem>> -> memref<80xi32, #tpu.memory_space<vmem>>
      %dma_start3A_19 = arith.constant 0 : i32
      %dma_start3A_20 = arith.constant 0 : i32
      %dma_start3A_21 = arith.constant 0 : i32
      %dma_start3A_22 = tpu.memref_slice %arg3[%add3A_11, %dma_start3A_19, %dma_start3A_20, %dma_start3A_21] : memref<12x16x258x80xi32, #tpu.memory_space<hbm>> -> memref<1x16x258x80xi32, #tpu.memory_space<hbm>>
      %dma_start3A_23 = tpu.memref_squeeze %dma_start3A_22 : memref<1x16x258x80xi32, #tpu.memory_space<hbm>> -> memref<16x258x80xi32, #tpu.memory_space<hbm>>
      %dma_start3A_24 = arith.constant 0 : i32
      %dma_start3A_25 = arith.constant 0 : i32
      %dma_start3A_26 = tpu.memref_slice %dma_start3A_23[%arg1, %dma_start3A_24, %dma_start3A_25] : memref<16x258x80xi32, #tpu.memory_space<hbm>> -> memref<1x258x80xi32, #tpu.memory_space<hbm>>
      %dma_start3A_27 = tpu.memref_squeeze %dma_start3A_26 : memref<1x258x80xi32, #tpu.memory_space<hbm>> -> memref<258x80xi32, #tpu.memory_space<hbm>>
      %dma_start3A_28 = arith.constant 0 : i32
      %dma_start3A_29 = tpu.memref_slice %dma_start3A_27[%dma_start3A, %dma_start3A_28] : memref<258x80xi32, #tpu.memory_space<hbm>> -> memref<1x80xi32, #tpu.memory_space<hbm>>
      %dma_start3A_30 = tpu.memref_squeeze %dma_start3A_29 : memref<1x80xi32, #tpu.memory_space<hbm>> -> memref<80xi32, #tpu.memory_space<hbm>>
      %dma_start3A_31 = tpu.memref_slice %arg17[%dma_start3A_15] : memref<2x!tpu.dma_semaphore, #tpu.memory_space<semaphore_mem>> -> memref<1x!tpu.dma_semaphore, #tpu.memory_space<semaphore_mem>>
      %dma_start3A_32 = tpu.memref_squeeze %dma_start3A_31 : memref<1x!tpu.dma_semaphore, #tpu.memory_space<semaphore_mem>> -> memref<!tpu.dma_semaphore, #tpu.memory_space<semaphore_mem>>
      %dma_start3A_33 = arith.constant 0 : i32
      %dma_start3A_34 = tpu.memref_slice %arg13[%dma_start3A_14, %dma_start3A_33] : memref<2x80xi32, #tpu.memory_space<vmem>> -> memref<1x80xi32, #tpu.memory_space<vmem>>
      %dma_start3A_35 = tpu.memref_squeeze %dma_start3A_34 : memref<1x80xi32, #tpu.memory_space<vmem>> -> memref<80xi32, #tpu.memory_space<vmem>>
      %dma_start3A_36 = arith.constant 0 : i32
      %dma_start3A_37 = arith.constant 0 : i32
      %dma_start3A_38 = arith.constant 0 : i32
      %dma_start3A_39 = tpu.memref_slice %arg3[%add3A_11, %dma_start3A_36, %dma_start3A_37, %dma_start3A_38] : memref<12x16x258x80xi32, #tpu.memory_space<hbm>> -> memref<1x16x258x80xi32, #tpu.memory_space<hbm>>
      %dma_start3A_40 = tpu.memref_squeeze %dma_start3A_39 : memref<1x16x258x80xi32, #tpu.memory_space<hbm>> -> memref<16x258x80xi32, #tpu.memory_space<hbm>>
      %dma_start3A_41 = arith.constant 0 : i32
      %dma_start3A_42 = arith.constant 0 : i32
      %dma_start3A_43 = tpu.memref_slice %dma_start3A_40[%arg1, %dma_start3A_41, %dma_start3A_42] : memref<16x258x80xi32, #tpu.memory_space<hbm>> -> memref<1x258x80xi32, #tpu.memory_space<hbm>>
      %dma_start3A_44 = tpu.memref_squeeze %dma_start3A_43 : memref<1x258x80xi32, #tpu.memory_space<hbm>> -> memref<258x80xi32, #tpu.memory_space<hbm>>
      %dma_start3A_45 = arith.constant 0 : i32
      %dma_start3A_46 = tpu.memref_slice %dma_start3A_44[%dma_start3A, %dma_start3A_45] : memref<258x80xi32, #tpu.memory_space<hbm>> -> memref<1x80xi32, #tpu.memory_space<hbm>>
      %dma_start3A_47 = tpu.memref_squeeze %dma_start3A_46 : memref<1x80xi32, #tpu.memory_space<hbm>> -> memref<80xi32, #tpu.memory_space<hbm>>
      tpu.enqueue_dma source(%dma_start3A_47 : memref<80xi32, #tpu.memory_space<hbm>>) target(%dma_start3A_35 : memref<80xi32, #tpu.memory_space<vmem>>) target_semaphore(%dma_start3A_32 : memref<!tpu.dma_semaphore, #tpu.memory_space<semaphore_mem>>)
      %dma_start3A_48 = arith.constant 1 : i32
      %dma_start3A_49 = arith.constant 1 : i32
      %dma_start3A_50 = arith.constant 1 : i32
      %dma_start3A_51 = arith.constant 0 : i32
      %dma_start3A_52 = tpu.memref_slice %arg13[%dma_start3A_49, %dma_start3A_51] : memref<2x80xi32, #tpu.memory_space<vmem>> -> memref<1x80xi32, #tpu.memory_space<vmem>>
      %dma_start3A_53 = tpu.memref_squeeze %dma_start3A_52 : memref<1x80xi32, #tpu.memory_space<vmem>> -> memref<80xi32, #tpu.memory_space<vmem>>
      %dma_start3A_54 = arith.constant 0 : i32
      %dma_start3A_55 = arith.constant 0 : i32
      %dma_start3A_56 = arith.constant 0 : i32
      %dma_start3A_57 = tpu.memref_slice %arg3[%add3A_11, %dma_start3A_54, %dma_start3A_55, %dma_start3A_56] : memref<12x16x258x80xi32, #tpu.memory_space<hbm>> -> memref<1x16x258x80xi32, #tpu.memory_space<hbm>>
      %dma_start3A_58 = tpu.memref_squeeze %dma_start3A_57 : memref<1x16x258x80xi32, #tpu.memory_space<hbm>> -> memref<16x258x80xi32, #tpu.memory_space<hbm>>
      %dma_start3A_59 = arith.constant 0 : i32
      %dma_start3A_60 = arith.constant 0 : i32
      %dma_start3A_61 = tpu.memref_slice %dma_start3A_58[%arg1, %dma_start3A_59, %dma_start3A_60] : memref<16x258x80xi32, #tpu.memory_space<hbm>> -> memref<1x258x80xi32, #tpu.memory_space<hbm>>
      %dma_start3A_62 = tpu.memref_squeeze %dma_start3A_61 : memref<1x258x80xi32, #tpu.memory_space<hbm>> -> memref<258x80xi32, #tpu.memory_space<hbm>>
      %dma_start3A_63 = arith.constant 0 : i32
      %dma_start3A_64 = tpu.memref_slice %dma_start3A_62[%dma_start3A_48, %dma_start3A_63] : memref<258x80xi32, #tpu.memory_space<hbm>> -> memref<1x80xi32, #tpu.memory_space<hbm>>
      %dma_start3A_65 = tpu.memref_squeeze %dma_start3A_64 : memref<1x80xi32, #tpu.memory_space<hbm>> -> memref<80xi32, #tpu.memory_space<hbm>>
      %dma_start3A_66 = tpu.memref_slice %arg17[%dma_start3A_50] : memref<2x!tpu.dma_semaphore, #tpu.memory_space<semaphore_mem>> -> memref<1x!tpu.dma_semaphore, #tpu.memory_space<semaphore_mem>>
      %dma_start3A_67 = tpu.memref_squeeze %dma_start3A_66 : memref<1x!tpu.dma_semaphore, #tpu.memory_space<semaphore_mem>> -> memref<!tpu.dma_semaphore, #tpu.memory_space<semaphore_mem>>
      %dma_start3A_68 = arith.constant 0 : i32
      %dma_start3A_69 = tpu.memref_slice %arg13[%dma_start3A_49, %dma_start3A_68] : memref<2x80xi32, #tpu.memory_space<vmem>> -> memref<1x80xi32, #tpu.memory_space<vmem>>
      %dma_start3A_70 = tpu.memref_squeeze %dma_start3A_69 : memref<1x80xi32, #tpu.memory_space<vmem>> -> memref<80xi32, #tpu.memory_space<vmem>>
      %dma_start3A_71 = arith.constant 0 : i32
      %dma_start3A_72 = arith.constant 0 : i32
      %dma_start3A_73 = arith.constant 0 : i32
      %dma_start3A_74 = tpu.memref_slice %arg3[%add3A_11, %dma_start3A_71, %dma_start3A_72, %dma_start3A_73] : memref<12x16x258x80xi32, #tpu.memory_space<hbm>> -> memref<1x16x258x80xi32, #tpu.memory_space<hbm>>
      %dma_start3A_75 = tpu.memref_squeeze %dma_start3A_74 : memref<1x16x258x80xi32, #tpu.memory_space<hbm>> -> memref<16x258x80xi32, #tpu.memory_space<hbm>>
      %dma_start3A_76 = arith.constant 0 : i32
      %dma_start3A_77 = arith.constant 0 : i32
      %dma_start3A_78 = tpu.memref_slice %dma_start3A_75[%arg1, %dma_start3A_76, %dma_start3A_77] : memref<16x258x80xi32, #tpu.memory_space<hbm>> -> memref<1x258x80xi32, #tpu.memory_space<hbm>>
      %dma_start3A_79 = tpu.memref_squeeze %dma_start3A_78 : memref<1x258x80xi32, #tpu.memory_space<hbm>> -> memref<258x80xi32, #tpu.memory_space<hbm>>
      %dma_start3A_80 = arith.constant 0 : i32
      %dma_start3A_81 = tpu.memref_slice %dma_start3A_79[%dma_start3A_48, %dma_start3A_80] : memref<258x80xi32, #tpu.memory_space<hbm>> -> memref<1x80xi32, #tpu.memory_space<hbm>>
      %dma_start3A_82 = tpu.memref_squeeze %dma_start3A_81 : memref<1x80xi32, #tpu.memory_space<hbm>> -> memref<80xi32, #tpu.memory_space<hbm>>
      tpu.enqueue_dma source(%dma_start3A_82 : memref<80xi32, #tpu.memory_space<hbm>>) target(%dma_start3A_70 : memref<80xi32, #tpu.memory_space<vmem>>) target_semaphore(%dma_start3A_67 : memref<!tpu.dma_semaphore, #tpu.memory_space<semaphore_mem>>)
      %dma_start3A_83 = arith.constant 0 : i32
      %dma_start3A_84 = arith.constant 0 : i32
      %dma_start3A_85 = arith.constant 0 : i32
      %dma_start3A_86 = arith.constant 0 : i32
      %dma_start3A_87 = arith.constant 0 : i32
      %dma_start3A_88 = tpu.memref_slice %arg12[%dma_start3A_84, %dma_start3A_86, %dma_start3A_87] : memref<2x2x80xi32, #tpu.memory_space<vmem>> -> memref<1x2x80xi32, #tpu.memory_space<vmem>>
      %dma_start3A_89 = tpu.memref_squeeze %dma_start3A_88 : memref<1x2x80xi32, #tpu.memory_space<vmem>> -> memref<2x80xi32, #tpu.memory_space<vmem>>
      %dma_start3A_90 = arith.constant 0 : i32
      %dma_start3A_91 = arith.constant 0 : i32
      %dma_start3A_92 = arith.constant 0 : i32
      %dma_start3A_93 = tpu.memref_slice %arg4[%arg1, %dma_start3A_90, %dma_start3A_91, %dma_start3A_92] : memref<16x258x2x80xi32, #tpu.memory_space<hbm>> -> memref<1x258x2x80xi32, #tpu.memory_space<hbm>>
      %dma_start3A_94 = tpu.memref_squeeze %dma_start3A_93 : memref<1x258x2x80xi32, #tpu.memory_space<hbm>> -> memref<258x2x80xi32, #tpu.memory_space<hbm>>
      %dma_start3A_95 = arith.constant 0 : i32
      %dma_start3A_96 = arith.constant 0 : i32
      %dma_start3A_97 = tpu.memref_slice %dma_start3A_94[%dma_start3A_83, %dma_start3A_95, %dma_start3A_96] : memref<258x2x80xi32, #tpu.memory_space<hbm>> -> memref<1x2x80xi32, #tpu.memory_space<hbm>>
      %dma_start3A_98 = tpu.memref_squeeze %dma_start3A_97 : memref<1x2x80xi32, #tpu.memory_space<hbm>> -> memref<2x80xi32, #tpu.memory_space<hbm>>
      %dma_start3A_99 = tpu.memref_slice %arg16[%dma_start3A_85] : memref<2x!tpu.dma_semaphore, #tpu.memory_space<semaphore_mem>> -> memref<1x!tpu.dma_semaphore, #tpu.memory_space<semaphore_mem>>
      %dma_start3A_100 = tpu.memref_squeeze %dma_start3A_99 : memref<1x!tpu.dma_semaphore, #tpu.memory_space<semaphore_mem>> -> memref<!tpu.dma_semaphore, #tpu.memory_space<semaphore_mem>>
      %dma_start3A_101 = arith.constant 0 : i32
      %dma_start3A_102 = arith.constant 0 : i32
      %dma_start3A_103 = tpu.memref_slice %arg12[%dma_start3A_84, %dma_start3A_101, %dma_start3A_102] : memref<2x2x80xi32, #tpu.memory_space<vmem>> -> memref<1x2x80xi32, #tpu.memory_space<vmem>>
      %dma_start3A_104 = tpu.memref_squeeze %dma_start3A_103 : memref<1x2x80xi32, #tpu.memory_space<vmem>> -> memref<2x80xi32, #tpu.memory_space<vmem>>
      %dma_start3A_105 = arith.constant 0 : i32
      %dma_start3A_106 = arith.constant 0 : i32
      %dma_start3A_107 = arith.constant 0 : i32
      %dma_start3A_108 = tpu.memref_slice %arg4[%arg1, %dma_start3A_105, %dma_start3A_106, %dma_start3A_107] : memref<16x258x2x80xi32, #tpu.memory_space<hbm>> -> memref<1x258x2x80xi32, #tpu.memory_space<hbm>>
      %dma_start3A_109 = tpu.memref_squeeze %dma_start3A_108 : memref<1x258x2x80xi32, #tpu.memory_space<hbm>> -> memref<258x2x80xi32, #tpu.memory_space<hbm>>
      %dma_start3A_110 = arith.constant 0 : i32
      %dma_start3A_111 = arith.constant 0 : i32
      %dma_start3A_112 = tpu.memref_slice %dma_start3A_109[%dma_start3A_83, %dma_start3A_110, %dma_start3A_111] : memref<258x2x80xi32, #tpu.memory_space<hbm>> -> memref<1x2x80xi32, #tpu.memory_space<hbm>>
      %dma_start3A_113 = tpu.memref_squeeze %dma_start3A_112 : memref<1x2x80xi32, #tpu.memory_space<hbm>> -> memref<2x80xi32, #tpu.memory_space<hbm>>
      tpu.enqueue_dma source(%dma_start3A_113 : memref<2x80xi32, #tpu.memory_space<hbm>>) target(%dma_start3A_104 : memref<2x80xi32, #tpu.memory_space<vmem>>) target_semaphore(%dma_start3A_100 : memref<!tpu.dma_semaphore, #tpu.memory_space<semaphore_mem>>)
      %parallel_loop3A = arith.constant 0 : i32
      %parallel_loop3A_114 = arith.constant 125 : i32
      %parallel_loop3A_115 = arith.constant 1 : i32
      scf.for %parallel_loop3A_202 = %parallel_loop3A to %parallel_loop3A_114 step %parallel_loop3A_115  : i32 {
        %parallel_loop3A_203 = arith.constant 0.000000e+00 : f32
        %parallel_loop3A_204 = vector.broadcast %parallel_loop3A_203 : f32 to vector<16xf32>
        %parallel_loop3A_205 = arith.index_cast %parallel_loop3A_202 : i32 to index
        %parallel_loop3A_206 = arith.constant 0 : index
        %parallel_loop3A_207 = tpu.vector_load %arg9[%parallel_loop3A_205, %parallel_loop3A_206] {strides = array<i32>} : memref<125x128xf32, #tpu.memory_space<vmem>>, vector<16xf32>,
        tpu.vector_store %arg9[%parallel_loop3A_205, %parallel_loop3A_206], %parallel_loop3A_204 {strides = array<i32>} : memref<125x128xf32, #tpu.memory_space<vmem>>, vector<16xf32>,
        %parallel_loop3A_208 = arith.constant 0.000000e+00 : f32
        %parallel_loop3A_209 = vector.broadcast %parallel_loop3A_208 : f32 to vector<16xf32>
        %parallel_loop3A_210 = arith.index_cast %parallel_loop3A_202 : i32 to index
        %parallel_loop3A_211 = arith.constant 16 : index
        %parallel_loop3A_212 = tpu.vector_load %arg9[%parallel_loop3A_210, %parallel_loop3A_211] {strides = array<i32>} : memref<125x128xf32, #tpu.memory_space<vmem>>, vector<16xf32>,
        tpu.vector_store %arg9[%parallel_loop3A_210, %parallel_loop3A_211], %parallel_loop3A_209 {strides = array<i32>} : memref<125x128xf32, #tpu.memory_space<vmem>>, vector<16xf32>,
        %parallel_loop3A_213 = arith.constant 0.000000e+00 : f32
        %parallel_loop3A_214 = vector.broadcast %parallel_loop3A_213 : f32 to vector<16xf32>
        %parallel_loop3A_215 = arith.index_cast %parallel_loop3A_202 : i32 to index
        %parallel_loop3A_216 = arith.constant 32 : index
        %parallel_loop3A_217 = tpu.vector_load %arg9[%parallel_loop3A_215, %parallel_loop3A_216] {strides = array<i32>} : memref<125x128xf32, #tpu.memory_space<vmem>>, vector<16xf32>,
        tpu.vector_store %arg9[%parallel_loop3A_215, %parallel_loop3A_216], %parallel_loop3A_214 {strides = array<i32>} : memref<125x128xf32, #tpu.memory_space<vmem>>, vector<16xf32>,
        %parallel_loop3A_218 = arith.constant 0.000000e+00 : f32
        %parallel_loop3A_219 = vector.broadcast %parallel_loop3A_218 : f32 to vector<16xf32>
        %parallel_loop3A_220 = arith.index_cast %parallel_loop3A_202 : i32 to index
        %parallel_loop3A_221 = arith.constant 48 : index
        %parallel_loop3A_222 = tpu.vector_load %arg9[%parallel_loop3A_220, %parallel_loop3A_221] {strides = array<i32>} : memref<125x128xf32, #tpu.memory_space<vmem>>, vector<16xf32>,
        tpu.vector_store %arg9[%parallel_loop3A_220, %parallel_loop3A_221], %parallel_loop3A_219 {strides = array<i32>} : memref<125x128xf32, #tpu.memory_space<vmem>>, vector<16xf32>,
        %parallel_loop3A_223 = arith.constant 0.000000e+00 : f32
        %parallel_loop3A_224 = vector.broadcast %parallel_loop3A_223 : f32 to vector<16xf32>
        %parallel_loop3A_225 = arith.index_cast %parallel_loop3A_202 : i32 to index
        %parallel_loop3A_226 = arith.constant 64 : index
        %parallel_loop3A_227 = tpu.vector_load %arg9[%parallel_loop3A_225, %parallel_loop3A_226] {strides = array<i32>} : memref<125x128xf32, #tpu.memory_space<vmem>>, vector<16xf32>,
        tpu.vector_store %arg9[%parallel_loop3A_225, %parallel_loop3A_226], %parallel_loop3A_224 {strides = array<i32>} : memref<125x128xf32, #tpu.memory_space<vmem>>, vector<16xf32>,
        %parallel_loop3A_228 = arith.constant 0.000000e+00 : f32
        %parallel_loop3A_229 = vector.broadcast %parallel_loop3A_228 : f32 to vector<16xf32>
        %parallel_loop3A_230 = arith.index_cast %parallel_loop3A_202 : i32 to index
        %parallel_loop3A_231 = arith.constant 80 : index
        %parallel_loop3A_232 = tpu.vector_load %arg9[%parallel_loop3A_230, %parallel_loop3A_231] {strides = array<i32>} : memref<125x128xf32, #tpu.memory_space<vmem>>, vector<16xf32>,
        tpu.vector_store %arg9[%parallel_loop3A_230, %parallel_loop3A_231], %parallel_loop3A_229 {strides = array<i32>} : memref<125x128xf32, #tpu.memory_space<vmem>>, vector<16xf32>,
        %parallel_loop3A_233 = arith.constant 0.000000e+00 : f32
        %parallel_loop3A_234 = vector.broadcast %parallel_loop3A_233 : f32 to vector<16xf32>
        %parallel_loop3A_235 = arith.index_cast %parallel_loop3A_202 : i32 to index
        %parallel_loop3A_236 = arith.constant 96 : index
        %parallel_loop3A_237 = tpu.vector_load %arg9[%parallel_loop3A_235, %parallel_loop3A_236] {strides = array<i32>} : memref<125x128xf32, #tpu.memory_space<vmem>>, vector<16xf32>,
        tpu.vector_store %arg9[%parallel_loop3A_235, %parallel_loop3A_236], %parallel_loop3A_234 {strides = array<i32>} : memref<125x128xf32, #tpu.memory_space<vmem>>, vector<16xf32>,
        %parallel_loop3A_238 = arith.constant 0.000000e+00 : f32
        %parallel_loop3A_239 = vector.broadcast %parallel_loop3A_238 : f32 to vector<16xf32>
        %parallel_loop3A_240 = arith.index_cast %parallel_loop3A_202 : i32 to index
        %parallel_loop3A_241 = arith.constant 112 : index
        %parallel_loop3A_242 = tpu.vector_load %arg9[%parallel_loop3A_240, %parallel_loop3A_241] {strides = array<i32>} : memref<125x128xf32, #tpu.memory_space<vmem>>, vector<16xf32>,
        tpu.vector_store %arg9[%parallel_loop3A_240, %parallel_loop3A_241], %parallel_loop3A_239 {strides = array<i32>} : memref<125x128xf32, #tpu.memory_space<vmem>>, vector<16xf32>,
      } {sc.loop_unroll_factor = 4 : i64, sc.parallel_access}
      %scan3A_116 = arith.constant 0 : i32
      %scan3A_117 = arith.constant 5 : i32
      %scan3A_118 = arith.addi %scan3A_116, %scan3A_117 : i32
      %scan3A_119 = arith.constant 1 : i32
      scf.for %scan3A_202 = %scan3A_116 to %scan3A_118 step %scan3A_119  : i32 {
        %mul3A_203 = arith.constant 1 : i32
        %mul3A_204 = arith.muli %scan3A_202, %mul3A_203 : i32
        %add3A_205 = arith.constant 0 : i32
        %add3A_206 = arith.addi %add3A_205, %mul3A_204 : i32
        %mul3A_207 = arith.constant 125 : i32
        %mul3A_208 = arith.muli %add3A_206, %mul3A_207 : i32
        %add3A_209 = arith.addi %mul3A_0, %mul3A_208 : i32
        "tpu.region"() ({
          %run_scoped3A = tpu.sem_alloc : memref<!tpu.dma_semaphore, #tpu.memory_space<semaphore_mem>>
          %dma_start3A_210 = arith.constant 0 : i32
          %dma_start3A_211 = tpu.memref_slice %arg7[%add3A_209, %dma_start3A_210] : memref<10000x128xf32, #tpu.memory_space<vmem_shared>> -> memref<125x128xf32, #tpu.memory_space<vmem_shared>>
          %dma_start3A_212 = arith.constant 0 : i32
          %dma_start3A_213 = tpu.memref_slice %arg7[%add3A_209, %dma_start3A_212] : memref<10000x128xf32, #tpu.memory_space<vmem_shared>> -> memref<125x128xf32, #tpu.memory_space<vmem_shared>>
          tpu.enqueue_dma source(%arg9 : memref<125x128xf32, #tpu.memory_space<vmem>>) target(%dma_start3A_213 : memref<125x128xf32, #tpu.memory_space<vmem_shared>>) target_semaphore(%run_scoped3A : memref<!tpu.dma_semaphore, #tpu.memory_space<semaphore_mem>>)
          %dma_wait3A_214 = arith.constant 0 : i32
          %dma_wait3A_215 = tpu.memref_slice %arg7[%add3A_209, %dma_wait3A_214] : memref<10000x128xf32, #tpu.memory_space<vmem_shared>> -> memref<125x128xf32, #tpu.memory_space<vmem_shared>>
          %dma_wait3A_216 = arith.constant 0 : i32
          %dma_wait3A_217 = tpu.memref_slice %arg7[%add3A_209, %dma_wait3A_216] : memref<10000x128xf32, #tpu.memory_space<vmem_shared>> -> memref<125x128xf32, #tpu.memory_space<vmem_shared>>
          tpu.wait_dma2 semaphore(%run_scoped3A : memref<!tpu.dma_semaphore, #tpu.memory_space<semaphore_mem>>) src(%arg9 : memref<125x128xf32, #tpu.memory_space<vmem>>) dst(%dma_wait3A_217 : memref<125x128xf32, #tpu.memory_space<vmem_shared>>)
          tpu.yield
        }) : () -> ()
      }
      %scan3A_120 = arith.constant 5 : i32
      %dma_wait3A = arith.constant 0 : i32
      %dma_wait3A_121 = arith.constant 0 : i32
      %dma_wait3A_122 = arith.constant 0 : i32
      %dma_wait3A_123 = arith.constant 0 : i32
      %dma_wait3A_124 = tpu.memref_slice %arg13[%dma_wait3A_121, %dma_wait3A_123] : memref<2x80xi32, #tpu.memory_space<vmem>> -> memref<1x80xi32, #tpu.memory_space<vmem>>
      %dma_wait3A_125 = tpu.memref_squeeze %dma_wait3A_124 : memref<1x80xi32, #tpu.memory_space<vmem>> -> memref<80xi32, #tpu.memory_space<vmem>>
      %dma_wait3A_126 = arith.constant 0 : i32
      %dma_wait3A_127 = arith.constant 0 : i32
      %dma_wait3A_128 = arith.constant 0 : i32
      %dma_wait3A_129 = tpu.memref_slice %arg3[%add3A_11, %dma_wait3A_126, %dma_wait3A_127, %dma_wait3A_128] : memref<12x16x258x80xi32, #tpu.memory_space<hbm>> -> memref<1x16x258x80xi32, #tpu.memory_space<hbm>>
      %dma_wait3A_130 = tpu.memref_squeeze %dma_wait3A_129 : memref<1x16x258x80xi32, #tpu.memory_space<hbm>> -> memref<16x258x80xi32, #tpu.memory_space<hbm>>
      %dma_wait3A_131 = arith.constant 0 : i32
      %dma_wait3A_132 = arith.constant 0 : i32
      %dma_wait3A_133 = tpu.memref_slice %dma_wait3A_130[%arg1, %dma_wait3A_131, %dma_wait3A_132] : memref<16x258x80xi32, #tpu.memory_space<hbm>> -> memref<1x258x80xi32, #tpu.memory_space<hbm>>
      %dma_wait3A_134 = tpu.memref_squeeze %dma_wait3A_133 : memref<1x258x80xi32, #tpu.memory_space<hbm>> -> memref<258x80xi32, #tpu.memory_space<hbm>>
      %dma_wait3A_135 = arith.constant 0 : i32
      %dma_wait3A_136 = tpu.memref_slice %dma_wait3A_134[%dma_wait3A, %dma_wait3A_135] : memref<258x80xi32, #tpu.memory_space<hbm>> -> memref<1x80xi32, #tpu.memory_space<hbm>>
      %dma_wait3A_137 = tpu.memref_squeeze %dma_wait3A_136 : memref<1x80xi32, #tpu.memory_space<hbm>> -> memref<80xi32, #tpu.memory_space<hbm>>
      %dma_wait3A_138 = tpu.memref_slice %arg17[%dma_wait3A_122] : memref<2x!tpu.dma_semaphore, #tpu.memory_space<semaphore_mem>> -> memref<1x!tpu.dma_semaphore, #tpu.memory_space<semaphore_mem>>
      %dma_wait3A_139 = tpu.memref_squeeze %dma_wait3A_138 : memref<1x!tpu.dma_semaphore, #tpu.memory_space<semaphore_mem>> -> memref<!tpu.dma_semaphore, #tpu.memory_space<semaphore_mem>>
      %dma_wait3A_140 = arith.constant 0 : i32
      %dma_wait3A_141 = tpu.memref_slice %arg13[%dma_wait3A_121, %dma_wait3A_140] : memref<2x80xi32, #tpu.memory_space<vmem>> -> memref<1x80xi32, #tpu.memory_space<vmem>>
      %dma_wait3A_142 = tpu.memref_squeeze %dma_wait3A_141 : memref<1x80xi32, #tpu.memory_space<vmem>> -> memref<80xi32, #tpu.memory_space<vmem>>
      %dma_wait3A_143 = arith.constant 0 : i32
      %dma_wait3A_144 = arith.constant 0 : i32
      %dma_wait3A_145 = arith.constant 0 : i32
      %dma_wait3A_146 = tpu.memref_slice %arg3[%add3A_11, %dma_wait3A_143, %dma_wait3A_144, %dma_wait3A_145] : memref<12x16x258x80xi32, #tpu.memory_space<hbm>> -> memref<1x16x258x80xi32, #tpu.memory_space<hbm>>
      %dma_wait3A_147 = tpu.memref_squeeze %dma_wait3A_146 : memref<1x16x258x80xi32, #tpu.memory_space<hbm>> -> memref<16x258x80xi32, #tpu.memory_space<hbm>>
      %dma_wait3A_148 = arith.constant 0 : i32
      %dma_wait3A_149 = arith.constant 0 : i32
      %dma_wait3A_150 = tpu.memref_slice %dma_wait3A_147[%arg1, %dma_wait3A_148, %dma_wait3A_149] : memref<16x258x80xi32, #tpu.memory_space<hbm>> -> memref<1x258x80xi32, #tpu.memory_space<hbm>>
      %dma_wait3A_151 = tpu.memref_squeeze %dma_wait3A_150 : memref<1x258x80xi32, #tpu.memory_space<hbm>> -> memref<258x80xi32, #tpu.memory_space<hbm>>
      %dma_wait3A_152 = arith.constant 0 : i32
      %dma_wait3A_153 = tpu.memref_slice %dma_wait3A_151[%dma_wait3A, %dma_wait3A_152] : memref<258x80xi32, #tpu.memory_space<hbm>> -> memref<1x80xi32, #tpu.memory_space<hbm>>
      %dma_wait3A_154 = tpu.memref_squeeze %dma_wait3A_153 : memref<1x80xi32, #tpu.memory_space<hbm>> -> memref<80xi32, #tpu.memory_space<hbm>>
      tpu.wait_dma2 semaphore(%dma_wait3A_139 : memref<!tpu.dma_semaphore, #tpu.memory_space<semaphore_mem>>) src(%dma_wait3A_154 : memref<80xi32, #tpu.memory_space<hbm>>) dst(%dma_wait3A_142 : memref<80xi32, #tpu.memory_space<vmem>>)
      %dma_start3A_155 = arith.constant 0 : i32
      %dma_start3A_156 = arith.constant 0 : i32
      %dma_start3A_157 = arith.constant 0 : i32
      %dma_start3A_158 = arith.constant 0 : i32
      %dma_start3A_159 = arith.constant 0 : i32
      %dma_start3A_160 = tpu.memref_slice %arg10[%dma_start3A_156, %dma_start3A_158, %dma_start3A_159] : memref<2x80x64xi32, #tpu.memory_space<vmem>> -> memref<1x80x64xi32, #tpu.memory_space<vmem>>
      %dma_start3A_161 = tpu.memref_squeeze %dma_start3A_160 : memref<1x80x64xi32, #tpu.memory_space<vmem>> -> memref<80x64xi32, #tpu.memory_space<vmem>>
      %dma_start3A_162 = arith.constant 0 : i32
      %dma_start3A_163 = tpu.memref_slice %arg13[%dma_start3A_155, %dma_start3A_162] : memref<2x80xi32, #tpu.memory_space<vmem>> -> memref<1x80xi32, #tpu.memory_space<vmem>>
      %dma_start3A_164 = tpu.memref_squeeze %dma_start3A_163 : memref<1x80xi32, #tpu.memory_space<vmem>> -> memref<80xi32, #tpu.memory_space<vmem>>
      %dma_start3A_165 = arith.constant 0 : i32
      %dma_start3A_166 = arith.constant 0 : i32
      %dma_start3A_167 = tpu.memref_slice %arg2[%dma_start3A_165, %dma_start3A_166] : memref<120000x64xi32, #tpu.memory_space<hbm>> -> memref<120000x64xi32, #tpu.memory_space<hbm>>
      %dma_start3A_168 = tpu.memref_slice %arg14[%dma_start3A_157] : memref<2x!tpu.dma_semaphore, #tpu.memory_space<semaphore_mem>> -> memref<1x!tpu.dma_semaphore, #tpu.memory_space<semaphore_mem>>
      %dma_start3A_169 = tpu.memref_squeeze %dma_start3A_168 : memref<1x!tpu.dma_semaphore, #tpu.memory_space<semaphore_mem>> -> memref<!tpu.dma_semaphore, #tpu.memory_space<semaphore_mem>>
      tpu.enqueue_indirect_dma source(%dma_start3A_167 : memref<120000x64xi32, #tpu.memory_space<hbm>>) target(%dma_start3A_161 : memref<80x64xi32, #tpu.memory_space<vmem>>) offsets(%dma_start3A_164 : memref<80xi32, #tpu.memory_space<vmem>>) semaphore(%dma_start3A_169 : memref<!tpu.dma_semaphore, #tpu.memory_space<semaphore_mem>>)
      %barrier3A = arith.constant 0 : index
      tpu.barrier barrier_id(%barrier3A)
      %scan3A_170 = arith.constant 0 : i32
      %scan3A_171 = arith.constant 129 : i32
      %scan3A_172 = arith.addi %scan3A_170, %scan3A_171 : i32
      %scan3A_173 = arith.constant 1 : i32
      scf.for %scan3A_202 = %scan3A_170 to %scan3A_172 step %scan3A_173  : i32 {
        %mul3A_203 = arith.constant 2 : i32
        %mul3A_204 = arith.muli %scan3A_202, %mul3A_203 : i32
        %add3A_205 = arith.constant 0 : i32
        %add3A_206 = arith.addi %add3A_205, %mul3A_204 : i32
        %add3A_207 = arith.constant 0 : i32
        %add3A_208 = arith.addi %add3A_206, %add3A_207 : i32
        %gt3A = arith.constant 0 : i32
        %gt3A_209 = arith.cmpi sgt, %add3A_208, %gt3A : i32
        %convert_element_type3A = arith.extui %gt3A_209 : i1 to i32
        %cond3A = arith.constant 0 : i32
        %cond3A_210 = arith.cmpi ne, %convert_element_type3A, %cond3A : i32
        scf.if %cond3A_210 {
          %dma_wait3A_395 = arith.constant 1 : i32
          %dma_wait3A_396 = arith.constant 1 : i32
          %dma_wait3A_397 = arith.constant 0 : i32
          %dma_wait3A_398 = arith.constant 1 : i32
          %dma_wait3A_399 = arith.constant 0 : i32
          %dma_wait3A_400 = arith.constant 0 : i32
          %dma_wait3A_401 = tpu.memref_slice %arg11[%dma_wait3A_395, %dma_wait3A_399, %dma_wait3A_400] : memref<2x80x128xf32, #tpu.memory_space<vmem>> -> memref<1x80x128xf32, #tpu.memory_space<vmem>>
          %dma_wait3A_402 = tpu.memref_squeeze %dma_wait3A_401 : memref<1x80x128xf32, #tpu.memory_space<vmem>> -> memref<80x128xf32, #tpu.memory_space<vmem>>
          %dma_wait3A_403 = arith.constant 0 : i32
          %dma_wait3A_404 = arith.constant 0 : i32
          %dma_wait3A_405 = tpu.memref_slice %arg12[%dma_wait3A_396, %dma_wait3A_403, %dma_wait3A_404] : memref<2x2x80xi32, #tpu.memory_space<vmem>> -> memref<1x2x80xi32, #tpu.memory_space<vmem>>
          %dma_wait3A_406 = tpu.memref_squeeze %dma_wait3A_405 : memref<1x2x80xi32, #tpu.memory_space<vmem>> -> memref<2x80xi32, #tpu.memory_space<vmem>>
          %dma_wait3A_407 = arith.constant 0 : i32
          %dma_wait3A_408 = tpu.memref_slice %dma_wait3A_406[%dma_wait3A_397, %dma_wait3A_407] : memref<2x80xi32, #tpu.memory_space<vmem>> -> memref<1x80xi32, #tpu.memory_space<vmem>>
          %dma_wait3A_409 = tpu.memref_squeeze %dma_wait3A_408 : memref<1x80xi32, #tpu.memory_space<vmem>> -> memref<80xi32, #tpu.memory_space<vmem>>
          %dma_wait3A_410 = arith.constant 0 : i32
          %dma_wait3A_411 = arith.constant 0 : i32
          %dma_wait3A_412 = tpu.memref_slice %arg7[%dma_wait3A_410, %dma_wait3A_411] : memref<10000x128xf32, #tpu.memory_space<vmem_shared>> -> memref<10000x128xf32, #tpu.memory_space<vmem_shared>>
          %dma_wait3A_413 = tpu.memref_slice %arg15[%dma_wait3A_398] : memref<2x!tpu.dma_semaphore, #tpu.memory_space<semaphore_mem>> -> memref<1x!tpu.dma_semaphore, #tpu.memory_space<semaphore_mem>>
          %dma_wait3A_414 = tpu.memref_squeeze %dma_wait3A_413 : memref<1x!tpu.dma_semaphore, #tpu.memory_space<semaphore_mem>> -> memref<!tpu.dma_semaphore, #tpu.memory_space<semaphore_mem>>
          tpu.wait_indirect_dma semaphore(%dma_wait3A_414 : memref<!tpu.dma_semaphore, #tpu.memory_space<semaphore_mem>>) src(%dma_wait3A_402 : memref<80x128xf32, #tpu.memory_space<vmem>>) dst(%dma_wait3A_412 : memref<10000x128xf32, #tpu.memory_space<vmem_shared>>)
        } else {
        }
        %add3A_211 = arith.constant 1 : i32
        %add3A_212 = arith.addi %add3A_208, %add3A_211 : i32
        %lt3A = arith.constant 258 : i32
        %lt3A_213 = arith.cmpi slt, %add3A_212, %lt3A : i32
        %convert_element_type3A_214 = arith.extui %lt3A_213 : i1 to i32
        %cond3A_215 = arith.constant 0 : i32
        %cond3A_216 = arith.cmpi ne, %convert_element_type3A_214, %cond3A_215 : i32
        scf.if %cond3A_216 {
          %add3A_395 = arith.constant 1 : i32
          %add3A_396 = arith.addi %add3A_208, %add3A_395 : i32
          %dma_start3A_397 = arith.constant 1 : i32
          %dma_start3A_398 = arith.constant 1 : i32
          %dma_start3A_399 = arith.constant 0 : i32
          %dma_start3A_400 = arith.constant 0 : i32
          %dma_start3A_401 = tpu.memref_slice %arg12[%dma_start3A_397, %dma_start3A_399, %dma_start3A_400] : memref<2x2x80xi32, #tpu.memory_space<vmem>> -> memref<1x2x80xi32, #tpu.memory_space<vmem>>
          %dma_start3A_402 = tpu.memref_squeeze %dma_start3A_401 : memref<1x2x80xi32, #tpu.memory_space<vmem>> -> memref<2x80xi32, #tpu.memory_space<vmem>>
          %dma_start3A_403 = arith.constant 0 : i32
          %dma_start3A_404 = arith.constant 0 : i32
          %dma_start3A_405 = arith.constant 0 : i32
          %dma_start3A_406 = tpu.memref_slice %arg4[%arg1, %dma_start3A_403, %dma_start3A_404, %dma_start3A_405] : memref<16x258x2x80xi32, #tpu.memory_space<hbm>> -> memref<1x258x2x80xi32, #tpu.memory_space<hbm>>
          %dma_start3A_407 = tpu.memref_squeeze %dma_start3A_406 : memref<1x258x2x80xi32, #tpu.memory_space<hbm>> -> memref<258x2x80xi32, #tpu.memory_space<hbm>>
          %dma_start3A_408 = arith.constant 0 : i32
          %dma_start3A_409 = arith.constant 0 : i32
          %dma_start3A_410 = tpu.memref_slice %dma_start3A_407[%add3A_396, %dma_start3A_408, %dma_start3A_409] : memref<258x2x80xi32, #tpu.memory_space<hbm>> -> memref<1x2x80xi32, #tpu.memory_space<hbm>>
          %dma_start3A_411 = tpu.memref_squeeze %dma_start3A_410 : memref<1x2x80xi32, #tpu.memory_space<hbm>> -> memref<2x80xi32, #tpu.memory_space<hbm>>
          %dma_start3A_412 = tpu.memref_slice %arg16[%dma_start3A_398] : memref<2x!tpu.dma_semaphore, #tpu.memory_space<semaphore_mem>> -> memref<1x!tpu.dma_semaphore, #tpu.memory_space<semaphore_mem>>
          %dma_start3A_413 = tpu.memref_squeeze %dma_start3A_412 : memref<1x!tpu.dma_semaphore, #tpu.memory_space<semaphore_mem>> -> memref<!tpu.dma_semaphore, #tpu.memory_space<semaphore_mem>>
          %dma_start3A_414 = arith.constant 0 : i32
          %dma_start3A_415 = arith.constant 0 : i32
          %dma_start3A_416 = tpu.memref_slice %arg12[%dma_start3A_397, %dma_start3A_414, %dma_start3A_415] : memref<2x2x80xi32, #tpu.memory_space<vmem>> -> memref<1x2x80xi32, #tpu.memory_space<vmem>>
          %dma_start3A_417 = tpu.memref_squeeze %dma_start3A_416 : memref<1x2x80xi32, #tpu.memory_space<vmem>> -> memref<2x80xi32, #tpu.memory_space<vmem>>
          %dma_start3A_418 = arith.constant 0 : i32
          %dma_start3A_419 = arith.constant 0 : i32
          %dma_start3A_420 = arith.constant 0 : i32
          %dma_start3A_421 = tpu.memref_slice %arg4[%arg1, %dma_start3A_418, %dma_start3A_419, %dma_start3A_420] : memref<16x258x2x80xi32, #tpu.memory_space<hbm>> -> memref<1x258x2x80xi32, #tpu.memory_space<hbm>>
          %dma_start3A_422 = tpu.memref_squeeze %dma_start3A_421 : memref<1x258x2x80xi32, #tpu.memory_space<hbm>> -> memref<258x2x80xi32, #tpu.memory_space<hbm>>
          %dma_start3A_423 = arith.constant 0 : i32
          %dma_start3A_424 = arith.constant 0 : i32
          %dma_start3A_425 = tpu.memref_slice %dma_start3A_422[%add3A_396, %dma_start3A_423, %dma_start3A_424] : memref<258x2x80xi32, #tpu.memory_space<hbm>> -> memref<1x2x80xi32, #tpu.memory_space<hbm>>
          %dma_start3A_426 = tpu.memref_squeeze %dma_start3A_425 : memref<1x2x80xi32, #tpu.memory_space<hbm>> -> memref<2x80xi32, #tpu.memory_space<hbm>>
          tpu.enqueue_dma source(%dma_start3A_426 : memref<2x80xi32, #tpu.memory_space<hbm>>) target(%dma_start3A_417 : memref<2x80xi32, #tpu.memory_space<vmem>>) target_semaphore(%dma_start3A_413 : memref<!tpu.dma_semaphore, #tpu.memory_space<semaphore_mem>>)
        } else {
        }
        %dma_wait3A_217 = arith.constant 0 : i32
        %dma_wait3A_218 = arith.constant 0 : i32
        %dma_wait3A_219 = arith.constant 0 : i32
        %dma_wait3A_220 = arith.constant 0 : i32
        %dma_wait3A_221 = arith.constant 0 : i32
        %dma_wait3A_222 = tpu.memref_slice %arg10[%dma_wait3A_218, %dma_wait3A_220, %dma_wait3A_221] : memref<2x80x64xi32, #tpu.memory_space<vmem>> -> memref<1x80x64xi32, #tpu.memory_space<vmem>>
        %dma_wait3A_223 = tpu.memref_squeeze %dma_wait3A_222 : memref<1x80x64xi32, #tpu.memory_space<vmem>> -> memref<80x64xi32, #tpu.memory_space<vmem>>
        %dma_wait3A_224 = arith.constant 0 : i32
        %dma_wait3A_225 = tpu.memref_slice %arg13[%dma_wait3A_217, %dma_wait3A_224] : memref<2x80xi32, #tpu.memory_space<vmem>> -> memref<1x80xi32, #tpu.memory_space<vmem>>
        %dma_wait3A_226 = tpu.memref_squeeze %dma_wait3A_225 : memref<1x80xi32, #tpu.memory_space<vmem>> -> memref<80xi32, #tpu.memory_space<vmem>>
        %dma_wait3A_227 = arith.constant 0 : i32
        %dma_wait3A_228 = arith.constant 0 : i32
        %dma_wait3A_229 = tpu.memref_slice %arg2[%dma_wait3A_227, %dma_wait3A_228] : memref<120000x64xi32, #tpu.memory_space<hbm>> -> memref<120000x64xi32, #tpu.memory_space<hbm>>
        %dma_wait3A_230 = tpu.memref_slice %arg14[%dma_wait3A_219] : memref<2x!tpu.dma_semaphore, #tpu.memory_space<semaphore_mem>> -> memref<1x!tpu.dma_semaphore, #tpu.memory_space<semaphore_mem>>
        %dma_wait3A_231 = tpu.memref_squeeze %dma_wait3A_230 : memref<1x!tpu.dma_semaphore, #tpu.memory_space<semaphore_mem>> -> memref<!tpu.dma_semaphore, #tpu.memory_space<semaphore_mem>>
        tpu.wait_indirect_dma semaphore(%dma_wait3A_231 : memref<!tpu.dma_semaphore, #tpu.memory_space<semaphore_mem>>) src(%dma_wait3A_229 : memref<120000x64xi32, #tpu.memory_space<hbm>>) dst(%dma_wait3A_223 : memref<80x64xi32, #tpu.memory_space<vmem>>)
        %add3A_232 = arith.constant 2 : i32
        %add3A_233 = arith.addi %add3A_208, %add3A_232 : i32
        %lt3A_234 = arith.constant 258 : i32
        %lt3A_235 = arith.cmpi slt, %add3A_233, %lt3A_234 : i32
        %convert_element_type3A_236 = arith.extui %lt3A_235 : i1 to i32
        %cond3A_237 = arith.constant 0 : i32
        %cond3A_238 = arith.cmpi ne, %convert_element_type3A_236, %cond3A_237 : i32
        scf.if %cond3A_238 {
          %add3A_395 = arith.constant 2 : i32
          %add3A_396 = arith.addi %add3A_208, %add3A_395 : i32
          %dma_start3A_397 = arith.constant 0 : i32
          %dma_start3A_398 = arith.constant 0 : i32
          %dma_start3A_399 = arith.constant 0 : i32
          %dma_start3A_400 = tpu.memref_slice %arg13[%dma_start3A_397, %dma_start3A_399] : memref<2x80xi32, #tpu.memory_space<vmem>> -> memref<1x80xi32, #tpu.memory_space<vmem>>
          %dma_start3A_401 = tpu.memref_squeeze %dma_start3A_400 : memref<1x80xi32, #tpu.memory_space<vmem>> -> memref<80xi32, #tpu.memory_space<vmem>>
          %dma_start3A_402 = arith.constant 0 : i32
          %dma_start3A_403 = arith.constant 0 : i32
          %dma_start3A_404 = arith.constant 0 : i32
          %dma_start3A_405 = tpu.memref_slice %arg3[%add3A_11, %dma_start3A_402, %dma_start3A_403, %dma_start3A_404] : memref<12x16x258x80xi32, #tpu.memory_space<hbm>> -> memref<1x16x258x80xi32, #tpu.memory_space<hbm>>
          %dma_start3A_406 = tpu.memref_squeeze %dma_start3A_405 : memref<1x16x258x80xi32, #tpu.memory_space<hbm>> -> memref<16x258x80xi32, #tpu.memory_space<hbm>>
          %dma_start3A_407 = arith.constant 0 : i32
          %dma_start3A_408 = arith.constant 0 : i32
          %dma_start3A_409 = tpu.memref_slice %dma_start3A_406[%arg1, %dma_start3A_407, %dma_start3A_408] : memref<16x258x80xi32, #tpu.memory_space<hbm>> -> memref<1x258x80xi32, #tpu.memory_space<hbm>>
          %dma_start3A_410 = tpu.memref_squeeze %dma_start3A_409 : memref<1x258x80xi32, #tpu.memory_space<hbm>> -> memref<258x80xi32, #tpu.memory_space<hbm>>
          %dma_start3A_411 = arith.constant 0 : i32
          %dma_start3A_412 = tpu.memref_slice %dma_start3A_410[%add3A_396, %dma_start3A_411] : memref<258x80xi32, #tpu.memory_space<hbm>> -> memref<1x80xi32, #tpu.memory_space<hbm>>
          %dma_start3A_413 = tpu.memref_squeeze %dma_start3A_412 : memref<1x80xi32, #tpu.memory_space<hbm>> -> memref<80xi32, #tpu.memory_space<hbm>>
          %dma_start3A_414 = tpu.memref_slice %arg17[%dma_start3A_398] : memref<2x!tpu.dma_semaphore, #tpu.memory_space<semaphore_mem>> -> memref<1x!tpu.dma_semaphore, #tpu.memory_space<semaphore_mem>>
          %dma_start3A_415 = tpu.memref_squeeze %dma_start3A_414 : memref<1x!tpu.dma_semaphore, #tpu.memory_space<semaphore_mem>> -> memref<!tpu.dma_semaphore, #tpu.memory_space<semaphore_mem>>
          %dma_start3A_416 = arith.constant 0 : i32
          %dma_start3A_417 = tpu.memref_slice %arg13[%dma_start3A_397, %dma_start3A_416] : memref<2x80xi32, #tpu.memory_space<vmem>> -> memref<1x80xi32, #tpu.memory_space<vmem>>
          %dma_start3A_418 = tpu.memref_squeeze %dma_start3A_417 : memref<1x80xi32, #tpu.memory_space<vmem>> -> memref<80xi32, #tpu.memory_space<vmem>>
          %dma_start3A_419 = arith.constant 0 : i32
          %dma_start3A_420 = arith.constant 0 : i32
          %dma_start3A_421 = arith.constant 0 : i32
          %dma_start3A_422 = tpu.memref_slice %arg3[%add3A_11, %dma_start3A_419, %dma_start3A_420, %dma_start3A_421] : memref<12x16x258x80xi32, #tpu.memory_space<hbm>> -> memref<1x16x258x80xi32, #tpu.memory_space<hbm>>
          %dma_start3A_423 = tpu.memref_squeeze %dma_start3A_422 : memref<1x16x258x80xi32, #tpu.memory_space<hbm>> -> memref<16x258x80xi32, #tpu.memory_space<hbm>>
          %dma_start3A_424 = arith.constant 0 : i32
          %dma_start3A_425 = arith.constant 0 : i32
          %dma_start3A_426 = tpu.memref_slice %dma_start3A_423[%arg1, %dma_start3A_424, %dma_start3A_425] : memref<16x258x80xi32, #tpu.memory_space<hbm>> -> memref<1x258x80xi32, #tpu.memory_space<hbm>>
          %dma_start3A_427 = tpu.memref_squeeze %dma_start3A_426 : memref<1x258x80xi32, #tpu.memory_space<hbm>> -> memref<258x80xi32, #tpu.memory_space<hbm>>
          %dma_start3A_428 = arith.constant 0 : i32
          %dma_start3A_429 = tpu.memref_slice %dma_start3A_427[%add3A_396, %dma_start3A_428] : memref<258x80xi32, #tpu.memory_space<hbm>> -> memref<1x80xi32, #tpu.memory_space<hbm>>
          %dma_start3A_430 = tpu.memref_squeeze %dma_start3A_429 : memref<1x80xi32, #tpu.memory_space<hbm>> -> memref<80xi32, #tpu.memory_space<hbm>>
          tpu.enqueue_dma source(%dma_start3A_430 : memref<80xi32, #tpu.memory_space<hbm>>) target(%dma_start3A_418 : memref<80xi32, #tpu.memory_space<vmem>>) target_semaphore(%dma_start3A_415 : memref<!tpu.dma_semaphore, #tpu.memory_space<semaphore_mem>>)
        } else {
        }
        %add3A_239 = arith.constant 1 : i32
        %add3A_240 = arith.addi %add3A_208, %add3A_239 : i32
        %lt3A_241 = arith.constant 258 : i32
        %lt3A_242 = arith.cmpi slt, %add3A_240, %lt3A_241 : i32
        %convert_element_type3A_243 = arith.extui %lt3A_242 : i1 to i32
        %cond3A_244 = arith.constant 0 : i32
        %cond3A_245 = arith.cmpi ne, %convert_element_type3A_243, %cond3A_244 : i32
        scf.if %cond3A_245 {
          %add3A_395 = arith.constant 1 : i32
          %add3A_396 = arith.addi %add3A_208, %add3A_395 : i32
          %dma_wait3A_397 = arith.constant 1 : i32
          %dma_wait3A_398 = arith.constant 1 : i32
          %dma_wait3A_399 = arith.constant 0 : i32
          %dma_wait3A_400 = tpu.memref_slice %arg13[%dma_wait3A_397, %dma_wait3A_399] : memref<2x80xi32, #tpu.memory_space<vmem>> -> memref<1x80xi32, #tpu.memory_space<vmem>>
          %dma_wait3A_401 = tpu.memref_squeeze %dma_wait3A_400 : memref<1x80xi32, #tpu.memory_space<vmem>> -> memref<80xi32, #tpu.memory_space<vmem>>
          %dma_wait3A_402 = arith.constant 0 : i32
          %dma_wait3A_403 = arith.constant 0 : i32
          %dma_wait3A_404 = arith.constant 0 : i32
          %dma_wait3A_405 = tpu.memref_slice %arg3[%add3A_11, %dma_wait3A_402, %dma_wait3A_403, %dma_wait3A_404] : memref<12x16x258x80xi32, #tpu.memory_space<hbm>> -> memref<1x16x258x80xi32, #tpu.memory_space<hbm>>
          %dma_wait3A_406 = tpu.memref_squeeze %dma_wait3A_405 : memref<1x16x258x80xi32, #tpu.memory_space<hbm>> -> memref<16x258x80xi32, #tpu.memory_space<hbm>>
          %dma_wait3A_407 = arith.constant 0 : i32
          %dma_wait3A_408 = arith.constant 0 : i32
          %dma_wait3A_409 = tpu.memref_slice %dma_wait3A_406[%arg1, %dma_wait3A_407, %dma_wait3A_408] : memref<16x258x80xi32, #tpu.memory_space<hbm>> -> memref<1x258x80xi32, #tpu.memory_space<hbm>>
          %dma_wait3A_410 = tpu.memref_squeeze %dma_wait3A_409 : memref<1x258x80xi32, #tpu.memory_space<hbm>> -> memref<258x80xi32, #tpu.memory_space<hbm>>
          %dma_wait3A_411 = arith.constant 0 : i32
          %dma_wait3A_412 = tpu.memref_slice %dma_wait3A_410[%add3A_396, %dma_wait3A_411] : memref<258x80xi32, #tpu.memory_space<hbm>> -> memref<1x80xi32, #tpu.memory_space<hbm>>
          %dma_wait3A_413 = tpu.memref_squeeze %dma_wait3A_412 : memref<1x80xi32, #tpu.memory_space<hbm>> -> memref<80xi32, #tpu.memory_space<hbm>>
          %dma_wait3A_414 = tpu.memref_slice %arg17[%dma_wait3A_398] : memref<2x!tpu.dma_semaphore, #tpu.memory_space<semaphore_mem>> -> memref<1x!tpu.dma_semaphore, #tpu.memory_space<semaphore_mem>>
          %dma_wait3A_415 = tpu.memref_squeeze %dma_wait3A_414 : memref<1x!tpu.dma_semaphore, #tpu.memory_space<semaphore_mem>> -> memref<!tpu.dma_semaphore, #tpu.memory_space<semaphore_mem>>
          %dma_wait3A_416 = arith.constant 0 : i32
          %dma_wait3A_417 = tpu.memref_slice %arg13[%dma_wait3A_397, %dma_wait3A_416] : memref<2x80xi32, #tpu.memory_space<vmem>> -> memref<1x80xi32, #tpu.memory_space<vmem>>
          %dma_wait3A_418 = tpu.memref_squeeze %dma_wait3A_417 : memref<1x80xi32, #tpu.memory_space<vmem>> -> memref<80xi32, #tpu.memory_space<vmem>>
          %dma_wait3A_419 = arith.constant 0 : i32
          %dma_wait3A_420 = arith.constant 0 : i32
          %dma_wait3A_421 = arith.constant 0 : i32
          %dma_wait3A_422 = tpu.memref_slice %arg3[%add3A_11, %dma_wait3A_419, %dma_wait3A_420, %dma_wait3A_421] : memref<12x16x258x80xi32, #tpu.memory_space<hbm>> -> memref<1x16x258x80xi32, #tpu.memory_space<hbm>>
          %dma_wait3A_423 = tpu.memref_squeeze %dma_wait3A_422 : memref<1x16x258x80xi32, #tpu.memory_space<hbm>> -> memref<16x258x80xi32, #tpu.memory_space<hbm>>
          %dma_wait3A_424 = arith.constant 0 : i32
          %dma_wait3A_425 = arith.constant 0 : i32
          %dma_wait3A_426 = tpu.memref_slice %dma_wait3A_423[%arg1, %dma_wait3A_424, %dma_wait3A_425] : memref<16x258x80xi32, #tpu.memory_space<hbm>> -> memref<1x258x80xi32, #tpu.memory_space<hbm>>
          %dma_wait3A_427 = tpu.memref_squeeze %dma_wait3A_426 : memref<1x258x80xi32, #tpu.memory_space<hbm>> -> memref<258x80xi32, #tpu.memory_space<hbm>>
          %dma_wait3A_428 = arith.constant 0 : i32
          %dma_wait3A_429 = tpu.memref_slice %dma_wait3A_427[%add3A_396, %dma_wait3A_428] : memref<258x80xi32, #tpu.memory_space<hbm>> -> memref<1x80xi32, #tpu.memory_space<hbm>>
          %dma_wait3A_430 = tpu.memref_squeeze %dma_wait3A_429 : memref<1x80xi32, #tpu.memory_space<hbm>> -> memref<80xi32, #tpu.memory_space<hbm>>
          tpu.wait_dma2 semaphore(%dma_wait3A_415 : memref<!tpu.dma_semaphore, #tpu.memory_space<semaphore_mem>>) src(%dma_wait3A_430 : memref<80xi32, #tpu.memory_space<hbm>>) dst(%dma_wait3A_418 : memref<80xi32, #tpu.memory_space<vmem>>)
          %dma_start3A_431 = arith.constant 1 : i32
          %dma_start3A_432 = arith.constant 1 : i32
          %dma_start3A_433 = arith.constant 1 : i32
          %dma_start3A_434 = arith.constant 0 : i32
          %dma_start3A_435 = arith.constant 0 : i32
          %dma_start3A_436 = tpu.memref_slice %arg10[%dma_start3A_432, %dma_start3A_434, %dma_start3A_435] : memref<2x80x64xi32, #tpu.memory_space<vmem>> -> memref<1x80x64xi32, #tpu.memory_space<vmem>>
          %dma_start3A_437 = tpu.memref_squeeze %dma_start3A_436 : memref<1x80x64xi32, #tpu.memory_space<vmem>> -> memref<80x64xi32, #tpu.memory_space<vmem>>
          %dma_start3A_438 = arith.constant 0 : i32
          %dma_start3A_439 = tpu.memref_slice %arg13[%dma_start3A_431, %dma_start3A_438] : memref<2x80xi32, #tpu.memory_space<vmem>> -> memref<1x80xi32, #tpu.memory_space<vmem>>
          %dma_start3A_440 = tpu.memref_squeeze %dma_start3A_439 : memref<1x80xi32, #tpu.memory_space<vmem>> -> memref<80xi32, #tpu.memory_space<vmem>>
          %dma_start3A_441 = arith.constant 0 : i32
          %dma_start3A_442 = arith.constant 0 : i32
          %dma_start3A_443 = tpu.memref_slice %arg2[%dma_start3A_441, %dma_start3A_442] : memref<120000x64xi32, #tpu.memory_space<hbm>> -> memref<120000x64xi32, #tpu.memory_space<hbm>>
          %dma_start3A_444 = tpu.memref_slice %arg14[%dma_start3A_433] : memref<2x!tpu.dma_semaphore, #tpu.memory_space<semaphore_mem>> -> memref<1x!tpu.dma_semaphore, #tpu.memory_space<semaphore_mem>>
          %dma_start3A_445 = tpu.memref_squeeze %dma_start3A_444 : memref<1x!tpu.dma_semaphore, #tpu.memory_space<semaphore_mem>> -> memref<!tpu.dma_semaphore, #tpu.memory_space<semaphore_mem>>
          tpu.enqueue_indirect_dma source(%dma_start3A_443 : memref<120000x64xi32, #tpu.memory_space<hbm>>) target(%dma_start3A_437 : memref<80x64xi32, #tpu.memory_space<vmem>>) offsets(%dma_start3A_440 : memref<80xi32, #tpu.memory_space<vmem>>) semaphore(%dma_start3A_445 : memref<!tpu.dma_semaphore, #tpu.memory_space<semaphore_mem>>)
        } else {
        }
        %dma_wait3A_246 = arith.constant 0 : i32
        %dma_wait3A_247 = arith.constant 0 : i32
        %dma_wait3A_248 = arith.constant 0 : i32
        %dma_wait3A_249 = arith.constant 0 : i32
        %dma_wait3A_250 = tpu.memref_slice %arg12[%dma_wait3A_246, %dma_wait3A_248, %dma_wait3A_249] : memref<2x2x80xi32, #tpu.memory_space<vmem>> -> memref<1x2x80xi32, #tpu.memory_space<vmem>>
        %dma_wait3A_251 = tpu.memref_squeeze %dma_wait3A_250 : memref<1x2x80xi32, #tpu.memory_space<vmem>> -> memref<2x80xi32, #tpu.memory_space<vmem>>
        %dma_wait3A_252 = arith.constant 0 : i32
        %dma_wait3A_253 = arith.constant 0 : i32
        %dma_wait3A_254 = arith.constant 0 : i32
        %dma_wait3A_255 = tpu.memref_slice %arg4[%arg1, %dma_wait3A_252, %dma_wait3A_253, %dma_wait3A_254] : memref<16x258x2x80xi32, #tpu.memory_space<hbm>> -> memref<1x258x2x80xi32, #tpu.memory_space<hbm>>
        %dma_wait3A_256 = tpu.memref_squeeze %dma_wait3A_255 : memref<1x258x2x80xi32, #tpu.memory_space<hbm>> -> memref<258x2x80xi32, #tpu.memory_space<hbm>>
        %dma_wait3A_257 = arith.constant 0 : i32
        %dma_wait3A_258 = arith.constant 0 : i32
        %dma_wait3A_259 = tpu.memref_slice %dma_wait3A_256[%add3A_208, %dma_wait3A_257, %dma_wait3A_258] : memref<258x2x80xi32, #tpu.memory_space<hbm>> -> memref<1x2x80xi32, #tpu.memory_space<hbm>>
        %dma_wait3A_260 = tpu.memref_squeeze %dma_wait3A_259 : memref<1x2x80xi32, #tpu.memory_space<hbm>> -> memref<2x80xi32, #tpu.memory_space<hbm>>
        %dma_wait3A_261 = tpu.memref_slice %arg16[%dma_wait3A_247] : memref<2x!tpu.dma_semaphore, #tpu.memory_space<semaphore_mem>> -> memref<1x!tpu.dma_semaphore, #tpu.memory_space<semaphore_mem>>
        %dma_wait3A_262 = tpu.memref_squeeze %dma_wait3A_261 : memref<1x!tpu.dma_semaphore, #tpu.memory_space<semaphore_mem>> -> memref<!tpu.dma_semaphore, #tpu.memory_space<semaphore_mem>>
        %dma_wait3A_263 = arith.constant 0 : i32
        %dma_wait3A_264 = arith.constant 0 : i32
        %dma_wait3A_265 = tpu.memref_slice %arg12[%dma_wait3A_246, %dma_wait3A_263, %dma_wait3A_264] : memref<2x2x80xi32, #tpu.memory_space<vmem>> -> memref<1x2x80xi32, #tpu.memory_space<vmem>>
        %dma_wait3A_266 = tpu.memref_squeeze %dma_wait3A_265 : memref<1x2x80xi32, #tpu.memory_space<vmem>> -> memref<2x80xi32, #tpu.memory_space<vmem>>
        %dma_wait3A_267 = arith.constant 0 : i32
        %dma_wait3A_268 = arith.constant 0 : i32
        %dma_wait3A_269 = arith.constant 0 : i32
        %dma_wait3A_270 = tpu.memref_slice %arg4[%arg1, %dma_wait3A_267, %dma_wait3A_268, %dma_wait3A_269] : memref<16x258x2x80xi32, #tpu.memory_space<hbm>> -> memref<1x258x2x80xi32, #tpu.memory_space<hbm>>
        %dma_wait3A_271 = tpu.memref_squeeze %dma_wait3A_270 : memref<1x258x2x80xi32, #tpu.memory_space<hbm>> -> memref<258x2x80xi32, #tpu.memory_space<hbm>>
        %dma_wait3A_272 = arith.constant 0 : i32
        %dma_wait3A_273 = arith.constant 0 : i32
        %dma_wait3A_274 = tpu.memref_slice %dma_wait3A_271[%add3A_208, %dma_wait3A_272, %dma_wait3A_273] : memref<258x2x80xi32, #tpu.memory_space<hbm>> -> memref<1x2x80xi32, #tpu.memory_space<hbm>>
        %dma_wait3A_275 = tpu.memref_squeeze %dma_wait3A_274 : memref<1x2x80xi32, #tpu.memory_space<hbm>> -> memref<2x80xi32, #tpu.memory_space<hbm>>
        tpu.wait_dma2 semaphore(%dma_wait3A_262 : memref<!tpu.dma_semaphore, #tpu.memory_space<semaphore_mem>>) src(%dma_wait3A_275 : memref<2x80xi32, #tpu.memory_space<hbm>>) dst(%dma_wait3A_266 : memref<2x80xi32, #tpu.memory_space<vmem>>)
        %parallel_loop3A_276 = arith.constant 0 : i32
        %parallel_loop3A_277 = arith.constant 80 : i32
        %parallel_loop3A_278 = arith.constant 1 : i32
        scf.for %parallel_loop3A_395 = %parallel_loop3A_276 to %parallel_loop3A_277 step %parallel_loop3A_278  : i32 {
          %parallel_loop3A_396 = arith.constant 0 : i32
          %parallel_loop3A_397 = vector.broadcast %parallel_loop3A_396 : i32 to vector<16xi32>
          %parallel_loop3A_398 = arith.constant 1 : i32
          %parallel_loop3A_399 = vector.broadcast %parallel_loop3A_398 : i32 to vector<16xi32>
          %parallel_loop3A_400 = arith.addi %parallel_loop3A_397, %parallel_loop3A_399 : vector<16xi32>
          %parallel_loop3A_401 = arith.constant 0 : i32
          %parallel_loop3A_402 = vector.broadcast %parallel_loop3A_401 : i32 to vector<16xi32>
          %parallel_loop3A_403 = vector.broadcast %parallel_loop3A_395 : i32 to vector<16xi32>
          %parallel_loop3A_404 = arith.addi %parallel_loop3A_402, %parallel_loop3A_403 : vector<16xi32>
          %parallel_loop3A_405 = arith.constant 0 : i32
          %parallel_loop3A_406 = arith.constant 0 : i32
          %parallel_loop3A_407 = arith.constant 0 : i32
          %parallel_loop3A_408 = tpu.memref_slice %arg12[%parallel_loop3A_405, %parallel_loop3A_406, %parallel_loop3A_407] : memref<2x2x80xi32, #tpu.memory_space<vmem>> -> memref<1x2x80xi32, #tpu.memory_space<vmem>>
          %parallel_loop3A_409 = tpu.memref_squeeze %parallel_loop3A_408 : memref<1x2x80xi32, #tpu.memory_space<vmem>> -> memref<2x80xi32, #tpu.memory_space<vmem>>
          %parallel_loop3A_410 = tpu.vector_load_idx %parallel_loop3A_409[%parallel_loop3A_400, %parallel_loop3A_404] : memref<2x80xi32, #tpu.memory_space<vmem>>[vector<16xi32>, vector<16xi32>], vector<16xi32>,
          %parallel_loop3A_411 = vector.bitcast %parallel_loop3A_410 : vector<16xi32> to vector<16xf32>
          %parallel_loop3A_412 = arith.constant 0 : i32
          %parallel_loop3A_413 = arith.index_cast %parallel_loop3A_412 : i32 to index
          %parallel_loop3A_414 = arith.index_cast %parallel_loop3A_395 : i32 to index
          %parallel_loop3A_415 = arith.constant 0 : index
          %parallel_loop3A_416 = tpu.vector_load %arg10[%parallel_loop3A_413, %parallel_loop3A_414, %parallel_loop3A_415] {strides = array<i32>} : memref<2x80x64xi32, #tpu.memory_space<vmem>>, vector<16xi32>,
          %parallel_loop3A_417 = arith.constant 16 : i32
          %parallel_loop3A_418 = vector.broadcast %parallel_loop3A_417 : i32 to vector<16xi32>
          %parallel_loop3A_419 = arith.shli %parallel_loop3A_416, %parallel_loop3A_418 : vector<16xi32>
          %parallel_loop3A_420 = vector.bitcast %parallel_loop3A_419 : vector<16xi32> to vector<16xf32>
          %parallel_loop3A_421 = arith.mulf %parallel_loop3A_420, %parallel_loop3A_411 : vector<16xf32>
          %parallel_loop3A_422 = arith.constant -65536 : i32
          %parallel_loop3A_423 = vector.broadcast %parallel_loop3A_422 : i32 to vector<16xi32>
          %parallel_loop3A_424 = arith.andi %parallel_loop3A_416, %parallel_loop3A_423 : vector<16xi32>
          %parallel_loop3A_425 = vector.bitcast %parallel_loop3A_424 : vector<16xi32> to vector<16xf32>
          %parallel_loop3A_426 = arith.mulf %parallel_loop3A_425, %parallel_loop3A_411 : vector<16xf32>
          %parallel_loop3A_427 = arith.constant 0 : i32
          %parallel_loop3A_428 = arith.index_cast %parallel_loop3A_427 : i32 to index
          %parallel_loop3A_429 = arith.index_cast %parallel_loop3A_395 : i32 to index
          %parallel_loop3A_430 = arith.constant 0 : index
          %parallel_loop3A_431 = tpu.vector_load %arg11[%parallel_loop3A_428, %parallel_loop3A_429, %parallel_loop3A_430] {strides = array<i32>} : memref<2x80x128xf32, #tpu.memory_space<vmem>>, vector<16xf32>,
          tpu.vector_store %arg11[%parallel_loop3A_428, %parallel_loop3A_429, %parallel_loop3A_430], %parallel_loop3A_421 {strides = array<i32>} : memref<2x80x128xf32, #tpu.memory_space<vmem>>, vector<16xf32>,
          %parallel_loop3A_432 = arith.constant 0 : i32
          %parallel_loop3A_433 = arith.index_cast %parallel_loop3A_432 : i32 to index
          %parallel_loop3A_434 = arith.index_cast %parallel_loop3A_395 : i32 to index
          %parallel_loop3A_435 = arith.constant 16 : index
          %parallel_loop3A_436 = tpu.vector_load %arg11[%parallel_loop3A_433, %parallel_loop3A_434, %parallel_loop3A_435] {strides = array<i32>} : memref<2x80x128xf32, #tpu.memory_space<vmem>>, vector<16xf32>,
          tpu.vector_store %arg11[%parallel_loop3A_433, %parallel_loop3A_434, %parallel_loop3A_435], %parallel_loop3A_426 {strides = array<i32>} : memref<2x80x128xf32, #tpu.memory_space<vmem>>, vector<16xf32>,
          %parallel_loop3A_437 = arith.constant 0 : i32
          %parallel_loop3A_438 = arith.index_cast %parallel_loop3A_437 : i32 to index
          %parallel_loop3A_439 = arith.index_cast %parallel_loop3A_395 : i32 to index
          %parallel_loop3A_440 = arith.constant 16 : index
          %parallel_loop3A_441 = tpu.vector_load %arg10[%parallel_loop3A_438, %parallel_loop3A_439, %parallel_loop3A_440] {strides = array<i32>} : memref<2x80x64xi32, #tpu.memory_space<vmem>>, vector<16xi32>,
          %parallel_loop3A_442 = arith.constant 16 : i32
          %parallel_loop3A_443 = vector.broadcast %parallel_loop3A_442 : i32 to vector<16xi32>
          %parallel_loop3A_444 = arith.shli %parallel_loop3A_441, %parallel_loop3A_443 : vector<16xi32>
          %parallel_loop3A_445 = vector.bitcast %parallel_loop3A_444 : vector<16xi32> to vector<16xf32>
          %parallel_loop3A_446 = arith.mulf %parallel_loop3A_445, %parallel_loop3A_411 : vector<16xf32>
          %parallel_loop3A_447 = arith.constant -65536 : i32
          %parallel_loop3A_448 = vector.broadcast %parallel_loop3A_447 : i32 to vector<16xi32>
          %parallel_loop3A_449 = arith.andi %parallel_loop3A_441, %parallel_loop3A_448 : vector<16xi32>
          %parallel_loop3A_450 = vector.bitcast %parallel_loop3A_449 : vector<16xi32> to vector<16xf32>
          %parallel_loop3A_451 = arith.mulf %parallel_loop3A_450, %parallel_loop3A_411 : vector<16xf32>
          %parallel_loop3A_452 = arith.constant 0 : i32
          %parallel_loop3A_453 = arith.index_cast %parallel_loop3A_452 : i32 to index
          %parallel_loop3A_454 = arith.index_cast %parallel_loop3A_395 : i32 to index
          %parallel_loop3A_455 = arith.constant 32 : index
          %parallel_loop3A_456 = tpu.vector_load %arg11[%parallel_loop3A_453, %parallel_loop3A_454, %parallel_loop3A_455] {strides = array<i32>} : memref<2x80x128xf32, #tpu.memory_space<vmem>>, vector<16xf32>,
          tpu.vector_store %arg11[%parallel_loop3A_453, %parallel_loop3A_454, %parallel_loop3A_455], %parallel_loop3A_446 {strides = array<i32>} : memref<2x80x128xf32, #tpu.memory_space<vmem>>, vector<16xf32>,
          %parallel_loop3A_457 = arith.constant 0 : i32
          %parallel_loop3A_458 = arith.index_cast %parallel_loop3A_457 : i32 to index
          %parallel_loop3A_459 = arith.index_cast %parallel_loop3A_395 : i32 to index
          %parallel_loop3A_460 = arith.constant 48 : index
          %parallel_loop3A_461 = tpu.vector_load %arg11[%parallel_loop3A_458, %parallel_loop3A_459, %parallel_loop3A_460] {strides = array<i32>} : memref<2x80x128xf32, #tpu.memory_space<vmem>>, vector<16xf32>,
          tpu.vector_store %arg11[%parallel_loop3A_458, %parallel_loop3A_459, %parallel_loop3A_460], %parallel_loop3A_451 {strides = array<i32>} : memref<2x80x128xf32, #tpu.memory_space<vmem>>, vector<16xf32>,
          %parallel_loop3A_462 = arith.constant 0 : i32
          %parallel_loop3A_463 = arith.index_cast %parallel_loop3A_462 : i32 to index
          %parallel_loop3A_464 = arith.index_cast %parallel_loop3A_395 : i32 to index
          %parallel_loop3A_465 = arith.constant 32 : index
          %parallel_loop3A_466 = tpu.vector_load %arg10[%parallel_loop3A_463, %parallel_loop3A_464, %parallel_loop3A_465] {strides = array<i32>} : memref<2x80x64xi32, #tpu.memory_space<vmem>>, vector<16xi32>,
          %parallel_loop3A_467 = arith.constant 16 : i32
          %parallel_loop3A_468 = vector.broadcast %parallel_loop3A_467 : i32 to vector<16xi32>
          %parallel_loop3A_469 = arith.shli %parallel_loop3A_466, %parallel_loop3A_468 : vector<16xi32>
          %parallel_loop3A_470 = vector.bitcast %parallel_loop3A_469 : vector<16xi32> to vector<16xf32>
          %parallel_loop3A_471 = arith.mulf %parallel_loop3A_470, %parallel_loop3A_411 : vector<16xf32>
          %parallel_loop3A_472 = arith.constant -65536 : i32
          %parallel_loop3A_473 = vector.broadcast %parallel_loop3A_472 : i32 to vector<16xi32>
          %parallel_loop3A_474 = arith.andi %parallel_loop3A_466, %parallel_loop3A_473 : vector<16xi32>
          %parallel_loop3A_475 = vector.bitcast %parallel_loop3A_474 : vector<16xi32> to vector<16xf32>
          %parallel_loop3A_476 = arith.mulf %parallel_loop3A_475, %parallel_loop3A_411 : vector<16xf32>
          %parallel_loop3A_477 = arith.constant 0 : i32
          %parallel_loop3A_478 = arith.index_cast %parallel_loop3A_477 : i32 to index
          %parallel_loop3A_479 = arith.index_cast %parallel_loop3A_395 : i32 to index
          %parallel_loop3A_480 = arith.constant 64 : index
          %parallel_loop3A_481 = tpu.vector_load %arg11[%parallel_loop3A_478, %parallel_loop3A_479, %parallel_loop3A_480] {strides = array<i32>} : memref<2x80x128xf32, #tpu.memory_space<vmem>>, vector<16xf32>,
          tpu.vector_store %arg11[%parallel_loop3A_478, %parallel_loop3A_479, %parallel_loop3A_480], %parallel_loop3A_471 {strides = array<i32>} : memref<2x80x128xf32, #tpu.memory_space<vmem>>, vector<16xf32>,
          %parallel_loop3A_482 = arith.constant 0 : i32
          %parallel_loop3A_483 = arith.index_cast %parallel_loop3A_482 : i32 to index
          %parallel_loop3A_484 = arith.index_cast %parallel_loop3A_395 : i32 to index
          %parallel_loop3A_485 = arith.constant 80 : index
          %parallel_loop3A_486 = tpu.vector_load %arg11[%parallel_loop3A_483, %parallel_loop3A_484, %parallel_loop3A_485] {strides = array<i32>} : memref<2x80x128xf32, #tpu.memory_space<vmem>>, vector<16xf32>,
          tpu.vector_store %arg11[%parallel_loop3A_483, %parallel_loop3A_484, %parallel_loop3A_485], %parallel_loop3A_476 {strides = array<i32>} : memref<2x80x128xf32, #tpu.memory_space<vmem>>, vector<16xf32>,
          %parallel_loop3A_487 = arith.constant 0 : i32
          %parallel_loop3A_488 = arith.index_cast %parallel_loop3A_487 : i32 to index
          %parallel_loop3A_489 = arith.index_cast %parallel_loop3A_395 : i32 to index
          %parallel_loop3A_490 = arith.constant 48 : index
          %parallel_loop3A_491 = tpu.vector_load %arg10[%parallel_loop3A_488, %parallel_loop3A_489, %parallel_loop3A_490] {strides = array<i32>} : memref<2x80x64xi32, #tpu.memory_space<vmem>>, vector<16xi32>,
          %parallel_loop3A_492 = arith.constant 16 : i32
          %parallel_loop3A_493 = vector.broadcast %parallel_loop3A_492 : i32 to vector<16xi32>
          %parallel_loop3A_494 = arith.shli %parallel_loop3A_491, %parallel_loop3A_493 : vector<16xi32>
          %parallel_loop3A_495 = vector.bitcast %parallel_loop3A_494 : vector<16xi32> to vector<16xf32>
          %parallel_loop3A_496 = arith.mulf %parallel_loop3A_495, %parallel_loop3A_411 : vector<16xf32>
          %parallel_loop3A_497 = arith.constant -65536 : i32
          %parallel_loop3A_498 = vector.broadcast %parallel_loop3A_497 : i32 to vector<16xi32>
          %parallel_loop3A_499 = arith.andi %parallel_loop3A_491, %parallel_loop3A_498 : vector<16xi32>
          %parallel_loop3A_500 = vector.bitcast %parallel_loop3A_499 : vector<16xi32> to vector<16xf32>
          %parallel_loop3A_501 = arith.mulf %parallel_loop3A_500, %parallel_loop3A_411 : vector<16xf32>
          %parallel_loop3A_502 = arith.constant 0 : i32
          %parallel_loop3A_503 = arith.index_cast %parallel_loop3A_502 : i32 to index
          %parallel_loop3A_504 = arith.index_cast %parallel_loop3A_395 : i32 to index
          %parallel_loop3A_505 = arith.constant 96 : index
          %parallel_loop3A_506 = tpu.vector_load %arg11[%parallel_loop3A_503, %parallel_loop3A_504, %parallel_loop3A_505] {strides = array<i32>} : memref<2x80x128xf32, #tpu.memory_space<vmem>>, vector<16xf32>,
          tpu.vector_store %arg11[%parallel_loop3A_503, %parallel_loop3A_504, %parallel_loop3A_505], %parallel_loop3A_496 {strides = array<i32>} : memref<2x80x128xf32, #tpu.memory_space<vmem>>, vector<16xf32>,
          %parallel_loop3A_507 = arith.constant 0 : i32
          %parallel_loop3A_508 = arith.index_cast %parallel_loop3A_507 : i32 to index
          %parallel_loop3A_509 = arith.index_cast %parallel_loop3A_395 : i32 to index
          %parallel_loop3A_510 = arith.constant 112 : index
          %parallel_loop3A_511 = tpu.vector_load %arg11[%parallel_loop3A_508, %parallel_loop3A_509, %parallel_loop3A_510] {strides = array<i32>} : memref<2x80x128xf32, #tpu.memory_space<vmem>>, vector<16xf32>,
          tpu.vector_store %arg11[%parallel_loop3A_508, %parallel_loop3A_509, %parallel_loop3A_510], %parallel_loop3A_501 {strides = array<i32>} : memref<2x80x128xf32, #tpu.memory_space<vmem>>, vector<16xf32>,
        } {sc.loop_unroll_factor = 8 : i64, sc.parallel_access}
        %dma_start3A_279 = arith.constant 0 : i32
        %dma_start3A_280 = arith.constant 0 : i32
        %dma_start3A_281 = arith.constant 0 : i32
        %dma_start3A_282 = arith.constant 0 : i32
        %dma_start3A_283 = arith.constant 0 : i32
        %dma_start3A_284 = arith.constant 0 : i32
        %dma_start3A_285 = tpu.memref_slice %arg11[%dma_start3A_279, %dma_start3A_283, %dma_start3A_284] : memref<2x80x128xf32, #tpu.memory_space<vmem>> -> memref<1x80x128xf32, #tpu.memory_space<vmem>>
        %dma_start3A_286 = tpu.memref_squeeze %dma_start3A_285 : memref<1x80x128xf32, #tpu.memory_space<vmem>> -> memref<80x128xf32, #tpu.memory_space<vmem>>
        %dma_start3A_287 = arith.constant 0 : i32
        %dma_start3A_288 = arith.constant 0 : i32
        %dma_start3A_289 = tpu.memref_slice %arg12[%dma_start3A_280, %dma_start3A_287, %dma_start3A_288] : memref<2x2x80xi32, #tpu.memory_space<vmem>> -> memref<1x2x80xi32, #tpu.memory_space<vmem>>
        %dma_start3A_290 = tpu.memref_squeeze %dma_start3A_289 : memref<1x2x80xi32, #tpu.memory_space<vmem>> -> memref<2x80xi32, #tpu.memory_space<vmem>>
        %dma_start3A_291 = arith.constant 0 : i32
        %dma_start3A_292 = tpu.memref_slice %dma_start3A_290[%dma_start3A_281, %dma_start3A_291] : memref<2x80xi32, #tpu.memory_space<vmem>> -> memref<1x80xi32, #tpu.memory_space<vmem>>
        %dma_start3A_293 = tpu.memref_squeeze %dma_start3A_292 : memref<1x80xi32, #tpu.memory_space<vmem>> -> memref<80xi32, #tpu.memory_space<vmem>>
        %dma_start3A_294 = arith.constant 0 : i32
        %dma_start3A_295 = arith.constant 0 : i32
        %dma_start3A_296 = tpu.memref_slice %arg7[%dma_start3A_294, %dma_start3A_295] : memref<10000x128xf32, #tpu.memory_space<vmem_shared>> -> memref<10000x128xf32, #tpu.memory_space<vmem_shared>>
        %dma_start3A_297 = tpu.memref_slice %arg15[%dma_start3A_282] : memref<2x!tpu.dma_semaphore, #tpu.memory_space<semaphore_mem>> -> memref<1x!tpu.dma_semaphore, #tpu.memory_space<semaphore_mem>>
        %dma_start3A_298 = tpu.memref_squeeze %dma_start3A_297 : memref<1x!tpu.dma_semaphore, #tpu.memory_space<semaphore_mem>> -> memref<!tpu.dma_semaphore, #tpu.memory_space<semaphore_mem>>
        tpu.enqueue_indirect_dma source(%dma_start3A_286 : memref<80x128xf32, #tpu.memory_space<vmem>>) target(%dma_start3A_296 : memref<10000x128xf32, #tpu.memory_space<vmem_shared>>) offsets(%dma_start3A_293 : memref<80xi32, #tpu.memory_space<vmem>>) semaphore(%dma_start3A_298 : memref<!tpu.dma_semaphore, #tpu.memory_space<semaphore_mem>>) {add = true}
        %add3A_299 = arith.constant 1 : i32
        %add3A_300 = arith.addi %add3A_206, %add3A_299 : i32
        %gt3A_301 = arith.constant 0 : i32
        %gt3A_302 = arith.cmpi sgt, %add3A_300, %gt3A_301 : i32
        %convert_element_type3A_303 = arith.extui %gt3A_302 : i1 to i32
        %cond3A_304 = arith.constant 0 : i32
        %cond3A_305 = arith.cmpi ne, %convert_element_type3A_303, %cond3A_304 : i32
        scf.if %cond3A_305 {
          %dma_wait3A_395 = arith.constant 0 : i32
          %dma_wait3A_396 = arith.constant 0 : i32
          %dma_wait3A_397 = arith.constant 0 : i32
          %dma_wait3A_398 = arith.constant 0 : i32
          %dma_wait3A_399 = arith.constant 0 : i32
          %dma_wait3A_400 = arith.constant 0 : i32
          %dma_wait3A_401 = tpu.memref_slice %arg11[%dma_wait3A_395, %dma_wait3A_399, %dma_wait3A_400] : memref<2x80x128xf32, #tpu.memory_space<vmem>> -> memref<1x80x128xf32, #tpu.memory_space<vmem>>
          %dma_wait3A_402 = tpu.memref_squeeze %dma_wait3A_401 : memref<1x80x128xf32, #tpu.memory_space<vmem>> -> memref<80x128xf32, #tpu.memory_space<vmem>>
          %dma_wait3A_403 = arith.constant 0 : i32
          %dma_wait3A_404 = arith.constant 0 : i32
          %dma_wait3A_405 = tpu.memref_slice %arg12[%dma_wait3A_396, %dma_wait3A_403, %dma_wait3A_404] : memref<2x2x80xi32, #tpu.memory_space<vmem>> -> memref<1x2x80xi32, #tpu.memory_space<vmem>>
          %dma_wait3A_406 = tpu.memref_squeeze %dma_wait3A_405 : memref<1x2x80xi32, #tpu.memory_space<vmem>> -> memref<2x80xi32, #tpu.memory_space<vmem>>
          %dma_wait3A_407 = arith.constant 0 : i32
          %dma_wait3A_408 = tpu.memref_slice %dma_wait3A_406[%dma_wait3A_397, %dma_wait3A_407] : memref<2x80xi32, #tpu.memory_space<vmem>> -> memref<1x80xi32, #tpu.memory_space<vmem>>
          %dma_wait3A_409 = tpu.memref_squeeze %dma_wait3A_408 : memref<1x80xi32, #tpu.memory_space<vmem>> -> memref<80xi32, #tpu.memory_space<vmem>>
          %dma_wait3A_410 = arith.constant 0 : i32
          %dma_wait3A_411 = arith.constant 0 : i32
          %dma_wait3A_412 = tpu.memref_slice %arg7[%dma_wait3A_410, %dma_wait3A_411] : memref<10000x128xf32, #tpu.memory_space<vmem_shared>> -> memref<10000x128xf32, #tpu.memory_space<vmem_shared>>
          %dma_wait3A_413 = tpu.memref_slice %arg15[%dma_wait3A_398] : memref<2x!tpu.dma_semaphore, #tpu.memory_space<semaphore_mem>> -> memref<1x!tpu.dma_semaphore, #tpu.memory_space<semaphore_mem>>
          %dma_wait3A_414 = tpu.memref_squeeze %dma_wait3A_413 : memref<1x!tpu.dma_semaphore, #tpu.memory_space<semaphore_mem>> -> memref<!tpu.dma_semaphore, #tpu.memory_space<semaphore_mem>>
          tpu.wait_indirect_dma semaphore(%dma_wait3A_414 : memref<!tpu.dma_semaphore, #tpu.memory_space<semaphore_mem>>) src(%dma_wait3A_402 : memref<80x128xf32, #tpu.memory_space<vmem>>) dst(%dma_wait3A_412 : memref<10000x128xf32, #tpu.memory_space<vmem_shared>>)
        } else {
        }
        %add3A_306 = arith.constant 1 : i32
        %add3A_307 = arith.addi %add3A_300, %add3A_306 : i32
        %lt3A_308 = arith.constant 258 : i32
        %lt3A_309 = arith.cmpi slt, %add3A_307, %lt3A_308 : i32
        %convert_element_type3A_310 = arith.extui %lt3A_309 : i1 to i32
        %cond3A_311 = arith.constant 0 : i32
        %cond3A_312 = arith.cmpi ne, %convert_element_type3A_310, %cond3A_311 : i32
        scf.if %cond3A_312 {
          %add3A_395 = arith.constant 1 : i32
          %add3A_396 = arith.addi %add3A_300, %add3A_395 : i32
          %dma_start3A_397 = arith.constant 0 : i32
          %dma_start3A_398 = arith.constant 0 : i32
          %dma_start3A_399 = arith.constant 0 : i32
          %dma_start3A_400 = arith.constant 0 : i32
          %dma_start3A_401 = tpu.memref_slice %arg12[%dma_start3A_397, %dma_start3A_399, %dma_start3A_400] : memref<2x2x80xi32, #tpu.memory_space<vmem>> -> memref<1x2x80xi32, #tpu.memory_space<vmem>>
          %dma_start3A_402 = tpu.memref_squeeze %dma_start3A_401 : memref<1x2x80xi32, #tpu.memory_space<vmem>> -> memref<2x80xi32, #tpu.memory_space<vmem>>
          %dma_start3A_403 = arith.constant 0 : i32
          %dma_start3A_404 = arith.constant 0 : i32
          %dma_start3A_405 = arith.constant 0 : i32
          %dma_start3A_406 = tpu.memref_slice %arg4[%arg1, %dma_start3A_403, %dma_start3A_404, %dma_start3A_405] : memref<16x258x2x80xi32, #tpu.memory_space<hbm>> -> memref<1x258x2x80xi32, #tpu.memory_space<hbm>>
          %dma_start3A_407 = tpu.memref_squeeze %dma_start3A_406 : memref<1x258x2x80xi32, #tpu.memory_space<hbm>> -> memref<258x2x80xi32, #tpu.memory_space<hbm>>
          %dma_start3A_408 = arith.constant 0 : i32
          %dma_start3A_409 = arith.constant 0 : i32
          %dma_start3A_410 = tpu.memref_slice %dma_start3A_407[%add3A_396, %dma_start3A_408, %dma_start3A_409] : memref<258x2x80xi32, #tpu.memory_space<hbm>> -> memref<1x2x80xi32, #tpu.memory_space<hbm>>
          %dma_start3A_411 = tpu.memref_squeeze %dma_start3A_410 : memref<1x2x80xi32, #tpu.memory_space<hbm>> -> memref<2x80xi32, #tpu.memory_space<hbm>>
          %dma_start3A_412 = tpu.memref_slice %arg16[%dma_start3A_398] : memref<2x!tpu.dma_semaphore, #tpu.memory_space<semaphore_mem>> -> memref<1x!tpu.dma_semaphore, #tpu.memory_space<semaphore_mem>>
          %dma_start3A_413 = tpu.memref_squeeze %dma_start3A_412 : memref<1x!tpu.dma_semaphore, #tpu.memory_space<semaphore_mem>> -> memref<!tpu.dma_semaphore, #tpu.memory_space<semaphore_mem>>
          %dma_start3A_414 = arith.constant 0 : i32
          %dma_start3A_415 = arith.constant 0 : i32
          %dma_start3A_416 = tpu.memref_slice %arg12[%dma_start3A_397, %dma_start3A_414, %dma_start3A_415] : memref<2x2x80xi32, #tpu.memory_space<vmem>> -> memref<1x2x80xi32, #tpu.memory_space<vmem>>
          %dma_start3A_417 = tpu.memref_squeeze %dma_start3A_416 : memref<1x2x80xi32, #tpu.memory_space<vmem>> -> memref<2x80xi32, #tpu.memory_space<vmem>>
          %dma_start3A_418 = arith.constant 0 : i32
          %dma_start3A_419 = arith.constant 0 : i32
          %dma_start3A_420 = arith.constant 0 : i32
          %dma_start3A_421 = tpu.memref_slice %arg4[%arg1, %dma_start3A_418, %dma_start3A_419, %dma_start3A_420] : memref<16x258x2x80xi32, #tpu.memory_space<hbm>> -> memref<1x258x2x80xi32, #tpu.memory_space<hbm>>
          %dma_start3A_422 = tpu.memref_squeeze %dma_start3A_421 : memref<1x258x2x80xi32, #tpu.memory_space<hbm>> -> memref<258x2x80xi32, #tpu.memory_space<hbm>>
          %dma_start3A_423 = arith.constant 0 : i32
          %dma_start3A_424 = arith.constant 0 : i32
          %dma_start3A_425 = tpu.memref_slice %dma_start3A_422[%add3A_396, %dma_start3A_423, %dma_start3A_424] : memref<258x2x80xi32, #tpu.memory_space<hbm>> -> memref<1x2x80xi32, #tpu.memory_space<hbm>>
          %dma_start3A_426 = tpu.memref_squeeze %dma_start3A_425 : memref<1x2x80xi32, #tpu.memory_space<hbm>> -> memref<2x80xi32, #tpu.memory_space<hbm>>
          tpu.enqueue_dma source(%dma_start3A_426 : memref<2x80xi32, #tpu.memory_space<hbm>>) target(%dma_start3A_417 : memref<2x80xi32, #tpu.memory_space<vmem>>) target_semaphore(%dma_start3A_413 : memref<!tpu.dma_semaphore, #tpu.memory_space<semaphore_mem>>)
        } else {
        }
        %dma_wait3A_313 = arith.constant 1 : i32
        %dma_wait3A_314 = arith.constant 1 : i32
        %dma_wait3A_315 = arith.constant 1 : i32
        %dma_wait3A_316 = arith.constant 0 : i32
        %dma_wait3A_317 = arith.constant 0 : i32
        %dma_wait3A_318 = tpu.memref_slice %arg10[%dma_wait3A_314, %dma_wait3A_316, %dma_wait3A_317] : memref<2x80x64xi32, #tpu.memory_space<vmem>> -> memref<1x80x64xi32, #tpu.memory_space<vmem>>
        %dma_wait3A_319 = tpu.memref_squeeze %dma_wait3A_318 : memref<1x80x64xi32, #tpu.memory_space<vmem>> -> memref<80x64xi32, #tpu.memory_space<vmem>>
        %dma_wait3A_320 = arith.constant 0 : i32
        %dma_wait3A_321 = tpu.memref_slice %arg13[%dma_wait3A_313, %dma_wait3A_320] : memref<2x80xi32, #tpu.memory_space<vmem>> -> memref<1x80xi32, #tpu.memory_space<vmem>>
        %dma_wait3A_322 = tpu.memref_squeeze %dma_wait3A_321 : memref<1x80xi32, #tpu.memory_space<vmem>> -> memref<80xi32, #tpu.memory_space<vmem>>
        %dma_wait3A_323 = arith.constant 0 : i32
        %dma_wait3A_324 = arith.constant 0 : i32
        %dma_wait3A_325 = tpu.memref_slice %arg2[%dma_wait3A_323, %dma_wait3A_324] : memref<120000x64xi32, #tpu.memory_space<hbm>> -> memref<120000x64xi32, #tpu.memory_space<hbm>>
        %dma_wait3A_326 = tpu.memref_slice %arg14[%dma_wait3A_315] : memref<2x!tpu.dma_semaphore, #tpu.memory_space<semaphore_mem>> -> memref<1x!tpu.dma_semaphore, #tpu.memory_space<semaphore_mem>>
        %dma_wait3A_327 = tpu.memref_squeeze %dma_wait3A_326 : memref<1x!tpu.dma_semaphore, #tpu.memory_space<semaphore_mem>> -> memref<!tpu.dma_semaphore, #tpu.memory_space<semaphore_mem>>
        tpu.wait_indirect_dma semaphore(%dma_wait3A_327 : memref<!tpu.dma_semaphore, #tpu.memory_space<semaphore_mem>>) src(%dma_wait3A_325 : memref<120000x64xi32, #tpu.memory_space<hbm>>) dst(%dma_wait3A_319 : memref<80x64xi32, #tpu.memory_space<vmem>>)
        %add3A_328 = arith.constant 2 : i32
        %add3A_329 = arith.addi %add3A_300, %add3A_328 : i32
        %lt3A_330 = arith.constant 258 : i32
        %lt3A_331 = arith.cmpi slt, %add3A_329, %lt3A_330 : i32
        %convert_element_type3A_332 = arith.extui %lt3A_331 : i1 to i32
        %cond3A_333 = arith.constant 0 : i32
        %cond3A_334 = arith.cmpi ne, %convert_element_type3A_332, %cond3A_333 : i32
        scf.if %cond3A_334 {
          %add3A_395 = arith.constant 2 : i32
          %add3A_396 = arith.addi %add3A_300, %add3A_395 : i32
          %dma_start3A_397 = arith.constant 1 : i32
          %dma_start3A_398 = arith.constant 1 : i32
          %dma_start3A_399 = arith.constant 0 : i32
          %dma_start3A_400 = tpu.memref_slice %arg13[%dma_start3A_397, %dma_start3A_399] : memref<2x80xi32, #tpu.memory_space<vmem>> -> memref<1x80xi32, #tpu.memory_space<vmem>>
          %dma_start3A_401 = tpu.memref_squeeze %dma_start3A_400 : memref<1x80xi32, #tpu.memory_space<vmem>> -> memref<80xi32, #tpu.memory_space<vmem>>
          %dma_start3A_402 = arith.constant 0 : i32
          %dma_start3A_403 = arith.constant 0 : i32
          %dma_start3A_404 = arith.constant 0 : i32
          %dma_start3A_405 = tpu.memref_slice %arg3[%add3A_11, %dma_start3A_402, %dma_start3A_403, %dma_start3A_404] : memref<12x16x258x80xi32, #tpu.memory_space<hbm>> -> memref<1x16x258x80xi32, #tpu.memory_space<hbm>>
          %dma_start3A_406 = tpu.memref_squeeze %dma_start3A_405 : memref<1x16x258x80xi32, #tpu.memory_space<hbm>> -> memref<16x258x80xi32, #tpu.memory_space<hbm>>
          %dma_start3A_407 = arith.constant 0 : i32
          %dma_start3A_408 = arith.constant 0 : i32
          %dma_start3A_409 = tpu.memref_slice %dma_start3A_406[%arg1, %dma_start3A_407, %dma_start3A_408] : memref<16x258x80xi32, #tpu.memory_space<hbm>> -> memref<1x258x80xi32, #tpu.memory_space<hbm>>
          %dma_start3A_410 = tpu.memref_squeeze %dma_start3A_409 : memref<1x258x80xi32, #tpu.memory_space<hbm>> -> memref<258x80xi32, #tpu.memory_space<hbm>>
          %dma_start3A_411 = arith.constant 0 : i32
          %dma_start3A_412 = tpu.memref_slice %dma_start3A_410[%add3A_396, %dma_start3A_411] : memref<258x80xi32, #tpu.memory_space<hbm>> -> memref<1x80xi32, #tpu.memory_space<hbm>>
          %dma_start3A_413 = tpu.memref_squeeze %dma_start3A_412 : memref<1x80xi32, #tpu.memory_space<hbm>> -> memref<80xi32, #tpu.memory_space<hbm>>
          %dma_start3A_414 = tpu.memref_slice %arg17[%dma_start3A_398] : memref<2x!tpu.dma_semaphore, #tpu.memory_space<semaphore_mem>> -> memref<1x!tpu.dma_semaphore, #tpu.memory_space<semaphore_mem>>
          %dma_start3A_415 = tpu.memref_squeeze %dma_start3A_414 : memref<1x!tpu.dma_semaphore, #tpu.memory_space<semaphore_mem>> -> memref<!tpu.dma_semaphore, #tpu.memory_space<semaphore_mem>>
          %dma_start3A_416 = arith.constant 0 : i32
          %dma_start3A_417 = tpu.memref_slice %arg13[%dma_start3A_397, %dma_start3A_416] : memref<2x80xi32, #tpu.memory_space<vmem>> -> memref<1x80xi32, #tpu.memory_space<vmem>>
          %dma_start3A_418 = tpu.memref_squeeze %dma_start3A_417 : memref<1x80xi32, #tpu.memory_space<vmem>> -> memref<80xi32, #tpu.memory_space<vmem>>
          %dma_start3A_419 = arith.constant 0 : i32
          %dma_start3A_420 = arith.constant 0 : i32
          %dma_start3A_421 = arith.constant 0 : i32
          %dma_start3A_422 = tpu.memref_slice %arg3[%add3A_11, %dma_start3A_419, %dma_start3A_420, %dma_start3A_421] : memref<12x16x258x80xi32, #tpu.memory_space<hbm>> -> memref<1x16x258x80xi32, #tpu.memory_space<hbm>>
          %dma_start3A_423 = tpu.memref_squeeze %dma_start3A_422 : memref<1x16x258x80xi32, #tpu.memory_space<hbm>> -> memref<16x258x80xi32, #tpu.memory_space<hbm>>
          %dma_start3A_424 = arith.constant 0 : i32
          %dma_start3A_425 = arith.constant 0 : i32
          %dma_start3A_426 = tpu.memref_slice %dma_start3A_423[%arg1, %dma_start3A_424, %dma_start3A_425] : memref<16x258x80xi32, #tpu.memory_space<hbm>> -> memref<1x258x80xi32, #tpu.memory_space<hbm>>
          %dma_start3A_427 = tpu.memref_squeeze %dma_start3A_426 : memref<1x258x80xi32, #tpu.memory_space<hbm>> -> memref<258x80xi32, #tpu.memory_space<hbm>>
          %dma_start3A_428 = arith.constant 0 : i32
          %dma_start3A_429 = tpu.memref_slice %dma_start3A_427[%add3A_396, %dma_start3A_428] : memref<258x80xi32, #tpu.memory_space<hbm>> -> memref<1x80xi32, #tpu.memory_space<hbm>>
          %dma_start3A_430 = tpu.memref_squeeze %dma_start3A_429 : memref<1x80xi32, #tpu.memory_space<hbm>> -> memref<80xi32, #tpu.memory_space<hbm>>
          tpu.enqueue_dma source(%dma_start3A_430 : memref<80xi32, #tpu.memory_space<hbm>>) target(%dma_start3A_418 : memref<80xi32, #tpu.memory_space<vmem>>) target_semaphore(%dma_start3A_415 : memref<!tpu.dma_semaphore, #tpu.memory_space<semaphore_mem>>)
        } else {
        }
        %add3A_335 = arith.constant 1 : i32
        %add3A_336 = arith.addi %add3A_300, %add3A_335 : i32
        %lt3A_337 = arith.constant 258 : i32
        %lt3A_338 = arith.cmpi slt, %add3A_336, %lt3A_337 : i32
        %convert_element_type3A_339 = arith.extui %lt3A_338 : i1 to i32
        %cond3A_340 = arith.constant 0 : i32
        %cond3A_341 = arith.cmpi ne, %convert_element_type3A_339, %cond3A_340 : i32
        scf.if %cond3A_341 {
          %add3A_395 = arith.constant 1 : i32
          %add3A_396 = arith.addi %add3A_300, %add3A_395 : i32
          %dma_wait3A_397 = arith.constant 0 : i32
          %dma_wait3A_398 = arith.constant 0 : i32
          %dma_wait3A_399 = arith.constant 0 : i32
          %dma_wait3A_400 = tpu.memref_slice %arg13[%dma_wait3A_397, %dma_wait3A_399] : memref<2x80xi32, #tpu.memory_space<vmem>> -> memref<1x80xi32, #tpu.memory_space<vmem>>
          %dma_wait3A_401 = tpu.memref_squeeze %dma_wait3A_400 : memref<1x80xi32, #tpu.memory_space<vmem>> -> memref<80xi32, #tpu.memory_space<vmem>>
          %dma_wait3A_402 = arith.constant 0 : i32
          %dma_wait3A_403 = arith.constant 0 : i32
          %dma_wait3A_404 = arith.constant 0 : i32
          %dma_wait3A_405 = tpu.memref_slice %arg3[%add3A_11, %dma_wait3A_402, %dma_wait3A_403, %dma_wait3A_404] : memref<12x16x258x80xi32, #tpu.memory_space<hbm>> -> memref<1x16x258x80xi32, #tpu.memory_space<hbm>>
          %dma_wait3A_406 = tpu.memref_squeeze %dma_wait3A_405 : memref<1x16x258x80xi32, #tpu.memory_space<hbm>> -> memref<16x258x80xi32, #tpu.memory_space<hbm>>
          %dma_wait3A_407 = arith.constant 0 : i32
          %dma_wait3A_408 = arith.constant 0 : i32
          %dma_wait3A_409 = tpu.memref_slice %dma_wait3A_406[%arg1, %dma_wait3A_407, %dma_wait3A_408] : memref<16x258x80xi32, #tpu.memory_space<hbm>> -> memref<1x258x80xi32, #tpu.memory_space<hbm>>
          %dma_wait3A_410 = tpu.memref_squeeze %dma_wait3A_409 : memref<1x258x80xi32, #tpu.memory_space<hbm>> -> memref<258x80xi32, #tpu.memory_space<hbm>>
          %dma_wait3A_411 = arith.constant 0 : i32
          %dma_wait3A_412 = tpu.memref_slice %dma_wait3A_410[%add3A_396, %dma_wait3A_411] : memref<258x80xi32, #tpu.memory_space<hbm>> -> memref<1x80xi32, #tpu.memory_space<hbm>>
          %dma_wait3A_413 = tpu.memref_squeeze %dma_wait3A_412 : memref<1x80xi32, #tpu.memory_space<hbm>> -> memref<80xi32, #tpu.memory_space<hbm>>
          %dma_wait3A_414 = tpu.memref_slice %arg17[%dma_wait3A_398] : memref<2x!tpu.dma_semaphore, #tpu.memory_space<semaphore_mem>> -> memref<1x!tpu.dma_semaphore, #tpu.memory_space<semaphore_mem>>
          %dma_wait3A_415 = tpu.memref_squeeze %dma_wait3A_414 : memref<1x!tpu.dma_semaphore, #tpu.memory_space<semaphore_mem>> -> memref<!tpu.dma_semaphore, #tpu.memory_space<semaphore_mem>>
          %dma_wait3A_416 = arith.constant 0 : i32
          %dma_wait3A_417 = tpu.memref_slice %arg13[%dma_wait3A_397, %dma_wait3A_416] : memref<2x80xi32, #tpu.memory_space<vmem>> -> memref<1x80xi32, #tpu.memory_space<vmem>>
          %dma_wait3A_418 = tpu.memref_squeeze %dma_wait3A_417 : memref<1x80xi32, #tpu.memory_space<vmem>> -> memref<80xi32, #tpu.memory_space<vmem>>
          %dma_wait3A_419 = arith.constant 0 : i32
          %dma_wait3A_420 = arith.constant 0 : i32
          %dma_wait3A_421 = arith.constant 0 : i32
          %dma_wait3A_422 = tpu.memref_slice %arg3[%add3A_11, %dma_wait3A_419, %dma_wait3A_420, %dma_wait3A_421] : memref<12x16x258x80xi32, #tpu.memory_space<hbm>> -> memref<1x16x258x80xi32, #tpu.memory_space<hbm>>
          %dma_wait3A_423 = tpu.memref_squeeze %dma_wait3A_422 : memref<1x16x258x80xi32, #tpu.memory_space<hbm>> -> memref<16x258x80xi32, #tpu.memory_space<hbm>>
          %dma_wait3A_424 = arith.constant 0 : i32
          %dma_wait3A_425 = arith.constant 0 : i32
          %dma_wait3A_426 = tpu.memref_slice %dma_wait3A_423[%arg1, %dma_wait3A_424, %dma_wait3A_425] : memref<16x258x80xi32, #tpu.memory_space<hbm>> -> memref<1x258x80xi32, #tpu.memory_space<hbm>>
          %dma_wait3A_427 = tpu.memref_squeeze %dma_wait3A_426 : memref<1x258x80xi32, #tpu.memory_space<hbm>> -> memref<258x80xi32, #tpu.memory_space<hbm>>
          %dma_wait3A_428 = arith.constant 0 : i32
          %dma_wait3A_429 = tpu.memref_slice %dma_wait3A_427[%add3A_396, %dma_wait3A_428] : memref<258x80xi32, #tpu.memory_space<hbm>> -> memref<1x80xi32, #tpu.memory_space<hbm>>
          %dma_wait3A_430 = tpu.memref_squeeze %dma_wait3A_429 : memref<1x80xi32, #tpu.memory_space<hbm>> -> memref<80xi32, #tpu.memory_space<hbm>>
          tpu.wait_dma2 semaphore(%dma_wait3A_415 : memref<!tpu.dma_semaphore, #tpu.memory_space<semaphore_mem>>) src(%dma_wait3A_430 : memref<80xi32, #tpu.memory_space<hbm>>) dst(%dma_wait3A_418 : memref<80xi32, #tpu.memory_space<vmem>>)
          %dma_start3A_431 = arith.constant 0 : i32
          %dma_start3A_432 = arith.constant 0 : i32
          %dma_start3A_433 = arith.constant 0 : i32
          %dma_start3A_434 = arith.constant 0 : i32
          %dma_start3A_435 = arith.constant 0 : i32
          %dma_start3A_436 = tpu.memref_slice %arg10[%dma_start3A_432, %dma_start3A_434, %dma_start3A_435] : memref<2x80x64xi32, #tpu.memory_space<vmem>> -> memref<1x80x64xi32, #tpu.memory_space<vmem>>
          %dma_start3A_437 = tpu.memref_squeeze %dma_start3A_436 : memref<1x80x64xi32, #tpu.memory_space<vmem>> -> memref<80x64xi32, #tpu.memory_space<vmem>>
          %dma_start3A_438 = arith.constant 0 : i32
          %dma_start3A_439 = tpu.memref_slice %arg13[%dma_start3A_431, %dma_start3A_438] : memref<2x80xi32, #tpu.memory_space<vmem>> -> memref<1x80xi32, #tpu.memory_space<vmem>>
          %dma_start3A_440 = tpu.memref_squeeze %dma_start3A_439 : memref<1x80xi32, #tpu.memory_space<vmem>> -> memref<80xi32, #tpu.memory_space<vmem>>
          %dma_start3A_441 = arith.constant 0 : i32
          %dma_start3A_442 = arith.constant 0 : i32
          %dma_start3A_443 = tpu.memref_slice %arg2[%dma_start3A_441, %dma_start3A_442] : memref<120000x64xi32, #tpu.memory_space<hbm>> -> memref<120000x64xi32, #tpu.memory_space<hbm>>
          %dma_start3A_444 = tpu.memref_slice %arg14[%dma_start3A_433] : memref<2x!tpu.dma_semaphore, #tpu.memory_space<semaphore_mem>> -> memref<1x!tpu.dma_semaphore, #tpu.memory_space<semaphore_mem>>
          %dma_start3A_445 = tpu.memref_squeeze %dma_start3A_444 : memref<1x!tpu.dma_semaphore, #tpu.memory_space<semaphore_mem>> -> memref<!tpu.dma_semaphore, #tpu.memory_space<semaphore_mem>>
          tpu.enqueue_indirect_dma source(%dma_start3A_443 : memref<120000x64xi32, #tpu.memory_space<hbm>>) target(%dma_start3A_437 : memref<80x64xi32, #tpu.memory_space<vmem>>) offsets(%dma_start3A_440 : memref<80xi32, #tpu.memory_space<vmem>>) semaphore(%dma_start3A_445 : memref<!tpu.dma_semaphore, #tpu.memory_space<semaphore_mem>>)
        } else {
        }
        %dma_wait3A_342 = arith.constant 1 : i32
        %dma_wait3A_343 = arith.constant 1 : i32
        %dma_wait3A_344 = arith.constant 0 : i32
        %dma_wait3A_345 = arith.constant 0 : i32
        %dma_wait3A_346 = tpu.memref_slice %arg12[%dma_wait3A_342, %dma_wait3A_344, %dma_wait3A_345] : memref<2x2x80xi32, #tpu.memory_space<vmem>> -> memref<1x2x80xi32, #tpu.memory_space<vmem>>
        %dma_wait3A_347 = tpu.memref_squeeze %dma_wait3A_346 : memref<1x2x80xi32, #tpu.memory_space<vmem>> -> memref<2x80xi32, #tpu.memory_space<vmem>>
        %dma_wait3A_348 = arith.constant 0 : i32
        %dma_wait3A_349 = arith.constant 0 : i32
        %dma_wait3A_350 = arith.constant 0 : i32
        %dma_wait3A_351 = tpu.memref_slice %arg4[%arg1, %dma_wait3A_348, %dma_wait3A_349, %dma_wait3A_350] : memref<16x258x2x80xi32, #tpu.memory_space<hbm>> -> memref<1x258x2x80xi32, #tpu.memory_space<hbm>>
        %dma_wait3A_352 = tpu.memref_squeeze %dma_wait3A_351 : memref<1x258x2x80xi32, #tpu.memory_space<hbm>> -> memref<258x2x80xi32, #tpu.memory_space<hbm>>
        %dma_wait3A_353 = arith.constant 0 : i32
        %dma_wait3A_354 = arith.constant 0 : i32
        %dma_wait3A_355 = tpu.memref_slice %dma_wait3A_352[%add3A_300, %dma_wait3A_353, %dma_wait3A_354] : memref<258x2x80xi32, #tpu.memory_space<hbm>> -> memref<1x2x80xi32, #tpu.memory_space<hbm>>
        %dma_wait3A_356 = tpu.memref_squeeze %dma_wait3A_355 : memref<1x2x80xi32, #tpu.memory_space<hbm>> -> memref<2x80xi32, #tpu.memory_space<hbm>>
        %dma_wait3A_357 = tpu.memref_slice %arg16[%dma_wait3A_343] : memref<2x!tpu.dma_semaphore, #tpu.memory_space<semaphore_mem>> -> memref<1x!tpu.dma_semaphore, #tpu.memory_space<semaphore_mem>>
        %dma_wait3A_358 = tpu.memref_squeeze %dma_wait3A_357 : memref<1x!tpu.dma_semaphore, #tpu.memory_space<semaphore_mem>> -> memref<!tpu.dma_semaphore, #tpu.memory_space<semaphore_mem>>
        %dma_wait3A_359 = arith.constant 0 : i32
        %dma_wait3A_360 = arith.constant 0 : i32
        %dma_wait3A_361 = tpu.memref_slice %arg12[%dma_wait3A_342, %dma_wait3A_359, %dma_wait3A_360] : memref<2x2x80xi32, #tpu.memory_space<vmem>> -> memref<1x2x80xi32, #tpu.memory_space<vmem>>
        %dma_wait3A_362 = tpu.memref_squeeze %dma_wait3A_361 : memref<1x2x80xi32, #tpu.memory_space<vmem>> -> memref<2x80xi32, #tpu.memory_space<vmem>>
        %dma_wait3A_363 = arith.constant 0 : i32
        %dma_wait3A_364 = arith.constant 0 : i32
        %dma_wait3A_365 = arith.constant 0 : i32
        %dma_wait3A_366 = tpu.memref_slice %arg4[%arg1, %dma_wait3A_363, %dma_wait3A_364, %dma_wait3A_365] : memref<16x258x2x80xi32, #tpu.memory_space<hbm>> -> memref<1x258x2x80xi32, #tpu.memory_space<hbm>>
        %dma_wait3A_367 = tpu.memref_squeeze %dma_wait3A_366 : memref<1x258x2x80xi32, #tpu.memory_space<hbm>> -> memref<258x2x80xi32, #tpu.memory_space<hbm>>
        %dma_wait3A_368 = arith.constant 0 : i32
        %dma_wait3A_369 = arith.constant 0 : i32
        %dma_wait3A_370 = tpu.memref_slice %dma_wait3A_367[%add3A_300, %dma_wait3A_368, %dma_wait3A_369] : memref<258x2x80xi32, #tpu.memory_space<hbm>> -> memref<1x2x80xi32, #tpu.memory_space<hbm>>
        %dma_wait3A_371 = tpu.memref_squeeze %dma_wait3A_370 : memref<1x2x80xi32, #tpu.memory_space<hbm>> -> memref<2x80xi32, #tpu.memory_space<hbm>>
        tpu.wait_dma2 semaphore(%dma_wait3A_358 : memref<!tpu.dma_semaphore, #tpu.memory_space<semaphore_mem>>) src(%dma_wait3A_371 : memref<2x80xi32, #tpu.memory_space<hbm>>) dst(%dma_wait3A_362 : memref<2x80xi32, #tpu.memory_space<vmem>>)
        %parallel_loop3A_372 = arith.constant 0 : i32
        %parallel_loop3A_373 = arith.constant 80 : i32
        %parallel_loop3A_374 = arith.constant 1 : i32
        scf.for %parallel_loop3A_395 = %parallel_loop3A_372 to %parallel_loop3A_373 step %parallel_loop3A_374  : i32 {
          %parallel_loop3A_396 = arith.constant 0 : i32
          %parallel_loop3A_397 = vector.broadcast %parallel_loop3A_396 : i32 to vector<16xi32>
          %parallel_loop3A_398 = arith.constant 1 : i32
          %parallel_loop3A_399 = vector.broadcast %parallel_loop3A_398 : i32 to vector<16xi32>
          %parallel_loop3A_400 = arith.addi %parallel_loop3A_397, %parallel_loop3A_399 : vector<16xi32>
          %parallel_loop3A_401 = arith.constant 0 : i32
          %parallel_loop3A_402 = vector.broadcast %parallel_loop3A_401 : i32 to vector<16xi32>
          %parallel_loop3A_403 = vector.broadcast %parallel_loop3A_395 : i32 to vector<16xi32>
          %parallel_loop3A_404 = arith.addi %parallel_loop3A_402, %parallel_loop3A_403 : vector<16xi32>
          %parallel_loop3A_405 = arith.constant 1 : i32
          %parallel_loop3A_406 = arith.constant 0 : i32
          %parallel_loop3A_407 = arith.constant 0 : i32
          %parallel_loop3A_408 = tpu.memref_slice %arg12[%parallel_loop3A_405, %parallel_loop3A_406, %parallel_loop3A_407] : memref<2x2x80xi32, #tpu.memory_space<vmem>> -> memref<1x2x80xi32, #tpu.memory_space<vmem>>
          %parallel_loop3A_409 = tpu.memref_squeeze %parallel_loop3A_408 : memref<1x2x80xi32, #tpu.memory_space<vmem>> -> memref<2x80xi32, #tpu.memory_space<vmem>>
          %parallel_loop3A_410 = tpu.vector_load_idx %parallel_loop3A_409[%parallel_loop3A_400, %parallel_loop3A_404] : memref<2x80xi32, #tpu.memory_space<vmem>>[vector<16xi32>, vector<16xi32>], vector<16xi32>,
          %parallel_loop3A_411 = vector.bitcast %parallel_loop3A_410 : vector<16xi32> to vector<16xf32>
          %parallel_loop3A_412 = arith.constant 1 : i32
          %parallel_loop3A_413 = arith.index_cast %parallel_loop3A_412 : i32 to index
          %parallel_loop3A_414 = arith.index_cast %parallel_loop3A_395 : i32 to index
          %parallel_loop3A_415 = arith.constant 0 : index
          %parallel_loop3A_416 = tpu.vector_load %arg10[%parallel_loop3A_413, %parallel_loop3A_414, %parallel_loop3A_415] {strides = array<i32>} : memref<2x80x64xi32, #tpu.memory_space<vmem>>, vector<16xi32>,
          %parallel_loop3A_417 = arith.constant 16 : i32
          %parallel_loop3A_418 = vector.broadcast %parallel_loop3A_417 : i32 to vector<16xi32>
          %parallel_loop3A_419 = arith.shli %parallel_loop3A_416, %parallel_loop3A_418 : vector<16xi32>
          %parallel_loop3A_420 = vector.bitcast %parallel_loop3A_419 : vector<16xi32> to vector<16xf32>
          %parallel_loop3A_421 = arith.mulf %parallel_loop3A_420, %parallel_loop3A_411 : vector<16xf32>
          %parallel_loop3A_422 = arith.constant -65536 : i32
          %parallel_loop3A_423 = vector.broadcast %parallel_loop3A_422 : i32 to vector<16xi32>
          %parallel_loop3A_424 = arith.andi %parallel_loop3A_416, %parallel_loop3A_423 : vector<16xi32>
          %parallel_loop3A_425 = vector.bitcast %parallel_loop3A_424 : vector<16xi32> to vector<16xf32>
          %parallel_loop3A_426 = arith.mulf %parallel_loop3A_425, %parallel_loop3A_411 : vector<16xf32>
          %parallel_loop3A_427 = arith.constant 1 : i32
          %parallel_loop3A_428 = arith.index_cast %parallel_loop3A_427 : i32 to index
          %parallel_loop3A_429 = arith.index_cast %parallel_loop3A_395 : i32 to index
          %parallel_loop3A_430 = arith.constant 0 : index
          %parallel_loop3A_431 = tpu.vector_load %arg11[%parallel_loop3A_428, %parallel_loop3A_429, %parallel_loop3A_430] {strides = array<i32>} : memref<2x80x128xf32, #tpu.memory_space<vmem>>, vector<16xf32>,
          tpu.vector_store %arg11[%parallel_loop3A_428, %parallel_loop3A_429, %parallel_loop3A_430], %parallel_loop3A_421 {strides = array<i32>} : memref<2x80x128xf32, #tpu.memory_space<vmem>>, vector<16xf32>,
          %parallel_loop3A_432 = arith.constant 1 : i32
          %parallel_loop3A_433 = arith.index_cast %parallel_loop3A_432 : i32 to index
          %parallel_loop3A_434 = arith.index_cast %parallel_loop3A_395 : i32 to index
          %parallel_loop3A_435 = arith.constant 16 : index
          %parallel_loop3A_436 = tpu.vector_load %arg11[%parallel_loop3A_433, %parallel_loop3A_434, %parallel_loop3A_435] {strides = array<i32>} : memref<2x80x128xf32, #tpu.memory_space<vmem>>, vector<16xf32>,
          tpu.vector_store %arg11[%parallel_loop3A_433, %parallel_loop3A_434, %parallel_loop3A_435], %parallel_loop3A_426 {strides = array<i32>} : memref<2x80x128xf32, #tpu.memory_space<vmem>>, vector<16xf32>,
          %parallel_loop3A_437 = arith.constant 1 : i32
          %parallel_loop3A_438 = arith.index_cast %parallel_loop3A_437 : i32 to index
          %parallel_loop3A_439 = arith.index_cast %parallel_loop3A_395 : i32 to index
          %parallel_loop3A_440 = arith.constant 16 : index
          %parallel_loop3A_441 = tpu.vector_load %arg10[%parallel_loop3A_438, %parallel_loop3A_439, %parallel_loop3A_440] {strides = array<i32>} : memref<2x80x64xi32, #tpu.memory_space<vmem>>, vector<16xi32>,
          %parallel_loop3A_442 = arith.constant 16 : i32
          %parallel_loop3A_443 = vector.broadcast %parallel_loop3A_442 : i32 to vector<16xi32>
          %parallel_loop3A_444 = arith.shli %parallel_loop3A_441, %parallel_loop3A_443 : vector<16xi32>
          %parallel_loop3A_445 = vector.bitcast %parallel_loop3A_444 : vector<16xi32> to vector<16xf32>
          %parallel_loop3A_446 = arith.mulf %parallel_loop3A_445, %parallel_loop3A_411 : vector<16xf32>
          %parallel_loop3A_447 = arith.constant -65536 : i32
          %parallel_loop3A_448 = vector.broadcast %parallel_loop3A_447 : i32 to vector<16xi32>
          %parallel_loop3A_449 = arith.andi %parallel_loop3A_441, %parallel_loop3A_448 : vector<16xi32>
          %parallel_loop3A_450 = vector.bitcast %parallel_loop3A_449 : vector<16xi32> to vector<16xf32>
          %parallel_loop3A_451 = arith.mulf %parallel_loop3A_450, %parallel_loop3A_411 : vector<16xf32>
          %parallel_loop3A_452 = arith.constant 1 : i32
          %parallel_loop3A_453 = arith.index_cast %parallel_loop3A_452 : i32 to index
          %parallel_loop3A_454 = arith.index_cast %parallel_loop3A_395 : i32 to index
          %parallel_loop3A_455 = arith.constant 32 : index
          %parallel_loop3A_456 = tpu.vector_load %arg11[%parallel_loop3A_453, %parallel_loop3A_454, %parallel_loop3A_455] {strides = array<i32>} : memref<2x80x128xf32, #tpu.memory_space<vmem>>, vector<16xf32>,
          tpu.vector_store %arg11[%parallel_loop3A_453, %parallel_loop3A_454, %parallel_loop3A_455], %parallel_loop3A_446 {strides = array<i32>} : memref<2x80x128xf32, #tpu.memory_space<vmem>>, vector<16xf32>,
          %parallel_loop3A_457 = arith.constant 1 : i32
          %parallel_loop3A_458 = arith.index_cast %parallel_loop3A_457 : i32 to index
          %parallel_loop3A_459 = arith.index_cast %parallel_loop3A_395 : i32 to index
          %parallel_loop3A_460 = arith.constant 48 : index
          %parallel_loop3A_461 = tpu.vector_load %arg11[%parallel_loop3A_458, %parallel_loop3A_459, %parallel_loop3A_460] {strides = array<i32>} : memref<2x80x128xf32, #tpu.memory_space<vmem>>, vector<16xf32>,
          tpu.vector_store %arg11[%parallel_loop3A_458, %parallel_loop3A_459, %parallel_loop3A_460], %parallel_loop3A_451 {strides = array<i32>} : memref<2x80x128xf32, #tpu.memory_space<vmem>>, vector<16xf32>,
          %parallel_loop3A_462 = arith.constant 1 : i32
          %parallel_loop3A_463 = arith.index_cast %parallel_loop3A_462 : i32 to index
          %parallel_loop3A_464 = arith.index_cast %parallel_loop3A_395 : i32 to index
          %parallel_loop3A_465 = arith.constant 32 : index
          %parallel_loop3A_466 = tpu.vector_load %arg10[%parallel_loop3A_463, %parallel_loop3A_464, %parallel_loop3A_465] {strides = array<i32>} : memref<2x80x64xi32, #tpu.memory_space<vmem>>, vector<16xi32>,
          %parallel_loop3A_467 = arith.constant 16 : i32
          %parallel_loop3A_468 = vector.broadcast %parallel_loop3A_467 : i32 to vector<16xi32>
          %parallel_loop3A_469 = arith.shli %parallel_loop3A_466, %parallel_loop3A_468 : vector<16xi32>
          %parallel_loop3A_470 = vector.bitcast %parallel_loop3A_469 : vector<16xi32> to vector<16xf32>
          %parallel_loop3A_471 = arith.mulf %parallel_loop3A_470, %parallel_loop3A_411 : vector<16xf32>
          %parallel_loop3A_472 = arith.constant -65536 : i32
          %parallel_loop3A_473 = vector.broadcast %parallel_loop3A_472 : i32 to vector<16xi32>
          %parallel_loop3A_474 = arith.andi %parallel_loop3A_466, %parallel_loop3A_473 : vector<16xi32>
          %parallel_loop3A_475 = vector.bitcast %parallel_loop3A_474 : vector<16xi32> to vector<16xf32>
          %parallel_loop3A_476 = arith.mulf %parallel_loop3A_475, %parallel_loop3A_411 : vector<16xf32>
          %parallel_loop3A_477 = arith.constant 1 : i32
          %parallel_loop3A_478 = arith.index_cast %parallel_loop3A_477 : i32 to index
          %parallel_loop3A_479 = arith.index_cast %parallel_loop3A_395 : i32 to index
          %parallel_loop3A_480 = arith.constant 64 : index
          %parallel_loop3A_481 = tpu.vector_load %arg11[%parallel_loop3A_478, %parallel_loop3A_479, %parallel_loop3A_480] {strides = array<i32>} : memref<2x80x128xf32, #tpu.memory_space<vmem>>, vector<16xf32>,
          tpu.vector_store %arg11[%parallel_loop3A_478, %parallel_loop3A_479, %parallel_loop3A_480], %parallel_loop3A_471 {strides = array<i32>} : memref<2x80x128xf32, #tpu.memory_space<vmem>>, vector<16xf32>,
          %parallel_loop3A_482 = arith.constant 1 : i32
          %parallel_loop3A_483 = arith.index_cast %parallel_loop3A_482 : i32 to index
          %parallel_loop3A_484 = arith.index_cast %parallel_loop3A_395 : i32 to index
          %parallel_loop3A_485 = arith.constant 80 : index
          %parallel_loop3A_486 = tpu.vector_load %arg11[%parallel_loop3A_483, %parallel_loop3A_484, %parallel_loop3A_485] {strides = array<i32>} : memref<2x80x128xf32, #tpu.memory_space<vmem>>, vector<16xf32>,
          tpu.vector_store %arg11[%parallel_loop3A_483, %parallel_loop3A_484, %parallel_loop3A_485], %parallel_loop3A_476 {strides = array<i32>} : memref<2x80x128xf32, #tpu.memory_space<vmem>>, vector<16xf32>,
          %parallel_loop3A_487 = arith.constant 1 : i32
          %parallel_loop3A_488 = arith.index_cast %parallel_loop3A_487 : i32 to index
          %parallel_loop3A_489 = arith.index_cast %parallel_loop3A_395 : i32 to index
          %parallel_loop3A_490 = arith.constant 48 : index
          %parallel_loop3A_491 = tpu.vector_load %arg10[%parallel_loop3A_488, %parallel_loop3A_489, %parallel_loop3A_490] {strides = array<i32>} : memref<2x80x64xi32, #tpu.memory_space<vmem>>, vector<16xi32>,
          %parallel_loop3A_492 = arith.constant 16 : i32
          %parallel_loop3A_493 = vector.broadcast %parallel_loop3A_492 : i32 to vector<16xi32>
          %parallel_loop3A_494 = arith.shli %parallel_loop3A_491, %parallel_loop3A_493 : vector<16xi32>
          %parallel_loop3A_495 = vector.bitcast %parallel_loop3A_494 : vector<16xi32> to vector<16xf32>
          %parallel_loop3A_496 = arith.mulf %parallel_loop3A_495, %parallel_loop3A_411 : vector<16xf32>
          %parallel_loop3A_497 = arith.constant -65536 : i32
          %parallel_loop3A_498 = vector.broadcast %parallel_loop3A_497 : i32 to vector<16xi32>
          %parallel_loop3A_499 = arith.andi %parallel_loop3A_491, %parallel_loop3A_498 : vector<16xi32>
          %parallel_loop3A_500 = vector.bitcast %parallel_loop3A_499 : vector<16xi32> to vector<16xf32>
          %parallel_loop3A_501 = arith.mulf %parallel_loop3A_500, %parallel_loop3A_411 : vector<16xf32>
          %parallel_loop3A_502 = arith.constant 1 : i32
          %parallel_loop3A_503 = arith.index_cast %parallel_loop3A_502 : i32 to index
          %parallel_loop3A_504 = arith.index_cast %parallel_loop3A_395 : i32 to index
          %parallel_loop3A_505 = arith.constant 96 : index
          %parallel_loop3A_506 = tpu.vector_load %arg11[%parallel_loop3A_503, %parallel_loop3A_504, %parallel_loop3A_505] {strides = array<i32>} : memref<2x80x128xf32, #tpu.memory_space<vmem>>, vector<16xf32>,
          tpu.vector_store %arg11[%parallel_loop3A_503, %parallel_loop3A_504, %parallel_loop3A_505], %parallel_loop3A_496 {strides = array<i32>} : memref<2x80x128xf32, #tpu.memory_space<vmem>>, vector<16xf32>,
          %parallel_loop3A_507 = arith.constant 1 : i32
          %parallel_loop3A_508 = arith.index_cast %parallel_loop3A_507 : i32 to index
          %parallel_loop3A_509 = arith.index_cast %parallel_loop3A_395 : i32 to index
          %parallel_loop3A_510 = arith.constant 112 : index
          %parallel_loop3A_511 = tpu.vector_load %arg11[%parallel_loop3A_508, %parallel_loop3A_509, %parallel_loop3A_510] {strides = array<i32>} : memref<2x80x128xf32, #tpu.memory_space<vmem>>, vector<16xf32>,
          tpu.vector_store %arg11[%parallel_loop3A_508, %parallel_loop3A_509, %parallel_loop3A_510], %parallel_loop3A_501 {strides = array<i32>} : memref<2x80x128xf32, #tpu.memory_space<vmem>>, vector<16xf32>,
        } {sc.loop_unroll_factor = 8 : i64, sc.parallel_access}
        %dma_start3A_375 = arith.constant 1 : i32
        %dma_start3A_376 = arith.constant 1 : i32
        %dma_start3A_377 = arith.constant 0 : i32
        %dma_start3A_378 = arith.constant 1 : i32
        %dma_start3A_379 = arith.constant 0 : i32
        %dma_start3A_380 = arith.constant 0 : i32
        %dma_start3A_381 = tpu.memref_slice %arg11[%dma_start3A_375, %dma_start3A_379, %dma_start3A_380] : memref<2x80x128xf32, #tpu.memory_space<vmem>> -> memref<1x80x128xf32, #tpu.memory_space<vmem>>
        %dma_start3A_382 = tpu.memref_squeeze %dma_start3A_381 : memref<1x80x128xf32, #tpu.memory_space<vmem>> -> memref<80x128xf32, #tpu.memory_space<vmem>>
        %dma_start3A_383 = arith.constant 0 : i32
        %dma_start3A_384 = arith.constant 0 : i32
        %dma_start3A_385 = tpu.memref_slice %arg12[%dma_start3A_376, %dma_start3A_383, %dma_start3A_384] : memref<2x2x80xi32, #tpu.memory_space<vmem>> -> memref<1x2x80xi32, #tpu.memory_space<vmem>>
        %dma_start3A_386 = tpu.memref_squeeze %dma_start3A_385 : memref<1x2x80xi32, #tpu.memory_space<vmem>> -> memref<2x80xi32, #tpu.memory_space<vmem>>
        %dma_start3A_387 = arith.constant 0 : i32
        %dma_start3A_388 = tpu.memref_slice %dma_start3A_386[%dma_start3A_377, %dma_start3A_387] : memref<2x80xi32, #tpu.memory_space<vmem>> -> memref<1x80xi32, #tpu.memory_space<vmem>>
        %dma_start3A_389 = tpu.memref_squeeze %dma_start3A_388 : memref<1x80xi32, #tpu.memory_space<vmem>> -> memref<80xi32, #tpu.memory_space<vmem>>
        %dma_start3A_390 = arith.constant 0 : i32
        %dma_start3A_391 = arith.constant 0 : i32
        %dma_start3A_392 = tpu.memref_slice %arg7[%dma_start3A_390, %dma_start3A_391] : memref<10000x128xf32, #tpu.memory_space<vmem_shared>> -> memref<10000x128xf32, #tpu.memory_space<vmem_shared>>
        %dma_start3A_393 = tpu.memref_slice %arg15[%dma_start3A_378] : memref<2x!tpu.dma_semaphore, #tpu.memory_space<semaphore_mem>> -> memref<1x!tpu.dma_semaphore, #tpu.memory_space<semaphore_mem>>
        %dma_start3A_394 = tpu.memref_squeeze %dma_start3A_393 : memref<1x!tpu.dma_semaphore, #tpu.memory_space<semaphore_mem>> -> memref<!tpu.dma_semaphore, #tpu.memory_space<semaphore_mem>>
        tpu.enqueue_indirect_dma source(%dma_start3A_382 : memref<80x128xf32, #tpu.memory_space<vmem>>) target(%dma_start3A_392 : memref<10000x128xf32, #tpu.memory_space<vmem_shared>>) offsets(%dma_start3A_389 : memref<80xi32, #tpu.memory_space<vmem>>) semaphore(%dma_start3A_394 : memref<!tpu.dma_semaphore, #tpu.memory_space<semaphore_mem>>) {add = true}
      }
      %scan3A_174 = arith.constant 129 : i32
      %dma_wait3A_175 = arith.constant 1 : i32
      %dma_wait3A_176 = arith.constant 1 : i32
      %dma_wait3A_177 = arith.constant 0 : i32
      %dma_wait3A_178 = arith.constant 1 : i32
      %dma_wait3A_179 = arith.constant 0 : i32
      %dma_wait3A_180 = arith.constant 0 : i32
      %dma_wait3A_181 = tpu.memref_slice %arg11[%dma_wait3A_175, %dma_wait3A_179, %dma_wait3A_180] : memref<2x80x128xf32, #tpu.memory_space<vmem>> -> memref<1x80x128xf32, #tpu.memory_space<vmem>>
      %dma_wait3A_182 = tpu.memref_squeeze %dma_wait3A_181 : memref<1x80x128xf32, #tpu.memory_space<vmem>> -> memref<80x128xf32, #tpu.memory_space<vmem>>
      %dma_wait3A_183 = arith.constant 0 : i32
      %dma_wait3A_184 = arith.constant 0 : i32
      %dma_wait3A_185 = tpu.memref_slice %arg12[%dma_wait3A_176, %dma_wait3A_183, %dma_wait3A_184] : memref<2x2x80xi32, #tpu.memory_space<vmem>> -> memref<1x2x80xi32, #tpu.memory_space<vmem>>
      %dma_wait3A_186 = tpu.memref_squeeze %dma_wait3A_185 : memref<1x2x80xi32, #tpu.memory_space<vmem>> -> memref<2x80xi32, #tpu.memory_space<vmem>>
      %dma_wait3A_187 = arith.constant 0 : i32
      %dma_wait3A_188 = tpu.memref_slice %dma_wait3A_186[%dma_wait3A_177, %dma_wait3A_187] : memref<2x80xi32, #tpu.memory_space<vmem>> -> memref<1x80xi32, #tpu.memory_space<vmem>>
      %dma_wait3A_189 = tpu.memref_squeeze %dma_wait3A_188 : memref<1x80xi32, #tpu.memory_space<vmem>> -> memref<80xi32, #tpu.memory_space<vmem>>
      %dma_wait3A_190 = arith.constant 0 : i32
      %dma_wait3A_191 = arith.constant 0 : i32
      %dma_wait3A_192 = tpu.memref_slice %arg7[%dma_wait3A_190, %dma_wait3A_191] : memref<10000x128xf32, #tpu.memory_space<vmem_shared>> -> memref<10000x128xf32, #tpu.memory_space<vmem_shared>>
      %dma_wait3A_193 = tpu.memref_slice %arg15[%dma_wait3A_178] : memref<2x!tpu.dma_semaphore, #tpu.memory_space<semaphore_mem>> -> memref<1x!tpu.dma_semaphore, #tpu.memory_space<semaphore_mem>>
      %dma_wait3A_194 = tpu.memref_squeeze %dma_wait3A_193 : memref<1x!tpu.dma_semaphore, #tpu.memory_space<semaphore_mem>> -> memref<!tpu.dma_semaphore, #tpu.memory_space<semaphore_mem>>
      tpu.wait_indirect_dma semaphore(%dma_wait3A_194 : memref<!tpu.dma_semaphore, #tpu.memory_space<semaphore_mem>>) src(%dma_wait3A_182 : memref<80x128xf32, #tpu.memory_space<vmem>>) dst(%dma_wait3A_192 : memref<10000x128xf32, #tpu.memory_space<vmem_shared>>)
      %barrier3A_195 = arith.constant 0 : index
      tpu.barrier barrier_id(%barrier3A_195)
      %scan3A_196 = arith.constant 0 : i32
      %scan3A_197 = arith.constant 5 : i32
      %scan3A_198 = arith.addi %scan3A_196, %scan3A_197 : i32
      %scan3A_199 = arith.constant 1 : i32
      scf.for %scan3A_202 = %scan3A_196 to %scan3A_198 step %scan3A_199  : i32 {
        %mul3A_203 = arith.constant 1 : i32
        %mul3A_204 = arith.muli %scan3A_202, %mul3A_203 : i32
        %add3A_205 = arith.constant 0 : i32
        %add3A_206 = arith.addi %add3A_205, %mul3A_204 : i32
        %mul3A_207 = arith.constant 125 : i32
        %mul3A_208 = arith.muli %add3A_206, %mul3A_207 : i32
        %add3A_209 = arith.addi %mul3A_0, %mul3A_208 : i32
        "tpu.region"() ({
          %run_scoped3A = tpu.sem_alloc : memref<!tpu.dma_semaphore, #tpu.memory_space<semaphore_mem>>
          %dma_start3A_214 = arith.constant 0 : i32
          %dma_start3A_215 = tpu.memref_slice %arg7[%add3A_209, %dma_start3A_214] : memref<10000x128xf32, #tpu.memory_space<vmem_shared>> -> memref<125x128xf32, #tpu.memory_space<vmem_shared>>
          %dma_start3A_216 = arith.constant 0 : i32
          %dma_start3A_217 = tpu.memref_slice %arg7[%add3A_209, %dma_start3A_216] : memref<10000x128xf32, #tpu.memory_space<vmem_shared>> -> memref<125x128xf32, #tpu.memory_space<vmem_shared>>
          tpu.enqueue_dma source(%dma_start3A_217 : memref<125x128xf32, #tpu.memory_space<vmem_shared>>) target(%arg9 : memref<125x128xf32, #tpu.memory_space<vmem>>) target_semaphore(%run_scoped3A : memref<!tpu.dma_semaphore, #tpu.memory_space<semaphore_mem>>)
          %dma_wait3A_218 = arith.constant 0 : i32
          %dma_wait3A_219 = tpu.memref_slice %arg7[%add3A_209, %dma_wait3A_218] : memref<10000x128xf32, #tpu.memory_space<vmem_shared>> -> memref<125x128xf32, #tpu.memory_space<vmem_shared>>
          %dma_wait3A_220 = arith.constant 0 : i32
          %dma_wait3A_221 = tpu.memref_slice %arg7[%add3A_209, %dma_wait3A_220] : memref<10000x128xf32, #tpu.memory_space<vmem_shared>> -> memref<125x128xf32, #tpu.memory_space<vmem_shared>>
          tpu.wait_dma2 semaphore(%run_scoped3A : memref<!tpu.dma_semaphore, #tpu.memory_space<semaphore_mem>>) src(%dma_wait3A_221 : memref<125x128xf32, #tpu.memory_space<vmem_shared>>) dst(%arg9 : memref<125x128xf32, #tpu.memory_space<vmem>>)
          tpu.yield
        }) : () -> ()
        %parallel_loop3A_210 = arith.constant 0 : i32
        %parallel_loop3A_211 = arith.constant 125 : i32
        %parallel_loop3A_212 = arith.constant 1 : i32
        scf.for %parallel_loop3A_214 = %parallel_loop3A_210 to %parallel_loop3A_211 step %parallel_loop3A_212  : i32 {
          %parallel_loop3A_215 = arith.index_cast %parallel_loop3A_214 : i32 to index
          %parallel_loop3A_216 = arith.constant 0 : index
          %parallel_loop3A_217 = tpu.vector_load %arg9[%parallel_loop3A_215, %parallel_loop3A_216] {strides = array<i32>} : memref<125x128xf32, #tpu.memory_space<vmem>>, vector<16xf32>,
          %parallel_loop3A_218 = arith.constant 0 : index
          %parallel_loop3A_219 = tpu.vector_load %arg8[%parallel_loop3A_218] {strides = array<i32>} : memref<128xf32, #tpu.memory_space<vmem>>, vector<16xf32>,
          %parallel_loop3A_220 = arith.addf %parallel_loop3A_217, %parallel_loop3A_219 : vector<16xf32>
          %parallel_loop3A_221 = arith.constant 0.000000e+00 : f32
          %parallel_loop3A_222 = vector.broadcast %parallel_loop3A_221 : f32 to vector<16xf32>
          %parallel_loop3A_223 = arith.maximumf %parallel_loop3A_220, %parallel_loop3A_222 : vector<16xf32>
          %parallel_loop3A_224 = arith.index_cast %parallel_loop3A_214 : i32 to index
          %parallel_loop3A_225 = arith.constant 0 : index
          %parallel_loop3A_226 = tpu.vector_load %arg9[%parallel_loop3A_224, %parallel_loop3A_225] {strides = array<i32>} : memref<125x128xf32, #tpu.memory_space<vmem>>, vector<16xf32>,
          tpu.vector_store %arg9[%parallel_loop3A_224, %parallel_loop3A_225], %parallel_loop3A_223 {strides = array<i32>} : memref<125x128xf32, #tpu.memory_space<vmem>>, vector<16xf32>,
          %parallel_loop3A_227 = arith.index_cast %parallel_loop3A_214 : i32 to index
          %parallel_loop3A_228 = arith.constant 16 : index
          %parallel_loop3A_229 = tpu.vector_load %arg9[%parallel_loop3A_227, %parallel_loop3A_228] {strides = array<i32>} : memref<125x128xf32, #tpu.memory_space<vmem>>, vector<16xf32>,
          %parallel_loop3A_230 = arith.constant 16 : index
          %parallel_loop3A_231 = tpu.vector_load %arg8[%parallel_loop3A_230] {strides = array<i32>} : memref<128xf32, #tpu.memory_space<vmem>>, vector<16xf32>,
          %parallel_loop3A_232 = arith.addf %parallel_loop3A_229, %parallel_loop3A_231 : vector<16xf32>
          %parallel_loop3A_233 = arith.constant 0.000000e+00 : f32
          %parallel_loop3A_234 = vector.broadcast %parallel_loop3A_233 : f32 to vector<16xf32>
          %parallel_loop3A_235 = arith.maximumf %parallel_loop3A_232, %parallel_loop3A_234 : vector<16xf32>
          %parallel_loop3A_236 = arith.index_cast %parallel_loop3A_214 : i32 to index
          %parallel_loop3A_237 = arith.constant 16 : index
          %parallel_loop3A_238 = tpu.vector_load %arg9[%parallel_loop3A_236, %parallel_loop3A_237] {strides = array<i32>} : memref<125x128xf32, #tpu.memory_space<vmem>>, vector<16xf32>,
          tpu.vector_store %arg9[%parallel_loop3A_236, %parallel_loop3A_237], %parallel_loop3A_235 {strides = array<i32>} : memref<125x128xf32, #tpu.memory_space<vmem>>, vector<16xf32>,
          %parallel_loop3A_239 = arith.index_cast %parallel_loop3A_214 : i32 to index
          %parallel_loop3A_240 = arith.constant 32 : index
          %parallel_loop3A_241 = tpu.vector_load %arg9[%parallel_loop3A_239, %parallel_loop3A_240] {strides = array<i32>} : memref<125x128xf32, #tpu.memory_space<vmem>>, vector<16xf32>,
          %parallel_loop3A_242 = arith.constant 32 : index
          %parallel_loop3A_243 = tpu.vector_load %arg8[%parallel_loop3A_242] {strides = array<i32>} : memref<128xf32, #tpu.memory_space<vmem>>, vector<16xf32>,
          %parallel_loop3A_244 = arith.addf %parallel_loop3A_241, %parallel_loop3A_243 : vector<16xf32>
          %parallel_loop3A_245 = arith.constant 0.000000e+00 : f32
          %parallel_loop3A_246 = vector.broadcast %parallel_loop3A_245 : f32 to vector<16xf32>
          %parallel_loop3A_247 = arith.maximumf %parallel_loop3A_244, %parallel_loop3A_246 : vector<16xf32>
          %parallel_loop3A_248 = arith.index_cast %parallel_loop3A_214 : i32 to index
          %parallel_loop3A_249 = arith.constant 32 : index
          %parallel_loop3A_250 = tpu.vector_load %arg9[%parallel_loop3A_248, %parallel_loop3A_249] {strides = array<i32>} : memref<125x128xf32, #tpu.memory_space<vmem>>, vector<16xf32>,
          tpu.vector_store %arg9[%parallel_loop3A_248, %parallel_loop3A_249], %parallel_loop3A_247 {strides = array<i32>} : memref<125x128xf32, #tpu.memory_space<vmem>>, vector<16xf32>,
          %parallel_loop3A_251 = arith.index_cast %parallel_loop3A_214 : i32 to index
          %parallel_loop3A_252 = arith.constant 48 : index
          %parallel_loop3A_253 = tpu.vector_load %arg9[%parallel_loop3A_251, %parallel_loop3A_252] {strides = array<i32>} : memref<125x128xf32, #tpu.memory_space<vmem>>, vector<16xf32>,
          %parallel_loop3A_254 = arith.constant 48 : index
          %parallel_loop3A_255 = tpu.vector_load %arg8[%parallel_loop3A_254] {strides = array<i32>} : memref<128xf32, #tpu.memory_space<vmem>>, vector<16xf32>,
          %parallel_loop3A_256 = arith.addf %parallel_loop3A_253, %parallel_loop3A_255 : vector<16xf32>
          %parallel_loop3A_257 = arith.constant 0.000000e+00 : f32
          %parallel_loop3A_258 = vector.broadcast %parallel_loop3A_257 : f32 to vector<16xf32>
          %parallel_loop3A_259 = arith.maximumf %parallel_loop3A_256, %parallel_loop3A_258 : vector<16xf32>
          %parallel_loop3A_260 = arith.index_cast %parallel_loop3A_214 : i32 to index
          %parallel_loop3A_261 = arith.constant 48 : index
          %parallel_loop3A_262 = tpu.vector_load %arg9[%parallel_loop3A_260, %parallel_loop3A_261] {strides = array<i32>} : memref<125x128xf32, #tpu.memory_space<vmem>>, vector<16xf32>,
          tpu.vector_store %arg9[%parallel_loop3A_260, %parallel_loop3A_261], %parallel_loop3A_259 {strides = array<i32>} : memref<125x128xf32, #tpu.memory_space<vmem>>, vector<16xf32>,
          %parallel_loop3A_263 = arith.index_cast %parallel_loop3A_214 : i32 to index
          %parallel_loop3A_264 = arith.constant 64 : index
          %parallel_loop3A_265 = tpu.vector_load %arg9[%parallel_loop3A_263, %parallel_loop3A_264] {strides = array<i32>} : memref<125x128xf32, #tpu.memory_space<vmem>>, vector<16xf32>,
          %parallel_loop3A_266 = arith.constant 64 : index
          %parallel_loop3A_267 = tpu.vector_load %arg8[%parallel_loop3A_266] {strides = array<i32>} : memref<128xf32, #tpu.memory_space<vmem>>, vector<16xf32>,
          %parallel_loop3A_268 = arith.addf %parallel_loop3A_265, %parallel_loop3A_267 : vector<16xf32>
          %parallel_loop3A_269 = arith.constant 0.000000e+00 : f32
          %parallel_loop3A_270 = vector.broadcast %parallel_loop3A_269 : f32 to vector<16xf32>
          %parallel_loop3A_271 = arith.maximumf %parallel_loop3A_268, %parallel_loop3A_270 : vector<16xf32>
          %parallel_loop3A_272 = arith.index_cast %parallel_loop3A_214 : i32 to index
          %parallel_loop3A_273 = arith.constant 64 : index
          %parallel_loop3A_274 = tpu.vector_load %arg9[%parallel_loop3A_272, %parallel_loop3A_273] {strides = array<i32>} : memref<125x128xf32, #tpu.memory_space<vmem>>, vector<16xf32>,
          tpu.vector_store %arg9[%parallel_loop3A_272, %parallel_loop3A_273], %parallel_loop3A_271 {strides = array<i32>} : memref<125x128xf32, #tpu.memory_space<vmem>>, vector<16xf32>,
          %parallel_loop3A_275 = arith.index_cast %parallel_loop3A_214 : i32 to index
          %parallel_loop3A_276 = arith.constant 80 : index
          %parallel_loop3A_277 = tpu.vector_load %arg9[%parallel_loop3A_275, %parallel_loop3A_276] {strides = array<i32>} : memref<125x128xf32, #tpu.memory_space<vmem>>, vector<16xf32>,
          %parallel_loop3A_278 = arith.constant 80 : index
          %parallel_loop3A_279 = tpu.vector_load %arg8[%parallel_loop3A_278] {strides = array<i32>} : memref<128xf32, #tpu.memory_space<vmem>>, vector<16xf32>,
          %parallel_loop3A_280 = arith.addf %parallel_loop3A_277, %parallel_loop3A_279 : vector<16xf32>
          %parallel_loop3A_281 = arith.constant 0.000000e+00 : f32
          %parallel_loop3A_282 = vector.broadcast %parallel_loop3A_281 : f32 to vector<16xf32>
          %parallel_loop3A_283 = arith.maximumf %parallel_loop3A_280, %parallel_loop3A_282 : vector<16xf32>
          %parallel_loop3A_284 = arith.index_cast %parallel_loop3A_214 : i32 to index
          %parallel_loop3A_285 = arith.constant 80 : index
          %parallel_loop3A_286 = tpu.vector_load %arg9[%parallel_loop3A_284, %parallel_loop3A_285] {strides = array<i32>} : memref<125x128xf32, #tpu.memory_space<vmem>>, vector<16xf32>,
          tpu.vector_store %arg9[%parallel_loop3A_284, %parallel_loop3A_285], %parallel_loop3A_283 {strides = array<i32>} : memref<125x128xf32, #tpu.memory_space<vmem>>, vector<16xf32>,
          %parallel_loop3A_287 = arith.index_cast %parallel_loop3A_214 : i32 to index
          %parallel_loop3A_288 = arith.constant 96 : index
          %parallel_loop3A_289 = tpu.vector_load %arg9[%parallel_loop3A_287, %parallel_loop3A_288] {strides = array<i32>} : memref<125x128xf32, #tpu.memory_space<vmem>>, vector<16xf32>,
          %parallel_loop3A_290 = arith.constant 96 : index
          %parallel_loop3A_291 = tpu.vector_load %arg8[%parallel_loop3A_290] {strides = array<i32>} : memref<128xf32, #tpu.memory_space<vmem>>, vector<16xf32>,
          %parallel_loop3A_292 = arith.addf %parallel_loop3A_289, %parallel_loop3A_291 : vector<16xf32>
          %parallel_loop3A_293 = arith.constant 0.000000e+00 : f32
          %parallel_loop3A_294 = vector.broadcast %parallel_loop3A_293 : f32 to vector<16xf32>
          %parallel_loop3A_295 = arith.maximumf %parallel_loop3A_292, %parallel_loop3A_294 : vector<16xf32>
          %parallel_loop3A_296 = arith.index_cast %parallel_loop3A_214 : i32 to index
          %parallel_loop3A_297 = arith.constant 96 : index
          %parallel_loop3A_298 = tpu.vector_load %arg9[%parallel_loop3A_296, %parallel_loop3A_297] {strides = array<i32>} : memref<125x128xf32, #tpu.memory_space<vmem>>, vector<16xf32>,
          tpu.vector_store %arg9[%parallel_loop3A_296, %parallel_loop3A_297], %parallel_loop3A_295 {strides = array<i32>} : memref<125x128xf32, #tpu.memory_space<vmem>>, vector<16xf32>,
          %parallel_loop3A_299 = arith.index_cast %parallel_loop3A_214 : i32 to index
          %parallel_loop3A_300 = arith.constant 112 : index
          %parallel_loop3A_301 = tpu.vector_load %arg9[%parallel_loop3A_299, %parallel_loop3A_300] {strides = array<i32>} : memref<125x128xf32, #tpu.memory_space<vmem>>, vector<16xf32>,
          %parallel_loop3A_302 = arith.constant 112 : index
          %parallel_loop3A_303 = tpu.vector_load %arg8[%parallel_loop3A_302] {strides = array<i32>} : memref<128xf32, #tpu.memory_space<vmem>>, vector<16xf32>,
          %parallel_loop3A_304 = arith.addf %parallel_loop3A_301, %parallel_loop3A_303 : vector<16xf32>
          %parallel_loop3A_305 = arith.constant 0.000000e+00 : f32
          %parallel_loop3A_306 = vector.broadcast %parallel_loop3A_305 : f32 to vector<16xf32>
          %parallel_loop3A_307 = arith.maximumf %parallel_loop3A_304, %parallel_loop3A_306 : vector<16xf32>
          %parallel_loop3A_308 = arith.index_cast %parallel_loop3A_214 : i32 to index
          %parallel_loop3A_309 = arith.constant 112 : index
          %parallel_loop3A_310 = tpu.vector_load %arg9[%parallel_loop3A_308, %parallel_loop3A_309] {strides = array<i32>} : memref<125x128xf32, #tpu.memory_space<vmem>>, vector<16xf32>,
          tpu.vector_store %arg9[%parallel_loop3A_308, %parallel_loop3A_309], %parallel_loop3A_307 {strides = array<i32>} : memref<125x128xf32, #tpu.memory_space<vmem>>, vector<16xf32>,
        } {sc.loop_unroll_factor = 4 : i64, sc.parallel_access}
        %add3A_213 = arith.addi %multiple_of3A, %add3A_209 : i32
        "tpu.region"() ({
          %run_scoped3A = tpu.sem_alloc : memref<!tpu.dma_semaphore, #tpu.memory_space<semaphore_mem>>
          %dma_start3A_214 = arith.constant 0 : i32
          %dma_start3A_215 = tpu.memref_slice %arg6[%add3A_213, %dma_start3A_214] : memref<120000x128xf32, #tpu.memory_space<hbm>> -> memref<125x128xf32, #tpu.memory_space<hbm>>
          %dma_start3A_216 = arith.constant 0 : i32
          %dma_start3A_217 = tpu.memref_slice %arg6[%add3A_213, %dma_start3A_216] : memref<120000x128xf32, #tpu.memory_space<hbm>> -> memref<125x128xf32, #tpu.memory_space<hbm>>
          tpu.enqueue_dma source(%arg9 : memref<125x128xf32, #tpu.memory_space<vmem>>) target(%dma_start3A_217 : memref<125x128xf32, #tpu.memory_space<hbm>>) target_semaphore(%run_scoped3A : memref<!tpu.dma_semaphore, #tpu.memory_space<semaphore_mem>>)
          %dma_wait3A_218 = arith.constant 0 : i32
          %dma_wait3A_219 = tpu.memref_slice %arg6[%add3A_213, %dma_wait3A_218] : memref<120000x128xf32, #tpu.memory_space<hbm>> -> memref<125x128xf32, #tpu.memory_space<hbm>>
          %dma_wait3A_220 = arith.constant 0 : i32
          %dma_wait3A_221 = tpu.memref_slice %arg6[%add3A_213, %dma_wait3A_220] : memref<120000x128xf32, #tpu.memory_space<hbm>> -> memref<125x128xf32, #tpu.memory_space<hbm>>
          tpu.wait_dma2 semaphore(%run_scoped3A : memref<!tpu.dma_semaphore, #tpu.memory_space<semaphore_mem>>) src(%arg9 : memref<125x128xf32, #tpu.memory_space<vmem>>) dst(%dma_wait3A_221 : memref<125x128xf32, #tpu.memory_space<hbm>>)
          tpu.yield
        }) : () -> ()
      }
      %scan3A_200 = arith.constant 5 : i32
      %barrier3A_201 = arith.constant 0 : index
      tpu.barrier barrier_id(%barrier3A_201)
    }
    %scan3A_6 = arith.constant 6 : i32
    return
  }
}

#map = affine_map<(d0, d1) -> (0, 0, 0, 0)>
#map1 = affine_map<(d0, d1) -> (0)>
#map2 = affine_map<(d0, d1) -> (0, 0, 0)>
module attributes {stable_mosaic.version = 14 : i64} {
  func.func @_norm_kernel(%arg0: i32, %arg1: i32, %arg2: memref<32x125x3x80xi32, #tpu.memory_space<hbm>>, %arg3: memref<10000xf32, #tpu.memory_space<hbm>>, %arg4: memref<32x125x80xf32, #tpu.memory_space<hbm>>, %arg5: memref<10000xf32, #tpu.memory_space<vmem>>, %arg6: memref<2x3x80xi32, #tpu.memory_space<vmem>>, %arg7: memref<2x80xf32, #tpu.memory_space<vmem>>, %arg8: memref<2x!tpu.dma_semaphore, #tpu.memory_space<semaphore_mem>>, %arg9: memref<2x!tpu.dma_semaphore, #tpu.memory_space<semaphore_mem>>) attributes {dimension_semantics = [#tpu.dimension_semantics<core_parallel>, #tpu.dimension_semantics<subcore_parallel>], iteration_bounds = array<i64: 2, 16>, scalar_prefetch = 0 : i64, scratch_operands = 5 : i64, tpu.core_type = #tpu.core_type<sc_vector_subcore>, window_params = [{transform_indices = #map}, {transform_indices = #map1}, {transform_indices = #map2}]} {
    %mul3A = arith.constant 2 : i32
    %mul3A_0 = arith.muli %arg1, %mul3A : i32
    %add3A = arith.addi %mul3A_0, %arg0 : i32
    "tpu.region"() ({
      %run_scoped3A = tpu.sem_alloc : memref<!tpu.dma_semaphore, #tpu.memory_space<semaphore_mem>>
      tpu.enqueue_dma source(%arg3 : memref<10000xf32, #tpu.memory_space<hbm>>) target(%arg5 : memref<10000xf32, #tpu.memory_space<vmem>>) target_semaphore(%run_scoped3A : memref<!tpu.dma_semaphore, #tpu.memory_space<semaphore_mem>>)
      tpu.wait_dma2 semaphore(%run_scoped3A : memref<!tpu.dma_semaphore, #tpu.memory_space<semaphore_mem>>) src(%arg3 : memref<10000xf32, #tpu.memory_space<hbm>>) dst(%arg5 : memref<10000xf32, #tpu.memory_space<vmem>>)
      tpu.yield
    }) : () -> ()
    %dma_start3A = arith.constant 0 : i32
    %dma_start3A_1 = arith.constant 0 : i32
    %dma_start3A_2 = arith.constant 0 : i32
    %dma_start3A_3 = arith.constant 0 : i32
    %dma_start3A_4 = arith.constant 0 : i32
    %dma_start3A_5 = tpu.memref_slice %arg6[%dma_start3A_1, %dma_start3A_3, %dma_start3A_4] : memref<2x3x80xi32, #tpu.memory_space<vmem>> -> memref<1x3x80xi32, #tpu.memory_space<vmem>>
    %dma_start3A_6 = tpu.memref_squeeze %dma_start3A_5 : memref<1x3x80xi32, #tpu.memory_space<vmem>> -> memref<3x80xi32, #tpu.memory_space<vmem>>
    %dma_start3A_7 = arith.constant 0 : i32
    %dma_start3A_8 = arith.constant 0 : i32
    %dma_start3A_9 = arith.constant 0 : i32
    %dma_start3A_10 = tpu.memref_slice %arg2[%add3A, %dma_start3A_7, %dma_start3A_8, %dma_start3A_9] : memref<32x125x3x80xi32, #tpu.memory_space<hbm>> -> memref<1x125x3x80xi32, #tpu.memory_space<hbm>>
    %dma_start3A_11 = tpu.memref_squeeze %dma_start3A_10 : memref<1x125x3x80xi32, #tpu.memory_space<hbm>> -> memref<125x3x80xi32, #tpu.memory_space<hbm>>
    %dma_start3A_12 = arith.constant 0 : i32
    %dma_start3A_13 = arith.constant 0 : i32
    %dma_start3A_14 = tpu.memref_slice %dma_start3A_11[%dma_start3A, %dma_start3A_12, %dma_start3A_13] : memref<125x3x80xi32, #tpu.memory_space<hbm>> -> memref<1x3x80xi32, #tpu.memory_space<hbm>>
    %dma_start3A_15 = tpu.memref_squeeze %dma_start3A_14 : memref<1x3x80xi32, #tpu.memory_space<hbm>> -> memref<3x80xi32, #tpu.memory_space<hbm>>
    %dma_start3A_16 = tpu.memref_slice %arg8[%dma_start3A_2] : memref<2x!tpu.dma_semaphore, #tpu.memory_space<semaphore_mem>> -> memref<1x!tpu.dma_semaphore, #tpu.memory_space<semaphore_mem>>
    %dma_start3A_17 = tpu.memref_squeeze %dma_start3A_16 : memref<1x!tpu.dma_semaphore, #tpu.memory_space<semaphore_mem>> -> memref<!tpu.dma_semaphore, #tpu.memory_space<semaphore_mem>>
    %dma_start3A_18 = arith.constant 0 : i32
    %dma_start3A_19 = arith.constant 0 : i32
    %dma_start3A_20 = tpu.memref_slice %arg6[%dma_start3A_1, %dma_start3A_18, %dma_start3A_19] : memref<2x3x80xi32, #tpu.memory_space<vmem>> -> memref<1x3x80xi32, #tpu.memory_space<vmem>>
    %dma_start3A_21 = tpu.memref_squeeze %dma_start3A_20 : memref<1x3x80xi32, #tpu.memory_space<vmem>> -> memref<3x80xi32, #tpu.memory_space<vmem>>
    %dma_start3A_22 = arith.constant 0 : i32
    %dma_start3A_23 = arith.constant 0 : i32
    %dma_start3A_24 = arith.constant 0 : i32
    %dma_start3A_25 = tpu.memref_slice %arg2[%add3A, %dma_start3A_22, %dma_start3A_23, %dma_start3A_24] : memref<32x125x3x80xi32, #tpu.memory_space<hbm>> -> memref<1x125x3x80xi32, #tpu.memory_space<hbm>>
    %dma_start3A_26 = tpu.memref_squeeze %dma_start3A_25 : memref<1x125x3x80xi32, #tpu.memory_space<hbm>> -> memref<125x3x80xi32, #tpu.memory_space<hbm>>
    %dma_start3A_27 = arith.constant 0 : i32
    %dma_start3A_28 = arith.constant 0 : i32
    %dma_start3A_29 = tpu.memref_slice %dma_start3A_26[%dma_start3A, %dma_start3A_27, %dma_start3A_28] : memref<125x3x80xi32, #tpu.memory_space<hbm>> -> memref<1x3x80xi32, #tpu.memory_space<hbm>>
    %dma_start3A_30 = tpu.memref_squeeze %dma_start3A_29 : memref<1x3x80xi32, #tpu.memory_space<hbm>> -> memref<3x80xi32, #tpu.memory_space<hbm>>
    tpu.enqueue_dma source(%dma_start3A_30 : memref<3x80xi32, #tpu.memory_space<hbm>>) target(%dma_start3A_21 : memref<3x80xi32, #tpu.memory_space<vmem>>) target_semaphore(%dma_start3A_17 : memref<!tpu.dma_semaphore, #tpu.memory_space<semaphore_mem>>)
    %scan3A = arith.constant 0 : i32
    %scan3A_31 = arith.constant 62 : i32
    %scan3A_32 = arith.addi %scan3A, %scan3A_31 : i32
    %scan3A_33 = arith.constant 1 : i32
    scf.for %scan3A_296 = %scan3A to %scan3A_32 step %scan3A_33  : i32 {
      %mul3A_297 = arith.constant 2 : i32
      %mul3A_298 = arith.muli %scan3A_296, %mul3A_297 : i32
      %add3A_299 = arith.constant 0 : i32
      %add3A_300 = arith.addi %add3A_299, %mul3A_298 : i32
      %add3A_301 = arith.constant 0 : i32
      %add3A_302 = arith.addi %add3A_300, %add3A_301 : i32
      %add3A_303 = arith.constant 1 : i32
      %add3A_304 = arith.addi %add3A_302, %add3A_303 : i32
      %dma_start3A_305 = arith.constant 1 : i32
      %dma_start3A_306 = arith.constant 1 : i32
      %dma_start3A_307 = arith.constant 0 : i32
      %dma_start3A_308 = arith.constant 0 : i32
      %dma_start3A_309 = tpu.memref_slice %arg6[%dma_start3A_305, %dma_start3A_307, %dma_start3A_308] : memref<2x3x80xi32, #tpu.memory_space<vmem>> -> memref<1x3x80xi32, #tpu.memory_space<vmem>>
      %dma_start3A_310 = tpu.memref_squeeze %dma_start3A_309 : memref<1x3x80xi32, #tpu.memory_space<vmem>> -> memref<3x80xi32, #tpu.memory_space<vmem>>
      %dma_start3A_311 = arith.constant 0 : i32
      %dma_start3A_312 = arith.constant 0 : i32
      %dma_start3A_313 = arith.constant 0 : i32
      %dma_start3A_314 = tpu.memref_slice %arg2[%add3A, %dma_start3A_311, %dma_start3A_312, %dma_start3A_313] : memref<32x125x3x80xi32, #tpu.memory_space<hbm>> -> memref<1x125x3x80xi32, #tpu.memory_space<hbm>>
      %dma_start3A_315 = tpu.memref_squeeze %dma_start3A_314 : memref<1x125x3x80xi32, #tpu.memory_space<hbm>> -> memref<125x3x80xi32, #tpu.memory_space<hbm>>
      %dma_start3A_316 = arith.constant 0 : i32
      %dma_start3A_317 = arith.constant 0 : i32
      %dma_start3A_318 = tpu.memref_slice %dma_start3A_315[%add3A_304, %dma_start3A_316, %dma_start3A_317] : memref<125x3x80xi32, #tpu.memory_space<hbm>> -> memref<1x3x80xi32, #tpu.memory_space<hbm>>
      %dma_start3A_319 = tpu.memref_squeeze %dma_start3A_318 : memref<1x3x80xi32, #tpu.memory_space<hbm>> -> memref<3x80xi32, #tpu.memory_space<hbm>>
      %dma_start3A_320 = tpu.memref_slice %arg8[%dma_start3A_306] : memref<2x!tpu.dma_semaphore, #tpu.memory_space<semaphore_mem>> -> memref<1x!tpu.dma_semaphore, #tpu.memory_space<semaphore_mem>>
      %dma_start3A_321 = tpu.memref_squeeze %dma_start3A_320 : memref<1x!tpu.dma_semaphore, #tpu.memory_space<semaphore_mem>> -> memref<!tpu.dma_semaphore, #tpu.memory_space<semaphore_mem>>
      %dma_start3A_322 = arith.constant 0 : i32
      %dma_start3A_323 = arith.constant 0 : i32
      %dma_start3A_324 = tpu.memref_slice %arg6[%dma_start3A_305, %dma_start3A_322, %dma_start3A_323] : memref<2x3x80xi32, #tpu.memory_space<vmem>> -> memref<1x3x80xi32, #tpu.memory_space<vmem>>
      %dma_start3A_325 = tpu.memref_squeeze %dma_start3A_324 : memref<1x3x80xi32, #tpu.memory_space<vmem>> -> memref<3x80xi32, #tpu.memory_space<vmem>>
      %dma_start3A_326 = arith.constant 0 : i32
      %dma_start3A_327 = arith.constant 0 : i32
      %dma_start3A_328 = arith.constant 0 : i32
      %dma_start3A_329 = tpu.memref_slice %arg2[%add3A, %dma_start3A_326, %dma_start3A_327, %dma_start3A_328] : memref<32x125x3x80xi32, #tpu.memory_space<hbm>> -> memref<1x125x3x80xi32, #tpu.memory_space<hbm>>
      %dma_start3A_330 = tpu.memref_squeeze %dma_start3A_329 : memref<1x125x3x80xi32, #tpu.memory_space<hbm>> -> memref<125x3x80xi32, #tpu.memory_space<hbm>>
      %dma_start3A_331 = arith.constant 0 : i32
      %dma_start3A_332 = arith.constant 0 : i32
      %dma_start3A_333 = tpu.memref_slice %dma_start3A_330[%add3A_304, %dma_start3A_331, %dma_start3A_332] : memref<125x3x80xi32, #tpu.memory_space<hbm>> -> memref<1x3x80xi32, #tpu.memory_space<hbm>>
      %dma_start3A_334 = tpu.memref_squeeze %dma_start3A_333 : memref<1x3x80xi32, #tpu.memory_space<hbm>> -> memref<3x80xi32, #tpu.memory_space<hbm>>
      tpu.enqueue_dma source(%dma_start3A_334 : memref<3x80xi32, #tpu.memory_space<hbm>>) target(%dma_start3A_325 : memref<3x80xi32, #tpu.memory_space<vmem>>) target_semaphore(%dma_start3A_321 : memref<!tpu.dma_semaphore, #tpu.memory_space<semaphore_mem>>)
      %dma_wait3A_335 = arith.constant 0 : i32
      %dma_wait3A_336 = arith.constant 0 : i32
      %dma_wait3A_337 = arith.constant 0 : i32
      %dma_wait3A_338 = arith.constant 0 : i32
      %dma_wait3A_339 = tpu.memref_slice %arg6[%dma_wait3A_335, %dma_wait3A_337, %dma_wait3A_338] : memref<2x3x80xi32, #tpu.memory_space<vmem>> -> memref<1x3x80xi32, #tpu.memory_space<vmem>>
      %dma_wait3A_340 = tpu.memref_squeeze %dma_wait3A_339 : memref<1x3x80xi32, #tpu.memory_space<vmem>> -> memref<3x80xi32, #tpu.memory_space<vmem>>
      %dma_wait3A_341 = arith.constant 0 : i32
      %dma_wait3A_342 = arith.constant 0 : i32
      %dma_wait3A_343 = arith.constant 0 : i32
      %dma_wait3A_344 = tpu.memref_slice %arg2[%add3A, %dma_wait3A_341, %dma_wait3A_342, %dma_wait3A_343] : memref<32x125x3x80xi32, #tpu.memory_space<hbm>> -> memref<1x125x3x80xi32, #tpu.memory_space<hbm>>
      %dma_wait3A_345 = tpu.memref_squeeze %dma_wait3A_344 : memref<1x125x3x80xi32, #tpu.memory_space<hbm>> -> memref<125x3x80xi32, #tpu.memory_space<hbm>>
      %dma_wait3A_346 = arith.constant 0 : i32
      %dma_wait3A_347 = arith.constant 0 : i32
      %dma_wait3A_348 = tpu.memref_slice %dma_wait3A_345[%add3A_302, %dma_wait3A_346, %dma_wait3A_347] : memref<125x3x80xi32, #tpu.memory_space<hbm>> -> memref<1x3x80xi32, #tpu.memory_space<hbm>>
      %dma_wait3A_349 = tpu.memref_squeeze %dma_wait3A_348 : memref<1x3x80xi32, #tpu.memory_space<hbm>> -> memref<3x80xi32, #tpu.memory_space<hbm>>
      %dma_wait3A_350 = tpu.memref_slice %arg8[%dma_wait3A_336] : memref<2x!tpu.dma_semaphore, #tpu.memory_space<semaphore_mem>> -> memref<1x!tpu.dma_semaphore, #tpu.memory_space<semaphore_mem>>
      %dma_wait3A_351 = tpu.memref_squeeze %dma_wait3A_350 : memref<1x!tpu.dma_semaphore, #tpu.memory_space<semaphore_mem>> -> memref<!tpu.dma_semaphore, #tpu.memory_space<semaphore_mem>>
      %dma_wait3A_352 = arith.constant 0 : i32
      %dma_wait3A_353 = arith.constant 0 : i32
      %dma_wait3A_354 = tpu.memref_slice %arg6[%dma_wait3A_335, %dma_wait3A_352, %dma_wait3A_353] : memref<2x3x80xi32, #tpu.memory_space<vmem>> -> memref<1x3x80xi32, #tpu.memory_space<vmem>>
      %dma_wait3A_355 = tpu.memref_squeeze %dma_wait3A_354 : memref<1x3x80xi32, #tpu.memory_space<vmem>> -> memref<3x80xi32, #tpu.memory_space<vmem>>
      %dma_wait3A_356 = arith.constant 0 : i32
      %dma_wait3A_357 = arith.constant 0 : i32
      %dma_wait3A_358 = arith.constant 0 : i32
      %dma_wait3A_359 = tpu.memref_slice %arg2[%add3A, %dma_wait3A_356, %dma_wait3A_357, %dma_wait3A_358] : memref<32x125x3x80xi32, #tpu.memory_space<hbm>> -> memref<1x125x3x80xi32, #tpu.memory_space<hbm>>
      %dma_wait3A_360 = tpu.memref_squeeze %dma_wait3A_359 : memref<1x125x3x80xi32, #tpu.memory_space<hbm>> -> memref<125x3x80xi32, #tpu.memory_space<hbm>>
      %dma_wait3A_361 = arith.constant 0 : i32
      %dma_wait3A_362 = arith.constant 0 : i32
      %dma_wait3A_363 = tpu.memref_slice %dma_wait3A_360[%add3A_302, %dma_wait3A_361, %dma_wait3A_362] : memref<125x3x80xi32, #tpu.memory_space<hbm>> -> memref<1x3x80xi32, #tpu.memory_space<hbm>>
      %dma_wait3A_364 = tpu.memref_squeeze %dma_wait3A_363 : memref<1x3x80xi32, #tpu.memory_space<hbm>> -> memref<3x80xi32, #tpu.memory_space<hbm>>
      tpu.wait_dma2 semaphore(%dma_wait3A_351 : memref<!tpu.dma_semaphore, #tpu.memory_space<semaphore_mem>>) src(%dma_wait3A_364 : memref<3x80xi32, #tpu.memory_space<hbm>>) dst(%dma_wait3A_355 : memref<3x80xi32, #tpu.memory_space<vmem>>)
      %gt3A = arith.constant 1 : i32
      %gt3A_365 = arith.cmpi sgt, %add3A_302, %gt3A : i32
      %convert_element_type3A = arith.extui %gt3A_365 : i1 to i32
      %cond3A = arith.constant 0 : i32
      %cond3A_366 = arith.cmpi ne, %convert_element_type3A, %cond3A : i32
      scf.if %cond3A_366 {
        %sub3A = arith.constant 2 : i32
        %sub3A_754 = arith.subi %add3A_302, %sub3A : i32
        %dma_wait3A_755 = arith.constant 0 : i32
        %dma_wait3A_756 = arith.constant 0 : i32
        %dma_wait3A_757 = arith.constant 0 : i32
        %dma_wait3A_758 = tpu.memref_slice %arg7[%dma_wait3A_755, %dma_wait3A_757] : memref<2x80xf32, #tpu.memory_space<vmem>> -> memref<1x80xf32, #tpu.memory_space<vmem>>
        %dma_wait3A_759 = tpu.memref_squeeze %dma_wait3A_758 : memref<1x80xf32, #tpu.memory_space<vmem>> -> memref<80xf32, #tpu.memory_space<vmem>>
        %dma_wait3A_760 = arith.constant 0 : i32
        %dma_wait3A_761 = arith.constant 0 : i32
        %dma_wait3A_762 = tpu.memref_slice %arg4[%add3A, %dma_wait3A_760, %dma_wait3A_761] : memref<32x125x80xf32, #tpu.memory_space<hbm>> -> memref<1x125x80xf32, #tpu.memory_space<hbm>>
        %dma_wait3A_763 = tpu.memref_squeeze %dma_wait3A_762 : memref<1x125x80xf32, #tpu.memory_space<hbm>> -> memref<125x80xf32, #tpu.memory_space<hbm>>
        %dma_wait3A_764 = arith.constant 0 : i32
        %dma_wait3A_765 = tpu.memref_slice %dma_wait3A_763[%sub3A_754, %dma_wait3A_764] : memref<125x80xf32, #tpu.memory_space<hbm>> -> memref<1x80xf32, #tpu.memory_space<hbm>>
        %dma_wait3A_766 = tpu.memref_squeeze %dma_wait3A_765 : memref<1x80xf32, #tpu.memory_space<hbm>> -> memref<80xf32, #tpu.memory_space<hbm>>
        %dma_wait3A_767 = tpu.memref_slice %arg9[%dma_wait3A_756] : memref<2x!tpu.dma_semaphore, #tpu.memory_space<semaphore_mem>> -> memref<1x!tpu.dma_semaphore, #tpu.memory_space<semaphore_mem>>
        %dma_wait3A_768 = tpu.memref_squeeze %dma_wait3A_767 : memref<1x!tpu.dma_semaphore, #tpu.memory_space<semaphore_mem>> -> memref<!tpu.dma_semaphore, #tpu.memory_space<semaphore_mem>>
        %dma_wait3A_769 = arith.constant 0 : i32
        %dma_wait3A_770 = arith.constant 0 : i32
        %dma_wait3A_771 = tpu.memref_slice %arg4[%add3A, %dma_wait3A_769, %dma_wait3A_770] : memref<32x125x80xf32, #tpu.memory_space<hbm>> -> memref<1x125x80xf32, #tpu.memory_space<hbm>>
        %dma_wait3A_772 = tpu.memref_squeeze %dma_wait3A_771 : memref<1x125x80xf32, #tpu.memory_space<hbm>> -> memref<125x80xf32, #tpu.memory_space<hbm>>
        %dma_wait3A_773 = arith.constant 0 : i32
        %dma_wait3A_774 = tpu.memref_slice %dma_wait3A_772[%sub3A_754, %dma_wait3A_773] : memref<125x80xf32, #tpu.memory_space<hbm>> -> memref<1x80xf32, #tpu.memory_space<hbm>>
        %dma_wait3A_775 = tpu.memref_squeeze %dma_wait3A_774 : memref<1x80xf32, #tpu.memory_space<hbm>> -> memref<80xf32, #tpu.memory_space<hbm>>
        %dma_wait3A_776 = arith.constant 0 : i32
        %dma_wait3A_777 = tpu.memref_slice %arg7[%dma_wait3A_755, %dma_wait3A_776] : memref<2x80xf32, #tpu.memory_space<vmem>> -> memref<1x80xf32, #tpu.memory_space<vmem>>
        %dma_wait3A_778 = tpu.memref_squeeze %dma_wait3A_777 : memref<1x80xf32, #tpu.memory_space<vmem>> -> memref<80xf32, #tpu.memory_space<vmem>>
        tpu.wait_dma2 semaphore(%dma_wait3A_768 : memref<!tpu.dma_semaphore, #tpu.memory_space<semaphore_mem>>) src(%dma_wait3A_778 : memref<80xf32, #tpu.memory_space<vmem>>) dst(%dma_wait3A_775 : memref<80xf32, #tpu.memory_space<hbm>>)
      } else {
      }
      %get3A_367 = arith.constant 0 : i32
      %get3A_368 = arith.constant 0 : i32
      %get3A_369 = arith.index_cast %get3A_367 : i32 to index
      %get3A_370 = arith.index_cast %get3A_368 : i32 to index
      %get3A_371 = arith.constant 0 : index
      %get3A_372 = tpu.vector_load %arg6[%get3A_369, %get3A_370, %get3A_371] {strides = array<i32>} : memref<2x3x80xi32, #tpu.memory_space<vmem>>, vector<16xi32>,
      %get3A_373 = arith.constant 0 : i32
      %get3A_374 = arith.constant 1 : i32
      %get3A_375 = arith.index_cast %get3A_373 : i32 to index
      %get3A_376 = arith.index_cast %get3A_374 : i32 to index
      %get3A_377 = arith.constant 0 : index
      %get3A_378 = tpu.vector_load %arg6[%get3A_375, %get3A_376, %get3A_377] {strides = array<i32>} : memref<2x3x80xi32, #tpu.memory_space<vmem>>, vector<16xi32>,
      %get3A_379 = arith.constant 0 : i32
      %get3A_380 = arith.constant 2 : i32
      %get3A_381 = arith.index_cast %get3A_379 : i32 to index
      %get3A_382 = arith.index_cast %get3A_380 : i32 to index
      %get3A_383 = arith.constant 0 : index
      %get3A_384 = tpu.vector_load %arg6[%get3A_381, %get3A_382, %get3A_383] {strides = array<i32>} : memref<2x3x80xi32, #tpu.memory_space<vmem>>, vector<16xi32>,
      %bitcast3A_385 = vector.bitcast %get3A_384 : vector<16xi32> to vector<16xf32>
      %gather3A_386 = tpu.vector_load_idx %arg5[%get3A_372] : memref<10000xf32, #tpu.memory_space<vmem>>[vector<16xi32>], vector<16xf32>,
      %gather3A_387 = tpu.vector_load_idx %arg5[%get3A_378] : memref<10000xf32, #tpu.memory_space<vmem>>[vector<16xi32>], vector<16xf32>,
      %mul3A_388 = arith.mulf %gather3A_386, %bitcast3A_385 : vector<16xf32>
      %mul3A_389 = arith.mulf %mul3A_388, %gather3A_387 : vector<16xf32>
      %swap3A_390 = arith.constant 0 : i32
      %swap3A_391 = arith.index_cast %swap3A_390 : i32 to index
      %swap3A_392 = arith.constant 0 : index
      %swap3A_393 = tpu.vector_load %arg7[%swap3A_391, %swap3A_392] {strides = array<i32>} : memref<2x80xf32, #tpu.memory_space<vmem>>, vector<16xf32>,
      tpu.vector_store %arg7[%swap3A_391, %swap3A_392], %mul3A_389 {strides = array<i32>} : memref<2x80xf32, #tpu.memory_space<vmem>>, vector<16xf32>,
      %get3A_394 = arith.constant 0 : i32
      %get3A_395 = arith.constant 0 : i32
      %get3A_396 = arith.index_cast %get3A_394 : i32 to index
      %get3A_397 = arith.index_cast %get3A_395 : i32 to index
      %get3A_398 = arith.constant 16 : index
      %get3A_399 = tpu.vector_load %arg6[%get3A_396, %get3A_397, %get3A_398] {strides = array<i32>} : memref<2x3x80xi32, #tpu.memory_space<vmem>>, vector<16xi32>,
      %get3A_400 = arith.constant 0 : i32
      %get3A_401 = arith.constant 1 : i32
      %get3A_402 = arith.index_cast %get3A_400 : i32 to index
      %get3A_403 = arith.index_cast %get3A_401 : i32 to index
      %get3A_404 = arith.constant 16 : index
      %get3A_405 = tpu.vector_load %arg6[%get3A_402, %get3A_403, %get3A_404] {strides = array<i32>} : memref<2x3x80xi32, #tpu.memory_space<vmem>>, vector<16xi32>,
      %get3A_406 = arith.constant 0 : i32
      %get3A_407 = arith.constant 2 : i32
      %get3A_408 = arith.index_cast %get3A_406 : i32 to index
      %get3A_409 = arith.index_cast %get3A_407 : i32 to index
      %get3A_410 = arith.constant 16 : index
      %get3A_411 = tpu.vector_load %arg6[%get3A_408, %get3A_409, %get3A_410] {strides = array<i32>} : memref<2x3x80xi32, #tpu.memory_space<vmem>>, vector<16xi32>,
      %bitcast3A_412 = vector.bitcast %get3A_411 : vector<16xi32> to vector<16xf32>
      %gather3A_413 = tpu.vector_load_idx %arg5[%get3A_399] : memref<10000xf32, #tpu.memory_space<vmem>>[vector<16xi32>], vector<16xf32>,
      %gather3A_414 = tpu.vector_load_idx %arg5[%get3A_405] : memref<10000xf32, #tpu.memory_space<vmem>>[vector<16xi32>], vector<16xf32>,
      %mul3A_415 = arith.mulf %gather3A_413, %bitcast3A_412 : vector<16xf32>
      %mul3A_416 = arith.mulf %mul3A_415, %gather3A_414 : vector<16xf32>
      %swap3A_417 = arith.constant 0 : i32
      %swap3A_418 = arith.index_cast %swap3A_417 : i32 to index
      %swap3A_419 = arith.constant 16 : index
      %swap3A_420 = tpu.vector_load %arg7[%swap3A_418, %swap3A_419] {strides = array<i32>} : memref<2x80xf32, #tpu.memory_space<vmem>>, vector<16xf32>,
      tpu.vector_store %arg7[%swap3A_418, %swap3A_419], %mul3A_416 {strides = array<i32>} : memref<2x80xf32, #tpu.memory_space<vmem>>, vector<16xf32>,
      %get3A_421 = arith.constant 0 : i32
      %get3A_422 = arith.constant 0 : i32
      %get3A_423 = arith.index_cast %get3A_421 : i32 to index
      %get3A_424 = arith.index_cast %get3A_422 : i32 to index
      %get3A_425 = arith.constant 32 : index
      %get3A_426 = tpu.vector_load %arg6[%get3A_423, %get3A_424, %get3A_425] {strides = array<i32>} : memref<2x3x80xi32, #tpu.memory_space<vmem>>, vector<16xi32>,
      %get3A_427 = arith.constant 0 : i32
      %get3A_428 = arith.constant 1 : i32
      %get3A_429 = arith.index_cast %get3A_427 : i32 to index
      %get3A_430 = arith.index_cast %get3A_428 : i32 to index
      %get3A_431 = arith.constant 32 : index
      %get3A_432 = tpu.vector_load %arg6[%get3A_429, %get3A_430, %get3A_431] {strides = array<i32>} : memref<2x3x80xi32, #tpu.memory_space<vmem>>, vector<16xi32>,
      %get3A_433 = arith.constant 0 : i32
      %get3A_434 = arith.constant 2 : i32
      %get3A_435 = arith.index_cast %get3A_433 : i32 to index
      %get3A_436 = arith.index_cast %get3A_434 : i32 to index
      %get3A_437 = arith.constant 32 : index
      %get3A_438 = tpu.vector_load %arg6[%get3A_435, %get3A_436, %get3A_437] {strides = array<i32>} : memref<2x3x80xi32, #tpu.memory_space<vmem>>, vector<16xi32>,
      %bitcast3A_439 = vector.bitcast %get3A_438 : vector<16xi32> to vector<16xf32>
      %gather3A_440 = tpu.vector_load_idx %arg5[%get3A_426] : memref<10000xf32, #tpu.memory_space<vmem>>[vector<16xi32>], vector<16xf32>,
      %gather3A_441 = tpu.vector_load_idx %arg5[%get3A_432] : memref<10000xf32, #tpu.memory_space<vmem>>[vector<16xi32>], vector<16xf32>,
      %mul3A_442 = arith.mulf %gather3A_440, %bitcast3A_439 : vector<16xf32>
      %mul3A_443 = arith.mulf %mul3A_442, %gather3A_441 : vector<16xf32>
      %swap3A_444 = arith.constant 0 : i32
      %swap3A_445 = arith.index_cast %swap3A_444 : i32 to index
      %swap3A_446 = arith.constant 32 : index
      %swap3A_447 = tpu.vector_load %arg7[%swap3A_445, %swap3A_446] {strides = array<i32>} : memref<2x80xf32, #tpu.memory_space<vmem>>, vector<16xf32>,
      tpu.vector_store %arg7[%swap3A_445, %swap3A_446], %mul3A_443 {strides = array<i32>} : memref<2x80xf32, #tpu.memory_space<vmem>>, vector<16xf32>,
      %get3A_448 = arith.constant 0 : i32
      %get3A_449 = arith.constant 0 : i32
      %get3A_450 = arith.index_cast %get3A_448 : i32 to index
      %get3A_451 = arith.index_cast %get3A_449 : i32 to index
      %get3A_452 = arith.constant 48 : index
      %get3A_453 = tpu.vector_load %arg6[%get3A_450, %get3A_451, %get3A_452] {strides = array<i32>} : memref<2x3x80xi32, #tpu.memory_space<vmem>>, vector<16xi32>,
      %get3A_454 = arith.constant 0 : i32
      %get3A_455 = arith.constant 1 : i32
      %get3A_456 = arith.index_cast %get3A_454 : i32 to index
      %get3A_457 = arith.index_cast %get3A_455 : i32 to index
      %get3A_458 = arith.constant 48 : index
      %get3A_459 = tpu.vector_load %arg6[%get3A_456, %get3A_457, %get3A_458] {strides = array<i32>} : memref<2x3x80xi32, #tpu.memory_space<vmem>>, vector<16xi32>,
      %get3A_460 = arith.constant 0 : i32
      %get3A_461 = arith.constant 2 : i32
      %get3A_462 = arith.index_cast %get3A_460 : i32 to index
      %get3A_463 = arith.index_cast %get3A_461 : i32 to index
      %get3A_464 = arith.constant 48 : index
      %get3A_465 = tpu.vector_load %arg6[%get3A_462, %get3A_463, %get3A_464] {strides = array<i32>} : memref<2x3x80xi32, #tpu.memory_space<vmem>>, vector<16xi32>,
      %bitcast3A_466 = vector.bitcast %get3A_465 : vector<16xi32> to vector<16xf32>
      %gather3A_467 = tpu.vector_load_idx %arg5[%get3A_453] : memref<10000xf32, #tpu.memory_space<vmem>>[vector<16xi32>], vector<16xf32>,
      %gather3A_468 = tpu.vector_load_idx %arg5[%get3A_459] : memref<10000xf32, #tpu.memory_space<vmem>>[vector<16xi32>], vector<16xf32>,
      %mul3A_469 = arith.mulf %gather3A_467, %bitcast3A_466 : vector<16xf32>
      %mul3A_470 = arith.mulf %mul3A_469, %gather3A_468 : vector<16xf32>
      %swap3A_471 = arith.constant 0 : i32
      %swap3A_472 = arith.index_cast %swap3A_471 : i32 to index
      %swap3A_473 = arith.constant 48 : index
      %swap3A_474 = tpu.vector_load %arg7[%swap3A_472, %swap3A_473] {strides = array<i32>} : memref<2x80xf32, #tpu.memory_space<vmem>>, vector<16xf32>,
      tpu.vector_store %arg7[%swap3A_472, %swap3A_473], %mul3A_470 {strides = array<i32>} : memref<2x80xf32, #tpu.memory_space<vmem>>, vector<16xf32>,
      %get3A_475 = arith.constant 0 : i32
      %get3A_476 = arith.constant 0 : i32
      %get3A_477 = arith.index_cast %get3A_475 : i32 to index
      %get3A_478 = arith.index_cast %get3A_476 : i32 to index
      %get3A_479 = arith.constant 64 : index
      %get3A_480 = tpu.vector_load %arg6[%get3A_477, %get3A_478, %get3A_479] {strides = array<i32>} : memref<2x3x80xi32, #tpu.memory_space<vmem>>, vector<16xi32>,
      %get3A_481 = arith.constant 0 : i32
      %get3A_482 = arith.constant 1 : i32
      %get3A_483 = arith.index_cast %get3A_481 : i32 to index
      %get3A_484 = arith.index_cast %get3A_482 : i32 to index
      %get3A_485 = arith.constant 64 : index
      %get3A_486 = tpu.vector_load %arg6[%get3A_483, %get3A_484, %get3A_485] {strides = array<i32>} : memref<2x3x80xi32, #tpu.memory_space<vmem>>, vector<16xi32>,
      %get3A_487 = arith.constant 0 : i32
      %get3A_488 = arith.constant 2 : i32
      %get3A_489 = arith.index_cast %get3A_487 : i32 to index
      %get3A_490 = arith.index_cast %get3A_488 : i32 to index
      %get3A_491 = arith.constant 64 : index
      %get3A_492 = tpu.vector_load %arg6[%get3A_489, %get3A_490, %get3A_491] {strides = array<i32>} : memref<2x3x80xi32, #tpu.memory_space<vmem>>, vector<16xi32>,
      %bitcast3A_493 = vector.bitcast %get3A_492 : vector<16xi32> to vector<16xf32>
      %gather3A_494 = tpu.vector_load_idx %arg5[%get3A_480] : memref<10000xf32, #tpu.memory_space<vmem>>[vector<16xi32>], vector<16xf32>,
      %gather3A_495 = tpu.vector_load_idx %arg5[%get3A_486] : memref<10000xf32, #tpu.memory_space<vmem>>[vector<16xi32>], vector<16xf32>,
      %mul3A_496 = arith.mulf %gather3A_494, %bitcast3A_493 : vector<16xf32>
      %mul3A_497 = arith.mulf %mul3A_496, %gather3A_495 : vector<16xf32>
      %swap3A_498 = arith.constant 0 : i32
      %swap3A_499 = arith.index_cast %swap3A_498 : i32 to index
      %swap3A_500 = arith.constant 64 : index
      %swap3A_501 = tpu.vector_load %arg7[%swap3A_499, %swap3A_500] {strides = array<i32>} : memref<2x80xf32, #tpu.memory_space<vmem>>, vector<16xf32>,
      tpu.vector_store %arg7[%swap3A_499, %swap3A_500], %mul3A_497 {strides = array<i32>} : memref<2x80xf32, #tpu.memory_space<vmem>>, vector<16xf32>,
      %dma_start3A_502 = arith.constant 0 : i32
      %dma_start3A_503 = arith.constant 0 : i32
      %dma_start3A_504 = arith.constant 0 : i32
      %dma_start3A_505 = tpu.memref_slice %arg7[%dma_start3A_502, %dma_start3A_504] : memref<2x80xf32, #tpu.memory_space<vmem>> -> memref<1x80xf32, #tpu.memory_space<vmem>>
      %dma_start3A_506 = tpu.memref_squeeze %dma_start3A_505 : memref<1x80xf32, #tpu.memory_space<vmem>> -> memref<80xf32, #tpu.memory_space<vmem>>
      %dma_start3A_507 = arith.constant 0 : i32
      %dma_start3A_508 = arith.constant 0 : i32
      %dma_start3A_509 = tpu.memref_slice %arg4[%add3A, %dma_start3A_507, %dma_start3A_508] : memref<32x125x80xf32, #tpu.memory_space<hbm>> -> memref<1x125x80xf32, #tpu.memory_space<hbm>>
      %dma_start3A_510 = tpu.memref_squeeze %dma_start3A_509 : memref<1x125x80xf32, #tpu.memory_space<hbm>> -> memref<125x80xf32, #tpu.memory_space<hbm>>
      %dma_start3A_511 = arith.constant 0 : i32
      %dma_start3A_512 = tpu.memref_slice %dma_start3A_510[%add3A_302, %dma_start3A_511] : memref<125x80xf32, #tpu.memory_space<hbm>> -> memref<1x80xf32, #tpu.memory_space<hbm>>
      %dma_start3A_513 = tpu.memref_squeeze %dma_start3A_512 : memref<1x80xf32, #tpu.memory_space<hbm>> -> memref<80xf32, #tpu.memory_space<hbm>>
      %dma_start3A_514 = tpu.memref_slice %arg9[%dma_start3A_503] : memref<2x!tpu.dma_semaphore, #tpu.memory_space<semaphore_mem>> -> memref<1x!tpu.dma_semaphore, #tpu.memory_space<semaphore_mem>>
      %dma_start3A_515 = tpu.memref_squeeze %dma_start3A_514 : memref<1x!tpu.dma_semaphore, #tpu.memory_space<semaphore_mem>> -> memref<!tpu.dma_semaphore, #tpu.memory_space<semaphore_mem>>
      %dma_start3A_516 = arith.constant 0 : i32
      %dma_start3A_517 = arith.constant 0 : i32
      %dma_start3A_518 = tpu.memref_slice %arg4[%add3A, %dma_start3A_516, %dma_start3A_517] : memref<32x125x80xf32, #tpu.memory_space<hbm>> -> memref<1x125x80xf32, #tpu.memory_space<hbm>>
      %dma_start3A_519 = tpu.memref_squeeze %dma_start3A_518 : memref<1x125x80xf32, #tpu.memory_space<hbm>> -> memref<125x80xf32, #tpu.memory_space<hbm>>
      %dma_start3A_520 = arith.constant 0 : i32
      %dma_start3A_521 = tpu.memref_slice %dma_start3A_519[%add3A_302, %dma_start3A_520] : memref<125x80xf32, #tpu.memory_space<hbm>> -> memref<1x80xf32, #tpu.memory_space<hbm>>
      %dma_start3A_522 = tpu.memref_squeeze %dma_start3A_521 : memref<1x80xf32, #tpu.memory_space<hbm>> -> memref<80xf32, #tpu.memory_space<hbm>>
      %dma_start3A_523 = arith.constant 0 : i32
      %dma_start3A_524 = tpu.memref_slice %arg7[%dma_start3A_502, %dma_start3A_523] : memref<2x80xf32, #tpu.memory_space<vmem>> -> memref<1x80xf32, #tpu.memory_space<vmem>>
      %dma_start3A_525 = tpu.memref_squeeze %dma_start3A_524 : memref<1x80xf32, #tpu.memory_space<vmem>> -> memref<80xf32, #tpu.memory_space<vmem>>
      tpu.enqueue_dma source(%dma_start3A_525 : memref<80xf32, #tpu.memory_space<vmem>>) target(%dma_start3A_522 : memref<80xf32, #tpu.memory_space<hbm>>) target_semaphore(%dma_start3A_515 : memref<!tpu.dma_semaphore, #tpu.memory_space<semaphore_mem>>)
      %add3A_526 = arith.constant 1 : i32
      %add3A_527 = arith.addi %add3A_300, %add3A_526 : i32
      %add3A_528 = arith.constant 1 : i32
      %add3A_529 = arith.addi %add3A_527, %add3A_528 : i32
      %dma_start3A_530 = arith.constant 0 : i32
      %dma_start3A_531 = arith.constant 0 : i32
      %dma_start3A_532 = arith.constant 0 : i32
      %dma_start3A_533 = arith.constant 0 : i32
      %dma_start3A_534 = tpu.memref_slice %arg6[%dma_start3A_530, %dma_start3A_532, %dma_start3A_533] : memref<2x3x80xi32, #tpu.memory_space<vmem>> -> memref<1x3x80xi32, #tpu.memory_space<vmem>>
      %dma_start3A_535 = tpu.memref_squeeze %dma_start3A_534 : memref<1x3x80xi32, #tpu.memory_space<vmem>> -> memref<3x80xi32, #tpu.memory_space<vmem>>
      %dma_start3A_536 = arith.constant 0 : i32
      %dma_start3A_537 = arith.constant 0 : i32
      %dma_start3A_538 = arith.constant 0 : i32
      %dma_start3A_539 = tpu.memref_slice %arg2[%add3A, %dma_start3A_536, %dma_start3A_537, %dma_start3A_538] : memref<32x125x3x80xi32, #tpu.memory_space<hbm>> -> memref<1x125x3x80xi32, #tpu.memory_space<hbm>>
      %dma_start3A_540 = tpu.memref_squeeze %dma_start3A_539 : memref<1x125x3x80xi32, #tpu.memory_space<hbm>> -> memref<125x3x80xi32, #tpu.memory_space<hbm>>
      %dma_start3A_541 = arith.constant 0 : i32
      %dma_start3A_542 = arith.constant 0 : i32
      %dma_start3A_543 = tpu.memref_slice %dma_start3A_540[%add3A_529, %dma_start3A_541, %dma_start3A_542] : memref<125x3x80xi32, #tpu.memory_space<hbm>> -> memref<1x3x80xi32, #tpu.memory_space<hbm>>
      %dma_start3A_544 = tpu.memref_squeeze %dma_start3A_543 : memref<1x3x80xi32, #tpu.memory_space<hbm>> -> memref<3x80xi32, #tpu.memory_space<hbm>>
      %dma_start3A_545 = tpu.memref_slice %arg8[%dma_start3A_531] : memref<2x!tpu.dma_semaphore, #tpu.memory_space<semaphore_mem>> -> memref<1x!tpu.dma_semaphore, #tpu.memory_space<semaphore_mem>>
      %dma_start3A_546 = tpu.memref_squeeze %dma_start3A_545 : memref<1x!tpu.dma_semaphore, #tpu.memory_space<semaphore_mem>> -> memref<!tpu.dma_semaphore, #tpu.memory_space<semaphore_mem>>
      %dma_start3A_547 = arith.constant 0 : i32
      %dma_start3A_548 = arith.constant 0 : i32
      %dma_start3A_549 = tpu.memref_slice %arg6[%dma_start3A_530, %dma_start3A_547, %dma_start3A_548] : memref<2x3x80xi32, #tpu.memory_space<vmem>> -> memref<1x3x80xi32, #tpu.memory_space<vmem>>
      %dma_start3A_550 = tpu.memref_squeeze %dma_start3A_549 : memref<1x3x80xi32, #tpu.memory_space<vmem>> -> memref<3x80xi32, #tpu.memory_space<vmem>>
      %dma_start3A_551 = arith.constant 0 : i32
      %dma_start3A_552 = arith.constant 0 : i32
      %dma_start3A_553 = arith.constant 0 : i32
      %dma_start3A_554 = tpu.memref_slice %arg2[%add3A, %dma_start3A_551, %dma_start3A_552, %dma_start3A_553] : memref<32x125x3x80xi32, #tpu.memory_space<hbm>> -> memref<1x125x3x80xi32, #tpu.memory_space<hbm>>
      %dma_start3A_555 = tpu.memref_squeeze %dma_start3A_554 : memref<1x125x3x80xi32, #tpu.memory_space<hbm>> -> memref<125x3x80xi32, #tpu.memory_space<hbm>>
      %dma_start3A_556 = arith.constant 0 : i32
      %dma_start3A_557 = arith.constant 0 : i32
      %dma_start3A_558 = tpu.memref_slice %dma_start3A_555[%add3A_529, %dma_start3A_556, %dma_start3A_557] : memref<125x3x80xi32, #tpu.memory_space<hbm>> -> memref<1x3x80xi32, #tpu.memory_space<hbm>>
      %dma_start3A_559 = tpu.memref_squeeze %dma_start3A_558 : memref<1x3x80xi32, #tpu.memory_space<hbm>> -> memref<3x80xi32, #tpu.memory_space<hbm>>
      tpu.enqueue_dma source(%dma_start3A_559 : memref<3x80xi32, #tpu.memory_space<hbm>>) target(%dma_start3A_550 : memref<3x80xi32, #tpu.memory_space<vmem>>) target_semaphore(%dma_start3A_546 : memref<!tpu.dma_semaphore, #tpu.memory_space<semaphore_mem>>)
      %dma_wait3A_560 = arith.constant 1 : i32
      %dma_wait3A_561 = arith.constant 1 : i32
      %dma_wait3A_562 = arith.constant 0 : i32
      %dma_wait3A_563 = arith.constant 0 : i32
      %dma_wait3A_564 = tpu.memref_slice %arg6[%dma_wait3A_560, %dma_wait3A_562, %dma_wait3A_563] : memref<2x3x80xi32, #tpu.memory_space<vmem>> -> memref<1x3x80xi32, #tpu.memory_space<vmem>>
      %dma_wait3A_565 = tpu.memref_squeeze %dma_wait3A_564 : memref<1x3x80xi32, #tpu.memory_space<vmem>> -> memref<3x80xi32, #tpu.memory_space<vmem>>
      %dma_wait3A_566 = arith.constant 0 : i32
      %dma_wait3A_567 = arith.constant 0 : i32
      %dma_wait3A_568 = arith.constant 0 : i32
      %dma_wait3A_569 = tpu.memref_slice %arg2[%add3A, %dma_wait3A_566, %dma_wait3A_567, %dma_wait3A_568] : memref<32x125x3x80xi32, #tpu.memory_space<hbm>> -> memref<1x125x3x80xi32, #tpu.memory_space<hbm>>
      %dma_wait3A_570 = tpu.memref_squeeze %dma_wait3A_569 : memref<1x125x3x80xi32, #tpu.memory_space<hbm>> -> memref<125x3x80xi32, #tpu.memory_space<hbm>>
      %dma_wait3A_571 = arith.constant 0 : i32
      %dma_wait3A_572 = arith.constant 0 : i32
      %dma_wait3A_573 = tpu.memref_slice %dma_wait3A_570[%add3A_527, %dma_wait3A_571, %dma_wait3A_572] : memref<125x3x80xi32, #tpu.memory_space<hbm>> -> memref<1x3x80xi32, #tpu.memory_space<hbm>>
      %dma_wait3A_574 = tpu.memref_squeeze %dma_wait3A_573 : memref<1x3x80xi32, #tpu.memory_space<hbm>> -> memref<3x80xi32, #tpu.memory_space<hbm>>
      %dma_wait3A_575 = tpu.memref_slice %arg8[%dma_wait3A_561] : memref<2x!tpu.dma_semaphore, #tpu.memory_space<semaphore_mem>> -> memref<1x!tpu.dma_semaphore, #tpu.memory_space<semaphore_mem>>
      %dma_wait3A_576 = tpu.memref_squeeze %dma_wait3A_575 : memref<1x!tpu.dma_semaphore, #tpu.memory_space<semaphore_mem>> -> memref<!tpu.dma_semaphore, #tpu.memory_space<semaphore_mem>>
      %dma_wait3A_577 = arith.constant 0 : i32
      %dma_wait3A_578 = arith.constant 0 : i32
      %dma_wait3A_579 = tpu.memref_slice %arg6[%dma_wait3A_560, %dma_wait3A_577, %dma_wait3A_578] : memref<2x3x80xi32, #tpu.memory_space<vmem>> -> memref<1x3x80xi32, #tpu.memory_space<vmem>>
      %dma_wait3A_580 = tpu.memref_squeeze %dma_wait3A_579 : memref<1x3x80xi32, #tpu.memory_space<vmem>> -> memref<3x80xi32, #tpu.memory_space<vmem>>
      %dma_wait3A_581 = arith.constant 0 : i32
      %dma_wait3A_582 = arith.constant 0 : i32
      %dma_wait3A_583 = arith.constant 0 : i32
      %dma_wait3A_584 = tpu.memref_slice %arg2[%add3A, %dma_wait3A_581, %dma_wait3A_582, %dma_wait3A_583] : memref<32x125x3x80xi32, #tpu.memory_space<hbm>> -> memref<1x125x3x80xi32, #tpu.memory_space<hbm>>
      %dma_wait3A_585 = tpu.memref_squeeze %dma_wait3A_584 : memref<1x125x3x80xi32, #tpu.memory_space<hbm>> -> memref<125x3x80xi32, #tpu.memory_space<hbm>>
      %dma_wait3A_586 = arith.constant 0 : i32
      %dma_wait3A_587 = arith.constant 0 : i32
      %dma_wait3A_588 = tpu.memref_slice %dma_wait3A_585[%add3A_527, %dma_wait3A_586, %dma_wait3A_587] : memref<125x3x80xi32, #tpu.memory_space<hbm>> -> memref<1x3x80xi32, #tpu.memory_space<hbm>>
      %dma_wait3A_589 = tpu.memref_squeeze %dma_wait3A_588 : memref<1x3x80xi32, #tpu.memory_space<hbm>> -> memref<3x80xi32, #tpu.memory_space<hbm>>
      tpu.wait_dma2 semaphore(%dma_wait3A_576 : memref<!tpu.dma_semaphore, #tpu.memory_space<semaphore_mem>>) src(%dma_wait3A_589 : memref<3x80xi32, #tpu.memory_space<hbm>>) dst(%dma_wait3A_580 : memref<3x80xi32, #tpu.memory_space<vmem>>)
      %gt3A_590 = arith.constant 1 : i32
      %gt3A_591 = arith.cmpi sgt, %add3A_527, %gt3A_590 : i32
      %convert_element_type3A_592 = arith.extui %gt3A_591 : i1 to i32
      %cond3A_593 = arith.constant 0 : i32
      %cond3A_594 = arith.cmpi ne, %convert_element_type3A_592, %cond3A_593 : i32
      scf.if %cond3A_594 {
        %sub3A = arith.constant 2 : i32
        %sub3A_754 = arith.subi %add3A_527, %sub3A : i32
        %dma_wait3A_755 = arith.constant 1 : i32
        %dma_wait3A_756 = arith.constant 1 : i32
        %dma_wait3A_757 = arith.constant 0 : i32
        %dma_wait3A_758 = tpu.memref_slice %arg7[%dma_wait3A_755, %dma_wait3A_757] : memref<2x80xf32, #tpu.memory_space<vmem>> -> memref<1x80xf32, #tpu.memory_space<vmem>>
        %dma_wait3A_759 = tpu.memref_squeeze %dma_wait3A_758 : memref<1x80xf32, #tpu.memory_space<vmem>> -> memref<80xf32, #tpu.memory_space<vmem>>
        %dma_wait3A_760 = arith.constant 0 : i32
        %dma_wait3A_761 = arith.constant 0 : i32
        %dma_wait3A_762 = tpu.memref_slice %arg4[%add3A, %dma_wait3A_760, %dma_wait3A_761] : memref<32x125x80xf32, #tpu.memory_space<hbm>> -> memref<1x125x80xf32, #tpu.memory_space<hbm>>
        %dma_wait3A_763 = tpu.memref_squeeze %dma_wait3A_762 : memref<1x125x80xf32, #tpu.memory_space<hbm>> -> memref<125x80xf32, #tpu.memory_space<hbm>>
        %dma_wait3A_764 = arith.constant 0 : i32
        %dma_wait3A_765 = tpu.memref_slice %dma_wait3A_763[%sub3A_754, %dma_wait3A_764] : memref<125x80xf32, #tpu.memory_space<hbm>> -> memref<1x80xf32, #tpu.memory_space<hbm>>
        %dma_wait3A_766 = tpu.memref_squeeze %dma_wait3A_765 : memref<1x80xf32, #tpu.memory_space<hbm>> -> memref<80xf32, #tpu.memory_space<hbm>>
        %dma_wait3A_767 = tpu.memref_slice %arg9[%dma_wait3A_756] : memref<2x!tpu.dma_semaphore, #tpu.memory_space<semaphore_mem>> -> memref<1x!tpu.dma_semaphore, #tpu.memory_space<semaphore_mem>>
        %dma_wait3A_768 = tpu.memref_squeeze %dma_wait3A_767 : memref<1x!tpu.dma_semaphore, #tpu.memory_space<semaphore_mem>> -> memref<!tpu.dma_semaphore, #tpu.memory_space<semaphore_mem>>
        %dma_wait3A_769 = arith.constant 0 : i32
        %dma_wait3A_770 = arith.constant 0 : i32
        %dma_wait3A_771 = tpu.memref_slice %arg4[%add3A, %dma_wait3A_769, %dma_wait3A_770] : memref<32x125x80xf32, #tpu.memory_space<hbm>> -> memref<1x125x80xf32, #tpu.memory_space<hbm>>
        %dma_wait3A_772 = tpu.memref_squeeze %dma_wait3A_771 : memref<1x125x80xf32, #tpu.memory_space<hbm>> -> memref<125x80xf32, #tpu.memory_space<hbm>>
        %dma_wait3A_773 = arith.constant 0 : i32
        %dma_wait3A_774 = tpu.memref_slice %dma_wait3A_772[%sub3A_754, %dma_wait3A_773] : memref<125x80xf32, #tpu.memory_space<hbm>> -> memref<1x80xf32, #tpu.memory_space<hbm>>
        %dma_wait3A_775 = tpu.memref_squeeze %dma_wait3A_774 : memref<1x80xf32, #tpu.memory_space<hbm>> -> memref<80xf32, #tpu.memory_space<hbm>>
        %dma_wait3A_776 = arith.constant 0 : i32
        %dma_wait3A_777 = tpu.memref_slice %arg7[%dma_wait3A_755, %dma_wait3A_776] : memref<2x80xf32, #tpu.memory_space<vmem>> -> memref<1x80xf32, #tpu.memory_space<vmem>>
        %dma_wait3A_778 = tpu.memref_squeeze %dma_wait3A_777 : memref<1x80xf32, #tpu.memory_space<vmem>> -> memref<80xf32, #tpu.memory_space<vmem>>
        tpu.wait_dma2 semaphore(%dma_wait3A_768 : memref<!tpu.dma_semaphore, #tpu.memory_space<semaphore_mem>>) src(%dma_wait3A_778 : memref<80xf32, #tpu.memory_space<vmem>>) dst(%dma_wait3A_775 : memref<80xf32, #tpu.memory_space<hbm>>)
      } else {
      }
      %get3A_595 = arith.constant 1 : i32
      %get3A_596 = arith.constant 0 : i32
      %get3A_597 = arith.index_cast %get3A_595 : i32 to index
      %get3A_598 = arith.index_cast %get3A_596 : i32 to index
      %get3A_599 = arith.constant 0 : index
      %get3A_600 = tpu.vector_load %arg6[%get3A_597, %get3A_598, %get3A_599] {strides = array<i32>} : memref<2x3x80xi32, #tpu.memory_space<vmem>>, vector<16xi32>,
      %get3A_601 = arith.constant 1 : i32
      %get3A_602 = arith.constant 1 : i32
      %get3A_603 = arith.index_cast %get3A_601 : i32 to index
      %get3A_604 = arith.index_cast %get3A_602 : i32 to index
      %get3A_605 = arith.constant 0 : index
      %get3A_606 = tpu.vector_load %arg6[%get3A_603, %get3A_604, %get3A_605] {strides = array<i32>} : memref<2x3x80xi32, #tpu.memory_space<vmem>>, vector<16xi32>,
      %get3A_607 = arith.constant 1 : i32
      %get3A_608 = arith.constant 2 : i32
      %get3A_609 = arith.index_cast %get3A_607 : i32 to index
      %get3A_610 = arith.index_cast %get3A_608 : i32 to index
      %get3A_611 = arith.constant 0 : index
      %get3A_612 = tpu.vector_load %arg6[%get3A_609, %get3A_610, %get3A_611] {strides = array<i32>} : memref<2x3x80xi32, #tpu.memory_space<vmem>>, vector<16xi32>,
      %bitcast3A_613 = vector.bitcast %get3A_612 : vector<16xi32> to vector<16xf32>
      %gather3A_614 = tpu.vector_load_idx %arg5[%get3A_600] : memref<10000xf32, #tpu.memory_space<vmem>>[vector<16xi32>], vector<16xf32>,
      %gather3A_615 = tpu.vector_load_idx %arg5[%get3A_606] : memref<10000xf32, #tpu.memory_space<vmem>>[vector<16xi32>], vector<16xf32>,
      %mul3A_616 = arith.mulf %gather3A_614, %bitcast3A_613 : vector<16xf32>
      %mul3A_617 = arith.mulf %mul3A_616, %gather3A_615 : vector<16xf32>
      %swap3A_618 = arith.constant 1 : i32
      %swap3A_619 = arith.index_cast %swap3A_618 : i32 to index
      %swap3A_620 = arith.constant 0 : index
      %swap3A_621 = tpu.vector_load %arg7[%swap3A_619, %swap3A_620] {strides = array<i32>} : memref<2x80xf32, #tpu.memory_space<vmem>>, vector<16xf32>,
      tpu.vector_store %arg7[%swap3A_619, %swap3A_620], %mul3A_617 {strides = array<i32>} : memref<2x80xf32, #tpu.memory_space<vmem>>, vector<16xf32>,
      %get3A_622 = arith.constant 1 : i32
      %get3A_623 = arith.constant 0 : i32
      %get3A_624 = arith.index_cast %get3A_622 : i32 to index
      %get3A_625 = arith.index_cast %get3A_623 : i32 to index
      %get3A_626 = arith.constant 16 : index
      %get3A_627 = tpu.vector_load %arg6[%get3A_624, %get3A_625, %get3A_626] {strides = array<i32>} : memref<2x3x80xi32, #tpu.memory_space<vmem>>, vector<16xi32>,
      %get3A_628 = arith.constant 1 : i32
      %get3A_629 = arith.constant 1 : i32
      %get3A_630 = arith.index_cast %get3A_628 : i32 to index
      %get3A_631 = arith.index_cast %get3A_629 : i32 to index
      %get3A_632 = arith.constant 16 : index
      %get3A_633 = tpu.vector_load %arg6[%get3A_630, %get3A_631, %get3A_632] {strides = array<i32>} : memref<2x3x80xi32, #tpu.memory_space<vmem>>, vector<16xi32>,
      %get3A_634 = arith.constant 1 : i32
      %get3A_635 = arith.constant 2 : i32
      %get3A_636 = arith.index_cast %get3A_634 : i32 to index
      %get3A_637 = arith.index_cast %get3A_635 : i32 to index
      %get3A_638 = arith.constant 16 : index
      %get3A_639 = tpu.vector_load %arg6[%get3A_636, %get3A_637, %get3A_638] {strides = array<i32>} : memref<2x3x80xi32, #tpu.memory_space<vmem>>, vector<16xi32>,
      %bitcast3A_640 = vector.bitcast %get3A_639 : vector<16xi32> to vector<16xf32>
      %gather3A_641 = tpu.vector_load_idx %arg5[%get3A_627] : memref<10000xf32, #tpu.memory_space<vmem>>[vector<16xi32>], vector<16xf32>,
      %gather3A_642 = tpu.vector_load_idx %arg5[%get3A_633] : memref<10000xf32, #tpu.memory_space<vmem>>[vector<16xi32>], vector<16xf32>,
      %mul3A_643 = arith.mulf %gather3A_641, %bitcast3A_640 : vector<16xf32>
      %mul3A_644 = arith.mulf %mul3A_643, %gather3A_642 : vector<16xf32>
      %swap3A_645 = arith.constant 1 : i32
      %swap3A_646 = arith.index_cast %swap3A_645 : i32 to index
      %swap3A_647 = arith.constant 16 : index
      %swap3A_648 = tpu.vector_load %arg7[%swap3A_646, %swap3A_647] {strides = array<i32>} : memref<2x80xf32, #tpu.memory_space<vmem>>, vector<16xf32>,
      tpu.vector_store %arg7[%swap3A_646, %swap3A_647], %mul3A_644 {strides = array<i32>} : memref<2x80xf32, #tpu.memory_space<vmem>>, vector<16xf32>,
      %get3A_649 = arith.constant 1 : i32
      %get3A_650 = arith.constant 0 : i32
      %get3A_651 = arith.index_cast %get3A_649 : i32 to index
      %get3A_652 = arith.index_cast %get3A_650 : i32 to index
      %get3A_653 = arith.constant 32 : index
      %get3A_654 = tpu.vector_load %arg6[%get3A_651, %get3A_652, %get3A_653] {strides = array<i32>} : memref<2x3x80xi32, #tpu.memory_space<vmem>>, vector<16xi32>,
      %get3A_655 = arith.constant 1 : i32
      %get3A_656 = arith.constant 1 : i32
      %get3A_657 = arith.index_cast %get3A_655 : i32 to index
      %get3A_658 = arith.index_cast %get3A_656 : i32 to index
      %get3A_659 = arith.constant 32 : index
      %get3A_660 = tpu.vector_load %arg6[%get3A_657, %get3A_658, %get3A_659] {strides = array<i32>} : memref<2x3x80xi32, #tpu.memory_space<vmem>>, vector<16xi32>,
      %get3A_661 = arith.constant 1 : i32
      %get3A_662 = arith.constant 2 : i32
      %get3A_663 = arith.index_cast %get3A_661 : i32 to index
      %get3A_664 = arith.index_cast %get3A_662 : i32 to index
      %get3A_665 = arith.constant 32 : index
      %get3A_666 = tpu.vector_load %arg6[%get3A_663, %get3A_664, %get3A_665] {strides = array<i32>} : memref<2x3x80xi32, #tpu.memory_space<vmem>>, vector<16xi32>,
      %bitcast3A_667 = vector.bitcast %get3A_666 : vector<16xi32> to vector<16xf32>
      %gather3A_668 = tpu.vector_load_idx %arg5[%get3A_654] : memref<10000xf32, #tpu.memory_space<vmem>>[vector<16xi32>], vector<16xf32>,
      %gather3A_669 = tpu.vector_load_idx %arg5[%get3A_660] : memref<10000xf32, #tpu.memory_space<vmem>>[vector<16xi32>], vector<16xf32>,
      %mul3A_670 = arith.mulf %gather3A_668, %bitcast3A_667 : vector<16xf32>
      %mul3A_671 = arith.mulf %mul3A_670, %gather3A_669 : vector<16xf32>
      %swap3A_672 = arith.constant 1 : i32
      %swap3A_673 = arith.index_cast %swap3A_672 : i32 to index
      %swap3A_674 = arith.constant 32 : index
      %swap3A_675 = tpu.vector_load %arg7[%swap3A_673, %swap3A_674] {strides = array<i32>} : memref<2x80xf32, #tpu.memory_space<vmem>>, vector<16xf32>,
      tpu.vector_store %arg7[%swap3A_673, %swap3A_674], %mul3A_671 {strides = array<i32>} : memref<2x80xf32, #tpu.memory_space<vmem>>, vector<16xf32>,
      %get3A_676 = arith.constant 1 : i32
      %get3A_677 = arith.constant 0 : i32
      %get3A_678 = arith.index_cast %get3A_676 : i32 to index
      %get3A_679 = arith.index_cast %get3A_677 : i32 to index
      %get3A_680 = arith.constant 48 : index
      %get3A_681 = tpu.vector_load %arg6[%get3A_678, %get3A_679, %get3A_680] {strides = array<i32>} : memref<2x3x80xi32, #tpu.memory_space<vmem>>, vector<16xi32>,
      %get3A_682 = arith.constant 1 : i32
      %get3A_683 = arith.constant 1 : i32
      %get3A_684 = arith.index_cast %get3A_682 : i32 to index
      %get3A_685 = arith.index_cast %get3A_683 : i32 to index
      %get3A_686 = arith.constant 48 : index
      %get3A_687 = tpu.vector_load %arg6[%get3A_684, %get3A_685, %get3A_686] {strides = array<i32>} : memref<2x3x80xi32, #tpu.memory_space<vmem>>, vector<16xi32>,
      %get3A_688 = arith.constant 1 : i32
      %get3A_689 = arith.constant 2 : i32
      %get3A_690 = arith.index_cast %get3A_688 : i32 to index
      %get3A_691 = arith.index_cast %get3A_689 : i32 to index
      %get3A_692 = arith.constant 48 : index
      %get3A_693 = tpu.vector_load %arg6[%get3A_690, %get3A_691, %get3A_692] {strides = array<i32>} : memref<2x3x80xi32, #tpu.memory_space<vmem>>, vector<16xi32>,
      %bitcast3A_694 = vector.bitcast %get3A_693 : vector<16xi32> to vector<16xf32>
      %gather3A_695 = tpu.vector_load_idx %arg5[%get3A_681] : memref<10000xf32, #tpu.memory_space<vmem>>[vector<16xi32>], vector<16xf32>,
      %gather3A_696 = tpu.vector_load_idx %arg5[%get3A_687] : memref<10000xf32, #tpu.memory_space<vmem>>[vector<16xi32>], vector<16xf32>,
      %mul3A_697 = arith.mulf %gather3A_695, %bitcast3A_694 : vector<16xf32>
      %mul3A_698 = arith.mulf %mul3A_697, %gather3A_696 : vector<16xf32>
      %swap3A_699 = arith.constant 1 : i32
      %swap3A_700 = arith.index_cast %swap3A_699 : i32 to index
      %swap3A_701 = arith.constant 48 : index
      %swap3A_702 = tpu.vector_load %arg7[%swap3A_700, %swap3A_701] {strides = array<i32>} : memref<2x80xf32, #tpu.memory_space<vmem>>, vector<16xf32>,
      tpu.vector_store %arg7[%swap3A_700, %swap3A_701], %mul3A_698 {strides = array<i32>} : memref<2x80xf32, #tpu.memory_space<vmem>>, vector<16xf32>,
      %get3A_703 = arith.constant 1 : i32
      %get3A_704 = arith.constant 0 : i32
      %get3A_705 = arith.index_cast %get3A_703 : i32 to index
      %get3A_706 = arith.index_cast %get3A_704 : i32 to index
      %get3A_707 = arith.constant 64 : index
      %get3A_708 = tpu.vector_load %arg6[%get3A_705, %get3A_706, %get3A_707] {strides = array<i32>} : memref<2x3x80xi32, #tpu.memory_space<vmem>>, vector<16xi32>,
      %get3A_709 = arith.constant 1 : i32
      %get3A_710 = arith.constant 1 : i32
      %get3A_711 = arith.index_cast %get3A_709 : i32 to index
      %get3A_712 = arith.index_cast %get3A_710 : i32 to index
      %get3A_713 = arith.constant 64 : index
      %get3A_714 = tpu.vector_load %arg6[%get3A_711, %get3A_712, %get3A_713] {strides = array<i32>} : memref<2x3x80xi32, #tpu.memory_space<vmem>>, vector<16xi32>,
      %get3A_715 = arith.constant 1 : i32
      %get3A_716 = arith.constant 2 : i32
      %get3A_717 = arith.index_cast %get3A_715 : i32 to index
      %get3A_718 = arith.index_cast %get3A_716 : i32 to index
      %get3A_719 = arith.constant 64 : index
      %get3A_720 = tpu.vector_load %arg6[%get3A_717, %get3A_718, %get3A_719] {strides = array<i32>} : memref<2x3x80xi32, #tpu.memory_space<vmem>>, vector<16xi32>,
      %bitcast3A_721 = vector.bitcast %get3A_720 : vector<16xi32> to vector<16xf32>
      %gather3A_722 = tpu.vector_load_idx %arg5[%get3A_708] : memref<10000xf32, #tpu.memory_space<vmem>>[vector<16xi32>], vector<16xf32>,
      %gather3A_723 = tpu.vector_load_idx %arg5[%get3A_714] : memref<10000xf32, #tpu.memory_space<vmem>>[vector<16xi32>], vector<16xf32>,
      %mul3A_724 = arith.mulf %gather3A_722, %bitcast3A_721 : vector<16xf32>
      %mul3A_725 = arith.mulf %mul3A_724, %gather3A_723 : vector<16xf32>
      %swap3A_726 = arith.constant 1 : i32
      %swap3A_727 = arith.index_cast %swap3A_726 : i32 to index
      %swap3A_728 = arith.constant 64 : index
      %swap3A_729 = tpu.vector_load %arg7[%swap3A_727, %swap3A_728] {strides = array<i32>} : memref<2x80xf32, #tpu.memory_space<vmem>>, vector<16xf32>,
      tpu.vector_store %arg7[%swap3A_727, %swap3A_728], %mul3A_725 {strides = array<i32>} : memref<2x80xf32, #tpu.memory_space<vmem>>, vector<16xf32>,
      %dma_start3A_730 = arith.constant 1 : i32
      %dma_start3A_731 = arith.constant 1 : i32
      %dma_start3A_732 = arith.constant 0 : i32
      %dma_start3A_733 = tpu.memref_slice %arg7[%dma_start3A_730, %dma_start3A_732] : memref<2x80xf32, #tpu.memory_space<vmem>> -> memref<1x80xf32, #tpu.memory_space<vmem>>
      %dma_start3A_734 = tpu.memref_squeeze %dma_start3A_733 : memref<1x80xf32, #tpu.memory_space<vmem>> -> memref<80xf32, #tpu.memory_space<vmem>>
      %dma_start3A_735 = arith.constant 0 : i32
      %dma_start3A_736 = arith.constant 0 : i32
      %dma_start3A_737 = tpu.memref_slice %arg4[%add3A, %dma_start3A_735, %dma_start3A_736] : memref<32x125x80xf32, #tpu.memory_space<hbm>> -> memref<1x125x80xf32, #tpu.memory_space<hbm>>
      %dma_start3A_738 = tpu.memref_squeeze %dma_start3A_737 : memref<1x125x80xf32, #tpu.memory_space<hbm>> -> memref<125x80xf32, #tpu.memory_space<hbm>>
      %dma_start3A_739 = arith.constant 0 : i32
      %dma_start3A_740 = tpu.memref_slice %dma_start3A_738[%add3A_527, %dma_start3A_739] : memref<125x80xf32, #tpu.memory_space<hbm>> -> memref<1x80xf32, #tpu.memory_space<hbm>>
      %dma_start3A_741 = tpu.memref_squeeze %dma_start3A_740 : memref<1x80xf32, #tpu.memory_space<hbm>> -> memref<80xf32, #tpu.memory_space<hbm>>
      %dma_start3A_742 = tpu.memref_slice %arg9[%dma_start3A_731] : memref<2x!tpu.dma_semaphore, #tpu.memory_space<semaphore_mem>> -> memref<1x!tpu.dma_semaphore, #tpu.memory_space<semaphore_mem>>
      %dma_start3A_743 = tpu.memref_squeeze %dma_start3A_742 : memref<1x!tpu.dma_semaphore, #tpu.memory_space<semaphore_mem>> -> memref<!tpu.dma_semaphore, #tpu.memory_space<semaphore_mem>>
      %dma_start3A_744 = arith.constant 0 : i32
      %dma_start3A_745 = arith.constant 0 : i32
      %dma_start3A_746 = tpu.memref_slice %arg4[%add3A, %dma_start3A_744, %dma_start3A_745] : memref<32x125x80xf32, #tpu.memory_space<hbm>> -> memref<1x125x80xf32, #tpu.memory_space<hbm>>
      %dma_start3A_747 = tpu.memref_squeeze %dma_start3A_746 : memref<1x125x80xf32, #tpu.memory_space<hbm>> -> memref<125x80xf32, #tpu.memory_space<hbm>>
      %dma_start3A_748 = arith.constant 0 : i32
      %dma_start3A_749 = tpu.memref_slice %dma_start3A_747[%add3A_527, %dma_start3A_748] : memref<125x80xf32, #tpu.memory_space<hbm>> -> memref<1x80xf32, #tpu.memory_space<hbm>>
      %dma_start3A_750 = tpu.memref_squeeze %dma_start3A_749 : memref<1x80xf32, #tpu.memory_space<hbm>> -> memref<80xf32, #tpu.memory_space<hbm>>
      %dma_start3A_751 = arith.constant 0 : i32
      %dma_start3A_752 = tpu.memref_slice %arg7[%dma_start3A_730, %dma_start3A_751] : memref<2x80xf32, #tpu.memory_space<vmem>> -> memref<1x80xf32, #tpu.memory_space<vmem>>
      %dma_start3A_753 = tpu.memref_squeeze %dma_start3A_752 : memref<1x80xf32, #tpu.memory_space<vmem>> -> memref<80xf32, #tpu.memory_space<vmem>>
      tpu.enqueue_dma source(%dma_start3A_753 : memref<80xf32, #tpu.memory_space<vmem>>) target(%dma_start3A_750 : memref<80xf32, #tpu.memory_space<hbm>>) target_semaphore(%dma_start3A_743 : memref<!tpu.dma_semaphore, #tpu.memory_space<semaphore_mem>>)
    }
    %scan3A_34 = arith.constant 62 : i32
    %dma_wait3A = arith.constant 124 : i32
    %dma_wait3A_35 = arith.constant 0 : i32
    %dma_wait3A_36 = arith.constant 0 : i32
    %dma_wait3A_37 = arith.constant 0 : i32
    %dma_wait3A_38 = arith.constant 0 : i32
    %dma_wait3A_39 = tpu.memref_slice %arg6[%dma_wait3A_35, %dma_wait3A_37, %dma_wait3A_38] : memref<2x3x80xi32, #tpu.memory_space<vmem>> -> memref<1x3x80xi32, #tpu.memory_space<vmem>>
    %dma_wait3A_40 = tpu.memref_squeeze %dma_wait3A_39 : memref<1x3x80xi32, #tpu.memory_space<vmem>> -> memref<3x80xi32, #tpu.memory_space<vmem>>
    %dma_wait3A_41 = arith.constant 0 : i32
    %dma_wait3A_42 = arith.constant 0 : i32
    %dma_wait3A_43 = arith.constant 0 : i32
    %dma_wait3A_44 = tpu.memref_slice %arg2[%add3A, %dma_wait3A_41, %dma_wait3A_42, %dma_wait3A_43] : memref<32x125x3x80xi32, #tpu.memory_space<hbm>> -> memref<1x125x3x80xi32, #tpu.memory_space<hbm>>
    %dma_wait3A_45 = tpu.memref_squeeze %dma_wait3A_44 : memref<1x125x3x80xi32, #tpu.memory_space<hbm>> -> memref<125x3x80xi32, #tpu.memory_space<hbm>>
    %dma_wait3A_46 = arith.constant 0 : i32
    %dma_wait3A_47 = arith.constant 0 : i32
    %dma_wait3A_48 = tpu.memref_slice %dma_wait3A_45[%dma_wait3A, %dma_wait3A_46, %dma_wait3A_47] : memref<125x3x80xi32, #tpu.memory_space<hbm>> -> memref<1x3x80xi32, #tpu.memory_space<hbm>>
    %dma_wait3A_49 = tpu.memref_squeeze %dma_wait3A_48 : memref<1x3x80xi32, #tpu.memory_space<hbm>> -> memref<3x80xi32, #tpu.memory_space<hbm>>
    %dma_wait3A_50 = tpu.memref_slice %arg8[%dma_wait3A_36] : memref<2x!tpu.dma_semaphore, #tpu.memory_space<semaphore_mem>> -> memref<1x!tpu.dma_semaphore, #tpu.memory_space<semaphore_mem>>
    %dma_wait3A_51 = tpu.memref_squeeze %dma_wait3A_50 : memref<1x!tpu.dma_semaphore, #tpu.memory_space<semaphore_mem>> -> memref<!tpu.dma_semaphore, #tpu.memory_space<semaphore_mem>>
    %dma_wait3A_52 = arith.constant 0 : i32
    %dma_wait3A_53 = arith.constant 0 : i32
    %dma_wait3A_54 = tpu.memref_slice %arg6[%dma_wait3A_35, %dma_wait3A_52, %dma_wait3A_53] : memref<2x3x80xi32, #tpu.memory_space<vmem>> -> memref<1x3x80xi32, #tpu.memory_space<vmem>>
    %dma_wait3A_55 = tpu.memref_squeeze %dma_wait3A_54 : memref<1x3x80xi32, #tpu.memory_space<vmem>> -> memref<3x80xi32, #tpu.memory_space<vmem>>
    %dma_wait3A_56 = arith.constant 0 : i32
    %dma_wait3A_57 = arith.constant 0 : i32
    %dma_wait3A_58 = arith.constant 0 : i32
    %dma_wait3A_59 = tpu.memref_slice %arg2[%add3A, %dma_wait3A_56, %dma_wait3A_57, %dma_wait3A_58] : memref<32x125x3x80xi32, #tpu.memory_space<hbm>> -> memref<1x125x3x80xi32, #tpu.memory_space<hbm>>
    %dma_wait3A_60 = tpu.memref_squeeze %dma_wait3A_59 : memref<1x125x3x80xi32, #tpu.memory_space<hbm>> -> memref<125x3x80xi32, #tpu.memory_space<hbm>>
    %dma_wait3A_61 = arith.constant 0 : i32
    %dma_wait3A_62 = arith.constant 0 : i32
    %dma_wait3A_63 = tpu.memref_slice %dma_wait3A_60[%dma_wait3A, %dma_wait3A_61, %dma_wait3A_62] : memref<125x3x80xi32, #tpu.memory_space<hbm>> -> memref<1x3x80xi32, #tpu.memory_space<hbm>>
    %dma_wait3A_64 = tpu.memref_squeeze %dma_wait3A_63 : memref<1x3x80xi32, #tpu.memory_space<hbm>> -> memref<3x80xi32, #tpu.memory_space<hbm>>
    tpu.wait_dma2 semaphore(%dma_wait3A_51 : memref<!tpu.dma_semaphore, #tpu.memory_space<semaphore_mem>>) src(%dma_wait3A_64 : memref<3x80xi32, #tpu.memory_space<hbm>>) dst(%dma_wait3A_55 : memref<3x80xi32, #tpu.memory_space<vmem>>)
    %dma_wait3A_65 = arith.constant 0 : i32
    %dma_wait3A_66 = arith.constant 122 : i32
    %dma_wait3A_67 = arith.constant 0 : i32
    %dma_wait3A_68 = arith.constant 0 : i32
    %dma_wait3A_69 = tpu.memref_slice %arg7[%dma_wait3A_65, %dma_wait3A_68] : memref<2x80xf32, #tpu.memory_space<vmem>> -> memref<1x80xf32, #tpu.memory_space<vmem>>
    %dma_wait3A_70 = tpu.memref_squeeze %dma_wait3A_69 : memref<1x80xf32, #tpu.memory_space<vmem>> -> memref<80xf32, #tpu.memory_space<vmem>>
    %dma_wait3A_71 = arith.constant 0 : i32
    %dma_wait3A_72 = arith.constant 0 : i32
    %dma_wait3A_73 = tpu.memref_slice %arg4[%add3A, %dma_wait3A_71, %dma_wait3A_72] : memref<32x125x80xf32, #tpu.memory_space<hbm>> -> memref<1x125x80xf32, #tpu.memory_space<hbm>>
    %dma_wait3A_74 = tpu.memref_squeeze %dma_wait3A_73 : memref<1x125x80xf32, #tpu.memory_space<hbm>> -> memref<125x80xf32, #tpu.memory_space<hbm>>
    %dma_wait3A_75 = arith.constant 0 : i32
    %dma_wait3A_76 = tpu.memref_slice %dma_wait3A_74[%dma_wait3A_66, %dma_wait3A_75] : memref<125x80xf32, #tpu.memory_space<hbm>> -> memref<1x80xf32, #tpu.memory_space<hbm>>
    %dma_wait3A_77 = tpu.memref_squeeze %dma_wait3A_76 : memref<1x80xf32, #tpu.memory_space<hbm>> -> memref<80xf32, #tpu.memory_space<hbm>>
    %dma_wait3A_78 = tpu.memref_slice %arg9[%dma_wait3A_67] : memref<2x!tpu.dma_semaphore, #tpu.memory_space<semaphore_mem>> -> memref<1x!tpu.dma_semaphore, #tpu.memory_space<semaphore_mem>>
    %dma_wait3A_79 = tpu.memref_squeeze %dma_wait3A_78 : memref<1x!tpu.dma_semaphore, #tpu.memory_space<semaphore_mem>> -> memref<!tpu.dma_semaphore, #tpu.memory_space<semaphore_mem>>
    %dma_wait3A_80 = arith.constant 0 : i32
    %dma_wait3A_81 = arith.constant 0 : i32
    %dma_wait3A_82 = tpu.memref_slice %arg4[%add3A, %dma_wait3A_80, %dma_wait3A_81] : memref<32x125x80xf32, #tpu.memory_space<hbm>> -> memref<1x125x80xf32, #tpu.memory_space<hbm>>
    %dma_wait3A_83 = tpu.memref_squeeze %dma_wait3A_82 : memref<1x125x80xf32, #tpu.memory_space<hbm>> -> memref<125x80xf32, #tpu.memory_space<hbm>>
    %dma_wait3A_84 = arith.constant 0 : i32
    %dma_wait3A_85 = tpu.memref_slice %dma_wait3A_83[%dma_wait3A_66, %dma_wait3A_84] : memref<125x80xf32, #tpu.memory_space<hbm>> -> memref<1x80xf32, #tpu.memory_space<hbm>>
    %dma_wait3A_86 = tpu.memref_squeeze %dma_wait3A_85 : memref<1x80xf32, #tpu.memory_space<hbm>> -> memref<80xf32, #tpu.memory_space<hbm>>
    %dma_wait3A_87 = arith.constant 0 : i32
    %dma_wait3A_88 = tpu.memref_slice %arg7[%dma_wait3A_65, %dma_wait3A_87] : memref<2x80xf32, #tpu.memory_space<vmem>> -> memref<1x80xf32, #tpu.memory_space<vmem>>
    %dma_wait3A_89 = tpu.memref_squeeze %dma_wait3A_88 : memref<1x80xf32, #tpu.memory_space<vmem>> -> memref<80xf32, #tpu.memory_space<vmem>>
    tpu.wait_dma2 semaphore(%dma_wait3A_79 : memref<!tpu.dma_semaphore, #tpu.memory_space<semaphore_mem>>) src(%dma_wait3A_89 : memref<80xf32, #tpu.memory_space<vmem>>) dst(%dma_wait3A_86 : memref<80xf32, #tpu.memory_space<hbm>>)
    %get3A = arith.constant 0 : i32
    %get3A_90 = arith.constant 0 : i32
    %get3A_91 = arith.index_cast %get3A : i32 to index
    %get3A_92 = arith.index_cast %get3A_90 : i32 to index
    %get3A_93 = arith.constant 0 : index
    %get3A_94 = tpu.vector_load %arg6[%get3A_91, %get3A_92, %get3A_93] {strides = array<i32>} : memref<2x3x80xi32, #tpu.memory_space<vmem>>, vector<16xi32>,
    %get3A_95 = arith.constant 0 : i32
    %get3A_96 = arith.constant 1 : i32
    %get3A_97 = arith.index_cast %get3A_95 : i32 to index
    %get3A_98 = arith.index_cast %get3A_96 : i32 to index
    %get3A_99 = arith.constant 0 : index
    %get3A_100 = tpu.vector_load %arg6[%get3A_97, %get3A_98, %get3A_99] {strides = array<i32>} : memref<2x3x80xi32, #tpu.memory_space<vmem>>, vector<16xi32>,
    %get3A_101 = arith.constant 0 : i32
    %get3A_102 = arith.constant 2 : i32
    %get3A_103 = arith.index_cast %get3A_101 : i32 to index
    %get3A_104 = arith.index_cast %get3A_102 : i32 to index
    %get3A_105 = arith.constant 0 : index
    %get3A_106 = tpu.vector_load %arg6[%get3A_103, %get3A_104, %get3A_105] {strides = array<i32>} : memref<2x3x80xi32, #tpu.memory_space<vmem>>, vector<16xi32>,
    %bitcast3A = vector.bitcast %get3A_106 : vector<16xi32> to vector<16xf32>
    %gather3A = tpu.vector_load_idx %arg5[%get3A_94] : memref<10000xf32, #tpu.memory_space<vmem>>[vector<16xi32>], vector<16xf32>,
    %gather3A_107 = tpu.vector_load_idx %arg5[%get3A_100] : memref<10000xf32, #tpu.memory_space<vmem>>[vector<16xi32>], vector<16xf32>,
    %mul3A_108 = arith.mulf %gather3A, %bitcast3A : vector<16xf32>
    %mul3A_109 = arith.mulf %mul3A_108, %gather3A_107 : vector<16xf32>
    %swap3A = arith.constant 0 : i32
    %swap3A_110 = arith.index_cast %swap3A : i32 to index
    %swap3A_111 = arith.constant 0 : index
    %swap3A_112 = tpu.vector_load %arg7[%swap3A_110, %swap3A_111] {strides = array<i32>} : memref<2x80xf32, #tpu.memory_space<vmem>>, vector<16xf32>,
    tpu.vector_store %arg7[%swap3A_110, %swap3A_111], %mul3A_109 {strides = array<i32>} : memref<2x80xf32, #tpu.memory_space<vmem>>, vector<16xf32>,
    %get3A_113 = arith.constant 0 : i32
    %get3A_114 = arith.constant 0 : i32
    %get3A_115 = arith.index_cast %get3A_113 : i32 to index
    %get3A_116 = arith.index_cast %get3A_114 : i32 to index
    %get3A_117 = arith.constant 16 : index
    %get3A_118 = tpu.vector_load %arg6[%get3A_115, %get3A_116, %get3A_117] {strides = array<i32>} : memref<2x3x80xi32, #tpu.memory_space<vmem>>, vector<16xi32>,
    %get3A_119 = arith.constant 0 : i32
    %get3A_120 = arith.constant 1 : i32
    %get3A_121 = arith.index_cast %get3A_119 : i32 to index
    %get3A_122 = arith.index_cast %get3A_120 : i32 to index
    %get3A_123 = arith.constant 16 : index
    %get3A_124 = tpu.vector_load %arg6[%get3A_121, %get3A_122, %get3A_123] {strides = array<i32>} : memref<2x3x80xi32, #tpu.memory_space<vmem>>, vector<16xi32>,
    %get3A_125 = arith.constant 0 : i32
    %get3A_126 = arith.constant 2 : i32
    %get3A_127 = arith.index_cast %get3A_125 : i32 to index
    %get3A_128 = arith.index_cast %get3A_126 : i32 to index
    %get3A_129 = arith.constant 16 : index
    %get3A_130 = tpu.vector_load %arg6[%get3A_127, %get3A_128, %get3A_129] {strides = array<i32>} : memref<2x3x80xi32, #tpu.memory_space<vmem>>, vector<16xi32>,
    %bitcast3A_131 = vector.bitcast %get3A_130 : vector<16xi32> to vector<16xf32>
    %gather3A_132 = tpu.vector_load_idx %arg5[%get3A_118] : memref<10000xf32, #tpu.memory_space<vmem>>[vector<16xi32>], vector<16xf32>,
    %gather3A_133 = tpu.vector_load_idx %arg5[%get3A_124] : memref<10000xf32, #tpu.memory_space<vmem>>[vector<16xi32>], vector<16xf32>,
    %mul3A_134 = arith.mulf %gather3A_132, %bitcast3A_131 : vector<16xf32>
    %mul3A_135 = arith.mulf %mul3A_134, %gather3A_133 : vector<16xf32>
    %swap3A_136 = arith.constant 0 : i32
    %swap3A_137 = arith.index_cast %swap3A_136 : i32 to index
    %swap3A_138 = arith.constant 16 : index
    %swap3A_139 = tpu.vector_load %arg7[%swap3A_137, %swap3A_138] {strides = array<i32>} : memref<2x80xf32, #tpu.memory_space<vmem>>, vector<16xf32>,
    tpu.vector_store %arg7[%swap3A_137, %swap3A_138], %mul3A_135 {strides = array<i32>} : memref<2x80xf32, #tpu.memory_space<vmem>>, vector<16xf32>,
    %get3A_140 = arith.constant 0 : i32
    %get3A_141 = arith.constant 0 : i32
    %get3A_142 = arith.index_cast %get3A_140 : i32 to index
    %get3A_143 = arith.index_cast %get3A_141 : i32 to index
    %get3A_144 = arith.constant 32 : index
    %get3A_145 = tpu.vector_load %arg6[%get3A_142, %get3A_143, %get3A_144] {strides = array<i32>} : memref<2x3x80xi32, #tpu.memory_space<vmem>>, vector<16xi32>,
    %get3A_146 = arith.constant 0 : i32
    %get3A_147 = arith.constant 1 : i32
    %get3A_148 = arith.index_cast %get3A_146 : i32 to index
    %get3A_149 = arith.index_cast %get3A_147 : i32 to index
    %get3A_150 = arith.constant 32 : index
    %get3A_151 = tpu.vector_load %arg6[%get3A_148, %get3A_149, %get3A_150] {strides = array<i32>} : memref<2x3x80xi32, #tpu.memory_space<vmem>>, vector<16xi32>,
    %get3A_152 = arith.constant 0 : i32
    %get3A_153 = arith.constant 2 : i32
    %get3A_154 = arith.index_cast %get3A_152 : i32 to index
    %get3A_155 = arith.index_cast %get3A_153 : i32 to index
    %get3A_156 = arith.constant 32 : index
    %get3A_157 = tpu.vector_load %arg6[%get3A_154, %get3A_155, %get3A_156] {strides = array<i32>} : memref<2x3x80xi32, #tpu.memory_space<vmem>>, vector<16xi32>,
    %bitcast3A_158 = vector.bitcast %get3A_157 : vector<16xi32> to vector<16xf32>
    %gather3A_159 = tpu.vector_load_idx %arg5[%get3A_145] : memref<10000xf32, #tpu.memory_space<vmem>>[vector<16xi32>], vector<16xf32>,
    %gather3A_160 = tpu.vector_load_idx %arg5[%get3A_151] : memref<10000xf32, #tpu.memory_space<vmem>>[vector<16xi32>], vector<16xf32>,
    %mul3A_161 = arith.mulf %gather3A_159, %bitcast3A_158 : vector<16xf32>
    %mul3A_162 = arith.mulf %mul3A_161, %gather3A_160 : vector<16xf32>
    %swap3A_163 = arith.constant 0 : i32
    %swap3A_164 = arith.index_cast %swap3A_163 : i32 to index
    %swap3A_165 = arith.constant 32 : index
    %swap3A_166 = tpu.vector_load %arg7[%swap3A_164, %swap3A_165] {strides = array<i32>} : memref<2x80xf32, #tpu.memory_space<vmem>>, vector<16xf32>,
    tpu.vector_store %arg7[%swap3A_164, %swap3A_165], %mul3A_162 {strides = array<i32>} : memref<2x80xf32, #tpu.memory_space<vmem>>, vector<16xf32>,
    %get3A_167 = arith.constant 0 : i32
    %get3A_168 = arith.constant 0 : i32
    %get3A_169 = arith.index_cast %get3A_167 : i32 to index
    %get3A_170 = arith.index_cast %get3A_168 : i32 to index
    %get3A_171 = arith.constant 48 : index
    %get3A_172 = tpu.vector_load %arg6[%get3A_169, %get3A_170, %get3A_171] {strides = array<i32>} : memref<2x3x80xi32, #tpu.memory_space<vmem>>, vector<16xi32>,
    %get3A_173 = arith.constant 0 : i32
    %get3A_174 = arith.constant 1 : i32
    %get3A_175 = arith.index_cast %get3A_173 : i32 to index
    %get3A_176 = arith.index_cast %get3A_174 : i32 to index
    %get3A_177 = arith.constant 48 : index
    %get3A_178 = tpu.vector_load %arg6[%get3A_175, %get3A_176, %get3A_177] {strides = array<i32>} : memref<2x3x80xi32, #tpu.memory_space<vmem>>, vector<16xi32>,
    %get3A_179 = arith.constant 0 : i32
    %get3A_180 = arith.constant 2 : i32
    %get3A_181 = arith.index_cast %get3A_179 : i32 to index
    %get3A_182 = arith.index_cast %get3A_180 : i32 to index
    %get3A_183 = arith.constant 48 : index
    %get3A_184 = tpu.vector_load %arg6[%get3A_181, %get3A_182, %get3A_183] {strides = array<i32>} : memref<2x3x80xi32, #tpu.memory_space<vmem>>, vector<16xi32>,
    %bitcast3A_185 = vector.bitcast %get3A_184 : vector<16xi32> to vector<16xf32>
    %gather3A_186 = tpu.vector_load_idx %arg5[%get3A_172] : memref<10000xf32, #tpu.memory_space<vmem>>[vector<16xi32>], vector<16xf32>,
    %gather3A_187 = tpu.vector_load_idx %arg5[%get3A_178] : memref<10000xf32, #tpu.memory_space<vmem>>[vector<16xi32>], vector<16xf32>,
    %mul3A_188 = arith.mulf %gather3A_186, %bitcast3A_185 : vector<16xf32>
    %mul3A_189 = arith.mulf %mul3A_188, %gather3A_187 : vector<16xf32>
    %swap3A_190 = arith.constant 0 : i32
    %swap3A_191 = arith.index_cast %swap3A_190 : i32 to index
    %swap3A_192 = arith.constant 48 : index
    %swap3A_193 = tpu.vector_load %arg7[%swap3A_191, %swap3A_192] {strides = array<i32>} : memref<2x80xf32, #tpu.memory_space<vmem>>, vector<16xf32>,
    tpu.vector_store %arg7[%swap3A_191, %swap3A_192], %mul3A_189 {strides = array<i32>} : memref<2x80xf32, #tpu.memory_space<vmem>>, vector<16xf32>,
    %get3A_194 = arith.constant 0 : i32
    %get3A_195 = arith.constant 0 : i32
    %get3A_196 = arith.index_cast %get3A_194 : i32 to index
    %get3A_197 = arith.index_cast %get3A_195 : i32 to index
    %get3A_198 = arith.constant 64 : index
    %get3A_199 = tpu.vector_load %arg6[%get3A_196, %get3A_197, %get3A_198] {strides = array<i32>} : memref<2x3x80xi32, #tpu.memory_space<vmem>>, vector<16xi32>,
    %get3A_200 = arith.constant 0 : i32
    %get3A_201 = arith.constant 1 : i32
    %get3A_202 = arith.index_cast %get3A_200 : i32 to index
    %get3A_203 = arith.index_cast %get3A_201 : i32 to index
    %get3A_204 = arith.constant 64 : index
    %get3A_205 = tpu.vector_load %arg6[%get3A_202, %get3A_203, %get3A_204] {strides = array<i32>} : memref<2x3x80xi32, #tpu.memory_space<vmem>>, vector<16xi32>,
    %get3A_206 = arith.constant 0 : i32
    %get3A_207 = arith.constant 2 : i32
    %get3A_208 = arith.index_cast %get3A_206 : i32 to index
    %get3A_209 = arith.index_cast %get3A_207 : i32 to index
    %get3A_210 = arith.constant 64 : index
    %get3A_211 = tpu.vector_load %arg6[%get3A_208, %get3A_209, %get3A_210] {strides = array<i32>} : memref<2x3x80xi32, #tpu.memory_space<vmem>>, vector<16xi32>,
    %bitcast3A_212 = vector.bitcast %get3A_211 : vector<16xi32> to vector<16xf32>
    %gather3A_213 = tpu.vector_load_idx %arg5[%get3A_199] : memref<10000xf32, #tpu.memory_space<vmem>>[vector<16xi32>], vector<16xf32>,
    %gather3A_214 = tpu.vector_load_idx %arg5[%get3A_205] : memref<10000xf32, #tpu.memory_space<vmem>>[vector<16xi32>], vector<16xf32>,
    %mul3A_215 = arith.mulf %gather3A_213, %bitcast3A_212 : vector<16xf32>
    %mul3A_216 = arith.mulf %mul3A_215, %gather3A_214 : vector<16xf32>
    %swap3A_217 = arith.constant 0 : i32
    %swap3A_218 = arith.index_cast %swap3A_217 : i32 to index
    %swap3A_219 = arith.constant 64 : index
    %swap3A_220 = tpu.vector_load %arg7[%swap3A_218, %swap3A_219] {strides = array<i32>} : memref<2x80xf32, #tpu.memory_space<vmem>>, vector<16xf32>,
    tpu.vector_store %arg7[%swap3A_218, %swap3A_219], %mul3A_216 {strides = array<i32>} : memref<2x80xf32, #tpu.memory_space<vmem>>, vector<16xf32>,
    %dma_start3A_221 = arith.constant 0 : i32
    %dma_start3A_222 = arith.constant 124 : i32
    %dma_start3A_223 = arith.constant 0 : i32
    %dma_start3A_224 = arith.constant 0 : i32
    %dma_start3A_225 = tpu.memref_slice %arg7[%dma_start3A_221, %dma_start3A_224] : memref<2x80xf32, #tpu.memory_space<vmem>> -> memref<1x80xf32, #tpu.memory_space<vmem>>
    %dma_start3A_226 = tpu.memref_squeeze %dma_start3A_225 : memref<1x80xf32, #tpu.memory_space<vmem>> -> memref<80xf32, #tpu.memory_space<vmem>>
    %dma_start3A_227 = arith.constant 0 : i32
    %dma_start3A_228 = arith.constant 0 : i32
    %dma_start3A_229 = tpu.memref_slice %arg4[%add3A, %dma_start3A_227, %dma_start3A_228] : memref<32x125x80xf32, #tpu.memory_space<hbm>> -> memref<1x125x80xf32, #tpu.memory_space<hbm>>
    %dma_start3A_230 = tpu.memref_squeeze %dma_start3A_229 : memref<1x125x80xf32, #tpu.memory_space<hbm>> -> memref<125x80xf32, #tpu.memory_space<hbm>>
    %dma_start3A_231 = arith.constant 0 : i32
    %dma_start3A_232 = tpu.memref_slice %dma_start3A_230[%dma_start3A_222, %dma_start3A_231] : memref<125x80xf32, #tpu.memory_space<hbm>> -> memref<1x80xf32, #tpu.memory_space<hbm>>
    %dma_start3A_233 = tpu.memref_squeeze %dma_start3A_232 : memref<1x80xf32, #tpu.memory_space<hbm>> -> memref<80xf32, #tpu.memory_space<hbm>>
    %dma_start3A_234 = tpu.memref_slice %arg9[%dma_start3A_223] : memref<2x!tpu.dma_semaphore, #tpu.memory_space<semaphore_mem>> -> memref<1x!tpu.dma_semaphore, #tpu.memory_space<semaphore_mem>>
    %dma_start3A_235 = tpu.memref_squeeze %dma_start3A_234 : memref<1x!tpu.dma_semaphore, #tpu.memory_space<semaphore_mem>> -> memref<!tpu.dma_semaphore, #tpu.memory_space<semaphore_mem>>
    %dma_start3A_236 = arith.constant 0 : i32
    %dma_start3A_237 = arith.constant 0 : i32
    %dma_start3A_238 = tpu.memref_slice %arg4[%add3A, %dma_start3A_236, %dma_start3A_237] : memref<32x125x80xf32, #tpu.memory_space<hbm>> -> memref<1x125x80xf32, #tpu.memory_space<hbm>>
    %dma_start3A_239 = tpu.memref_squeeze %dma_start3A_238 : memref<1x125x80xf32, #tpu.memory_space<hbm>> -> memref<125x80xf32, #tpu.memory_space<hbm>>
    %dma_start3A_240 = arith.constant 0 : i32
    %dma_start3A_241 = tpu.memref_slice %dma_start3A_239[%dma_start3A_222, %dma_start3A_240] : memref<125x80xf32, #tpu.memory_space<hbm>> -> memref<1x80xf32, #tpu.memory_space<hbm>>
    %dma_start3A_242 = tpu.memref_squeeze %dma_start3A_241 : memref<1x80xf32, #tpu.memory_space<hbm>> -> memref<80xf32, #tpu.memory_space<hbm>>
    %dma_start3A_243 = arith.constant 0 : i32
    %dma_start3A_244 = tpu.memref_slice %arg7[%dma_start3A_221, %dma_start3A_243] : memref<2x80xf32, #tpu.memory_space<vmem>> -> memref<1x80xf32, #tpu.memory_space<vmem>>
    %dma_start3A_245 = tpu.memref_squeeze %dma_start3A_244 : memref<1x80xf32, #tpu.memory_space<vmem>> -> memref<80xf32, #tpu.memory_space<vmem>>
    tpu.enqueue_dma source(%dma_start3A_245 : memref<80xf32, #tpu.memory_space<vmem>>) target(%dma_start3A_242 : memref<80xf32, #tpu.memory_space<hbm>>) target_semaphore(%dma_start3A_235 : memref<!tpu.dma_semaphore, #tpu.memory_space<semaphore_mem>>)
    %dma_wait3A_246 = arith.constant 1 : i32
    %dma_wait3A_247 = arith.constant 123 : i32
    %dma_wait3A_248 = arith.constant 1 : i32
    %dma_wait3A_249 = arith.constant 0 : i32
    %dma_wait3A_250 = tpu.memref_slice %arg7[%dma_wait3A_246, %dma_wait3A_249] : memref<2x80xf32, #tpu.memory_space<vmem>> -> memref<1x80xf32, #tpu.memory_space<vmem>>
    %dma_wait3A_251 = tpu.memref_squeeze %dma_wait3A_250 : memref<1x80xf32, #tpu.memory_space<vmem>> -> memref<80xf32, #tpu.memory_space<vmem>>
    %dma_wait3A_252 = arith.constant 0 : i32
    %dma_wait3A_253 = arith.constant 0 : i32
    %dma_wait3A_254 = tpu.memref_slice %arg4[%add3A, %dma_wait3A_252, %dma_wait3A_253] : memref<32x125x80xf32, #tpu.memory_space<hbm>> -> memref<1x125x80xf32, #tpu.memory_space<hbm>>
    %dma_wait3A_255 = tpu.memref_squeeze %dma_wait3A_254 : memref<1x125x80xf32, #tpu.memory_space<hbm>> -> memref<125x80xf32, #tpu.memory_space<hbm>>
    %dma_wait3A_256 = arith.constant 0 : i32
    %dma_wait3A_257 = tpu.memref_slice %dma_wait3A_255[%dma_wait3A_247, %dma_wait3A_256] : memref<125x80xf32, #tpu.memory_space<hbm>> -> memref<1x80xf32, #tpu.memory_space<hbm>>
    %dma_wait3A_258 = tpu.memref_squeeze %dma_wait3A_257 : memref<1x80xf32, #tpu.memory_space<hbm>> -> memref<80xf32, #tpu.memory_space<hbm>>
    %dma_wait3A_259 = tpu.memref_slice %arg9[%dma_wait3A_248] : memref<2x!tpu.dma_semaphore, #tpu.memory_space<semaphore_mem>> -> memref<1x!tpu.dma_semaphore, #tpu.memory_space<semaphore_mem>>
    %dma_wait3A_260 = tpu.memref_squeeze %dma_wait3A_259 : memref<1x!tpu.dma_semaphore, #tpu.memory_space<semaphore_mem>> -> memref<!tpu.dma_semaphore, #tpu.memory_space<semaphore_mem>>
    %dma_wait3A_261 = arith.constant 0 : i32
    %dma_wait3A_262 = arith.constant 0 : i32
    %dma_wait3A_263 = tpu.memref_slice %arg4[%add3A, %dma_wait3A_261, %dma_wait3A_262] : memref<32x125x80xf32, #tpu.memory_space<hbm>> -> memref<1x125x80xf32, #tpu.memory_space<hbm>>
    %dma_wait3A_264 = tpu.memref_squeeze %dma_wait3A_263 : memref<1x125x80xf32, #tpu.memory_space<hbm>> -> memref<125x80xf32, #tpu.memory_space<hbm>>
    %dma_wait3A_265 = arith.constant 0 : i32
    %dma_wait3A_266 = tpu.memref_slice %dma_wait3A_264[%dma_wait3A_247, %dma_wait3A_265] : memref<125x80xf32, #tpu.memory_space<hbm>> -> memref<1x80xf32, #tpu.memory_space<hbm>>
    %dma_wait3A_267 = tpu.memref_squeeze %dma_wait3A_266 : memref<1x80xf32, #tpu.memory_space<hbm>> -> memref<80xf32, #tpu.memory_space<hbm>>
    %dma_wait3A_268 = arith.constant 0 : i32
    %dma_wait3A_269 = tpu.memref_slice %arg7[%dma_wait3A_246, %dma_wait3A_268] : memref<2x80xf32, #tpu.memory_space<vmem>> -> memref<1x80xf32, #tpu.memory_space<vmem>>
    %dma_wait3A_270 = tpu.memref_squeeze %dma_wait3A_269 : memref<1x80xf32, #tpu.memory_space<vmem>> -> memref<80xf32, #tpu.memory_space<vmem>>
    tpu.wait_dma2 semaphore(%dma_wait3A_260 : memref<!tpu.dma_semaphore, #tpu.memory_space<semaphore_mem>>) src(%dma_wait3A_270 : memref<80xf32, #tpu.memory_space<vmem>>) dst(%dma_wait3A_267 : memref<80xf32, #tpu.memory_space<hbm>>)
    %dma_wait3A_271 = arith.constant 0 : i32
    %dma_wait3A_272 = arith.constant 124 : i32
    %dma_wait3A_273 = arith.constant 0 : i32
    %dma_wait3A_274 = arith.constant 0 : i32
    %dma_wait3A_275 = tpu.memref_slice %arg7[%dma_wait3A_271, %dma_wait3A_274] : memref<2x80xf32, #tpu.memory_space<vmem>> -> memref<1x80xf32, #tpu.memory_space<vmem>>
    %dma_wait3A_276 = tpu.memref_squeeze %dma_wait3A_275 : memref<1x80xf32, #tpu.memory_space<vmem>> -> memref<80xf32, #tpu.memory_space<vmem>>
    %dma_wait3A_277 = arith.constant 0 : i32
    %dma_wait3A_278 = arith.constant 0 : i32
    %dma_wait3A_279 = tpu.memref_slice %arg4[%add3A, %dma_wait3A_277, %dma_wait3A_278] : memref<32x125x80xf32, #tpu.memory_space<hbm>> -> memref<1x125x80xf32, #tpu.memory_space<hbm>>
    %dma_wait3A_280 = tpu.memref_squeeze %dma_wait3A_279 : memref<1x125x80xf32, #tpu.memory_space<hbm>> -> memref<125x80xf32, #tpu.memory_space<hbm>>
    %dma_wait3A_281 = arith.constant 0 : i32
    %dma_wait3A_282 = tpu.memref_slice %dma_wait3A_280[%dma_wait3A_272, %dma_wait3A_281] : memref<125x80xf32, #tpu.memory_space<hbm>> -> memref<1x80xf32, #tpu.memory_space<hbm>>
    %dma_wait3A_283 = tpu.memref_squeeze %dma_wait3A_282 : memref<1x80xf32, #tpu.memory_space<hbm>> -> memref<80xf32, #tpu.memory_space<hbm>>
    %dma_wait3A_284 = tpu.memref_slice %arg9[%dma_wait3A_273] : memref<2x!tpu.dma_semaphore, #tpu.memory_space<semaphore_mem>> -> memref<1x!tpu.dma_semaphore, #tpu.memory_space<semaphore_mem>>
    %dma_wait3A_285 = tpu.memref_squeeze %dma_wait3A_284 : memref<1x!tpu.dma_semaphore, #tpu.memory_space<semaphore_mem>> -> memref<!tpu.dma_semaphore, #tpu.memory_space<semaphore_mem>>
    %dma_wait3A_286 = arith.constant 0 : i32
    %dma_wait3A_287 = arith.constant 0 : i32
    %dma_wait3A_288 = tpu.memref_slice %arg4[%add3A, %dma_wait3A_286, %dma_wait3A_287] : memref<32x125x80xf32, #tpu.memory_space<hbm>> -> memref<1x125x80xf32, #tpu.memory_space<hbm>>
    %dma_wait3A_289 = tpu.memref_squeeze %dma_wait3A_288 : memref<1x125x80xf32, #tpu.memory_space<hbm>> -> memref<125x80xf32, #tpu.memory_space<hbm>>
    %dma_wait3A_290 = arith.constant 0 : i32
    %dma_wait3A_291 = tpu.memref_slice %dma_wait3A_289[%dma_wait3A_272, %dma_wait3A_290] : memref<125x80xf32, #tpu.memory_space<hbm>> -> memref<1x80xf32, #tpu.memory_space<hbm>>
    %dma_wait3A_292 = tpu.memref_squeeze %dma_wait3A_291 : memref<1x80xf32, #tpu.memory_space<hbm>> -> memref<80xf32, #tpu.memory_space<hbm>>
    %dma_wait3A_293 = arith.constant 0 : i32
    %dma_wait3A_294 = tpu.memref_slice %arg7[%dma_wait3A_271, %dma_wait3A_293] : memref<2x80xf32, #tpu.memory_space<vmem>> -> memref<1x80xf32, #tpu.memory_space<vmem>>
    %dma_wait3A_295 = tpu.memref_squeeze %dma_wait3A_294 : memref<1x80xf32, #tpu.memory_space<vmem>> -> memref<80xf32, #tpu.memory_space<vmem>>
    tpu.wait_dma2 semaphore(%dma_wait3A_285 : memref<!tpu.dma_semaphore, #tpu.memory_space<semaphore_mem>>) src(%dma_wait3A_295 : memref<80xf32, #tpu.memory_space<vmem>>) dst(%dma_wait3A_292 : memref<80xf32, #tpu.memory_space<hbm>>)
    return
  }
}

#map = affine_map<(d0, d1) -> (0, 0, 0)>
#map1 = affine_map<(d0, d1) -> (0)>
#map2 = affine_map<(d0, d1) -> (0, 0)>
module attributes {stable_mosaic.version = 14 : i64} {
  func.func @_deg_kernel(%arg0: i32, %arg1: i32, %arg2: memref<32x125x80xi32, #tpu.memory_space<hbm>>, %arg3: memref<320000xf32, #tpu.memory_space<hbm>>, %arg4: memref<2x10000xf32, #tpu.memory_space<hbm>>, %arg5: memref<10000xf32, #tpu.memory_space<vmem_shared>>, %arg6: memref<2000xf32, #tpu.memory_space<vmem>>, %arg7: memref<10000xf32, #tpu.memory_space<vmem>>, %arg8: memref<125x80xi32, #tpu.memory_space<vmem>>) attributes {dimension_semantics = [#tpu.dimension_semantics<core_parallel>, #tpu.dimension_semantics<subcore_parallel>], iteration_bounds = array<i64: 2, 16>, scalar_prefetch = 0 : i64, scratch_operands = 4 : i64, tpu.core_type = #tpu.core_type<sc_vector_subcore>, window_params = [{transform_indices = #map}, {transform_indices = #map1}, {transform_indices = #map2}]} {
    %mul3A = arith.constant 2 : i32
    %mul3A_0 = arith.muli %arg1, %mul3A : i32
    %add3A = arith.addi %mul3A_0, %arg0 : i32
    %eq3A = arith.constant 0 : i32
    %eq3A_1 = arith.cmpi eq, %arg1, %eq3A : i32
    %convert_element_type3A = arith.extui %eq3A_1 : i1 to i32
    %cond3A = arith.constant 0 : i32
    %cond3A_2 = arith.cmpi ne, %convert_element_type3A, %cond3A : i32
    scf.if %cond3A_2 {
      %scan3A_15 = arith.constant 0 : i32
      %scan3A_16 = arith.constant 125 : i32
      %scan3A_17 = arith.addi %scan3A_15, %scan3A_16 : i32
      %scan3A_18 = arith.constant 1 : i32
      scf.for %scan3A_20 = %scan3A_15 to %scan3A_17 step %scan3A_18  : i32 {
        %mul3A_21 = arith.constant 16 : i32
        %mul3A_22 = arith.muli %scan3A_20, %mul3A_21 : i32
        %add3A_23 = arith.constant 0 : i32
        %add3A_24 = arith.addi %add3A_23, %mul3A_22 : i32
        %broadcast_in_dim3A = arith.constant 0.000000e+00 : f32
        %broadcast_in_dim3A_25 = vector.broadcast %broadcast_in_dim3A : f32 to vector<16xf32>
        %swap3A = arith.index_cast %add3A_24 : i32 to index
        %swap3A_26 = tpu.vector_load %arg6[%swap3A] {strides = array<i32>} : memref<2000xf32, #tpu.memory_space<vmem>>, vector<16xf32>,
        tpu.vector_store %arg6[%swap3A], %broadcast_in_dim3A_25 {strides = array<i32>} : memref<2000xf32, #tpu.memory_space<vmem>>, vector<16xf32>,
      }
      %scan3A_19 = arith.constant 125 : i32
      "tpu.region"() ({
        %run_scoped3A = tpu.sem_alloc : memref<!tpu.dma_semaphore, #tpu.memory_space<semaphore_mem>>
        %dma_start3A = arith.constant 0 : i32
        %dma_start3A_20 = tpu.memref_slice %arg5[%dma_start3A] : memref<10000xf32, #tpu.memory_space<vmem_shared>> -> memref<2000xf32, #tpu.memory_space<vmem_shared>>
        %dma_start3A_21 = arith.constant 0 : i32
        %dma_start3A_22 = tpu.memref_slice %arg5[%dma_start3A_21] : memref<10000xf32, #tpu.memory_space<vmem_shared>> -> memref<2000xf32, #tpu.memory_space<vmem_shared>>
        tpu.enqueue_dma source(%arg6 : memref<2000xf32, #tpu.memory_space<vmem>>) target(%dma_start3A_22 : memref<2000xf32, #tpu.memory_space<vmem_shared>>) target_semaphore(%run_scoped3A : memref<!tpu.dma_semaphore, #tpu.memory_space<semaphore_mem>>)
        %dma_wait3A = arith.constant 0 : i32
        %dma_wait3A_23 = tpu.memref_slice %arg5[%dma_wait3A] : memref<10000xf32, #tpu.memory_space<vmem_shared>> -> memref<2000xf32, #tpu.memory_space<vmem_shared>>
        %dma_wait3A_24 = arith.constant 0 : i32
        %dma_wait3A_25 = tpu.memref_slice %arg5[%dma_wait3A_24] : memref<10000xf32, #tpu.memory_space<vmem_shared>> -> memref<2000xf32, #tpu.memory_space<vmem_shared>>
        tpu.wait_dma2 semaphore(%run_scoped3A : memref<!tpu.dma_semaphore, #tpu.memory_space<semaphore_mem>>) src(%arg6 : memref<2000xf32, #tpu.memory_space<vmem>>) dst(%dma_wait3A_25 : memref<2000xf32, #tpu.memory_space<vmem_shared>>)
        tpu.yield
      }) : () -> ()
      "tpu.region"() ({
        %run_scoped3A = tpu.sem_alloc : memref<!tpu.dma_semaphore, #tpu.memory_space<semaphore_mem>>
        %dma_start3A = arith.constant 2000 : i32
        %dma_start3A_20 = tpu.memref_slice %arg5[%dma_start3A] : memref<10000xf32, #tpu.memory_space<vmem_shared>> -> memref<2000xf32, #tpu.memory_space<vmem_shared>>
        %dma_start3A_21 = arith.constant 2000 : i32
        %dma_start3A_22 = tpu.memref_slice %arg5[%dma_start3A_21] : memref<10000xf32, #tpu.memory_space<vmem_shared>> -> memref<2000xf32, #tpu.memory_space<vmem_shared>>
        tpu.enqueue_dma source(%arg6 : memref<2000xf32, #tpu.memory_space<vmem>>) target(%dma_start3A_22 : memref<2000xf32, #tpu.memory_space<vmem_shared>>) target_semaphore(%run_scoped3A : memref<!tpu.dma_semaphore, #tpu.memory_space<semaphore_mem>>)
        %dma_wait3A = arith.constant 2000 : i32
        %dma_wait3A_23 = tpu.memref_slice %arg5[%dma_wait3A] : memref<10000xf32, #tpu.memory_space<vmem_shared>> -> memref<2000xf32, #tpu.memory_space<vmem_shared>>
        %dma_wait3A_24 = arith.constant 2000 : i32
        %dma_wait3A_25 = tpu.memref_slice %arg5[%dma_wait3A_24] : memref<10000xf32, #tpu.memory_space<vmem_shared>> -> memref<2000xf32, #tpu.memory_space<vmem_shared>>
        tpu.wait_dma2 semaphore(%run_scoped3A : memref<!tpu.dma_semaphore, #tpu.memory_space<semaphore_mem>>) src(%arg6 : memref<2000xf32, #tpu.memory_space<vmem>>) dst(%dma_wait3A_25 : memref<2000xf32, #tpu.memory_space<vmem_shared>>)
        tpu.yield
      }) : () -> ()
      "tpu.region"() ({
        %run_scoped3A = tpu.sem_alloc : memref<!tpu.dma_semaphore, #tpu.memory_space<semaphore_mem>>
        %dma_start3A = arith.constant 4000 : i32
        %dma_start3A_20 = tpu.memref_slice %arg5[%dma_start3A] : memref<10000xf32, #tpu.memory_space<vmem_shared>> -> memref<2000xf32, #tpu.memory_space<vmem_shared>>
        %dma_start3A_21 = arith.constant 4000 : i32
        %dma_start3A_22 = tpu.memref_slice %arg5[%dma_start3A_21] : memref<10000xf32, #tpu.memory_space<vmem_shared>> -> memref<2000xf32, #tpu.memory_space<vmem_shared>>
        tpu.enqueue_dma source(%arg6 : memref<2000xf32, #tpu.memory_space<vmem>>) target(%dma_start3A_22 : memref<2000xf32, #tpu.memory_space<vmem_shared>>) target_semaphore(%run_scoped3A : memref<!tpu.dma_semaphore, #tpu.memory_space<semaphore_mem>>)
        %dma_wait3A = arith.constant 4000 : i32
        %dma_wait3A_23 = tpu.memref_slice %arg5[%dma_wait3A] : memref<10000xf32, #tpu.memory_space<vmem_shared>> -> memref<2000xf32, #tpu.memory_space<vmem_shared>>
        %dma_wait3A_24 = arith.constant 4000 : i32
        %dma_wait3A_25 = tpu.memref_slice %arg5[%dma_wait3A_24] : memref<10000xf32, #tpu.memory_space<vmem_shared>> -> memref<2000xf32, #tpu.memory_space<vmem_shared>>
        tpu.wait_dma2 semaphore(%run_scoped3A : memref<!tpu.dma_semaphore, #tpu.memory_space<semaphore_mem>>) src(%arg6 : memref<2000xf32, #tpu.memory_space<vmem>>) dst(%dma_wait3A_25 : memref<2000xf32, #tpu.memory_space<vmem_shared>>)
        tpu.yield
      }) : () -> ()
      "tpu.region"() ({
        %run_scoped3A = tpu.sem_alloc : memref<!tpu.dma_semaphore, #tpu.memory_space<semaphore_mem>>
        %dma_start3A = arith.constant 6000 : i32
        %dma_start3A_20 = tpu.memref_slice %arg5[%dma_start3A] : memref<10000xf32, #tpu.memory_space<vmem_shared>> -> memref<2000xf32, #tpu.memory_space<vmem_shared>>
        %dma_start3A_21 = arith.constant 6000 : i32
        %dma_start3A_22 = tpu.memref_slice %arg5[%dma_start3A_21] : memref<10000xf32, #tpu.memory_space<vmem_shared>> -> memref<2000xf32, #tpu.memory_space<vmem_shared>>
        tpu.enqueue_dma source(%arg6 : memref<2000xf32, #tpu.memory_space<vmem>>) target(%dma_start3A_22 : memref<2000xf32, #tpu.memory_space<vmem_shared>>) target_semaphore(%run_scoped3A : memref<!tpu.dma_semaphore, #tpu.memory_space<semaphore_mem>>)
        %dma_wait3A = arith.constant 6000 : i32
        %dma_wait3A_23 = tpu.memref_slice %arg5[%dma_wait3A] : memref<10000xf32, #tpu.memory_space<vmem_shared>> -> memref<2000xf32, #tpu.memory_space<vmem_shared>>
        %dma_wait3A_24 = arith.constant 6000 : i32
        %dma_wait3A_25 = tpu.memref_slice %arg5[%dma_wait3A_24] : memref<10000xf32, #tpu.memory_space<vmem_shared>> -> memref<2000xf32, #tpu.memory_space<vmem_shared>>
        tpu.wait_dma2 semaphore(%run_scoped3A : memref<!tpu.dma_semaphore, #tpu.memory_space<semaphore_mem>>) src(%arg6 : memref<2000xf32, #tpu.memory_space<vmem>>) dst(%dma_wait3A_25 : memref<2000xf32, #tpu.memory_space<vmem_shared>>)
        tpu.yield
      }) : () -> ()
      "tpu.region"() ({
        %run_scoped3A = tpu.sem_alloc : memref<!tpu.dma_semaphore, #tpu.memory_space<semaphore_mem>>
        %dma_start3A = arith.constant 8000 : i32
        %dma_start3A_20 = tpu.memref_slice %arg5[%dma_start3A] : memref<10000xf32, #tpu.memory_space<vmem_shared>> -> memref<2000xf32, #tpu.memory_space<vmem_shared>>
        %dma_start3A_21 = arith.constant 8000 : i32
        %dma_start3A_22 = tpu.memref_slice %arg5[%dma_start3A_21] : memref<10000xf32, #tpu.memory_space<vmem_shared>> -> memref<2000xf32, #tpu.memory_space<vmem_shared>>
        tpu.enqueue_dma source(%arg6 : memref<2000xf32, #tpu.memory_space<vmem>>) target(%dma_start3A_22 : memref<2000xf32, #tpu.memory_space<vmem_shared>>) target_semaphore(%run_scoped3A : memref<!tpu.dma_semaphore, #tpu.memory_space<semaphore_mem>>)
        %dma_wait3A = arith.constant 8000 : i32
        %dma_wait3A_23 = tpu.memref_slice %arg5[%dma_wait3A] : memref<10000xf32, #tpu.memory_space<vmem_shared>> -> memref<2000xf32, #tpu.memory_space<vmem_shared>>
        %dma_wait3A_24 = arith.constant 8000 : i32
        %dma_wait3A_25 = tpu.memref_slice %arg5[%dma_wait3A_24] : memref<10000xf32, #tpu.memory_space<vmem_shared>> -> memref<2000xf32, #tpu.memory_space<vmem_shared>>
        tpu.wait_dma2 semaphore(%run_scoped3A : memref<!tpu.dma_semaphore, #tpu.memory_space<semaphore_mem>>) src(%arg6 : memref<2000xf32, #tpu.memory_space<vmem>>) dst(%dma_wait3A_25 : memref<2000xf32, #tpu.memory_space<vmem_shared>>)
        tpu.yield
      }) : () -> ()
    } else {
    }
    %barrier3A = arith.constant 0 : index
    tpu.barrier barrier_id(%barrier3A)
    %mul3A_3 = arith.constant 10000 : i32
    %mul3A_4 = arith.muli %add3A, %mul3A_3 : i32
    %multiple_of3A = tpu.assume_multiple %mul3A_4, 8 : i32
    "tpu.region"() ({
      %run_scoped3A = tpu.sem_alloc : memref<!tpu.dma_semaphore, #tpu.memory_space<semaphore_mem>>
      %dma_start3A = tpu.memref_slice %arg3[%multiple_of3A] : memref<320000xf32, #tpu.memory_space<hbm>> -> memref<10000xf32, #tpu.memory_space<hbm>>
      %dma_start3A_15 = tpu.memref_slice %arg3[%multiple_of3A] : memref<320000xf32, #tpu.memory_space<hbm>> -> memref<10000xf32, #tpu.memory_space<hbm>>
      tpu.enqueue_dma source(%dma_start3A_15 : memref<10000xf32, #tpu.memory_space<hbm>>) target(%arg7 : memref<10000xf32, #tpu.memory_space<vmem>>) target_semaphore(%run_scoped3A : memref<!tpu.dma_semaphore, #tpu.memory_space<semaphore_mem>>)
      %dma_wait3A = tpu.memref_slice %arg3[%multiple_of3A] : memref<320000xf32, #tpu.memory_space<hbm>> -> memref<10000xf32, #tpu.memory_space<hbm>>
      %dma_wait3A_16 = tpu.memref_slice %arg3[%multiple_of3A] : memref<320000xf32, #tpu.memory_space<hbm>> -> memref<10000xf32, #tpu.memory_space<hbm>>
      tpu.wait_dma2 semaphore(%run_scoped3A : memref<!tpu.dma_semaphore, #tpu.memory_space<semaphore_mem>>) src(%dma_wait3A_16 : memref<10000xf32, #tpu.memory_space<hbm>>) dst(%arg7 : memref<10000xf32, #tpu.memory_space<vmem>>)
      tpu.yield
    }) : () -> ()
    "tpu.region"() ({
      %run_scoped3A = tpu.sem_alloc : memref<!tpu.dma_semaphore, #tpu.memory_space<semaphore_mem>>
      %dma_start3A = arith.constant 0 : i32
      %dma_start3A_15 = arith.constant 0 : i32
      %dma_start3A_16 = tpu.memref_slice %arg2[%add3A, %dma_start3A, %dma_start3A_15] : memref<32x125x80xi32, #tpu.memory_space<hbm>> -> memref<1x125x80xi32, #tpu.memory_space<hbm>>
      %dma_start3A_17 = tpu.memref_squeeze %dma_start3A_16 : memref<1x125x80xi32, #tpu.memory_space<hbm>> -> memref<125x80xi32, #tpu.memory_space<hbm>>
      %dma_start3A_18 = arith.constant 0 : i32
      %dma_start3A_19 = arith.constant 0 : i32
      %dma_start3A_20 = tpu.memref_slice %arg2[%add3A, %dma_start3A_18, %dma_start3A_19] : memref<32x125x80xi32, #tpu.memory_space<hbm>> -> memref<1x125x80xi32, #tpu.memory_space<hbm>>
      %dma_start3A_21 = tpu.memref_squeeze %dma_start3A_20 : memref<1x125x80xi32, #tpu.memory_space<hbm>> -> memref<125x80xi32, #tpu.memory_space<hbm>>
      tpu.enqueue_dma source(%dma_start3A_21 : memref<125x80xi32, #tpu.memory_space<hbm>>) target(%arg8 : memref<125x80xi32, #tpu.memory_space<vmem>>) target_semaphore(%run_scoped3A : memref<!tpu.dma_semaphore, #tpu.memory_space<semaphore_mem>>)
      %dma_wait3A = arith.constant 0 : i32
      %dma_wait3A_22 = arith.constant 0 : i32
      %dma_wait3A_23 = tpu.memref_slice %arg2[%add3A, %dma_wait3A, %dma_wait3A_22] : memref<32x125x80xi32, #tpu.memory_space<hbm>> -> memref<1x125x80xi32, #tpu.memory_space<hbm>>
      %dma_wait3A_24 = tpu.memref_squeeze %dma_wait3A_23 : memref<1x125x80xi32, #tpu.memory_space<hbm>> -> memref<125x80xi32, #tpu.memory_space<hbm>>
      %dma_wait3A_25 = arith.constant 0 : i32
      %dma_wait3A_26 = arith.constant 0 : i32
      %dma_wait3A_27 = tpu.memref_slice %arg2[%add3A, %dma_wait3A_25, %dma_wait3A_26] : memref<32x125x80xi32, #tpu.memory_space<hbm>> -> memref<1x125x80xi32, #tpu.memory_space<hbm>>
      %dma_wait3A_28 = tpu.memref_squeeze %dma_wait3A_27 : memref<1x125x80xi32, #tpu.memory_space<hbm>> -> memref<125x80xi32, #tpu.memory_space<hbm>>
      tpu.wait_dma2 semaphore(%run_scoped3A : memref<!tpu.dma_semaphore, #tpu.memory_space<semaphore_mem>>) src(%dma_wait3A_28 : memref<125x80xi32, #tpu.memory_space<hbm>>) dst(%arg8 : memref<125x80xi32, #tpu.memory_space<vmem>>)
      tpu.yield
    }) : () -> ()
    %scan3A = arith.constant 0 : i32
    %scan3A_5 = arith.constant 125 : i32
    %scan3A_6 = arith.addi %scan3A, %scan3A_5 : i32
    %scan3A_7 = arith.constant 1 : i32
    scf.for %scan3A_15 = %scan3A to %scan3A_6 step %scan3A_7  : i32 {
      %mul3A_16 = arith.constant 1 : i32
      %mul3A_17 = arith.muli %scan3A_15, %mul3A_16 : i32
      %add3A_18 = arith.constant 0 : i32
      %add3A_19 = arith.addi %add3A_18, %mul3A_17 : i32
      %mul3A_20 = arith.constant 80 : i32
      %mul3A_21 = arith.muli %add3A_19, %mul3A_20 : i32
      %multiple_of3A_22 = tpu.assume_multiple %mul3A_21, 8 : i32
      "tpu.region"() ({
        %run_scoped3A = tpu.sem_alloc : memref<!tpu.dma_semaphore, #tpu.memory_space<semaphore_mem>>
        %dma_start3A = tpu.memref_slice %arg7[%multiple_of3A_22] : memref<10000xf32, #tpu.memory_space<vmem>> -> memref<80xf32, #tpu.memory_space<vmem>>
        %dma_start3A_23 = arith.constant 0 : i32
        %dma_start3A_24 = tpu.memref_slice %arg8[%add3A_19, %dma_start3A_23] : memref<125x80xi32, #tpu.memory_space<vmem>> -> memref<1x80xi32, #tpu.memory_space<vmem>>
        %dma_start3A_25 = tpu.memref_squeeze %dma_start3A_24 : memref<1x80xi32, #tpu.memory_space<vmem>> -> memref<80xi32, #tpu.memory_space<vmem>>
        %dma_start3A_26 = arith.constant 0 : i32
        %dma_start3A_27 = tpu.memref_slice %arg5[%dma_start3A_26] : memref<10000xf32, #tpu.memory_space<vmem_shared>> -> memref<10000xf32, #tpu.memory_space<vmem_shared>>
        tpu.enqueue_indirect_dma source(%dma_start3A : memref<80xf32, #tpu.memory_space<vmem>>) target(%dma_start3A_27 : memref<10000xf32, #tpu.memory_space<vmem_shared>>) offsets(%dma_start3A_25 : memref<80xi32, #tpu.memory_space<vmem>>) semaphore(%run_scoped3A : memref<!tpu.dma_semaphore, #tpu.memory_space<semaphore_mem>>) {add = true}
        %dma_wait3A = tpu.memref_slice %arg7[%multiple_of3A_22] : memref<10000xf32, #tpu.memory_space<vmem>> -> memref<80xf32, #tpu.memory_space<vmem>>
        %dma_wait3A_28 = arith.constant 0 : i32
        %dma_wait3A_29 = tpu.memref_slice %arg8[%add3A_19, %dma_wait3A_28] : memref<125x80xi32, #tpu.memory_space<vmem>> -> memref<1x80xi32, #tpu.memory_space<vmem>>
        %dma_wait3A_30 = tpu.memref_squeeze %dma_wait3A_29 : memref<1x80xi32, #tpu.memory_space<vmem>> -> memref<80xi32, #tpu.memory_space<vmem>>
        %dma_wait3A_31 = arith.constant 0 : i32
        %dma_wait3A_32 = tpu.memref_slice %arg5[%dma_wait3A_31] : memref<10000xf32, #tpu.memory_space<vmem_shared>> -> memref<10000xf32, #tpu.memory_space<vmem_shared>>
        tpu.wait_indirect_dma semaphore(%run_scoped3A : memref<!tpu.dma_semaphore, #tpu.memory_space<semaphore_mem>>) src(%dma_wait3A : memref<80xf32, #tpu.memory_space<vmem>>) dst(%dma_wait3A_32 : memref<10000xf32, #tpu.memory_space<vmem_shared>>)
        tpu.yield
      }) : () -> ()
    }
    %scan3A_8 = arith.constant 125 : i32
    %barrier3A_9 = arith.constant 0 : index
    tpu.barrier barrier_id(%barrier3A_9)
    %eq3A_10 = arith.constant 0 : i32
    %eq3A_11 = arith.cmpi eq, %arg1, %eq3A_10 : i32
    %convert_element_type3A_12 = arith.extui %eq3A_11 : i1 to i32
    %cond3A_13 = arith.constant 0 : i32
    %cond3A_14 = arith.cmpi ne, %convert_element_type3A_12, %cond3A_13 : i32
    scf.if %cond3A_14 {
      "tpu.region"() ({
        %run_scoped3A = tpu.sem_alloc : memref<!tpu.dma_semaphore, #tpu.memory_space<semaphore_mem>>
        %dma_start3A = arith.constant 0 : i32
        %dma_start3A_15 = tpu.memref_slice %arg4[%arg0, %dma_start3A] : memref<2x10000xf32, #tpu.memory_space<hbm>> -> memref<1x10000xf32, #tpu.memory_space<hbm>>
        %dma_start3A_16 = tpu.memref_squeeze %dma_start3A_15 : memref<1x10000xf32, #tpu.memory_space<hbm>> -> memref<10000xf32, #tpu.memory_space<hbm>>
        tpu.enqueue_dma source(%arg5 : memref<10000xf32, #tpu.memory_space<vmem_shared>>) target(%dma_start3A_16 : memref<10000xf32, #tpu.memory_space<hbm>>) target_semaphore(%run_scoped3A : memref<!tpu.dma_semaphore, #tpu.memory_space<semaphore_mem>>)
        %dma_wait3A = arith.constant 0 : i32
        %dma_wait3A_17 = tpu.memref_slice %arg4[%arg0, %dma_wait3A] : memref<2x10000xf32, #tpu.memory_space<hbm>> -> memref<1x10000xf32, #tpu.memory_space<hbm>>
        %dma_wait3A_18 = tpu.memref_squeeze %dma_wait3A_17 : memref<1x10000xf32, #tpu.memory_space<hbm>> -> memref<10000xf32, #tpu.memory_space<hbm>>
        tpu.wait_dma2 semaphore(%run_scoped3A : memref<!tpu.dma_semaphore, #tpu.memory_space<semaphore_mem>>) src(%arg5 : memref<10000xf32, #tpu.memory_space<vmem_shared>>) dst(%dma_wait3A_18 : memref<10000xf32, #tpu.memory_space<hbm>>)
        tpu.yield
      }) : () -> ()
    } else {
    }
    return
  }
}

module attributes {stable_mosaic.version = 14 : i64} {
  func.func @_dis_body(%arg0: memref<2x10000xf32, #tpu.memory_space<vmem>>, %arg1: memref<10000xf32, #tpu.memory_space<vmem>>, %arg2: memref<10000xf32, #tpu.memory_space<vmem>>) attributes {dimension_semantics = [], scalar_prefetch = 0 : i64, scratch_operands = 0 : i64, tpu.core_type = #tpu.core_type<tc>} {
    %get3A = arith.constant 0 : index
    %get3A_0 = arith.constant 0 : index
    %get3A_1 = vector.load %arg0[%get3A, %get3A_0] : memref<2x10000xf32, #tpu.memory_space<vmem>>, vector<1x10000xf32>
    %get3A_2 = vector.shape_cast %get3A_1 : vector<1x10000xf32> to vector<10000xf32>
    %get3A_3 = arith.constant 1 : index
    %get3A_4 = arith.constant 0 : index
    %get3A_5 = vector.load %arg0[%get3A_3, %get3A_4] : memref<2x10000xf32, #tpu.memory_space<vmem>>, vector<1x10000xf32>
    %get3A_6 = vector.shape_cast %get3A_5 : vector<1x10000xf32> to vector<10000xf32>
    %add3A = arith.addf %get3A_2, %get3A_6 : vector<10000xf32>
    %add3A_7 = arith.constant 1.000000e+00 : f32
    %add3A_8 = vector.broadcast %add3A_7 : f32 to vector<10000xf32>
    %add3A_9 = arith.addf %add3A, %add3A_8 : vector<10000xf32>
    %rsqrt3A = math.rsqrt %add3A_9 : vector<10000xf32>
    %swap3A = arith.constant 0 : index
    %swap3A_10 = vector.load %arg1[%swap3A] : memref<10000xf32, #tpu.memory_space<vmem>>, vector<10000xf32>
    tpu.vector_store %arg1[%swap3A], %rsqrt3A {strides = array<i32>} : memref<10000xf32, #tpu.memory_space<vmem>>, vector<10000xf32>,
    %div3A = arith.constant 1.000000e+00 : f32
    %div3A_11 = vector.broadcast %div3A : f32 to vector<10000xf32>
    %div3A_12 = arith.divf %div3A_11, %add3A_9 : vector<10000xf32>
    %swap3A_13 = arith.constant 0 : index
    %swap3A_14 = vector.load %arg2[%swap3A_13] : memref<10000xf32, #tpu.memory_space<vmem>>, vector<10000xf32>
    tpu.vector_store %arg2[%swap3A_13], %div3A_12 {strides = array<i32>} : memref<10000xf32, #tpu.memory_space<vmem>>, vector<10000xf32>,
    return
  }
}

module attributes {stable_mosaic.version = 14 : i64} {
  func.func @_mm_body(%arg0: i32, %arg1: memref<2000x128xf32, #tpu.memory_space<vmem>>, %arg2: memref<128x64xf32, #tpu.memory_space<vmem>>, %arg3: memref<128x64xf32, #tpu.memory_space<vmem>>, %arg4: memref<2000x64xi32, #tpu.memory_space<vmem>>) attributes {dimension_semantics = [#tpu.dimension_semantics<arbitrary>], iteration_bounds = array<i64: 60>, scalar_prefetch = 0 : i64, scratch_operands = 0 : i64, tpu.core_type = #tpu.core_type<tc>, window_params = [{transform_indices = @transform_0, window_bounds = array<i64: 2000, 128>}, {pipeline_mode = #tpu.pipeline_mode<synchronous>, transform_indices = @transform_1, window_bounds = array<i64: 128, 64>}, {pipeline_mode = #tpu.pipeline_mode<synchronous>, transform_indices = @transform_2, window_bounds = array<i64: 128, 64>}, {transform_indices = @transform_3, window_bounds = array<i64: 2000, 64>}]} {
    %get3A = arith.constant 0 : index
    %get3A_0 = arith.constant 0 : index
    %get3A_1 = vector.load %arg1[%get3A, %get3A_0] : memref<2000x128xf32, #tpu.memory_space<vmem>>, vector<2000x128xf32>
    %get3A_2 = arith.constant 0 : index
    %get3A_3 = arith.constant 0 : index
    %get3A_4 = vector.load %arg2[%get3A_2, %get3A_3] : memref<128x64xf32, #tpu.memory_space<vmem>>, vector<128x64xf32>
    %dot_general3A = arith.constant dense<0.000000e+00> : vector<2000x64xf32>
    %dot_general3A_5 = tpu.matmul %get3A_1, %get3A_4, %dot_general3A {dimension_numbers = #tpu.dot_dimension_numbers<[1], [0], [0], [1], [0, 0, 1, 1], [], []>, transpose_lhs_hint = false} : vector<2000x128xf32>, vector<128x64xf32>, vector<2000x64xf32> -> vector<2000x64xf32>
    %get3A_6 = arith.constant 0 : index
    %get3A_7 = arith.constant 0 : index
    %get3A_8 = vector.load %arg3[%get3A_6, %get3A_7] : memref<128x64xf32, #tpu.memory_space<vmem>>, vector<128x64xf32>
    %dot_general3A_9 = arith.constant dense<0.000000e+00> : vector<2000x64xf32>
    %dot_general3A_10 = tpu.matmul %get3A_1, %get3A_8, %dot_general3A_9 {dimension_numbers = #tpu.dot_dimension_numbers<[1], [0], [0], [1], [0, 0, 1, 1], [], []>, transpose_lhs_hint = false} : vector<2000x128xf32>, vector<128x64xf32>, vector<2000x64xf32> -> vector<2000x64xf32>
    %bitcast_convert_type3A = tpu.bitcast %dot_general3A_5 : vector<2000x64xf32> -> vector<2000x64xi32>
    %shift_right_arithmetic3A = arith.constant 16 : i32
    %shift_right_arithmetic3A_11 = vector.broadcast %shift_right_arithmetic3A : i32 to vector<2000x64xi32>
    %shift_right_arithmetic3A_12 = arith.shrsi %bitcast_convert_type3A, %shift_right_arithmetic3A_11 : vector<2000x64xi32>
    %and3A = arith.constant 1 : i32
    %and3A_13 = vector.broadcast %and3A : i32 to vector<2000x64xi32>
    %and3A_14 = arith.andi %shift_right_arithmetic3A_12, %and3A_13 : vector<2000x64xi32>
    %add3A = arith.constant 32767 : i32
    %add3A_15 = vector.broadcast %add3A : i32 to vector<2000x64xi32>
    %add3A_16 = arith.addi %add3A_15, %and3A_14 : vector<2000x64xi32>
    %add3A_17 = arith.addi %bitcast_convert_type3A, %add3A_16 : vector<2000x64xi32>
    %shift_right_arithmetic3A_18 = arith.constant 16 : i32
    %shift_right_arithmetic3A_19 = vector.broadcast %shift_right_arithmetic3A_18 : i32 to vector<2000x64xi32>
    %shift_right_arithmetic3A_20 = arith.shrsi %add3A_17, %shift_right_arithmetic3A_19 : vector<2000x64xi32>
    %and3A_21 = arith.constant 65535 : i32
    %and3A_22 = vector.broadcast %and3A_21 : i32 to vector<2000x64xi32>
    %and3A_23 = arith.andi %shift_right_arithmetic3A_20, %and3A_22 : vector<2000x64xi32>
    %bitcast_convert_type3A_24 = tpu.bitcast %dot_general3A_10 : vector<2000x64xf32> -> vector<2000x64xi32>
    %shift_right_arithmetic3A_25 = arith.constant 16 : i32
    %shift_right_arithmetic3A_26 = vector.broadcast %shift_right_arithmetic3A_25 : i32 to vector<2000x64xi32>
    %shift_right_arithmetic3A_27 = arith.shrsi %bitcast_convert_type3A_24, %shift_right_arithmetic3A_26 : vector<2000x64xi32>
    %and3A_28 = arith.constant 1 : i32
    %and3A_29 = vector.broadcast %and3A_28 : i32 to vector<2000x64xi32>
    %and3A_30 = arith.andi %shift_right_arithmetic3A_27, %and3A_29 : vector<2000x64xi32>
    %add3A_31 = arith.constant 32767 : i32
    %add3A_32 = vector.broadcast %add3A_31 : i32 to vector<2000x64xi32>
    %add3A_33 = arith.addi %add3A_32, %and3A_30 : vector<2000x64xi32>
    %add3A_34 = arith.addi %bitcast_convert_type3A_24, %add3A_33 : vector<2000x64xi32>
    %and3A_35 = arith.constant -65536 : i32
    %and3A_36 = vector.broadcast %and3A_35 : i32 to vector<2000x64xi32>
    %and3A_37 = arith.andi %add3A_34, %and3A_36 : vector<2000x64xi32>
    %or3A = arith.ori %and3A_23, %and3A_37 : vector<2000x64xi32>
    %swap3A = arith.constant 0 : index
    %swap3A_38 = arith.constant 0 : index
    %swap3A_39 = vector.load %arg4[%swap3A, %swap3A_38] : memref<2000x64xi32, #tpu.memory_space<vmem>>, vector<2000x64xi32>
    tpu.vector_store %arg4[%swap3A, %swap3A_38], %or3A {strides = array<i32>} : memref<2000x64xi32, #tpu.memory_space<vmem>>, vector<2000x64xi32>,
    return
  }
  func.func @transform_0(%arg0: i32) -> (i32, i32) {
    %c0_i32 = arith.constant 0 : i32
    %c0_i32_0 = arith.constant 0 : i32
    return %arg0, %c0_i32 : i32, i32
  }
  func.func @transform_1(%arg0: i32) -> (i32, i32) {
    %c0_i32 = arith.constant 0 : i32
    %c0_i32_0 = arith.constant 0 : i32
    %c0_i32_1 = arith.constant 0 : i32
    return %c0_i32, %c0_i32_0 : i32, i32
  }
  func.func @transform_2(%arg0: i32) -> (i32, i32) {
    %c0_i32 = arith.constant 0 : i32
    %c0_i32_0 = arith.constant 0 : i32
    %c0_i32_1 = arith.constant 0 : i32
    return %c0_i32, %c0_i32_0 : i32, i32
  }
  func.func @transform_3(%arg0: i32) -> (i32, i32) {
    %c0_i32 = arith.constant 0 : i32
    %c0_i32_0 = arith.constant 0 : i32
    return %arg0, %c0_i32 : i32, i32
  }
}

</mosaic_0001>

<sc_bundles>
// kernel: kernel.10.cloned.1.call-start
scs
__scs_entry_jumppad:
0x0: {  	(pc) =	sbr.rel $0x88, $3  }
0x1: {  	(tag) =	ssettag $0x0;
	lr =	simm.s32 $0x1  }
0x2: {  	[smem:$0x3F9C] =	sst lr;
	_ =	strace $0xD0000000  }
0x3: {  	_ = 	snop  }
0x4: {  	_ = 	snop  }
0x5: {  	_ = 	snop  }
0x6: {  	_ = 	snop  }
0x7: {  	_ = 	snop  }
__scs_overlays_trampoline_lowered:
0x8: {  	[smem:$0x3FAB] =	sst s0  }
0x9: {  	[smem:$0x3FAC] =	sst s1  }
0xa: {  	[smem:$0x3FAD] =	sst s2  }
0xb: {  	[smem:$0x3FAE] =	sst s3  }
0xc: {  	[smem:$0x3FAF] =	sst s4  }
0xd: {  	[smem:$0x3FB0] =	sst s5  }
0xe: {  	[smem:$0x3FB1] =	sst s6  }
0xf: {  	[smem:$0x3FB2] =	sst s7  }
0x10: {  	[smem:$0x3FB3] =	sst s8  }
0x11: {  	[smem:$0x3FB4] =	sst s9;
	s0 =	simm.s32 @!p0 $0x0  }
0x12: {  	s1 =	sld [smem:$0x3F9A];
	s0 =	simm.s32 @p0 $0x1  }
0x13: {  	[smem:$0x3FB5] =	sst s0;
	s0 =	simm.s32 @!p1 $0x0  }
0x14: {  	s2 =	sld [smem:$0x3F99];
	s0 =	simm.s32 @p1 $0x1  }
0x15: {  	[smem:$0x3FB6] =	sst s0;
	s0 =	simm.s32 @!p2 $0x0  }
0x16: {  	s3 =	sld [smem:$0x3FDB];
	s0 =	simm.s32 @p2 $0x1  }
0x17: {  	s4 =	simm.s32 $0x1BF5;
	[smem:$0x3FB8] =	sst s0  }
0x18: {  	s0 =	sld [smem:$0x3F9B];
	_ =	swait.ge [sflag:s4], $0x0  }
0x19: {  	s7 =	sld [smem:$0x3F9C]  }
0x1a: {  	s8 =	sadd.s32 $0xFFFFE003, lr  }
0x1b: {  	s9 =	sadd.s32 $0xFFFFFEF7, lr;
	s5 =	simm.s32 $0xFFFFFFFF;
	p2 =	slt.u32 s8, $0xFFFFF086  }
0x1c: {  	p1 =	slt.u32 s9, $0xF7A;
	s5 =	simm.s32 @!p2 $0x0  }
0x1d: {  	s5 =	simm.s32 @p1 $0x1;
	p0 =	seq.s32 s7, s2  }
0x1e: {  	s7 =	smul.u32 @!p0 $0xF7A, s2;
	p2 =	seq.s32 @!p0 s5, $0x0  }
0x1f: {  	s9 =	smul.u32 $0xF7A, s1;
	s8 =	simm.s32 @!p0 $0x1BF5;
	p2 =	por !p2, p0  }
0x20: {  	[sflag:s8] =	ssyncset.s32 @!p0 $0xFFFFF086;
	s6 =	sadd.s32 @!p0 s3, s7;
	s7 =	simm.s32 @!p0 $0x108  }
0x21: {  	s3 =	sadd.s32 s3, s9;
	s6 =	sadd.s32 @!p0 $0x88, s6;
	s7 =	simm.s32 @p2 $0x1082  }
0x22: {  	[simem:s7], [sflag:s8] =	dma.local @!p0 [hbm:s6], $0xF7A  }
0x23: {  	s9 =	sor.u32 $0xD0000000, s2;
	s6 =	simm.s32 $0x108;
	_ =	swait.ge @!p0 [sflag:s8], $0x0  }
0x24: {  	s3 =	sadd.s32 $0x88, s3;
	s6 =	simm.s32 @!p1 $0x1082;
	[sflag:s4] =	ssyncset.s32 $0xFFFFF086  }
0x25: {  	[simem:s6], [sflag:s4] =	dma.local [hbm:s3], $0xF7A  }
0x26: {  	[smem:$0x3F9C] =	sst s1;
	(tag) =	ssettag s2;
	_ =	strace s9  }
0x27: {  	s1 =	sld [smem:$0x3FAC]  }
0x28: {  	s2 =	sld [smem:$0x3FAD]  }
0x29: {  	s4 =	sld [smem:$0x3FAF]  }
0x2a: {  	p0 =	seq.s32 s5, $0x0;
	s5 =	sld [smem:$0x3FB0]  }
0x2b: {  	s6 =	sld [smem:$0x3FB1]  }
0x2c: {  	s7 =	sld [smem:$0x3FB2]  }
0x2d: {  	s3 =	simm.s32 $0x108;
	s8 =	sld [smem:$0x3FB3]  }
0x2e: {  	s3 =	simm.s32 @!p0 $0x1082;
	s9 =	sld [smem:$0x3FB4]  }
0x2f: {  	lr =	sadd.s32 s0, s3;
	s0 =	sld [smem:$0x3FAB]  }
0x30: {  	s3 =	sld [smem:$0x3FAE]  }
0x31: {  	[smem:$0x3FB7] =	sst s10  }
0x32: {  	s10 =	sld [smem:$0x3FB5];
	_ =	sdelay $0x3  }
0x33: {  	p0 =	seq.s32 s10, $0x1;
	s10 =	sld [smem:$0x3FB7];
	_ =	sdelay $0x3  }
0x34: {  	[smem:$0x3FB7] =	sst s10  }
0x35: {  	s10 =	sld [smem:$0x3FB6];
	_ =	sdelay $0x3  }
0x36: {  	p1 =	seq.s32 s10, $0x1;
	s10 =	sld [smem:$0x3FB7];
	_ =	sdelay $0x3  }
0x37: {  	[smem:$0x3FB7] =	sst s10  }
0x38: {  	s10 =	sld [smem:$0x3FB8]  }
0x39: {  	_ = 	snop;
	(pc) =	sbr.ind lr, $3  }
0x3a: {  	_ = 	snop  }
0x3b: {  	_ = 	snop  }
0x3c: {  	p2 =	seq.s32 s10, $0x1;
	s10 =	sld [smem:$0x3FB7]  }
0x3d: {  	_ =	shalt  }
0x3e: {  	_ =	shalt  }
0x3f: {  	_ =	shalt  }
0x40: {  	_ =	shalt  }
0x41: {  	_ =	shalt  }
0x42: {  	_ =	shalt  }
0x43: {  	_ =	shalt  }
0x44: {  	_ =	shalt  }
0x45: {  	_ =	shalt  }
0x46: {  	_ =	shalt  }
0x47: {  	_ =	shalt  }
0x48: {  	_ =	shalt  }
0x49: {  	_ =	shalt  }
0x4a: {  	_ =	shalt  }
0x4b: {  	_ =	shalt  }
0x4c: {  	_ =	shalt  }
0x4d: {  	_ =	shalt  }
0x4e: {  	_ =	shalt  }
0x4f: {  	_ =	shalt  }
0x50: {  	_ =	shalt  }
0x51: {  	_ =	shalt  }
0x52: {  	_ =	shalt  }
0x53: {  	_ =	shalt  }
0x54: {  	_ =	shalt  }
0x55: {  	_ =	shalt  }
0x56: {  	_ =	shalt  }
0x57: {  	_ =	shalt  }
0x58: {  	_ =	shalt  }
0x59: {  	_ =	shalt  }
0x5a: {  	_ =	shalt  }
0x5b: {  	_ =	shalt  }
0x5c: {  	_ =	shalt  }
0x5d: {  	_ =	shalt  }
0x5e: {  	_ =	shalt  }
0x5f: {  	_ =	shalt  }
0x60: {  	_ =	shalt  }
0x61: {  	_ =	shalt  }
0x62: {  	_ =	shalt  }
0x63: {  	_ =	shalt  }
0x64: {  	_ =	shalt  }
0x65: {  	_ =	shalt  }
0x66: {  	_ =	shalt  }
0x67: {  	_ =	shalt  }
0x68: {  	_ =	shalt  }
0x69: {  	_ =	shalt  }
0x6a: {  	_ =	shalt  }
0x6b: {  	_ =	shalt  }
0x6c: {  	_ =	shalt  }
0x6d: {  	_ =	shalt  }
0x6e: {  	_ =	shalt  }
0x6f: {  	_ =	shalt  }
0x70: {  	_ =	shalt  }
0x71: {  	_ =	shalt  }
0x72: {  	_ =	shalt  }
0x73: {  	_ =	shalt  }
0x74: {  	_ =	shalt  }
0x75: {  	_ =	shalt  }
0x76: {  	_ =	shalt  }
0x77: {  	_ =	shalt  }
0x78: {  	_ =	shalt  }
0x79: {  	_ =	shalt  }
0x7a: {  	_ =	shalt  }
0x7b: {  	_ =	shalt  }
0x7c: {  	_ =	shalt  }
0x7d: {  	_ =	shalt  }
0x7e: {  	_ =	shalt  }
0x7f: {  	_ =	shalt  }
0x80: {  	_ =	shalt  }
0x81: {  	_ =	shalt  }
0x82: {  	_ =	shalt  }
0x83: {  	_ =	shalt  }
0x84: {  	_ =	shalt  }
0x85: {  	_ =	shalt  }
0x86: {  	_ =	shalt  }
0x87: {  	_ =	shalt  }
.Lfunc_end0:
.L_simem_size_0:
called_computation.1_lowered:
.L_overlay_start_0:
0x88: {  	s2 =	sld [smem:$0x3FD9]  }
0x89: {  	s3 =	sld [smem:$0x3FFE];
	_ =	sdelay $0x1  }
0x8a: {  	s1 =	srdreg.scid  }
0x8b: {  	s0 =	sand.u32 $0x1, s1  }
0x8c: {  	s16 =	sshll.u32 s0, $0xA;
	s2 =	sadd.s32 s3, s2  }
0x8d: {  	s2 =	sadd.s32 s2, s16  }
0x8e: {  	[smem:$0x3FC3] =	sst s2  }
0x8f: {  	_ = 	snop  }
0x90: {  	(tm) =	ssettm $0x1  }
0x91: {  	s17 =	sld [smem:$0x3FFB];
	_ =	sdelay $0x3  }
0x92: {  	_ =	strace s17  }
0x93: {  	s2 =	sld [smem:$0x3FFC];
	_ =	sdelay $0x3  }
0x94: {  	_ =	strace s2  }
0x95: {  	s2 =	sld [smem:$0x3FFD];
	_ =	sdelay $0x3  }
0x96: {  	_ =	strace s2  }
0x97: {  	_ =	strace $0x8FFFFFFF  }
0x98: {  	s18 =	sld [smem:$0x3FDB];
	_ =	sdelay $0x1  }
0x99: {  	s19 =	simm.s32 $_scs_section_size  }
0x9a: {  	s4 =	simm.s32 $_size__tile_overlayer_lowered;
	s5 =	simm.s32 $_tile_overlayer_lowered  }
0x9b: {  	s22 =	simm.s32 $0x1BFF;
	s21 =	sshll.u32 s5, $0x1;
	s2 =	sadd.s32 s19, s18  }
0x9c: {  	s6 =	simm.s32 $0x0;
	s20 =	sshll.u32 s4, $0x1;
	s4 =	sadd.s32 s21, s2  }
0x9d: {  	[timem:s6], [sflag:s22] =	dma.local [hbm:s4], s20  }
0x9e: {  	_ =	swait.ge [sflag:s22], s20  }
0x9f: {  	s3 =	ssub.s32 $0x0, s20;
	[sflag:s22] =	ssyncset.done $0x0  }
0xa0: {  	[sflag:s22] =	ssyncadd.s32 s3;
	_ =	sdelay $0x1  }
0xa1: {  	s23 =	simm.s32 $0x1B8B  }
0xa2: {  	_ =	swait.ge [sflag:s23], $0x1  }
0xa3: {  	[sflag:s23] =	ssyncset.done $0x0  }
0xa4: {  	s25 =	simm.s32 $0x1B8E;
	s24 =	sld [smem:$0x3FFE];
	[sflag:s23] =	ssyncadd.s32 $0xFFFFFFFF  }
0xa5: {  	s26 =	simm.s32 $execute0_lowered;
	[smem:$0x3FD2] =	sst s25  }
0xa6: {  	s4 =	sshll.u32 s26, $0x1;
	_ =	strace $0x80000049;
	[dreg:$0x1] =	wrdreg $0xFFFFFFFF  }
0xa7: {  	s28 =	simm.s32 $_size_execute0_lowered;
	s2 =	sadd.s32 s2, s4;
	[dreg:$0x0] =	wrdreg $0x0  }
0xa8: {  	s4 =	sshll.u32 s28, $0x1;
	[dreg:$0x2] =	wrdreg s2  }
0xa9: {  	[dreg:$0x3] =	wrdreg s4  }
0xaa: {  	[dreg:$0x4] =	wrdreg $0xC0  }
0xab: {  	_ =	task [dreg:s6], $0x5FFFF  }
0xac: {  	[dreg:$0x1] =	wrdreg $0xFFFFFFFF  }
0xad: {  	[dreg:$0x0] =	wrdreg $0x60  }
0xae: {  	[dreg:$0x2] =	wrdreg s24  }
0xaf: {  	[dreg:$0x3] =	wrdreg $0x9  }
0xb0: {  	_ =	task.clear_ibuf [dreg:s6], $0x4FFFF;
	_ =	strace $0x90000049  }
0xb1: {  	s29 =	simm.s32 $0x9;
	_ =	strace $0x8000004B  }
0xb2: {  	_ =	swait.ge [sflag:s29], $0x1  }
0xb3: {  	[sflag:s29] =	ssyncadd.s32 $0xFFFFFFFF  }
0xb4: {  	_ =	strace $0x9000004B  }
0xb5: {  	_ =	sfence  }
0xb6: {  	s30 =	sld [smem:$0x0];
	_ =	sdelay $0x2  }
0xb7: {  	s31 =	sshll.u32 s1, $0xD;
	s1 =	sshrl.u32 s1, $0x2  }
0xb8: {  	s3 =	sand.u32 $0x4000, s31;
	s1 =	sadd.s32 s1, s30  }
0xb9: {  	s0 =	sor.u32 s3, s0;
	s1 =	sshll.u32 s1, $0x11  }
0xba: {  	s0 =	sor.u32 s1, s0  }
0xbb: {  	s0 =	sadd.s32 $0x8F2B, s0  }
0xbc: {  	[sflag:s0] =	ssyncadd.remote.s32 $0x1  }
0xbd: {  	_ =	sfence.sel $0xFFFF  }
0xbe: {  	[dreg:$0x0] =	wrdreg $0xFFFFFFFF;
	(pc) =	sbr.abs _section_cstart, $3  }
0xbf: {  	[dreg:$0x1] =	wrdreg $0xFFFFFFFF  }
0xc0: {  	_ =	task.clear_ibuf [dreg:s6], $0x2FFFF;
	_ =	strace $0x9FFFFFFF  }
0xc1: {  	(tm) =	ssettm $0x7FFFFFFF  }
tec
execute0_lowered:
.L_overlay_start_1:
0x0: {  	(tag) =	ssettag $0x1  }
0x1: {  	s1 =	srdreg.scid  }
0x2: {  	s0 =	stileid.u32;
	s4 =	rddreg [dreg:$0x0]  }
0x3: {  	s2 =	simm.s32 $0x0;
	s10 =	simm.s32 $0x2800;
	s11 =	simm.s32 $0x1  }
0x4: {  	s12 =	simm.s32 $0x28F0;
	s13 =	simm.s32 $0x2;
	s14 =	simm.s32 $0x2940  }
0x5: {  	s15 =	simm.s32 $0x3;
	s3 =	sand.u32 $0x1, s1;
	s31 =	sshll.u32 s0, $0x1  }
0x6: {  	s17 =	simm.s32 $0x4;
	s18 =	simm.s32 $0x0;
	s5 =	sor.u32 s3, s31  }
0x7: {  	s1 =	rddreg [dreg:$0x1];
	s7 =	ssub.s32 $0x2, s3;
	s6 =	smul.u32 $0xEA6, s5  }
0x8: {  	[smem:$0x7FF] =	sst s2;
	s5 =	smul.u32 $0x4E2, s5;
	s8 =	sshrl.u32 s7, $0x1  }
0x9: {  	_ =	strace $0x8000004A;
	s3 =	sadd.s32 $0x1400, s4;
	s7 =	ssub.s32 s7, s8  }
0xa: {  	s8 =	simm.s32 $0x2710;
	s6 =	sadd.s32 s6, s4;
	s5 =	sadd.s32 s5, s4  }
0xb: {  	s4 =	sadd.s32 $0x1E00, s6;
	s5 =	sadd.s32 $0x1F400, s5;
	s6 =	smax.u32 s7, $0x1  }
0xc: {  	s7 =	simm.s32 $0x5;
	s9 =	sadd.s32 $0x3C, s4;
	s16 =	sadd.s32 $0x4D8, s5  }
.LBB2_1:
0xd: {  	[tilespmem:s2], [sflag:$0x5] =	stream.linear.gather [hbm4b:s3+s2], $0x2710, $0x38;
	[tilespmem:$0x2990] =	vst v63  }
0xe: {  	_ =	swait.ge [sflag:s7], $0x2710  }
0xf: {  	[sflag:s7] =	ssyncset.done $0x0  }
0x10: {  	s19 =	simm.s32 $0xA;
	s20 =	smov.u32 s9;
	[sflag:s7] =	ssyncadd.s32 $0xFFFFD8F0  }
0x11: {  	[tilespmem:s8], [sflag:$0x1] =	stream.linear.gather [hbm4b:s4+s2], $0xF0, $0x38;
	[tilespmem:$0x2990] =	vst v63  }
.LBB2_2:
0x12: {  	s21 =	sadd.s32 $0xFFFFFFE2, s20  }
0x13: {  	[tilespmem:s10], [sflag:$0x2] =	stream.linear.gather [hbm4b:s21+s2], $0xF0, $0x38;
	[tilespmem:$0x2990] =	vst v63  }
0x14: {  	_ =	swait.ge [sflag:s11], $0xF0  }
0x15: {  	p0 =	seq.s32 s19, $0xA;
	[sflag:s11] =	ssyncset.done $0x0  }
0x16: {  	s21 =	simm.s32 @!p0 $0x3;
	[sflag:s11] =	ssyncadd.s32 $0xFFFFFF10  }
0x17: {  	_ =	swait.ge @!p0 [sflag:s21], $0x50  }
0x18: {  	[sflag:s21] =	ssyncset.done @!p0 $0x0  }
0x19: {  	[sflag:s21] =	ssyncadd.s32 @!p0 $0xFFFFFFB0  }
0x1a: {  	v0 =	vld [tilespmem:$0x2710];
	_ =	sdelay $0x1  }
0x1b: {  	v1 =	vld [tilespmem:$0x2760];
	_ =	sdelay $0x4  }
0x1c: {  	v2 =	vld [tilespmem:$0x27B0]  }
0x1d: {  	v0 =	vld.idx.msk [tilespmem:v0+s2+$0x0], $0xffff  }
0x1e: {  	v3 =	vld [tilespmem:$0x2720]  }
0x1f: {  	v1 =	vld.idx.msk [tilespmem:v1+s2+$0x0], $0xffff;
	_ =	sdelay $0x1  }
0x20: {  	v4 =	vld [tilespmem:$0x2770]  }
0x21: {  	v0 =	vmul.f32 v0, v2;
	_ =	sdelay $0x1  }
0x22: {  	v0 =	vmul.f32 v1, v0;
	_ =	sdelay $0x1  }
0x23: {  	v23 =	vld [tilespmem:$0x27C0];
	[tilespmem:$0x28F0] =	vst v0  }
0x24: {  	v24 =	vld.idx.msk [tilespmem:v3+s2+$0x0], $0xffff  }
0x25: {  	v26 =	vld [tilespmem:$0x2730]  }
0x26: {  	v25 =	vld.idx.msk [tilespmem:v4+s2+$0x0], $0xffff;
	_ =	sdelay $0x1  }
0x27: {  	v27 =	vld [tilespmem:$0x2780]  }
0x28: {  	v0 =	vmul.f32 v24, v23;
	_ =	sdelay $0x1  }
0x29: {  	v0 =	vmul.f32 v25, v0;
	_ =	sdelay $0x1  }
0x2a: {  	v28 =	vld [tilespmem:$0x27D0];
	[tilespmem:$0x2900] =	vst v0  }
0x2b: {  	v29 =	vld.idx.msk [tilespmem:v26+s2+$0x0], $0xffff  }
0x2c: {  	v31 =	vld [tilespmem:$0x2740]  }
0x2d: {  	v30 =	vld.idx.msk [tilespmem:v27+s2+$0x0], $0xffff;
	_ =	sdelay $0x1  }
0x2e: {  	v32 =	vld [tilespmem:$0x2790]  }
0x2f: {  	v0 =	vmul.f32 v29, v28;
	_ =	sdelay $0x1  }
0x30: {  	v0 =	vmul.f32 v30, v0;
	_ =	sdelay $0x1  }
0x31: {  	v33 =	vld [tilespmem:$0x27E0];
	[tilespmem:$0x2910] =	vst v0  }
0x32: {  	v34 =	vld.idx.msk [tilespmem:v31+s2+$0x0], $0xffff  }
0x33: {  	v36 =	vld [tilespmem:$0x2750]  }
0x34: {  	v35 =	vld.idx.msk [tilespmem:v32+s2+$0x0], $0xffff;
	_ =	sdelay $0x1  }
0x35: {  	v37 =	vld [tilespmem:$0x27A0]  }
0x36: {  	v0 =	vmul.f32 v34, v33;
	_ =	sdelay $0x1  }
0x37: {  	v0 =	vmul.f32 v35, v0;
	_ =	sdelay $0x1  }
0x38: {  	v38 =	vld [tilespmem:$0x27F0];
	[tilespmem:$0x2920] =	vst v0  }
0x39: {  	v39 =	vld.idx.msk [tilespmem:v36+s2+$0x0], $0xffff;
	_ =	sdelay $0x1  }
0x3a: {  	v40 =	vld.idx.msk [tilespmem:v37+s2+$0x0], $0xffff;
	_ =	sdelay $0x2  }
0x3b: {  	v0 =	vmul.f32 v39, v38;
	_ =	sdelay $0x1  }
0x3c: {  	v0 =	vmul.f32 v40, v0  }
0x3d: {  	s31 =	sadd.s32 s19, s5  }
0x3e: {  	s22 =	sadd.s32 $0xFFFFFFF6, s31;
	[tilespmem:$0x2930] =	vst v0  }
0x3f: {  	[hbm4b:s22+s2] =	stream.linear.scatter [tilespmem:s12], [sflag:$0x3], $0x50, $0x38;
	[tilespmem:$0x2990] =	vst v63  }
0x40: {  	_ = 	snop  }
0x41: {  	[tilespmem:s8], [sflag:$0x1] =	stream.linear.gather [hbm4b:s20+s2], $0xF0, $0x38;
	[tilespmem:$0x2990] =	vst v63  }
0x42: {  	_ =	swait.ge [sflag:s13], $0xF0  }
0x43: {  	[sflag:s13] =	ssyncset.done $0x0  }
0x44: {  	s22 =	simm.s32 @!p0 $0x4;
	[sflag:s13] =	ssyncadd.s32 $0xFFFFFF10  }
0x45: {  	_ =	swait.ge @!p0 [sflag:s22], $0x50  }
0x46: {  	[sflag:s22] =	ssyncset.done @!p0 $0x0  }
0x47: {  	[sflag:s22] =	ssyncadd.s32 @!p0 $0xFFFFFFB0  }
0x48: {  	v41 =	vld [tilespmem:$0x2800];
	_ =	sdelay $0x1  }
0x49: {  	v42 =	vld [tilespmem:$0x2850];
	_ =	sdelay $0x4  }
0x4a: {  	v43 =	vld [tilespmem:$0x28A0]  }
0x4b: {  	v0 =	vld.idx.msk [tilespmem:v41+s2+$0x0], $0xffff  }
0x4c: {  	v44 =	vld [tilespmem:$0x2810]  }
0x4d: {  	v1 =	vld.idx.msk [tilespmem:v42+s2+$0x0], $0xffff;
	_ =	sdelay $0x1  }
0x4e: {  	v45 =	vld [tilespmem:$0x2860]  }
0x4f: {  	v0 =	vmul.f32 v0, v43;
	_ =	sdelay $0x1  }
0x50: {  	v0 =	vmul.f32 v1, v0;
	_ =	sdelay $0x1  }
0x51: {  	v46 =	vld [tilespmem:$0x28B0];
	[tilespmem:$0x2940] =	vst v0  }
0x52: {  	v47 =	vld.idx.msk [tilespmem:v44+s2+$0x0], $0xffff  }
0x53: {  	v49 =	vld [tilespmem:$0x2820]  }
0x54: {  	v48 =	vld.idx.msk [tilespmem:v45+s2+$0x0], $0xffff;
	_ =	sdelay $0x1  }
0x55: {  	v50 =	vld [tilespmem:$0x2870]  }
0x56: {  	v0 =	vmul.f32 v47, v46;
	_ =	sdelay $0x1  }
0x57: {  	v0 =	vmul.f32 v48, v0;
	_ =	sdelay $0x1  }
0x58: {  	v51 =	vld [tilespmem:$0x28C0];
	[tilespmem:$0x2950] =	vst v0  }
0x59: {  	v52 =	vld.idx.msk [tilespmem:v49+s2+$0x0], $0xffff  }
0x5a: {  	v54 =	vld [tilespmem:$0x2830]  }
0x5b: {  	v53 =	vld.idx.msk [tilespmem:v50+s2+$0x0], $0xffff;
	_ =	sdelay $0x1  }
0x5c: {  	v55 =	vld [tilespmem:$0x2880]  }
0x5d: {  	v0 =	vmul.f32 v52, v51;
	_ =	sdelay $0x1  }
0x5e: {  	v0 =	vmul.f32 v53, v0;
	_ =	sdelay $0x1  }
0x5f: {  	v56 =	vld [tilespmem:$0x28D0];
	[tilespmem:$0x2960] =	vst v0  }
0x60: {  	v57 =	vld.idx.msk [tilespmem:v54+s2+$0x0], $0xffff  }
0x61: {  	v59 =	vld [tilespmem:$0x2840]  }
0x62: {  	v58 =	vld.idx.msk [tilespmem:v55+s2+$0x0], $0xffff;
	_ =	sdelay $0x1  }
0x63: {  	v60 =	vld [tilespmem:$0x2890]  }
0x64: {  	v0 =	vmul.f32 v57, v56;
	_ =	sdelay $0x1  }
0x65: {  	v0 =	vmul.f32 v58, v0;
	_ =	sdelay $0x1  }
0x66: {  	v61 =	vld [tilespmem:$0x28E0];
	[tilespmem:$0x2970] =	vst v0  }
0x67: {  	v62 =	vld.idx.msk [tilespmem:v59+s2+$0x0], $0xffff;
	_ =	sdelay $0x1  }
0x68: {  	v63 =	vld.idx.msk [tilespmem:v60+s2+$0x0], $0xffff;
	_ =	sdelay $0x1  }
0x69: {  	s19 =	sadd.s32 $0x14, s19  }
0x6a: {  	p0 =	sne.s32 s19, $0x4E2;
	v0 =	vmul.f32 v62, v61  }
.Ltmp0:
0x6b: {  	_ = 	snop;
	(pc) =	sbr.rel @p0 .LBB2_2-.Ltmp0, $3  }
0x6c: {  	v0 =	vmul.f32 v63, v0;
	_ =	sdelay $0x1  }
0x6d: {  	s20 =	sadd.s32 $0x3C, s20;
	[tilespmem:$0x2980] =	vst v0  }
0x6e: {  	[hbm4b:s31+s2] =	stream.linear.scatter [tilespmem:s14], [sflag:$0x4], $0x50, $0x38;
	[tilespmem:$0x2990] =	vst v63  }
0x6f: {  	_ =	swait.ge [sflag:s11], $0xF0  }
0x70: {  	[sflag:s11] =	ssyncset.done $0x0  }
0x71: {  	[sflag:s11] =	ssyncadd.s32 $0xFFFFFF10  }
0x72: {  	_ =	swait.ge [sflag:s15], $0x50  }
0x73: {  	[sflag:s15] =	ssyncset.done $0x0  }
0x74: {  	[sflag:s15] =	ssyncadd.s32 $0xFFFFFFB0  }
0x75: {  	v0 =	vld [tilespmem:$0x2710];
	_ =	sdelay $0x1  }
0x76: {  	v1 =	vld [tilespmem:$0x2760];
	_ =	sdelay $0x4  }
0x77: {  	v2 =	vld [tilespmem:$0x27B0]  }
0x78: {  	v0 =	vld.idx.msk [tilespmem:v0+s2+$0x0], $0xffff  }
0x79: {  	v3 =	vld [tilespmem:$0x2720]  }
0x7a: {  	v1 =	vld.idx.msk [tilespmem:v1+s2+$0x0], $0xffff;
	_ =	sdelay $0x1  }
0x7b: {  	v4 =	vld [tilespmem:$0x2770]  }
0x7c: {  	v0 =	vmul.f32 v0, v2;
	_ =	sdelay $0x1  }
0x7d: {  	v0 =	vmul.f32 v1, v0;
	_ =	sdelay $0x1  }
0x7e: {  	v46 =	vld [tilespmem:$0x27C0];
	[tilespmem:$0x28F0] =	vst v0  }
0x7f: {  	v47 =	vld.idx.msk [tilespmem:v3+s2+$0x0], $0xffff  }
0x80: {  	v49 =	vld [tilespmem:$0x2730]  }
0x81: {  	v48 =	vld.idx.msk [tilespmem:v4+s2+$0x0], $0xffff;
	_ =	sdelay $0x1  }
0x82: {  	v50 =	vld [tilespmem:$0x2780]  }
0x83: {  	v0 =	vmul.f32 v47, v46;
	_ =	sdelay $0x1  }
0x84: {  	v0 =	vmul.f32 v48, v0;
	_ =	sdelay $0x1  }
0x85: {  	v51 =	vld [tilespmem:$0x27D0];
	[tilespmem:$0x2900] =	vst v0  }
0x86: {  	v52 =	vld.idx.msk [tilespmem:v49+s2+$0x0], $0xffff  }
0x87: {  	v54 =	vld [tilespmem:$0x2740]  }
0x88: {  	v53 =	vld.idx.msk [tilespmem:v50+s2+$0x0], $0xffff;
	_ =	sdelay $0x1  }
0x89: {  	v55 =	vld [tilespmem:$0x2790]  }
0x8a: {  	v0 =	vmul.f32 v52, v51;
	_ =	sdelay $0x1  }
0x8b: {  	v0 =	vmul.f32 v53, v0;
	_ =	sdelay $0x1  }
0x8c: {  	v56 =	vld [tilespmem:$0x27E0];
	[tilespmem:$0x2910] =	vst v0  }
0x8d: {  	v57 =	vld.idx.msk [tilespmem:v54+s2+$0x0], $0xffff  }
0x8e: {  	v59 =	vld [tilespmem:$0x2750]  }
0x8f: {  	v58 =	vld.idx.msk [tilespmem:v55+s2+$0x0], $0xffff;
	_ =	sdelay $0x1  }
0x90: {  	v60 =	vld [tilespmem:$0x27A0]  }
0x91: {  	v0 =	vmul.f32 v57, v56;
	_ =	sdelay $0x1  }
0x92: {  	v0 =	vmul.f32 v58, v0;
	_ =	sdelay $0x1  }
0x93: {  	v61 =	vld [tilespmem:$0x27F0];
	[tilespmem:$0x2920] =	vst v0  }
0x94: {  	v62 =	vld.idx.msk [tilespmem:v59+s2+$0x0], $0xffff;
	_ =	sdelay $0x1  }
0x95: {  	v63 =	vld.idx.msk [tilespmem:v60+s2+$0x0], $0xffff;
	_ =	sdelay $0x2  }
0x96: {  	v0 =	vmul.f32 v62, v61;
	_ =	sdelay $0x1  }
0x97: {  	v0 =	vmul.f32 v63, v0;
	_ =	sdelay $0x1  }
0x98: {  	s18 =	sadd.s32 $0x1, s18;
	[tilespmem:$0x2930] =	vst v0  }
0x99: {  	[hbm4b:s16+s2] =	stream.linear.scatter [tilespmem:s12], [sflag:$0x3], $0x50, $0x38;
	[tilespmem:$0x2990] =	vst v63  }
0x9a: {  	p0 =	sne.s32 s18, s6;
	_ =	swait.ge [sflag:s17], $0x50  }
.Ltmp1:
0x9b: {  	[sflag:s17] =	ssyncset.done $0x0;
	(pc) =	sbr.rel @p0 .LBB2_1-.Ltmp1, $4  }
0x9c: {  	[sflag:s17] =	ssyncadd.s32 $0xFFFFFFB0  }
0x9d: {  	_ =	swait.ge [sflag:s15], $0x50  }
0x9e: {  	[sflag:s15] =	ssyncset.done $0x0  }
0x9f: {  	[sflag:s15] =	ssyncadd.s32 $0xFFFFFFB0  }
0xa0: {  	_ =	sfence.sel $0x180000  }
0xa1: {  	[bflag:$0x0] =	sbarrier.arrive $0xFFFF  }
0xa2: {  	p0 =	sne.s32 s0, $0x0;
	_ =	strace $0x9000004A  }
0xa3: {  	s0 =	sadd.s32 @!p0 $0x100000, s1;
	[bflag:$0x2] =	sbarrier.arrive $0xFFFF  }
0xa4: {  	[sflag:s0] =	ssyncadd.tile.s32 @!p0 $0x1;
	_ =	shalt  }
.Lfunc_end2:
_tile_overlayer_lowered:
.L_overlay_start_2:
0xa5: {  	(tag) =	ssettag $0x2  }
0xa6: {  	s0 =	rddreg [dreg:$0x0];
	s2 =	stileid.u32  }
0xa7: {  	s1 =	rddreg [dreg:$0x1];
	p0 =	sne.s32 s2, $0x0  }
0xa8: {  	s3 =	rddreg [dreg:$0x2];
	[bflag:$0x3] =	sbarrier.arrive $0xFFFF;
	s2 =	simm.s32 @!p0 $0x1C05  }
0xa9: {  	[timem:s3], [sflag:s2] =	dma.local @!p0 [hbm:s0], s1  }
0xaa: {  	s0 =	simm.s32 @!p0 $0x5  }
0xab: {  	_ =	swait.ge @!p0 [sflag:s0], s1  }
0xac: {  	s1 =	ssub.s32 @!p0 $0x0, s1;
	[sflag:s0] =	ssyncset.done @!p0 $0x0  }
0xad: {  	[sflag:s0] =	ssyncadd.s32 @!p0 s1  }
0xae: {  	[bflag:$0x3] =	sbarrier.arrive $0xFFFF  }
0xaf: {  	_ =	shalt  }

// kernel: kernel.13.cloned.1.call-start
scs
__scs_entry_jumppad:
0x0: {  	(pc) =	sbr.rel $0x88, $3  }
0x1: {  	(tag) =	ssettag $0x0;
	lr =	simm.s32 $0x1  }
0x2: {  	[smem:$0x3F9C] =	sst lr;
	_ =	strace $0xD0000000  }
0x3: {  	_ = 	snop  }
0x4: {  	_ = 	snop  }
0x5: {  	_ = 	snop  }
0x6: {  	_ = 	snop  }
0x7: {  	_ = 	snop  }
__scs_overlays_trampoline_lowered:
0x8: {  	[smem:$0x3FAB] =	sst s0  }
0x9: {  	[smem:$0x3FAC] =	sst s1  }
0xa: {  	[smem:$0x3FAD] =	sst s2  }
0xb: {  	[smem:$0x3FAE] =	sst s3  }
0xc: {  	[smem:$0x3FAF] =	sst s4  }
0xd: {  	[smem:$0x3FB0] =	sst s5  }
0xe: {  	[smem:$0x3FB1] =	sst s6  }
0xf: {  	[smem:$0x3FB2] =	sst s7  }
0x10: {  	[smem:$0x3FB3] =	sst s8  }
0x11: {  	[smem:$0x3FB4] =	sst s9;
	s0 =	simm.s32 @!p0 $0x0  }
0x12: {  	s1 =	sld [smem:$0x3F9A];
	s0 =	simm.s32 @p0 $0x1  }
0x13: {  	[smem:$0x3FB5] =	sst s0;
	s0 =	simm.s32 @!p1 $0x0  }
0x14: {  	s2 =	sld [smem:$0x3F99];
	s0 =	simm.s32 @p1 $0x1  }
0x15: {  	[smem:$0x3FB6] =	sst s0;
	s0 =	simm.s32 @!p2 $0x0  }
0x16: {  	s3 =	sld [smem:$0x3FDB];
	s0 =	simm.s32 @p2 $0x1  }
0x17: {  	s4 =	simm.s32 $0x1BF5;
	[smem:$0x3FB8] =	sst s0  }
0x18: {  	s0 =	sld [smem:$0x3F9B];
	_ =	swait.ge [sflag:s4], $0x0  }
0x19: {  	s7 =	sld [smem:$0x3F9C]  }
0x1a: {  	s8 =	sadd.s32 $0xFFFFE003, lr  }
0x1b: {  	s9 =	sadd.s32 $0xFFFFFEF7, lr;
	s5 =	simm.s32 $0xFFFFFFFF;
	p2 =	slt.u32 s8, $0xFFFFF086  }
0x1c: {  	p1 =	slt.u32 s9, $0xF7A;
	s5 =	simm.s32 @!p2 $0x0  }
0x1d: {  	s5 =	simm.s32 @p1 $0x1;
	p0 =	seq.s32 s7, s2  }
0x1e: {  	s7 =	smul.u32 @!p0 $0xF7A, s2;
	p2 =	seq.s32 @!p0 s5, $0x0  }
0x1f: {  	s9 =	smul.u32 $0xF7A, s1;
	s8 =	simm.s32 @!p0 $0x1BF5;
	p2 =	por !p2, p0  }
0x20: {  	[sflag:s8] =	ssyncset.s32 @!p0 $0xFFFFF086;
	s6 =	sadd.s32 @!p0 s3, s7;
	s7 =	simm.s32 @!p0 $0x108  }
0x21: {  	s3 =	sadd.s32 s3, s9;
	s6 =	sadd.s32 @!p0 $0x88, s6;
	s7 =	simm.s32 @p2 $0x1082  }
0x22: {  	[simem:s7], [sflag:s8] =	dma.local @!p0 [hbm:s6], $0xF7A  }
0x23: {  	s9 =	sor.u32 $0xD0000000, s2;
	s6 =	simm.s32 $0x108;
	_ =	swait.ge @!p0 [sflag:s8], $0x0  }
0x24: {  	s3 =	sadd.s32 $0x88, s3;
	s6 =	simm.s32 @!p1 $0x1082;
	[sflag:s4] =	ssyncset.s32 $0xFFFFF086  }
0x25: {  	[simem:s6], [sflag:s4] =	dma.local [hbm:s3], $0xF7A  }
0x26: {  	[smem:$0x3F9C] =	sst s1;
	(tag) =	ssettag s2;
	_ =	strace s9  }
0x27: {  	s1 =	sld [smem:$0x3FAC]  }
0x28: {  	s2 =	sld [smem:$0x3FAD]  }
0x29: {  	s4 =	sld [smem:$0x3FAF]  }
0x2a: {  	p0 =	seq.s32 s5, $0x0;
	s5 =	sld [smem:$0x3FB0]  }
0x2b: {  	s6 =	sld [smem:$0x3FB1]  }
0x2c: {  	s7 =	sld [smem:$0x3FB2]  }
0x2d: {  	s3 =	simm.s32 $0x108;
	s8 =	sld [smem:$0x3FB3]  }
0x2e: {  	s3 =	simm.s32 @!p0 $0x1082;
	s9 =	sld [smem:$0x3FB4]  }
0x2f: {  	lr =	sadd.s32 s0, s3;
	s0 =	sld [smem:$0x3FAB]  }
0x30: {  	s3 =	sld [smem:$0x3FAE]  }
0x31: {  	[smem:$0x3FB7] =	sst s10  }
0x32: {  	s10 =	sld [smem:$0x3FB5];
	_ =	sdelay $0x3  }
0x33: {  	p0 =	seq.s32 s10, $0x1;
	s10 =	sld [smem:$0x3FB7];
	_ =	sdelay $0x3  }
0x34: {  	[smem:$0x3FB7] =	sst s10  }
0x35: {  	s10 =	sld [smem:$0x3FB6];
	_ =	sdelay $0x3  }
0x36: {  	p1 =	seq.s32 s10, $0x1;
	s10 =	sld [smem:$0x3FB7];
	_ =	sdelay $0x3  }
0x37: {  	[smem:$0x3FB7] =	sst s10  }
0x38: {  	s10 =	sld [smem:$0x3FB8]  }
0x39: {  	_ = 	snop;
	(pc) =	sbr.ind lr, $3  }
0x3a: {  	_ = 	snop  }
0x3b: {  	_ = 	snop  }
0x3c: {  	p2 =	seq.s32 s10, $0x1;
	s10 =	sld [smem:$0x3FB7]  }
0x3d: {  	_ =	shalt  }
0x3e: {  	_ =	shalt  }
0x3f: {  	_ =	shalt  }
0x40: {  	_ =	shalt  }
0x41: {  	_ =	shalt  }
0x42: {  	_ =	shalt  }
0x43: {  	_ =	shalt  }
0x44: {  	_ =	shalt  }
0x45: {  	_ =	shalt  }
0x46: {  	_ =	shalt  }
0x47: {  	_ =	shalt  }
0x48: {  	_ =	shalt  }
0x49: {  	_ =	shalt  }
0x4a: {  	_ =	shalt  }
0x4b: {  	_ =	shalt  }
0x4c: {  	_ =	shalt  }
0x4d: {  	_ =	shalt  }
0x4e: {  	_ =	shalt  }
0x4f: {  	_ =	shalt  }
0x50: {  	_ =	shalt  }
0x51: {  	_ =	shalt  }
0x52: {  	_ =	shalt  }
0x53: {  	_ =	shalt  }
0x54: {  	_ =	shalt  }
0x55: {  	_ =	shalt  }
0x56: {  	_ =	shalt  }
0x57: {  	_ =	shalt  }
0x58: {  	_ =	shalt  }
0x59: {  	_ =	shalt  }
0x5a: {  	_ =	shalt  }
0x5b: {  	_ =	shalt  }
0x5c: {  	_ =	shalt  }
0x5d: {  	_ =	shalt  }
0x5e: {  	_ =	shalt  }
0x5f: {  	_ =	shalt  }
0x60: {  	_ =	shalt  }
0x61: {  	_ =	shalt  }
0x62: {  	_ =	shalt  }
0x63: {  	_ =	shalt  }
0x64: {  	_ =	shalt  }
0x65: {  	_ =	shalt  }
0x66: {  	_ =	shalt  }
0x67: {  	_ =	shalt  }
0x68: {  	_ =	shalt  }
0x69: {  	_ =	shalt  }
0x6a: {  	_ =	shalt  }
0x6b: {  	_ =	shalt  }
0x6c: {  	_ =	shalt  }
0x6d: {  	_ =	shalt  }
0x6e: {  	_ =	shalt  }
0x6f: {  	_ =	shalt  }
0x70: {  	_ =	shalt  }
0x71: {  	_ =	shalt  }
0x72: {  	_ =	shalt  }
0x73: {  	_ =	shalt  }
0x74: {  	_ =	shalt  }
0x75: {  	_ =	shalt  }
0x76: {  	_ =	shalt  }
0x77: {  	_ =	shalt  }
0x78: {  	_ =	shalt  }
0x79: {  	_ =	shalt  }
0x7a: {  	_ =	shalt  }
0x7b: {  	_ =	shalt  }
0x7c: {  	_ =	shalt  }
0x7d: {  	_ =	shalt  }
0x7e: {  	_ =	shalt  }
0x7f: {  	_ =	shalt  }
0x80: {  	_ =	shalt  }
0x81: {  	_ =	shalt  }
0x82: {  	_ =	shalt  }
0x83: {  	_ =	shalt  }
0x84: {  	_ =	shalt  }
0x85: {  	_ =	shalt  }
0x86: {  	_ =	shalt  }
0x87: {  	_ =	shalt  }
.Lfunc_end0:
.L_simem_size_0:
called_computation.2_lowered:
.L_overlay_start_0:
0x88: {  	s2 =	sld [smem:$0x3FD9]  }
0x89: {  	s3 =	sld [smem:$0x3FFE];
	_ =	sdelay $0x1  }
0x8a: {  	s1 =	srdreg.scid  }
0x8b: {  	s0 =	sand.u32 $0x1, s1  }
0x8c: {  	s17 =	sshll.u32 s0, $0xA;
	s2 =	sadd.s32 s3, s2  }
0x8d: {  	s2 =	sadd.s32 s2, s17  }
0x8e: {  	[smem:$0x3FC3] =	sst s2  }
0x8f: {  	_ = 	snop  }
0x90: {  	s2 =	sld [smem:$0x3FC5]  }
0x91: {  	s18 =	sld [smem:$0x3FD0];
	(tm) =	ssettm $0x1  }
0x92: {  	s4 =	sld [smem:$0x3FFB];
	_ =	sdelay $0x3  }
0x93: {  	_ =	strace s4  }
0x94: {  	s4 =	sld [smem:$0x3FFC];
	_ =	sdelay $0x3  }
0x95: {  	_ =	strace s4  }
0x96: {  	s4 =	sld [smem:$0x3FFD];
	_ =	sdelay $0x3  }
0x97: {  	_ =	strace s4  }
0x98: {  	_ =	strace $0x8FFFFFFF  }
0x99: {  	s19 =	sld [smem:$0x3FDB];
	_ =	sdelay $0x1  }
0x9a: {  	s5 =	simm.s32 $_scs_section_size  }
0x9b: {  	s6 =	simm.s32 $_size__tile_overlayer_lowered;
	s7 =	simm.s32 $_tile_overlayer_lowered  }
0x9c: {  	s22 =	simm.s32 $0x1BFF;
	s21 =	sshll.u32 s7, $0x1;
	s4 =	sadd.s32 s5, s19  }
0x9d: {  	s8 =	simm.s32 $0x0;
	s20 =	sshll.u32 s6, $0x1;
	s6 =	sadd.s32 s21, s4  }
0x9e: {  	[timem:s8], [sflag:s22] =	dma.local [hbm:s6], s20  }
0x9f: {  	_ =	swait.ge [sflag:s22], s20  }
0xa0: {  	s5 =	ssub.s32 $0x0, s20;
	[sflag:s22] =	ssyncset.done $0x0  }
0xa1: {  	[sflag:s22] =	ssyncadd.s32 s5;
	_ =	sdelay $0x1  }
0xa2: {  	s23 =	simm.s32 $0x1B8B  }
0xa3: {  	_ =	swait.ge [sflag:s23], $0x1  }
0xa4: {  	[sflag:s23] =	ssyncset.done $0x0  }
0xa5: {  	s25 =	simm.s32 $0x1B8E;
	s24 =	sld [smem:$0x3FFE];
	[sflag:s23] =	ssyncadd.s32 $0xFFFFFFFF  }
0xa6: {  	s26 =	simm.s32 $execute0_lowered;
	[smem:$0x3FD2] =	sst s25  }
0xa7: {  	s6 =	sshll.u32 s26, $0x1;
	_ =	strace $0x8000004C;
	[dreg:$0x1] =	wrdreg $0xFFFFFFFF  }
0xa8: {  	s28 =	simm.s32 $_size_execute0_lowered;
	s4 =	sadd.s32 s4, s6;
	[dreg:$0x0] =	wrdreg $0x0  }
0xa9: {  	s6 =	sshll.u32 s28, $0x1;
	[dreg:$0x2] =	wrdreg s4  }
0xaa: {  	[dreg:$0x3] =	wrdreg s6  }
0xab: {  	[dreg:$0x4] =	wrdreg $0xC0  }
0xac: {  	_ =	task [dreg:s8], $0x5FFFF  }
0xad: {  	[dreg:$0x1] =	wrdreg $0xFFFFFFFF  }
0xae: {  	[dreg:$0x0] =	wrdreg $0x60  }
0xaf: {  	[dreg:$0x2] =	wrdreg s24  }
0xb0: {  	[dreg:$0x3] =	wrdreg s2  }
0xb1: {  	[dreg:$0x4] =	wrdreg s18  }
0xb2: {  	[dreg:$0x5] =	wrdreg $0x0  }
0xb3: {  	[dreg:$0x6] =	wrdreg $0x9  }
0xb4: {  	_ =	task.clear_ibuf [dreg:s8], $0x7FFFF;
	_ =	strace $0x9000004C  }
0xb5: {  	s29 =	simm.s32 $0x9;
	_ =	strace $0x8000004E  }
0xb6: {  	_ =	swait.ge [sflag:s29], $0x1  }
0xb7: {  	[sflag:s29] =	ssyncadd.s32 $0xFFFFFFFF  }
0xb8: {  	_ =	strace $0x9000004E  }
0xb9: {  	_ =	sfence  }
0xba: {  	s30 =	sld [smem:$0x0];
	_ =	sdelay $0x2  }
0xbb: {  	s31 =	sshll.u32 s1, $0xD;
	s1 =	sshrl.u32 s1, $0x2  }
0xbc: {  	s3 =	sand.u32 $0x4000, s31;
	s1 =	sadd.s32 s1, s30  }
0xbd: {  	s0 =	sor.u32 s3, s0;
	s1 =	sshll.u32 s1, $0x11  }
0xbe: {  	s0 =	sor.u32 s1, s0  }
0xbf: {  	s0 =	sadd.s32 $0x8F2B, s0  }
0xc0: {  	[sflag:s0] =	ssyncadd.remote.s32 $0x1  }
0xc1: {  	_ =	sfence.sel $0xFFFF  }
0xc2: {  	[dreg:$0x0] =	wrdreg $0xFFFFFFFF;
	(pc) =	sbr.abs _section_cstart, $3  }
0xc3: {  	[dreg:$0x1] =	wrdreg $0xFFFFFFFF  }
0xc4: {  	_ =	task.clear_ibuf [dreg:s8], $0x2FFFF;
	_ =	strace $0x9FFFFFFF  }
0xc5: {  	(tm) =	ssettm $0x7FFFFFFF  }
tec
execute0_lowered:
.L_overlay_start_1:
0x0: {  	(tag) =	ssettag $0x1  }
0x1: {  	s0 =	rddreg [dreg:$0x0]  }
0x2: {  	s2 =	rddreg [dreg:$0x2]  }
0x3: {  	s4 =	rddreg [dreg:$0x3];
	s5 =	simm.s32 $0x0;
	s10 =	stileid.u32  }
0x4: {  	s3 =	srdreg.scid;
	s15 =	simm.s32 $0x1F0C0;
	s28 =	simm.s32 $0x1F020  }
0x5: {  	s29 =	simm.s32 $0x1;
	s30 =	simm.s32 $0x8;
	s1 =	smul.u32 $0x1428, s10  }
0x6: {  	s31 =	simm.s32 $0x18B80;
	s12 =	simm.s32 $0x1C780;
	s7 =	smul.u32 $0x271, s10  }
0x7: {  	[smem:$0x7FF] =	sst s5;
	s6 =	sadd.s32 $0xA2200, s0;
	s9 =	smul.u32 $0x4E200, s10  }
0x8: {  	s3 =	sand.u32 $0x1, s3;
	s8 =	sadd.s32 $0x29200, s0;
	s20 =	smul.u32 $0xA14, s10  }
0x9: {  	_ =	strace $0x8000004D;
	[dreg:$0x5] =	wrdreg s8;
	s18 =	ssub.s32 $0x2, s3  }
0xa: {  	s3 =	smul.u32 $0x6, s3;
	s0 =	sadd.s32 s1, s0;
	s19 =	sshrl.u32 s18, $0x1  }
0xb: {  	[dreg:$0x7] =	wrdreg s20;
	s21 =	sshrl.u32 s9, $0x2;
	s9 =	simm.s32 $0x0  }
0xc: {  	[dreg:$0x6] =	wrdreg s3;
	s1 =	ssub.s32 s18, s19;
	s23 =	sadd.s32 s21, s4  }
0xd: {  	s11 =	sadd.s32 $0x1400, s0;
	s22 =	smax.u32 s1, $0x1;
	[dreg:$0x9] =	wrdreg s23  }
0xe: {  	s19 =	simm.s32 $0x9;
	s24 =	sadd.s32 $0x3E80, s23;
	[dreg:$0x8] =	wrdreg s22  }
0xf: {  	s21 =	simm.s32 $0x1F110;
	s25 =	sadd.s32 $0x7D00, s23;
	[dreg:$0xa] =	wrdreg s24  }
0x10: {  	s3 =	simm.s32 $0x19F80;
	s26 =	sadd.s32 $0xBB80, s23;
	[dreg:$0xb] =	wrdreg s25  }
0x11: {  	s18 =	simm.s32 $0x6;
	s0 =	sadd.s32 $0xFA00, s23;
	[dreg:$0xc] =	wrdreg s26  }
0x12: {  	v1 =	vimm.s32 $0x0;
	vm0 =	vcmask $0x300;
	s23 =	simm.s32 $0x13900;
	s1 =	simm.s32 $0x3;
	[dreg:$0xd] =	wrdreg s0  }
0x13: {  	v0 =	vimm.f32 $0.0e+00;
	v1 =	vsel vm0, $0x3, v1;
	s22 =	simm.s32 $0x1EF80;
	s25 =	simm.s32 $0x50;
	s0 =	simm.s32 $0x5  }
.LBB2_1:
0x14: {  	[dreg:$0xe] =	wrdreg s9  }
0x15: {  	s8 =	rddreg [dreg:$0x1];
	s26 =	simm.s32 $0x13880  }
0x16: {  	[tilespmem:s26], [sflag:$0x9] =	stream.linear.gather [hbm4b:s8+s5], $0x80, $0x38;
	[tilespmem:$0x1F160] =	vst v63  }
0x17: {  	_ =	swait.ge [sflag:s19], $0x80  }
0x18: {  	[sflag:s19] =	ssyncset.done $0x0  }
0x19: {  	s8 =	simm.s32 $0x0;
	[sflag:s19] =	ssyncadd.s32 $0xFFFFFF80  }
.LBB2_2:
0x1a: {  	s9 =	rddreg [dreg:$0x6]  }
0x1b: {  	s9 =	sadd.s32 s9, s8  }
0x1c: {  	s10 =	smul.u32 $0xA140, s9  }
0x1d: {  	s24 =	rddreg [dreg:$0x5]  }
0x1e: {  	s26 =	rddreg [dreg:$0x7];
	s10 =	sadd.s32 s24, s10  }
0x1f: {  	s10 =	sadd.s32 s26, s10  }
0x20: {  	[tilespmem:s15], [sflag:$0x7] =	stream.linear.gather [hbm4b:s10+s5], $0x50, $0x38;
	[tilespmem:$0x1F160] =	vst v63  }
0x21: {  	s13 =	sadd.s32 $0xA, s10  }
0x22: {  	[tilespmem:s21], [sflag:$0x8] =	stream.linear.gather [hbm4b:s13+s5], $0x50, $0x38;
	[tilespmem:$0x1F160] =	vst v63  }
0x23: {  	[dreg:$0xf] =	wrdreg s9;
	s13 =	simm.s32 $0x13A00  }
0x24: {  	[tilespmem:s22], [sflag:$0x5] =	stream.linear.gather [hbm4b:s11+s5], $0xA0, $0x38;
	[tilespmem:$0x1F160] =	vst v63  }
0x25: {  	[tilespmem:s13+$0xFFFFFF00] =	vst v0  }
0x26: {  	[tilespmem:s13+$0xF0] =	vst v0  }
0x27: {  	[tilespmem:s13+$0xE0] =	vst v0  }
0x28: {  	[tilespmem:s13+$0xD0] =	vst v0  }
0x29: {  	[tilespmem:s13+$0xC0] =	vst v0  }
0x2a: {  	[tilespmem:s13+$0xB0] =	vst v0  }
0x2b: {  	[tilespmem:s13+$0xA0] =	vst v0  }
0x2c: {  	[tilespmem:s13+$0x90] =	vst v0  }
0x2d: {  	[tilespmem:s13+$0x80] =	vst v0  }
0x2e: {  	[tilespmem:s13+$0x70] =	vst v0  }
0x2f: {  	[tilespmem:s13+$0x60] =	vst v0  }
0x30: {  	[tilespmem:s13+$0x50] =	vst v0  }
0x31: {  	[tilespmem:s13+$0x40] =	vst v0  }
0x32: {  	[tilespmem:s13+$0x30] =	vst v0  }
0x33: {  	[tilespmem:s13+$0x20] =	vst v0  }
0x34: {  	[tilespmem:s13+$0x10] =	vst v0  }
0x35: {  	[tilespmem:s13+$0x0] =	vst v0  }
0x36: {  	[tilespmem:s13+$0xFFFFFFF0] =	vst v0  }
0x37: {  	[tilespmem:s13+$0xFFFFFFE0] =	vst v0  }
0x38: {  	[tilespmem:s13+$0xFFFFFFD0] =	vst v0  }
0x39: {  	[tilespmem:s13+$0xFFFFFFC0] =	vst v0  }
0x3a: {  	[tilespmem:s13+$0xFFFFFFB0] =	vst v0  }
0x3b: {  	[tilespmem:s13+$0xFFFFFFA0] =	vst v0  }
0x3c: {  	[tilespmem:s13+$0xFFFFFF90] =	vst v0  }
0x3d: {  	[tilespmem:s13+$0xFFFFFF80] =	vst v0  }
0x3e: {  	[tilespmem:s13+$0xFFFFFF70] =	vst v0  }
0x3f: {  	[tilespmem:s13+$0xFFFFFF60] =	vst v0  }
0x40: {  	[tilespmem:s13+$0xFFFFFF50] =	vst v0  }
0x41: {  	[tilespmem:s13+$0xFFFFFF40] =	vst v0  }
0x42: {  	[tilespmem:s13+$0xFFFFFF30] =	vst v0  }
0x43: {  	s14 =	simm.s32 $0x0;
	[tilespmem:s13+$0xFFFFFF20] =	vst v0  }
.LBB2_3:
0x44: {  	s14 =	sadd.s32 $0x4, s14;
	[tilespmem:s13+$0xFFFFFF10] =	vst v0;
	s13 =	sadd.s32 $0x200, s13  }
0x45: {  	[tilespmem:s13+$0xFFFFFF00] =	vst v0;
	p0 =	slt.u32 s14, $0x78  }
0x46: {  	[tilespmem:s13+$0xF0] =	vst v0  }
0x47: {  	[tilespmem:s13+$0xE0] =	vst v0  }
0x48: {  	[tilespmem:s13+$0xD0] =	vst v0  }
0x49: {  	[tilespmem:s13+$0xC0] =	vst v0  }
0x4a: {  	[tilespmem:s13+$0xB0] =	vst v0  }
0x4b: {  	[tilespmem:s13+$0xA0] =	vst v0  }
0x4c: {  	[tilespmem:s13+$0x90] =	vst v0  }
0x4d: {  	[tilespmem:s13+$0x80] =	vst v0  }
0x4e: {  	[tilespmem:s13+$0x70] =	vst v0  }
0x4f: {  	[tilespmem:s13+$0x60] =	vst v0  }
0x50: {  	[tilespmem:s13+$0x50] =	vst v0  }
0x51: {  	[tilespmem:s13+$0x40] =	vst v0  }
0x52: {  	[tilespmem:s13+$0x30] =	vst v0  }
0x53: {  	[tilespmem:s13+$0x20] =	vst v0  }
0x54: {  	[tilespmem:s13+$0x10] =	vst v0  }
0x55: {  	[tilespmem:s13+$0x0] =	vst v0  }
0x56: {  	[tilespmem:s13+$0xFFFFFFF0] =	vst v0  }
0x57: {  	[tilespmem:s13+$0xFFFFFFE0] =	vst v0  }
0x58: {  	[tilespmem:s13+$0xFFFFFFD0] =	vst v0  }
0x59: {  	[tilespmem:s13+$0xFFFFFFC0] =	vst v0  }
0x5a: {  	[tilespmem:s13+$0xFFFFFFB0] =	vst v0  }
0x5b: {  	[tilespmem:s13+$0xFFFFFFA0] =	vst v0  }
0x5c: {  	[tilespmem:s13+$0xFFFFFF90] =	vst v0  }
0x5d: {  	[tilespmem:s13+$0xFFFFFF80] =	vst v0  }
0x5e: {  	[tilespmem:s13+$0xFFFFFF70] =	vst v0  }
.Ltmp0:
0x5f: {  	[tilespmem:s13+$0xFFFFFF60] =	vst v0;
	(pc) =	sbr.rel @p0 .LBB2_3-.Ltmp0, $4  }
0x60: {  	[tilespmem:s13+$0xFFFFFF50] =	vst v0  }
0x61: {  	[tilespmem:s13+$0xFFFFFF40] =	vst v0  }
0x62: {  	[tilespmem:s13+$0xFFFFFF30] =	vst v0  }
0x63: {  	[tilespmem:s13+$0xFFFFFF20] =	vst v0  }
0x64: {  	[tilespmem:s13+$0xFFFFFF10] =	vst v0  }
0x65: {  	[tilespmem:$0x17700] =	vst v0  }
0x66: {  	[tilespmem:$0x17710] =	vst v0  }
0x67: {  	[tilespmem:$0x17720] =	vst v0  }
0x68: {  	[tilespmem:$0x17730] =	vst v0  }
0x69: {  	[tilespmem:$0x17740] =	vst v0  }
0x6a: {  	[tilespmem:$0x17750] =	vst v0  }
0x6b: {  	[tilespmem:$0x17760] =	vst v0  }
0x6c: {  	[tilespmem:$0x17770] =	vst v0;
	s9 =	rddreg [dreg:$0x9]  }
0x6d: {  	[spmem:s9] =	stream.linear.scatter [tilespmem:s23], [sflag:$0x9], $0x3E80, $0x38;
	[tilespmem:$0x1F160] =	vst v63  }
0x6e: {  	_ =	swait.ge [sflag:s19], $0x3E80  }
0x6f: {  	[sflag:s19] =	ssyncset.done $0x0  }
0x70: {  	s14 =	rddreg [dreg:$0xa];
	[sflag:s19] =	ssyncadd.s32 $0xFFFFC180  }
0x71: {  	[spmem:s14] =	stream.linear.scatter [tilespmem:s23], [sflag:$0x9], $0x3E80, $0x38;
	[tilespmem:$0x1F160] =	vst v63  }
0x72: {  	_ =	swait.ge [sflag:s19], $0x3E80  }
0x73: {  	[sflag:s19] =	ssyncset.done $0x0  }
0x74: {  	s16 =	rddreg [dreg:$0xb];
	[sflag:s19] =	ssyncadd.s32 $0xFFFFC180  }
0x75: {  	[spmem:s16] =	stream.linear.scatter [tilespmem:s23], [sflag:$0x9], $0x3E80, $0x38;
	[tilespmem:$0x1F160] =	vst v63  }
0x76: {  	_ =	swait.ge [sflag:s19], $0x3E80  }
0x77: {  	[sflag:s19] =	ssyncset.done $0x0  }
0x78: {  	s17 =	rddreg [dreg:$0xc];
	[sflag:s19] =	ssyncadd.s32 $0xFFFFC180  }
0x79: {  	[spmem:s17] =	stream.linear.scatter [tilespmem:s23], [sflag:$0x9], $0x3E80, $0x38;
	[tilespmem:$0x1F160] =	vst v63  }
0x7a: {  	_ =	swait.ge [sflag:s19], $0x3E80  }
0x7b: {  	[sflag:s19] =	ssyncset.done $0x0  }
0x7c: {  	s20 =	rddreg [dreg:$0xd];
	[sflag:s19] =	ssyncadd.s32 $0xFFFFC180  }
0x7d: {  	[spmem:s20] =	stream.linear.scatter [tilespmem:s23], [sflag:$0x9], $0x3E80, $0x38;
	[tilespmem:$0x1F160] =	vst v63  }
0x7e: {  	_ =	swait.ge [sflag:s19], $0x3E80  }
0x7f: {  	[sflag:s19] =	ssyncset.done $0x0  }
0x80: {  	s24 =	simm.s32 $0x7;
	[sflag:s19] =	ssyncadd.s32 $0xFFFFC180  }
0x81: {  	_ =	swait.ge [sflag:s24], $0x50  }
0x82: {  	[sflag:s24] =	ssyncset.done $0x0  }
0x83: {  	s26 =	simm.s32 $0x17780;
	[sflag:s24] =	ssyncadd.s32 $0xFFFFFFB0  }
0x84: {  	[tilespmem:s26], [sflag:$0x1] =	stream.indirect.gather [hbm4b:s6+s25], $0x40, s15, s25, $0xb8;
	[tilespmem:$0x1F160] =	vst v63  }
0x85: {  	s14 =	simm.s32 $0x0;
	s15 =	simm.s32 $0x0;
	[bflag:$0x0] =	sbarrier.arrive $0xFFFF  }
.LBB2_5:
0x86: {  	p0 =	seq.s32 s15, $0x0  }
0x87: {  	s13 =	smul.u32 $0x140, s15;
	s16 =	simm.s32 @!p0 $0x4  }
0x88: {  	_ =	swait.ge @!p0 [sflag:s16], $0x2800  }
0x89: {  	s13 =	sshrl.u32 s13, $0x3;
	[sflag:s16] =	ssyncset.done @!p0 $0x0  }
0x8a: {  	s17 =	sshll.u32 s15, $0x1;
	s13 =	sadd.s32 s11, s13;
	[sflag:s16] =	ssyncadd.s32 @!p0 $0xFFFFD800  }
0x8b: {  	s13 =	sadd.s32 $0x14, s13;
	s16 =	sadd.s32 $0x2, s17;
	p0 =	seq.s32 s15, $0x80  }
0x8c: {  	[tilespmem:s28], [sflag:$0x6] =	stream.linear.gather [hbm4b:s13+s5], $0xA0, $0x38;
	[tilespmem:$0x1F160] =	vst v63  }
0x8d: {  	s9 =	simm.s32 $0x7;
	s13 =	smul.u32 @!p0 $0xA, s16;
	_ =	swait.ge [sflag:s29], $0x1400  }
0x8e: {  	s26 =	simm.s32 $0x1;
	s20 =	simm.s32 @!p0 $0x0;
	[sflag:s29] =	ssyncset.done $0x0  }
0x8f: {  	v2 =	vmov s9;
	s24 =	simm.s32 @!p0 $0x1F0C0;
	s13 =	sadd.s32 @!p0 s10, s13;
	[sflag:s29] =	ssyncadd.s32 $0xFFFFEC00  }
0x90: {  	v3 =	vmov s26;
	v2 =	vshrl.u32 v2, $0x3;
	[tilespmem:s24], [sflag:$0x7] =	stream.linear.gather @!p0 [hbm4b:s13+s20], $0x50, $0x38;
	[tilespmem:$0x1F160] =	vst v63  }
0x91: {  	v3 =	vshrl.u32 v3, $0x3;
	v2 =	vshll.u32 v2, v1;
	_ =	swait.ge [sflag:s30], $0x50  }
0x92: {  	v3 =	vshll.u32 v3, v1;
	v2 =	vadd.s32 $0x57, v2;
	s20 =	simm.s32 $0x2;
	[sflag:s30] =	ssyncset.done $0x0  }
0x93: {  	v3 =	vadd.s32 $0x51, v3;
	v2 =	vbroadcast v2, $0x0;
	s24 =	simm.s32 $0x3;
	v4 =	vmov s20;
	[sflag:s30] =	ssyncadd.s32 $0xFFFFFFB0  }
0x94: {  	v3 =	vbroadcast v3, $0x0;
	v5 =	vmov s24;
	v4 =	vshrl.u32 v4, $0x3;
	[tilespmem:s31], [sflag:$0x2] =	stream.indirect.gather [hbm4b:s6+s25], $0x40, s21, s25, $0xb8;
	[tilespmem:$0x1F160] =	vst v63  }
0x95: {  	s26 =	simm.s32 $0x4;
	v5 =	vshrl.u32 v5, $0x3;
	v4 =	vshll.u32 v4, v1;
	_ =	swait.ge [sflag:s0], $0xA0  }
0x96: {  	v6 =	vmov s26;
	v5 =	vshll.u32 v5, v1;
	v4 =	vadd.s32 $0x52, v4;
	[sflag:s0] =	ssyncset.done $0x0  }
0x97: {  	v6 =	vshrl.u32 v6, $0x3;
	s20 =	simm.s32 $0x17880;
	v5 =	vadd.s32 $0x53, v5;
	v4 =	vbroadcast v4, $0x0;
	[sflag:s0] =	ssyncadd.s32 $0xFFFFFF60  }
0x98: {  	v6 =	vshll.u32 v6, v1;
	v5 =	vbroadcast v5, $0x0;
	v10 =	vld [tilespmem:s20+$0xC0]  }
0x99: {  	v7 =	vadd.s32 $0x54, v6;
	v6 =	vld.idx.msk [tilespmem:v2+s22+$0x0], $0xffff  }
0x9a: {  	v12 =	vmov s14;
	s9 =	simm.s32 $0x5;
	v9 =	vld.idx.msk [tilespmem:v3+s22+$0x0], $0xffff  }
0x9b: {  	v12 =	vshrl.u32 v12, $0x3;
	v2 =	vbroadcast v7, $0x0;
	v3 =	vmov s9;
	v11 =	vld [tilespmem:s20+$0xFFFFFF40]  }
0x9c: {  	v12 =	vshll.u32 v12, v1;
	s17 =	simm.s32 $0x6;
	v13 =	vld [tilespmem:s20+$0xFFFFFF80];
	v3 =	vshrl.u32 v3, $0x3  }
0x9d: {  	v7 =	vmov s17;
	v3 =	vshll.u32 v3, v1;
	v8 =	vld.idx.msk [tilespmem:v4+s22+$0x0], $0xffff;
	v14 =	vshll.u32 v10, $0x10  }
0x9e: {  	v4 =	vshrl.u32 v7, $0x3;
	v7 =	vld.idx.msk [tilespmem:v5+s22+$0x0], $0xffff;
	v10 =	vand.u32 $0xFFFF0000, v10;
	v5 =	vmul.f32 v14, v6  }
0x9f: {  	s17 =	simm.s32 $0x1A180;
	v3 =	vadd.s32 $0x55, v3;
	v4 =	vshll.u32 v4, v1;
	v14 =	vld [tilespmem:s20+$0xFFFFFFC0];
	v10 =	vmul.f32 v10, v6  }
0xa0: {  	v16 =	vld [tilespmem:s20+$0x0];
	v3 =	vbroadcast v3, $0x0;
	v4 =	vadd.s32 $0x56, v4;
	v15 =	vshll.u32 v11, $0x10;
	[tilespmem:s17+$0x180] =	vst v5  }
0xa1: {  	v2 =	vld.idx.msk [tilespmem:v2+s22+$0x0], $0xffff;
	v4 =	vbroadcast v4, $0x0;
	v5 =	vand.u32 $0xFFFF0000, v11;
	v11 =	vmul.f32 v15, v9;
	[tilespmem:s17+$0x190] =	vst v10  }
0xa2: {  	v10 =	vadd.s32 $0x50, v12;
	v12 =	vshll.u32 v13, $0x10;
	v5 =	vmul.f32 v5, v9;
	v15 =	vld [tilespmem:s20+$0xD0]  }
0xa3: {  	v13 =	vand.u32 $0xFFFF0000, v13;
	v10 =	vbroadcast v10, $0x0;
	[tilespmem:s17+$0xFFFFFE80] =	vst v11;
	v11 =	vmul.f32 v12, v8  }
0xa4: {  	v18 =	vld [tilespmem:s20+$0x40];
	v13 =	vmul.f32 v13, v8;
	v17 =	vshll.u32 v14, $0x10;
	[tilespmem:s17+$0xFFFFFE90] =	vst v5  }
0xa5: {  	v12 =	vld [tilespmem:s20+$0xFFFFFF00];
	v14 =	vand.u32 $0xFFFF0000, v14;
	[tilespmem:s17+$0xFFFFFF00] =	vst v11;
	v11 =	vmul.f32 v17, v7  }
0xa6: {  	v5 =	vld.idx.msk [tilespmem:v3+s22+$0x0], $0xffff;
	v3 =	vshll.u32 v16, $0x10;
	[tilespmem:s17+$0xFFFFFF10] =	vst v13;
	v14 =	vmul.f32 v14, v7  }
0xa7: {  	v13 =	vld [tilespmem:s20+$0x80];
	v17 =	vmul.f32 v3, v2;
	[tilespmem:s17+$0xFFFFFF80] =	vst v11;
	v3 =	vshll.u32 v15, $0x10  }
0xa8: {  	v4 =	vld.idx.msk [tilespmem:v4+s22+$0x0], $0xffff;
	[tilespmem:s17+$0xFFFFFF90] =	vst v14;
	v14 =	vand.u32 $0xFFFF0000, v15;
	v11 =	vmul.f32 v3, v6  }
0xa9: {  	v15 =	vand.u32 $0xFFFF0000, v16;
	[tilespmem:s17+$0x0] =	vst v17;
	v3 =	vld.idx.msk [tilespmem:v10+s22+$0x0], $0xffff;
	v10 =	vmul.f32 v14, v6  }
0xaa: {  	v16 =	vld [tilespmem:s20+$0xFFFFFF50];
	v14 =	vshll.u32 v18, $0x10;
	v15 =	vmul.f32 v15, v2;
	[tilespmem:s17+$0x1A0] =	vst v11  }
0xab: {  	v14 =	vmul.f32 v14, v5;
	v11 =	vand.u32 $0xFFFF0000, v18;
	[tilespmem:s17+$0x1B0] =	vst v10  }
0xac: {  	v17 =	vld [tilespmem:s20+$0xFFFFFF90];
	v10 =	vshll.u32 v13, $0x10;
	[tilespmem:s17+$0x10] =	vst v15;
	v11 =	vmul.f32 v11, v5  }
0xad: {  	v13 =	vand.u32 $0xFFFF0000, v13;
	v15 =	vld [tilespmem:s20+$0xE0];
	v10 =	vmul.f32 v10, v4;
	[tilespmem:s17+$0x80] =	vst v14  }
0xae: {  	v14 =	vshll.u32 v12, $0x10;
	v13 =	vmul.f32 v13, v4;
	[tilespmem:s17+$0x90] =	vst v11  }
0xaf: {  	v18 =	vld [tilespmem:s20+$0xFFFFFFD0];
	v11 =	vand.u32 $0xFFFF0000, v12;
	v12 =	vmul.f32 v14, v3;
	v14 =	vshll.u32 v16, $0x10;
	[tilespmem:s17+$0x100] =	vst v10  }
0xb0: {  	[tilespmem:s17+$0x110] =	vst v13;
	v10 =	vmul.f32 v11, v3;
	v11 =	vmul.f32 v14, v9;
	v14 =	vand.u32 $0xFFFF0000, v16;
	v16 =	vld [tilespmem:s20+$0x10]  }
0xb1: {  	v19 =	vld [tilespmem:s20+$0x50];
	[tilespmem:s17+$0xFFFFFE00] =	vst v12  }
0xb2: {  	v20 =	vld [tilespmem:s20+$0x90];
	v13 =	vmul.f32 v14, v9;
	v14 =	vshll.u32 v17, $0x10;
	v12 =	vshll.u32 v15, $0x10;
	[tilespmem:s17+$0xFFFFFE10] =	vst v10  }
0xb3: {  	v14 =	vmul.f32 v14, v8;
	[tilespmem:s17+$0xFFFFFEA0] =	vst v11;
	v10 =	vmul.f32 v12, v6;
	v12 =	vand.u32 $0xFFFF0000, v15  }
0xb4: {  	v17 =	vand.u32 $0xFFFF0000, v17;
	v15 =	vshll.u32 v18, $0x10;
	[tilespmem:s17+$0xFFFFFEB0] =	vst v13;
	v11 =	vmul.f32 v12, v6  }
0xb5: {  	v12 =	vmul.f32 v17, v8;
	v17 =	vand.u32 $0xFFFF0000, v18;
	v15 =	vmul.f32 v15, v7;
	[tilespmem:s17+$0xFFFFFF20] =	vst v14  }
0xb6: {  	v18 =	vld [tilespmem:s20+$0xFFFFFF10];
	[tilespmem:s17+$0x1C0] =	vst v10;
	v10 =	vmul.f32 v17, v7;
	v17 =	vshll.u32 v16, $0x10;
	v16 =	vand.u32 $0xFFFF0000, v16  }
0xb7: {  	v22 =	vld [tilespmem:s20+$0xFFFFFF60];
	v21 =	vshll.u32 v20, $0x10;
	[tilespmem:s17+$0x1D0] =	vst v11;
	v11 =	vmul.f32 v17, v2;
	v17 =	vshll.u32 v19, $0x10  }
0xb8: {  	v16 =	vmul.f32 v16, v2;
	v19 =	vand.u32 $0xFFFF0000, v19;
	[tilespmem:s17+$0xFFFFFF30] =	vst v12;
	v17 =	vmul.f32 v17, v5  }
0xb9: {  	s26 =	simm.s32 $0xA;
	s9 =	simm.s32 $0xB;
	v14 =	vmul.f32 v19, v5;
	v19 =	vand.u32 $0xFFFF0000, v20;
	v20 =	vmul.f32 v21, v4;
	[tilespmem:s17+$0xFFFFFFB0] =	vst v10  }
0xba: {  	v13 =	vld [tilespmem:s20+$0xF0];
	v10 =	vmov s26;
	v12 =	vmul.f32 v19, v4;
	[tilespmem:s17+$0x30] =	vst v16;
	v16 =	vmov s9  }
0xbb: {  	[tilespmem:s17+$0xFFFFFFA0] =	vst v15;
	v21 =	vld [tilespmem:s20+$0xFFFFFFA0];
	v10 =	vshrl.u32 v10, $0x3;
	v19 =	vshll.u32 v18, $0x10;
	v18 =	vand.u32 $0xFFFF0000, v18  }
0xbc: {  	s24 =	simm.s32 $0x9;
	v23 =	vld [tilespmem:s20+$0xFFFFFFE0];
	[tilespmem:s17+$0x20] =	vst v11;
	v24 =	vshll.u32 v22, $0x10;
	v22 =	vand.u32 $0xFFFF0000, v22;
	v15 =	vmul.f32 v19, v3  }
0xbd: {  	[tilespmem:s17+$0xB0] =	vst v14;
	v18 =	vmul.f32 v18, v3;
	v19 =	vmov s24;
	v24 =	vmul.f32 v24, v9  }
0xbe: {  	v22 =	vmul.f32 v22, v9;
	[tilespmem:s17+$0x130] =	vst v12;
	v12 =	vshrl.u32 v16, $0x3;
	v14 =	vshrl.u32 v19, $0x3  }
0xbf: {  	[tilespmem:s17+$0xA0] =	vst v17;
	v12 =	vshll.u32 v12, v1;
	v11 =	vshll.u32 v13, $0x10;
	v13 =	vand.u32 $0xFFFF0000, v13  }
0xc0: {  	v25 =	vld [tilespmem:s20+$0x20];
	[tilespmem:s17+$0x120] =	vst v20;
	v17 =	vshll.u32 v21, $0x10;
	v21 =	vand.u32 $0xFFFF0000, v21;
	v13 =	vmul.f32 v13, v6  }
0xc1: {  	[tilespmem:s17+$0xFFFFFE30] =	vst v18;
	v14 =	vshll.u32 v14, v1;
	v18 =	vshll.u32 v10, v1;
	v19 =	vshll.u32 v23, $0x10  }
0xc2: {  	s24 =	simm.s32 $0xC;
	[tilespmem:s17+$0x1F0] =	vst v13;
	v13 =	vmul.f32 v17, v8;
	v17 =	vmul.f32 v21, v8;
	v21 =	vand.u32 $0xFFFF0000, v23;
	v23 =	vld [tilespmem:s20+$0x60]  }
0xc3: {  	[tilespmem:s17+$0xFFFFFEC0] =	vst v24;
	v12 =	vadd.s32 $0x53, v12;
	v6 =	vmul.f32 v11, v6;
	v11 =	vmov s24  }
0xc4: {  	[tilespmem:s17+$0xFFFFFED0] =	vst v22;
	v14 =	vadd.s32 $0x51, v14;
	v19 =	vmul.f32 v19, v7;
	v20 =	vmul.f32 v21, v7;
	v21 =	vld [tilespmem:s20+$0xA0]  }
0xc5: {  	[tilespmem:s17+$0xFFFFFE20] =	vst v15;
	v22 =	vld [tilespmem:s20+$0xFFFFFF70];
	v12 =	vbroadcast v12, $0x0;
	v15 =	vshll.u32 v25, $0x10;
	v16 =	vand.u32 $0xFFFF0000, v25  }
0xc6: {  	v61 =	vld [tilespmem:s20+$0xFFFFFF20];
	v11 =	vshrl.u32 v11, $0x3;
	v15 =	vmul.f32 v15, v2;
	v16 =	vmul.f32 v16, v2;
	[tilespmem:s17+$0xFFFFFFC0] =	vst v19  }
0xc7: {  	v62 =	vshll.u32 v11, v1;
	[tilespmem:s17+$0xFFFFFF40] =	vst v13;
	v10 =	vshll.u32 v23, $0x10;
	v11 =	vand.u32 $0xFFFF0000, v23  }
0xc8: {  	[tilespmem:s17+$0xFFFFFF50] =	vst v17;
	v17 =	vadd.s32 $0x52, v18;
	v13 =	vmul.f32 v10, v5;
	v23 =	vmul.f32 v11, v5  }
0xc9: {  	[tilespmem:s17+$0x40] =	vst v15;
	v18 =	vld [tilespmem:s20+$0xFFFFFFB0];
	v10 =	vbroadcast v14, $0x0;
	v11 =	vshll.u32 v21, $0x10;
	v14 =	vand.u32 $0xFFFF0000, v21  }
0xca: {  	[tilespmem:s17+$0xFFFFFFD0] =	vst v20;
	v15 =	vshll.u32 v22, $0x10;
	v19 =	vmul.f32 v11, v4;
	v21 =	vmul.f32 v14, v4  }
0xcb: {  	v26 =	vld [tilespmem:s20+$0xFFFFFFF0];
	v11 =	vbroadcast v17, $0x0;
	v14 =	vshll.u32 v61, $0x10;
	v17 =	vand.u32 $0xFFFF0000, v61  }
0xcc: {  	[tilespmem:s17+$0x50] =	vst v16;
	v63 =	vmul.f32 v14, v3;
	v14 =	vmul.f32 v17, v3;
	v17 =	vand.u32 $0xFFFF0000, v22  }
0xcd: {  	v20 =	vadd.s32 $0x54, v62;
	v16 =	vmul.f32 v15, v9;
	[tilespmem:s17+$0xC0] =	vst v13;
	v15 =	vmul.f32 v17, v9;
	v9 =	vld [tilespmem:s20+$0x30]  }
0xce: {  	s26 =	simm.s32 $0xF;
	v13 =	vbroadcast v20, $0x0;
	[tilespmem:s17+$0xD0] =	vst v23;
	v17 =	vshll.u32 v18, $0x10;
	v18 =	vand.u32 $0xFFFF0000, v18  }
0xcf: {  	v22 =	vmov s26;
	[tilespmem:s17+$0x140] =	vst v19;
	v20 =	vmul.f32 v17, v8;
	v17 =	vmul.f32 v18, v8;
	v8 =	vld [tilespmem:s20+$0x70]  }
0xd0: {  	v19 =	vshll.u32 v26, $0x10;
	v23 =	vand.u32 $0xFFFF0000, v26;
	[tilespmem:s17+$0x150] =	vst v21;
	v18 =	vshrl.u32 v22, $0x3  }
0xd1: {  	s13 =	simm.s32 $0x1A180;
	s24 =	simm.s32 $0x8;
	s26 =	simm.s32 $0x10;
	[tilespmem:s17+$0xFFFFFE40] =	vst v63;
	v21 =	vmul.f32 v19, v7;
	v19 =	vld [tilespmem:s20+$0xB0];
	v22 =	vshll.u32 v18, v1;
	v18 =	vmul.f32 v23, v7  }
.LBB2_6:
0xd2: {  	p0 =	slt.u32 s26, $0x48;
	v7 =	vadd.s32 $0x57, v22;
	[tilespmem:s17+$0xFFFFFE50] =	vst v14;
	v14 =	vshll.u32 v9, $0x10;
	v22 =	vand.u32 $0xFFFF0000, v9  }
0xd3: {  	v23 =	vbroadcast v7, $0x0;
	v24 =	vld [tilespmem:s20+$0xFFFFFF30];
	[tilespmem:s17+$0xFFFFFEE0] =	vst v16;
	v14 =	vmul.f32 v14, v2  }
0xd4: {  	s9 =	sadd.s32 $0x5, s24;
	v9 =	vld.idx.msk [tilespmem:v10+s22+$0x0], $0xffff;
	[tilespmem:s17+$0xFFFFFEF0] =	vst v15;
	v15 =	vmul.f32 v22, v2;
	v2 =	vshll.u32 v8, $0x10;
	v7 =	vand.u32 $0xFFFF0000, v8  }
0xd5: {  	v10 =	vmov s9;
	s9 =	sadd.s32 $0x6, s24;
	v8 =	vld.idx.msk [tilespmem:v11+s22+$0x0], $0xffff;
	[tilespmem:s17+$0xFFFFFF60] =	vst v20;
	v11 =	vmul.f32 v2, v5;
	v5 =	vmul.f32 v7, v5  }
0xd6: {  	v7 =	vld.idx.msk [tilespmem:v12+s22+$0x0], $0xffff;
	v12 =	vmov s9;
	[tilespmem:s17+$0xFFFFFF70] =	vst v17;
	v16 =	vshll.u32 v19, $0x10;
	v17 =	vand.u32 $0xFFFF0000, v19  }
0xd7: {  	s20 =	sadd.s32 $0x200, s20;
	v10 =	vshrl.u32 v10, $0x3;
	v2 =	vld.idx.msk [tilespmem:v13+s22+$0x0], $0xffff;
	[tilespmem:s17+$0xFFFFFFE0] =	vst v21;
	v13 =	vmul.f32 v16, v4;
	v4 =	vmul.f32 v17, v4  }
0xd8: {  	v16 =	vshll.u32 v10, v1;
	v17 =	vld [tilespmem:s20+$0xC0];
	v19 =	vshll.u32 v24, $0x10;
	v20 =	vand.u32 $0xFFFF0000, v24;
	[tilespmem:s17+$0xFFFFFFF0] =	vst v18  }
0xd9: {  	v12 =	vshrl.u32 v12, $0x3;
	v10 =	vld.idx.msk [tilespmem:v23+s22+$0x0], $0xffff;
	v18 =	vmul.f32 v19, v3;
	v3 =	vmul.f32 v20, v3;
	[tilespmem:s17+$0x60] =	vst v14  }
0xda: {  	v16 =	vadd.s32 $0x55, v16;
	v12 =	vshll.u32 v12, v1;
	v14 =	vmov s24;
	s24 =	smov.u32 s26;
	v19 =	vld [tilespmem:s20+$0xFFFFFF00];
	[tilespmem:s17+$0x70] =	vst v15  }
0xdb: {  	v16 =	vbroadcast v16, $0x0;
	v12 =	vadd.s32 $0x56, v12;
	v14 =	vshrl.u32 v14, $0x3;
	v15 =	vld [tilespmem:s20+$0xFFFFFF40];
	[tilespmem:s17+$0xE0] =	vst v11  }
0xdc: {  	v12 =	vbroadcast v12, $0x0;
	v11 =	vshll.u32 v14, v1;
	v14 =	vld [tilespmem:s20+$0xFFFFFF80];
	[tilespmem:s17+$0xF0] =	vst v5  }
0xdd: {  	v5 =	vadd.s32 $0x50, v11;
	v11 =	vld [tilespmem:s20+$0xFFFFFFC0];
	[tilespmem:s17+$0x160] =	vst v13  }
0xde: {  	v13 =	vbroadcast v5, $0x0;
	v5 =	vshll.u32 v17, $0x10;
	v20 =	vld [tilespmem:s20+$0x0];
	[tilespmem:s17+$0x170] =	vst v4  }
0xdf: {  	v4 =	vmul.f32 v5, v10;
	v5 =	vand.u32 $0xFFFF0000, v17;
	v21 =	vshll.u32 v19, $0x10;
	v22 =	vld [tilespmem:s20+$0x40];
	[tilespmem:s17+$0x1E0] =	vst v6  }
0xe0: {  	v6 =	vand.u32 $0xFFFF0000, v19;
	v23 =	vmul.f32 v5, v10;
	s17 =	sadd.s32 $0x400, s17;
	v17 =	vshll.u32 v15, $0x10;
	v19 =	vld [tilespmem:s20+$0x80];
	[tilespmem:s13+$0xFFFFFE60] =	vst v18  }
0xe1: {  	v15 =	vand.u32 $0xFFFF0000, v15;
	v18 =	vshll.u32 v14, $0x10;
	v14 =	vand.u32 $0xFFFF0000, v14;
	v5 =	vld.idx.msk [tilespmem:v16+s22+$0x0], $0xffff;
	[tilespmem:s17+$0x180] =	vst v4  }
0xe2: {  	v16 =	vmul.f32 v17, v9;
	v17 =	vshll.u32 v11, $0x10;
	v11 =	vand.u32 $0xFFFF0000, v11;
	v4 =	vld.idx.msk [tilespmem:v12+s22+$0x0], $0xffff;
	[tilespmem:s17+$0x190] =	vst v23  }
0xe3: {  	v12 =	vmul.f32 v15, v9;
	v15 =	vshll.u32 v20, $0x10;
	v20 =	vand.u32 $0xFFFF0000, v20;
	v23 =	vld [tilespmem:s20+$0xD0];
	[tilespmem:s13+$0xFFFFFE70] =	vst v3;
	s13 =	smov.u32 s17  }
0xe4: {  	[tilespmem:s17+$0xFFFFFE80] =	vst v16;
	v16 =	vmul.f32 v18, v8;
	v18 =	vshll.u32 v22, $0x10;
	v22 =	vand.u32 $0xFFFF0000, v22  }
0xe5: {  	v3 =	vld.idx.msk [tilespmem:v13+s22+$0x0], $0xffff;
	[tilespmem:s17+$0xFFFFFE90] =	vst v12;
	v12 =	vmul.f32 v14, v8;
	v13 =	vshll.u32 v19, $0x10;
	v14 =	vand.u32 $0xFFFF0000, v19  }
0xe6: {  	v11 =	vmul.f32 v11, v7;
	v19 =	vld [tilespmem:s20+$0xFFFFFF50];
	[tilespmem:s17+$0xFFFFFF00] =	vst v16;
	v16 =	vmul.f32 v17, v7  }
0xe7: {  	[tilespmem:s17+$0xFFFFFF10] =	vst v12;
	v12 =	vmul.f32 v15, v2;
	v15 =	vmul.f32 v20, v2  }
0xe8: {  	v17 =	vld [tilespmem:s20+$0xFFFFFF90];
	[tilespmem:s17+$0xFFFFFF80] =	vst v16;
	v16 =	vmul.f32 v18, v5;
	v18 =	vmul.f32 v22, v5;
	v20 =	vshll.u32 v23, $0x10  }
0xe9: {  	[tilespmem:s17+$0xFFFFFF90] =	vst v11;
	v11 =	vmul.f32 v13, v4;
	v13 =	vmul.f32 v20, v10;
	v20 =	vand.u32 $0xFFFF0000, v23  }
0xea: {  	v22 =	vld [tilespmem:s20+$0xFFFFFFD0];
	[tilespmem:s17+$0x0] =	vst v12;
	v12 =	vmul.f32 v14, v4;
	v14 =	vmul.f32 v20, v10  }
0xeb: {  	v20 =	vmul.f32 v21, v3;
	v6 =	vmul.f32 v6, v3;
	v21 =	vshll.u32 v19, $0x10;
	[tilespmem:s17+$0x1A0] =	vst v13  }
0xec: {  	v19 =	vand.u32 $0xFFFF0000, v19;
	v13 =	vmul.f32 v21, v9;
	[tilespmem:s17+$0x1B0] =	vst v14  }
0xed: {  	v14 =	vmul.f32 v19, v9;
	v19 =	vshll.u32 v17, $0x10;
	v17 =	vand.u32 $0xFFFF0000, v17;
	[tilespmem:s17+$0x10] =	vst v15;
	v15 =	vld [tilespmem:s20+$0xE0]  }
0xee: {  	v19 =	vmul.f32 v19, v8;
	v17 =	vmul.f32 v17, v8;
	v21 =	vld [tilespmem:s20+$0x10];
	[tilespmem:s17+$0x80] =	vst v16  }
0xef: {  	v16 =	vshll.u32 v22, $0x10;
	v22 =	vand.u32 $0xFFFF0000, v22;
	[tilespmem:s17+$0x90] =	vst v18  }
0xf0: {  	v16 =	vmul.f32 v16, v7;
	v18 =	vmul.f32 v22, v7;
	v22 =	vld [tilespmem:s20+$0x50];
	[tilespmem:s17+$0x100] =	vst v11  }
0xf1: {  	[tilespmem:s17+$0x110] =	vst v12  }
0xf2: {  	[tilespmem:s17+$0xFFFFFE00] =	vst v20;
	v11 =	vld [tilespmem:s20+$0x90];
	v12 =	vshll.u32 v15, $0x10  }
0xf3: {  	v15 =	vand.u32 $0xFFFF0000, v15;
	[tilespmem:s17+$0xFFFFFE10] =	vst v6;
	v6 =	vshll.u32 v21, $0x10;
	v12 =	vmul.f32 v12, v10  }
0xf4: {  	v15 =	vmul.f32 v15, v10;
	v20 =	vld [tilespmem:s20+$0xFFFFFF10];
	[tilespmem:s17+$0xFFFFFEA0] =	vst v13;
	v6 =	vmul.f32 v6, v2;
	v13 =	vand.u32 $0xFFFF0000, v21  }
0xf5: {  	v13 =	vmul.f32 v13, v2;
	v21 =	vshll.u32 v22, $0x10;
	v22 =	vand.u32 $0xFFFF0000, v22;
	[tilespmem:s17+$0x1C0] =	vst v12  }
0xf6: {  	v12 =	vmul.f32 v21, v5;
	v21 =	vmul.f32 v22, v5;
	[tilespmem:s17+$0x1D0] =	vst v15  }
0xf7: {  	[tilespmem:s17+$0xFFFFFEB0] =	vst v14;
	v14 =	vshll.u32 v11, $0x10;
	v11 =	vand.u32 $0xFFFF0000, v11;
	v15 =	vld [tilespmem:s20+$0xF0]  }
0xf8: {  	v22 =	vld [tilespmem:s20+$0xFFFFFF60];
	[tilespmem:s17+$0xFFFFFF20] =	vst v19;
	v14 =	vmul.f32 v14, v4;
	v11 =	vmul.f32 v11, v4  }
0xf9: {  	v19 =	vshll.u32 v20, $0x10;
	v20 =	vand.u32 $0xFFFF0000, v20;
	[tilespmem:s17+$0xFFFFFF30] =	vst v17  }
0xfa: {  	s9 =	sadd.s32 $0x1, s26;
	v17 =	vmul.f32 v19, v3;
	v19 =	vmul.f32 v20, v3;
	v20 =	vld [tilespmem:s20+$0xFFFFFFA0];
	[tilespmem:s17+$0xFFFFFFA0] =	vst v16  }
0xfb: {  	v16 =	vmov s9;
	s9 =	sadd.s32 $0x2, s26;
	[tilespmem:s17+$0xFFFFFFB0] =	vst v18  }
0xfc: {  	v18 =	vmov s9;
	v23 =	vld [tilespmem:s20+$0xFFFFFFE0];
	[tilespmem:s17+$0x20] =	vst v6;
	v6 =	vshll.u32 v15, $0x10;
	v15 =	vand.u32 $0xFFFF0000, v15  }
0xfd: {  	s9 =	sadd.s32 $0x3, s26;
	v24 =	vshll.u32 v22, $0x10;
	v22 =	vand.u32 $0xFFFF0000, v22;
	[tilespmem:s17+$0x30] =	vst v13;
	v13 =	vmul.f32 v15, v10  }
0xfe: {  	v15 =	vmov s9;
	v24 =	vmul.f32 v24, v9;
	v22 =	vmul.f32 v22, v9;
	v25 =	vld [tilespmem:s20+$0x20];
	[tilespmem:s17+$0xA0] =	vst v12  }
0xff: {  	s9 =	sadd.s32 $0x4, s26;
	v6 =	vmul.f32 v6, v10;
	v12 =	vshll.u32 v20, $0x10;
	v20 =	vand.u32 $0xFFFF0000, v20;
	[tilespmem:s17+$0x1F0] =	vst v13  }
0x100: {  	v10 =	vmov s9;
	v12 =	vmul.f32 v12, v8;
	v13 =	vmul.f32 v20, v8;
	[tilespmem:s17+$0xB0] =	vst v21  }
0x101: {  	v16 =	vshrl.u32 v16, $0x3;
	v20 =	vshll.u32 v23, $0x10;
	v21 =	vand.u32 $0xFFFF0000, v23;
	v23 =	vld [tilespmem:s20+$0x60];
	[tilespmem:s17+$0x120] =	vst v14  }
0x102: {  	v14 =	vshrl.u32 v18, $0x3;
	v18 =	vmul.f32 v20, v7;
	v20 =	vmul.f32 v21, v7;
	[tilespmem:s17+$0x130] =	vst v11  }
0x103: {  	v11 =	vshrl.u32 v15, $0x3;
	[tilespmem:s17+$0xFFFFFE20] =	vst v17;
	v15 =	vshll.u32 v25, $0x10;
	v17 =	vand.u32 $0xFFFF0000, v25;
	v21 =	vld [tilespmem:s20+$0xA0]  }
0x104: {  	v10 =	vshrl.u32 v10, $0x3;
	[tilespmem:s17+$0xFFFFFE30] =	vst v19;
	v15 =	vmul.f32 v15, v2;
	v17 =	vmul.f32 v17, v2  }
0x105: {  	v16 =	vshll.u32 v16, v1;
	v14 =	vshll.u32 v14, v1;
	v19 =	vshll.u32 v11, v1;
	v25 =	vld [tilespmem:s20+$0xFFFFFF20];
	[tilespmem:s17+$0xFFFFFEC0] =	vst v24  }
0x106: {  	v24 =	vshll.u32 v10, v1;
	[tilespmem:s17+$0xFFFFFED0] =	vst v22;
	v10 =	vshll.u32 v23, $0x10;
	v11 =	vand.u32 $0xFFFF0000, v23  }
0x107: {  	v16 =	vadd.s32 $0x51, v16;
	v22 =	vld [tilespmem:s20+$0xFFFFFF70];
	[tilespmem:s17+$0xFFFFFF40] =	vst v12;
	v23 =	vmul.f32 v10, v5;
	v26 =	vmul.f32 v11, v5  }
0x108: {  	v10 =	vbroadcast v16, $0x0;
	[tilespmem:s17+$0xFFFFFF50] =	vst v13;
	v11 =	vshll.u32 v21, $0x10;
	v12 =	vand.u32 $0xFFFF0000, v21  }
0x109: {  	v13 =	vadd.s32 $0x52, v14;
	v21 =	vld [tilespmem:s20+$0xFFFFFFB0];
	[tilespmem:s17+$0xFFFFFFC0] =	vst v18;
	v18 =	vmul.f32 v11, v4;
	v27 =	vmul.f32 v12, v4  }
0x10a: {  	v11 =	vbroadcast v13, $0x0;
	v12 =	vshll.u32 v25, $0x10;
	v13 =	vand.u32 $0xFFFF0000, v25;
	[tilespmem:s17+$0xFFFFFFD0] =	vst v20  }
0x10b: {  	v16 =	vadd.s32 $0x53, v19;
	v19 =	vmul.f32 v12, v3;
	v14 =	vmul.f32 v13, v3;
	v25 =	vld [tilespmem:s20+$0xFFFFFFF0];
	[tilespmem:s17+$0x40] =	vst v15  }
0x10c: {  	v12 =	vbroadcast v16, $0x0;
	v13 =	vshll.u32 v22, $0x10;
	v15 =	vand.u32 $0xFFFF0000, v22;
	[tilespmem:s17+$0x50] =	vst v17  }
.Ltmp1:
0x10d: {  	v17 =	vadd.s32 $0x54, v24;
	v16 =	vmul.f32 v13, v9;
	v15 =	vmul.f32 v15, v9;
	v9 =	vld [tilespmem:s20+$0x30];
	[tilespmem:s17+$0xC0] =	vst v23;
	(pc) =	sbr.rel @p0 .LBB2_6-.Ltmp1, $4  }
0x10e: {  	s9 =	sadd.s32 $0x7, s26;
	v13 =	vbroadcast v17, $0x0;
	v17 =	vshll.u32 v21, $0x10;
	v21 =	vand.u32 $0xFFFF0000, v21;
	[tilespmem:s17+$0xD0] =	vst v26  }
0x10f: {  	v22 =	vmov s9;
	v20 =	vmul.f32 v17, v8;
	v17 =	vmul.f32 v21, v8;
	v8 =	vld [tilespmem:s20+$0x70];
	[tilespmem:s17+$0x140] =	vst v18  }
0x110: {  	v18 =	vshrl.u32 v22, $0x3;
	v21 =	vshll.u32 v25, $0x10;
	v23 =	vand.u32 $0xFFFF0000, v25;
	[tilespmem:s17+$0x150] =	vst v27  }
0x111: {  	s26 =	sadd.s32 $0x8, s26;
	v22 =	vshll.u32 v18, v1;
	[tilespmem:s17+$0xFFFFFE40] =	vst v19;
	v21 =	vmul.f32 v21, v7;
	v18 =	vmul.f32 v23, v7;
	v19 =	vld [tilespmem:s20+$0xB0]  }
0x112: {  	[tilespmem:s17+$0xFFFFFE50] =	vst v14  }
0x113: {  	[tilespmem:s17+$0xFFFFFEE0] =	vst v16  }
0x114: {  	v7 =	vadd.s32 $0x57, v22;
	[tilespmem:s17+$0xFFFFFEF0] =	vst v15  }
0x115: {  	[tilespmem:s17+$0xFFFFFF60] =	vst v20;
	v14 =	vshll.u32 v9, $0x10;
	v7 =	vbroadcast v7, $0x0  }
0x116: {  	[tilespmem:s17+$0xFFFFFF70] =	vst v17;
	v9 =	vand.u32 $0xFFFF0000, v9;
	v15 =	vld [tilespmem:s20+$0xFFFFFF30];
	v14 =	vmul.f32 v14, v2  }
0x117: {  	v9 =	vmul.f32 v9, v2;
	s20 =	sadd.s32 $0x200, s20;
	[tilespmem:s17+$0xFFFFFFF0] =	vst v18;
	v2 =	vshll.u32 v8, $0x10  }
0x118: {  	s9 =	sadd.s32 $0x5, s24;
	v8 =	vand.u32 $0xFFFF0000, v8;
	v18 =	vld [tilespmem:s20+$0xC0];
	v17 =	vmul.f32 v2, v5;
	[tilespmem:s17+$0x60] =	vst v14  }
0x119: {  	s26 =	sadd.s32 $0x6, s24;
	v16 =	vmov s9;
	v8 =	vmul.f32 v8, v5;
	[tilespmem:s17+$0x70] =	vst v9;
	v5 =	vld.idx.msk [tilespmem:v10+s22+$0x0], $0xffff  }
0x11a: {  	v14 =	vmov s26;
	v9 =	vshrl.u32 v16, $0x3;
	v20 =	vshll.u32 v19, $0x10;
	[tilespmem:s17+$0xE0] =	vst v17;
	v17 =	vld [tilespmem:s20+$0xFFFFFF40]  }
0x11b: {  	v9 =	vshll.u32 v9, v1;
	v10 =	vmul.f32 v20, v4;
	[tilespmem:s17+$0xF0] =	vst v8;
	v8 =	vand.u32 $0xFFFF0000, v15;
	v2 =	vld.idx.msk [tilespmem:v7+s22+$0x0], $0xffff  }
0x11c: {  	[tilespmem:s17+$0x1E0] =	vst v6;
	v16 =	vshll.u32 v15, $0x10;
	v15 =	vld [tilespmem:s20+$0xFFFFFF80];
	v7 =	vand.u32 $0xFFFF0000, v19;
	v8 =	vmul.f32 v8, v3  }
0x11d: {  	[tilespmem:s17+$0x160] =	vst v10;
	v10 =	vmov s24;
	v7 =	vmul.f32 v7, v4;
	v4 =	vld.idx.msk [tilespmem:v11+s22+$0x0], $0xffff;
	v11 =	vshrl.u32 v14, $0x3  }
0x11e: {  	[tilespmem:s17+$0xFFFFFFE0] =	vst v21;
	v14 =	vmul.f32 v16, v3;
	v16 =	vshll.u32 v18, $0x10;
	v3 =	vld.idx.msk [tilespmem:v12+s22+$0x0], $0xffff;
	v12 =	vand.u32 $0xFFFF0000, v18  }
0x11f: {  	v10 =	vshrl.u32 v10, $0x3;
	v11 =	vshll.u32 v11, v1;
	[tilespmem:s17+$0x170] =	vst v7;
	v7 =	vadd.s32 $0x55, v9  }
0x120: {  	[tilespmem:s13+$0xFFFFFE70] =	vst v8;
	v11 =	vadd.s32 $0x56, v11;
	v7 =	vbroadcast v7, $0x0;
	v9 =	vmul.f32 v16, v2;
	v16 =	vld [tilespmem:s20+$0xFFFFFFC0]  }
0x121: {  	v6 =	vld.idx.msk [tilespmem:v13+s22+$0x0], $0xffff;
	s9 =	sadd.s32 $0x400, s17;
	[tilespmem:s13+$0xFFFFFE60] =	vst v14;
	v13 =	vshll.u32 v17, $0x10;
	v14 =	vand.u32 $0xFFFF0000, v17;
	v12 =	vmul.f32 v12, v2  }
0x122: {  	v13 =	vmul.f32 v13, v5;
	v11 =	vbroadcast v11, $0x0;
	[tilespmem:s9+$0x180] =	vst v9;
	v9 =	vshll.u32 v10, v1;
	v10 =	vld [tilespmem:s20+$0x0]  }
0x123: {  	v14 =	vmul.f32 v14, v5;
	[tilespmem:s9+$0x190] =	vst v12;
	v12 =	vshll.u32 v15, $0x10;
	v8 =	vadd.s32 $0x50, v9  }
0x124: {  	[tilespmem:s9+$0xFFFFFE80] =	vst v13;
	v17 =	vld [tilespmem:s20+$0xD0];
	v9 =	vand.u32 $0xFFFF0000, v15;
	v12 =	vmul.f32 v12, v4;
	v13 =	vbroadcast v8, $0x0  }
0x125: {  	[tilespmem:s9+$0xFFFFFE90] =	vst v14;
	v14 =	vld [tilespmem:s20+$0x40];
	v9 =	vmul.f32 v9, v4;
	v8 =	vshll.u32 v16, $0x10  }
0x126: {  	v15 =	vand.u32 $0xFFFF0000, v16;
	[tilespmem:s9+$0xFFFFFF00] =	vst v12;
	v7 =	vld.idx.msk [tilespmem:v7+s22+$0x0], $0xffff;
	v8 =	vmul.f32 v8, v3  }
0x127: {  	v16 =	vld [tilespmem:s20+$0x80];
	v15 =	vmul.f32 v15, v3;
	[tilespmem:s9+$0xFFFFFF10] =	vst v9;
	v12 =	vshll.u32 v10, $0x10  }
0x128: {  	v10 =	vand.u32 $0xFFFF0000, v10;
	v9 =	vmul.f32 v12, v6;
	[tilespmem:s9+$0xFFFFFF80] =	vst v8;
	v8 =	vld.idx.msk [tilespmem:v11+s22+$0x0], $0xffff  }
0x129: {  	v12 =	vshll.u32 v17, $0x10;
	[tilespmem:s9+$0xFFFFFF90] =	vst v15;
	v15 =	vld [tilespmem:s20+$0xFFFFFF00];
	v10 =	vmul.f32 v10, v6  }
0x12a: {  	v11 =	vmul.f32 v12, v2;
	v12 =	vand.u32 $0xFFFF0000, v17;
	[tilespmem:s9+$0x0] =	vst v9;
	v9 =	vld.idx.msk [tilespmem:v13+s22+$0x0], $0xffff  }
0x12b: {  	v17 =	vshll.u32 v14, $0x10;
	v12 =	vmul.f32 v12, v2;
	v13 =	vld [tilespmem:s20+$0xFFFFFF50];
	[tilespmem:s9+$0x10] =	vst v10  }
0x12c: {  	[tilespmem:s9+$0x1A0] =	vst v11;
	v11 =	vand.u32 $0xFFFF0000, v14;
	v14 =	vmul.f32 v17, v7  }
0x12d: {  	[tilespmem:s9+$0x1B0] =	vst v12;
	v12 =	vshll.u32 v16, $0x10;
	v11 =	vmul.f32 v11, v7  }
0x12e: {  	v16 =	vand.u32 $0xFFFF0000, v16;
	v10 =	vld [tilespmem:s20+$0xE0];
	v12 =	vmul.f32 v12, v8;
	[tilespmem:s9+$0x80] =	vst v14  }
0x12f: {  	v14 =	vshll.u32 v15, $0x10;
	v16 =	vmul.f32 v16, v8;
	[tilespmem:s9+$0x90] =	vst v11  }
0x130: {  	v11 =	vand.u32 $0xFFFF0000, v15;
	v15 =	vld [tilespmem:s20+$0xFFFFFF90];
	v14 =	vmul.f32 v14, v9;
	[tilespmem:s9+$0x100] =	vst v12;
	v12 =	vshll.u32 v13, $0x10  }
0x131: {  	[tilespmem:s9+$0x110] =	vst v16;
	v12 =	vmul.f32 v12, v5  }
0x132: {  	v11 =	vmul.f32 v11, v9;
	v16 =	vld [tilespmem:s20+$0xFFFFFFD0];
	v13 =	vand.u32 $0xFFFF0000, v13;
	[tilespmem:s9+$0xFFFFFE00] =	vst v14  }
0x133: {  	v14 =	vshll.u32 v10, $0x10;
	[tilespmem:s9+$0xFFFFFEA0] =	vst v12;
	v12 =	vmul.f32 v13, v5  }
0x134: {  	[tilespmem:s9+$0xFFFFFE10] =	vst v11;
	v10 =	vand.u32 $0xFFFF0000, v10;
	v11 =	vmul.f32 v14, v2;
	v14 =	vld [tilespmem:s20+$0x10]  }
0x135: {  	v10 =	vmul.f32 v10, v2;
	v13 =	vshll.u32 v15, $0x10;
	[tilespmem:s9+$0xFFFFFEB0] =	vst v12  }
0x136: {  	v13 =	vmul.f32 v13, v4;
	[tilespmem:s9+$0x1C0] =	vst v11;
	v11 =	vand.u32 $0xFFFF0000, v15;
	v15 =	vld [tilespmem:s20+$0x50]  }
0x137: {  	[tilespmem:s9+$0x1D0] =	vst v10;
	v10 =	vmul.f32 v11, v4;
	v11 =	vshll.u32 v16, $0x10  }
0x138: {  	v12 =	vld [tilespmem:s20+$0xF0];
	v16 =	vand.u32 $0xFFFF0000, v16;
	[tilespmem:s9+$0xFFFFFF20] =	vst v13;
	v11 =	vmul.f32 v11, v3  }
0x139: {  	v13 =	vmul.f32 v16, v3;
	v16 =	vld [tilespmem:s20+$0x90];
	v17 =	vshll.u32 v14, $0x10;
	[tilespmem:s9+$0xFFFFFF30] =	vst v10  }
0x13a: {  	v14 =	vand.u32 $0xFFFF0000, v14;
	v10 =	vmul.f32 v17, v6;
	[tilespmem:s9+$0xFFFFFFA0] =	vst v11  }
0x13b: {  	v11 =	vld [tilespmem:s20+$0xFFFFFF10];
	v14 =	vmul.f32 v14, v6;
	[tilespmem:s9+$0xFFFFFFB0] =	vst v13;
	v17 =	vshll.u32 v15, $0x10  }
0x13c: {  	v15 =	vand.u32 $0xFFFF0000, v15;
	v13 =	vmul.f32 v17, v7;
	[tilespmem:s9+$0x20] =	vst v10  }
0x13d: {  	v10 =	vand.u32 $0xFFFF0000, v12;
	v17 =	vld [tilespmem:s20+$0xFFFFFF60];
	[tilespmem:s9+$0x30] =	vst v14;
	v14 =	vmul.f32 v15, v7  }
0x13e: {  	v10 =	vmul.f32 v10, v2;
	v15 =	vshll.u32 v16, $0x10;
	[tilespmem:s9+$0xA0] =	vst v13  }
0x13f: {  	v13 =	vand.u32 $0xFFFF0000, v16;
	v15 =	vmul.f32 v15, v8;
	v16 =	vld [tilespmem:s20+$0xFFFFFFA0];
	[tilespmem:s9+$0xB0] =	vst v14  }
0x140: {  	[tilespmem:s9+$0x1F0] =	vst v10;
	v10 =	vmul.f32 v13, v8;
	v13 =	vshll.u32 v11, $0x10  }
0x141: {  	v14 =	vld [tilespmem:s20+$0xFFFFFFE0];
	v11 =	vand.u32 $0xFFFF0000, v11;
	v13 =	vmul.f32 v13, v9;
	[tilespmem:s9+$0x120] =	vst v15  }
0x142: {  	v11 =	vmul.f32 v11, v9;
	v15 =	vshll.u32 v17, $0x10;
	[tilespmem:s9+$0x130] =	vst v10  }
0x143: {  	v10 =	vand.u32 $0xFFFF0000, v17;
	v17 =	vld [tilespmem:s20+$0x20];
	v15 =	vmul.f32 v15, v5;
	[tilespmem:s9+$0xFFFFFE20] =	vst v13  }
0x144: {  	v10 =	vmul.f32 v10, v5;
	[tilespmem:s9+$0xFFFFFE30] =	vst v11;
	v13 =	vshll.u32 v16, $0x10  }
0x145: {  	v11 =	vand.u32 $0xFFFF0000, v16;
	v16 =	vld [tilespmem:s20+$0x60];
	v13 =	vmul.f32 v13, v4;
	[tilespmem:s9+$0xFFFFFEC0] =	vst v15  }
0x146: {  	v11 =	vmul.f32 v11, v4;
	v15 =	vshll.u32 v14, $0x10;
	[tilespmem:s9+$0xFFFFFED0] =	vst v10  }
0x147: {  	v10 =	vand.u32 $0xFFFF0000, v14;
	v14 =	vmul.f32 v15, v3;
	v15 =	vld [tilespmem:s20+$0xA0];
	[tilespmem:s9+$0xFFFFFF40] =	vst v13  }
0x148: {  	v10 =	vmul.f32 v10, v3;
	v13 =	vshll.u32 v17, $0x10;
	[tilespmem:s9+$0xFFFFFF50] =	vst v11  }
0x149: {  	v11 =	vand.u32 $0xFFFF0000, v17;
	v17 =	vld [tilespmem:s20+$0xFFFFFF20];
	v13 =	vmul.f32 v13, v6;
	[tilespmem:s9+$0xFFFFFFC0] =	vst v14  }
0x14a: {  	v11 =	vmul.f32 v11, v6;
	[tilespmem:s9+$0xFFFFFFD0] =	vst v10;
	v14 =	vshll.u32 v16, $0x10  }
0x14b: {  	v10 =	vand.u32 $0xFFFF0000, v16;
	v16 =	vld [tilespmem:s20+$0xFFFFFF70];
	v14 =	vmul.f32 v14, v7;
	[tilespmem:s9+$0x40] =	vst v13  }
0x14c: {  	v10 =	vmul.f32 v10, v7;
	[tilespmem:s9+$0x50] =	vst v11;
	v13 =	vshll.u32 v15, $0x10  }
0x14d: {  	v11 =	vand.u32 $0xFFFF0000, v15;
	v15 =	vld [tilespmem:s20+$0xFFFFFFB0];
	v13 =	vmul.f32 v13, v8;
	[tilespmem:s9+$0xC0] =	vst v14  }
0x14e: {  	v11 =	vmul.f32 v11, v8;
	v14 =	vshll.u32 v17, $0x10;
	[tilespmem:s9+$0xD0] =	vst v10  }
0x14f: {  	v10 =	vand.u32 $0xFFFF0000, v17;
	v17 =	vld [tilespmem:s20+$0xFFFFFFF0];
	v14 =	vmul.f32 v14, v9;
	[tilespmem:s9+$0x140] =	vst v13  }
0x150: {  	v10 =	vmul.f32 v10, v9;
	v13 =	vshll.u32 v16, $0x10;
	[tilespmem:s9+$0x150] =	vst v11  }
0x151: {  	v11 =	vand.u32 $0xFFFF0000, v16;
	v16 =	vld [tilespmem:s20+$0x30];
	v13 =	vmul.f32 v13, v5;
	[tilespmem:s9+$0xFFFFFE40] =	vst v14  }
0x152: {  	v5 =	vmul.f32 v11, v5;
	[tilespmem:s9+$0xFFFFFE50] =	vst v10;
	v11 =	vshll.u32 v15, $0x10  }
0x153: {  	v14 =	vld [tilespmem:s20+$0x70];
	v10 =	vand.u32 $0xFFFF0000, v15;
	v11 =	vmul.f32 v11, v4;
	[tilespmem:s9+$0xFFFFFEE0] =	vst v13  }
0x154: {  	v4 =	vmul.f32 v10, v4;
	v10 =	vshll.u32 v17, $0x10;
	[tilespmem:s9+$0xFFFFFEF0] =	vst v5  }
0x155: {  	v5 =	vand.u32 $0xFFFF0000, v17;
	v13 =	vld [tilespmem:s20+$0xB0];
	v10 =	vmul.f32 v10, v3;
	[tilespmem:s9+$0xFFFFFF60] =	vst v11  }
0x156: {  	v3 =	vmul.f32 v5, v3;
	v5 =	vshll.u32 v16, $0x10;
	[tilespmem:s9+$0xFFFFFF70] =	vst v4  }
0x157: {  	v4 =	vand.u32 $0xFFFF0000, v16;
	v5 =	vmul.f32 v5, v6;
	[tilespmem:s9+$0xFFFFFFE0] =	vst v10  }
0x158: {  	v10 =	vld [tilespmem:s20+$0xFFFFFF30];
	v4 =	vmul.f32 v4, v6;
	v6 =	vshll.u32 v14, $0x10;
	[tilespmem:s9+$0xFFFFFFF0] =	vst v3  }
0x159: {  	v3 =	vand.u32 $0xFFFF0000, v14;
	v6 =	vmul.f32 v6, v7;
	[tilespmem:s9+$0x60] =	vst v5  }
0x15a: {  	v3 =	vmul.f32 v3, v7;
	v5 =	vshll.u32 v13, $0x10;
	[tilespmem:s9+$0x70] =	vst v4  }
0x15b: {  	v4 =	vand.u32 $0xFFFF0000, v13;
	v5 =	vmul.f32 v5, v8;
	[tilespmem:s9+$0xE0] =	vst v6  }
0x15c: {  	v6 =	vshll.u32 v12, $0x10;
	v4 =	vmul.f32 v4, v8;
	[tilespmem:s9+$0xF0] =	vst v3  }
0x15d: {  	v2 =	vmul.f32 v6, v2;
	v3 =	vshll.u32 v10, $0x10;
	[tilespmem:s9+$0x160] =	vst v5  }
0x15e: {  	v5 =	vand.u32 $0xFFFF0000, v10;
	[tilespmem:s9+$0x170] =	vst v4;
	v3 =	vmul.f32 v3, v9  }
0x15f: {  	v4 =	vmul.f32 v5, v9;
	[tilespmem:s9+$0x1E0] =	vst v2  }
0x160: {  	[tilespmem:s9+$0xFFFFFE60] =	vst v3  }
0x161: {  	p0 =	sne.s32 s15, $0x80;
	[tilespmem:s9+$0xFFFFFE70] =	vst v4  }
0x162: {  	[spmem:s4] =	stream.indirect.scatter.add.f32 [tilespmem:s3], [sflag:$0x3], $0x80, s22, s25, $0xb8;
	[tilespmem:$0x1F160] =	vst v63  }
0x163: {  	s9 =	smul.u32 @p0 $0x14, s16;
	_ =	swait.ge [sflag:s1], $0x2800  }
0x164: {  	s13 =	simm.s32 @p0 $0x0;
	[sflag:s1] =	ssyncset.done $0x0  }
0x165: {  	s16 =	simm.s32 @p0 $0x1EF80;
	s9 =	sadd.s32 @p0 s11, s9;
	[sflag:s1] =	ssyncadd.s32 $0xFFFFD800  }
0x166: {  	[tilespmem:s16], [sflag:$0x5] =	stream.linear.gather @p0 [hbm4b:s9+s13], $0xA0, $0x38;
	[tilespmem:$0x1F160] =	vst v63  }
0x167: {  	s9 =	smul.u32 @p0 $0xA0, s15  }
0x168: {  	s16 =	simm.s32 @p0 $0x2  }
0x169: {  	_ =	swait.ge @p0 [sflag:s16], $0x1400;
	s9 =	sshrl.u32 @p0 s9, $0x3  }
0x16a: {  	[sflag:s16] =	ssyncset.done @p0 $0x0;
	s9 =	sadd.s32 @p0 s10, s9  }
0x16b: {  	[sflag:s16] =	ssyncadd.s32 @p0 $0xFFFFEC00;
	s16 =	simm.s32 @p0 $0x1F110;
	s9 =	sadd.s32 @p0 $0x1E, s9  }
0x16c: {  	[tilespmem:s16], [sflag:$0x8] =	stream.linear.gather @p0 [hbm4b:s9+s13], $0x50, $0x38;
	[tilespmem:$0x1F160] =	vst v63  }
0x16d: {  	s9 =	simm.s32 @p0 $0x7  }
0x16e: {  	s26 =	simm.s32 $0x1;
	_ =	swait.ge @p0 [sflag:s9], $0x50  }
0x16f: {  	s24 =	simm.s32 $0x7;
	s17 =	simm.s32 @p0 $0x17780;
	[sflag:s9] =	ssyncset.done @p0 $0x0  }
0x170: {  	v2 =	vmov s24;
	s16 =	simm.s32 @p0 $0x1F0C0;
	[sflag:s9] =	ssyncadd.s32 @p0 $0xFFFFFFB0;
	s9 =	simm.s32 @p0 $0x50  }
0x171: {  	v2 =	vshrl.u32 v2, $0x3;
	v3 =	vmov s26;
	[tilespmem:s17], [sflag:$0x1] =	stream.indirect.gather @p0 [hbm4b:s6+s9], $0x40, s16, s9, $0xb8;
	[tilespmem:$0x1F160] =	vst v63  }
0x172: {  	s24 =	simm.s32 $0x2;
	v2 =	vshll.u32 v2, v1;
	v3 =	vshrl.u32 v3, $0x3;
	s9 =	simm.s32 @!p0 $0x2  }
0x173: {  	v4 =	vmov s24;
	v2 =	vadd.s32 $0x57, v2;
	v3 =	vshll.u32 v3, v1;
	_ =	swait.ge @!p0 [sflag:s9], $0x1400  }
0x174: {  	s26 =	simm.s32 $0x3;
	v4 =	vshrl.u32 v4, $0x3;
	v2 =	vbroadcast v2, $0x0;
	v3 =	vadd.s32 $0x51, v3;
	[sflag:s9] =	ssyncset.done @!p0 $0x0  }
0x175: {  	v5 =	vmov s26;
	v4 =	vshll.u32 v4, v1;
	v3 =	vbroadcast v3, $0x0;
	[sflag:s9] =	ssyncadd.s32 @!p0 $0xFFFFEC00  }
0x176: {  	v5 =	vshrl.u32 v5, $0x3;
	v4 =	vadd.s32 $0x52, v4;
	s13 =	simm.s32 $0x4;
	_ =	swait.ge [sflag:s18], $0xA0  }
0x177: {  	v5 =	vshll.u32 v5, v1;
	v4 =	vbroadcast v4, $0x0;
	v6 =	vmov s13;
	[sflag:s18] =	ssyncset.done $0x0  }
0x178: {  	v5 =	vadd.s32 $0x53, v5;
	v6 =	vshrl.u32 v6, $0x3;
	s17 =	simm.s32 $0x18D70;
	[sflag:s18] =	ssyncadd.s32 $0xFFFFFF60  }
0x179: {  	v5 =	vbroadcast v5, $0x0;
	v6 =	vshll.u32 v6, v1;
	v10 =	vld [tilespmem:s17+$0xFFFFFFD0]  }
0x17a: {  	s24 =	simm.s32 $0x0;
	v7 =	vadd.s32 $0x54, v6;
	v6 =	vld.idx.msk [tilespmem:v2+s28+$0x0], $0xffff  }
0x17b: {  	v12 =	vmov s24;
	v9 =	vld.idx.msk [tilespmem:v3+s28+$0x0], $0xffff  }
0x17c: {  	s20 =	simm.s32 $0x6;
	v12 =	vshrl.u32 v12, $0x3;
	s16 =	simm.s32 $0x5;
	v2 =	vbroadcast v7, $0x0;
	v11 =	vld [tilespmem:s17+$0xFFFFFE50]  }
0x17d: {  	v12 =	vshll.u32 v12, v1;
	v3 =	vmov s16;
	v7 =	vmov s20;
	v8 =	vld.idx.msk [tilespmem:v4+s28+$0x0], $0xffff  }
0x17e: {  	v13 =	vld [tilespmem:s17+$0xFFFFFE90];
	v3 =	vshrl.u32 v3, $0x3;
	v4 =	vshrl.u32 v7, $0x3;
	v14 =	vshll.u32 v10, $0x10  }
0x17f: {  	v7 =	vld.idx.msk [tilespmem:v5+s28+$0x0], $0xffff;
	v3 =	vshll.u32 v3, v1;
	v10 =	vand.u32 $0xFFFF0000, v10;
	v5 =	vmul.f32 v14, v6  }
0x180: {  	s16 =	simm.s32 $0x1CB70;
	v4 =	vshll.u32 v4, v1;
	v3 =	vadd.s32 $0x55, v3;
	v14 =	vld [tilespmem:s17+$0xFFFFFED0];
	v10 =	vmul.f32 v10, v6  }
0x181: {  	v16 =	vld [tilespmem:s17+$0xFFFFFF10];
	v4 =	vadd.s32 $0x56, v4;
	v3 =	vbroadcast v3, $0x0;
	v15 =	vshll.u32 v11, $0x10;
	[tilespmem:s16+$0xFFFFFF90] =	vst v5  }
0x182: {  	v4 =	vbroadcast v4, $0x0;
	v2 =	vld.idx.msk [tilespmem:v2+s28+$0x0], $0xffff;
	v5 =	vand.u32 $0xFFFF0000, v11;
	v11 =	vmul.f32 v15, v9;
	[tilespmem:s16+$0xFFFFFFA0] =	vst v10  }
0x183: {  	v10 =	vadd.s32 $0x50, v12;
	v12 =	vshll.u32 v13, $0x10;
	v5 =	vmul.f32 v5, v9;
	v15 =	vld [tilespmem:s17+$0xFFFFFFE0]  }
0x184: {  	v13 =	vand.u32 $0xFFFF0000, v13;
	v10 =	vbroadcast v10, $0x0;
	[tilespmem:s16+$0xFFFFFC90] =	vst v11;
	v11 =	vmul.f32 v12, v8  }
0x185: {  	v18 =	vld [tilespmem:s17+$0xFFFFFF50];
	v13 =	vmul.f32 v13, v8;
	v17 =	vshll.u32 v14, $0x10;
	[tilespmem:s16+$0xFFFFFCA0] =	vst v5  }
0x186: {  	v12 =	vld [tilespmem:s17+$0xFFFFFE10];
	v14 =	vand.u32 $0xFFFF0000, v14;
	[tilespmem:s16+$0xFFFFFD10] =	vst v11;
	v11 =	vmul.f32 v17, v7  }
0x187: {  	v5 =	vld.idx.msk [tilespmem:v3+s28+$0x0], $0xffff;
	v3 =	vshll.u32 v16, $0x10;
	[tilespmem:s16+$0xFFFFFD20] =	vst v13;
	v14 =	vmul.f32 v14, v7  }
0x188: {  	v13 =	vld [tilespmem:s17+$0xFFFFFF90];
	v17 =	vmul.f32 v3, v2;
	[tilespmem:s16+$0xFFFFFD90] =	vst v11;
	v3 =	vshll.u32 v15, $0x10  }
0x189: {  	v4 =	vld.idx.msk [tilespmem:v4+s28+$0x0], $0xffff;
	[tilespmem:s16+$0xFFFFFDA0] =	vst v14;
	v14 =	vand.u32 $0xFFFF0000, v15;
	v11 =	vmul.f32 v3, v6  }
0x18a: {  	v15 =	vand.u32 $0xFFFF0000, v16;
	[tilespmem:s16+$0xFFFFFE10] =	vst v17;
	v3 =	vld.idx.msk [tilespmem:v10+s28+$0x0], $0xffff;
	v10 =	vmul.f32 v14, v6  }
0x18b: {  	v16 =	vld [tilespmem:s17+$0xFFFFFE60];
	v14 =	vshll.u32 v18, $0x10;
	v15 =	vmul.f32 v15, v2;
	[tilespmem:s16+$0xFFFFFFB0] =	vst v11  }
0x18c: {  	v14 =	vmul.f32 v14, v5;
	v11 =	vand.u32 $0xFFFF0000, v18;
	[tilespmem:s16+$0xFFFFFFC0] =	vst v10  }
0x18d: {  	v17 =	vld [tilespmem:s17+$0xFFFFFEA0];
	v10 =	vshll.u32 v13, $0x10;
	[tilespmem:s16+$0xFFFFFE20] =	vst v15;
	v11 =	vmul.f32 v11, v5  }
0x18e: {  	v13 =	vand.u32 $0xFFFF0000, v13;
	v15 =	vld [tilespmem:s17+$0xFFFFFFF0];
	v10 =	vmul.f32 v10, v4;
	[tilespmem:s16+$0xFFFFFE90] =	vst v14  }
0x18f: {  	v14 =	vshll.u32 v12, $0x10;
	v13 =	vmul.f32 v13, v4;
	[tilespmem:s16+$0xFFFFFEA0] =	vst v11  }
0x190: {  	v18 =	vld [tilespmem:s17+$0xFFFFFEE0];
	v11 =	vand.u32 $0xFFFF0000, v12;
	v12 =	vmul.f32 v14, v3;
	v14 =	vshll.u32 v16, $0x10;
	[tilespmem:s16+$0xFFFFFF10] =	vst v10  }
0x191: {  	[tilespmem:s16+$0xFFFFFF20] =	vst v13;
	v10 =	vmul.f32 v11, v3;
	v11 =	vmul.f32 v14, v9;
	v14 =	vand.u32 $0xFFFF0000, v16;
	v16 =	vld [tilespmem:s17+$0xFFFFFF20]  }
0x192: {  	v19 =	vld [tilespmem:s17+$0xFFFFFF60];
	[tilespmem:s16+$0xFFFFFC10] =	vst v12  }
0x193: {  	v20 =	vld [tilespmem:s17+$0xFFFFFFA0];
	v13 =	vmul.f32 v14, v9;
	v14 =	vshll.u32 v17, $0x10;
	v12 =	vshll.u32 v15, $0x10;
	[tilespmem:s16+$0xFFFFFC20] =	vst v10  }
0x194: {  	v14 =	vmul.f32 v14, v8;
	[tilespmem:s16+$0xFFFFFCB0] =	vst v11;
	v10 =	vmul.f32 v12, v6;
	v12 =	vand.u32 $0xFFFF0000, v15  }
0x195: {  	v17 =	vand.u32 $0xFFFF0000, v17;
	v15 =	vshll.u32 v18, $0x10;
	[tilespmem:s16+$0xFFFFFCC0] =	vst v13;
	v11 =	vmul.f32 v12, v6  }
0x196: {  	v12 =	vmul.f32 v17, v8;
	v17 =	vand.u32 $0xFFFF0000, v18;
	v15 =	vmul.f32 v15, v7;
	[tilespmem:s16+$0xFFFFFD30] =	vst v14  }
0x197: {  	v18 =	vld [tilespmem:s17+$0xFFFFFE20];
	[tilespmem:s16+$0xFFFFFFD0] =	vst v10;
	v10 =	vmul.f32 v17, v7;
	v17 =	vshll.u32 v16, $0x10;
	v16 =	vand.u32 $0xFFFF0000, v16  }
0x198: {  	v22 =	vld [tilespmem:s17+$0xFFFFFE70];
	v21 =	vshll.u32 v20, $0x10;
	[tilespmem:s16+$0xFFFFFFE0] =	vst v11;
	v11 =	vmul.f32 v17, v2;
	v17 =	vshll.u32 v19, $0x10  }
0x199: {  	v16 =	vmul.f32 v16, v2;
	v19 =	vand.u32 $0xFFFF0000, v19;
	[tilespmem:s16+$0xFFFFFD40] =	vst v12;
	v17 =	vmul.f32 v17, v5  }
0x19a: {  	s13 =	simm.s32 $0xA;
	s20 =	simm.s32 $0xB;
	v14 =	vmul.f32 v19, v5;
	v19 =	vand.u32 $0xFFFF0000, v20;
	v20 =	vmul.f32 v21, v4;
	[tilespmem:s16+$0xFFFFFDC0] =	vst v10  }
0x19b: {  	v13 =	vld [tilespmem:s17+$0x0];
	v10 =	vmov s13;
	v12 =	vmul.f32 v19, v4;
	[tilespmem:s16+$0xFFFFFE40] =	vst v16;
	v16 =	vmov s20  }
0x19c: {  	[tilespmem:s16+$0xFFFFFDB0] =	vst v15;
	v21 =	vld [tilespmem:s17+$0xFFFFFEB0];
	v10 =	vshrl.u32 v10, $0x3;
	v19 =	vshll.u32 v18, $0x10;
	v18 =	vand.u32 $0xFFFF0000, v18  }
0x19d: {  	s26 =	simm.s32 $0x9;
	v23 =	vld [tilespmem:s17+$0xFFFFFEF0];
	[tilespmem:s16+$0xFFFFFE30] =	vst v11;
	v24 =	vshll.u32 v22, $0x10;
	v22 =	vand.u32 $0xFFFF0000, v22;
	v15 =	vmul.f32 v19, v3  }
0x19e: {  	[tilespmem:s16+$0xFFFFFEC0] =	vst v14;
	v18 =	vmul.f32 v18, v3;
	v19 =	vmov s26;
	v24 =	vmul.f32 v24, v9  }
0x19f: {  	v22 =	vmul.f32 v22, v9;
	[tilespmem:s16+$0xFFFFFF40] =	vst v12;
	v12 =	vshrl.u32 v16, $0x3;
	v14 =	vshrl.u32 v19, $0x3  }
0x1a0: {  	[tilespmem:s16+$0xFFFFFEB0] =	vst v17;
	v12 =	vshll.u32 v12, v1;
	v11 =	vshll.u32 v13, $0x10;
	v13 =	vand.u32 $0xFFFF0000, v13  }
0x1a1: {  	v25 =	vld [tilespmem:s17+$0xFFFFFF30];
	[tilespmem:s16+$0xFFFFFF30] =	vst v20;
	v17 =	vshll.u32 v21, $0x10;
	v21 =	vand.u32 $0xFFFF0000, v21;
	v13 =	vmul.f32 v13, v6  }
0x1a2: {  	[tilespmem:s16+$0xFFFFFC40] =	vst v18;
	v14 =	vshll.u32 v14, v1;
	v18 =	vshll.u32 v10, v1;
	v19 =	vshll.u32 v23, $0x10  }
0x1a3: {  	s24 =	simm.s32 $0xC;
	[tilespmem:s16+$0x0] =	vst v13;
	v13 =	vmul.f32 v17, v8;
	v17 =	vmul.f32 v21, v8;
	v21 =	vand.u32 $0xFFFF0000, v23;
	v23 =	vld [tilespmem:s17+$0xFFFFFF70]  }
0x1a4: {  	[tilespmem:s16+$0xFFFFFCD0] =	vst v24;
	v12 =	vadd.s32 $0x53, v12;
	v6 =	vmul.f32 v11, v6;
	v11 =	vmov s24  }
0x1a5: {  	[tilespmem:s16+$0xFFFFFCE0] =	vst v22;
	v14 =	vadd.s32 $0x51, v14;
	v19 =	vmul.f32 v19, v7;
	v20 =	vmul.f32 v21, v7;
	v21 =	vld [tilespmem:s17+$0xFFFFFFB0]  }
0x1a6: {  	[tilespmem:s16+$0xFFFFFC30] =	vst v15;
	v22 =	vld [tilespmem:s17+$0xFFFFFE80];
	v12 =	vbroadcast v12, $0x0;
	v15 =	vshll.u32 v25, $0x10;
	v16 =	vand.u32 $0xFFFF0000, v25  }
0x1a7: {  	v61 =	vld [tilespmem:s17+$0xFFFFFE30];
	v11 =	vshrl.u32 v11, $0x3;
	v15 =	vmul.f32 v15, v2;
	v16 =	vmul.f32 v16, v2;
	[tilespmem:s16+$0xFFFFFDD0] =	vst v19  }
0x1a8: {  	v62 =	vshll.u32 v11, v1;
	[tilespmem:s16+$0xFFFFFD50] =	vst v13;
	v10 =	vshll.u32 v23, $0x10;
	v11 =	vand.u32 $0xFFFF0000, v23  }
0x1a9: {  	[tilespmem:s16+$0xFFFFFD60] =	vst v17;
	v17 =	vadd.s32 $0x52, v18;
	v13 =	vmul.f32 v10, v5;
	v23 =	vmul.f32 v11, v5  }
0x1aa: {  	[tilespmem:s16+$0xFFFFFE50] =	vst v15;
	v18 =	vld [tilespmem:s17+$0xFFFFFEC0];
	v10 =	vbroadcast v14, $0x0;
	v11 =	vshll.u32 v21, $0x10;
	v14 =	vand.u32 $0xFFFF0000, v21  }
0x1ab: {  	[tilespmem:s16+$0xFFFFFDE0] =	vst v20;
	v15 =	vshll.u32 v22, $0x10;
	v19 =	vmul.f32 v11, v4;
	v21 =	vmul.f32 v14, v4  }
0x1ac: {  	v26 =	vld [tilespmem:s17+$0xFFFFFF00];
	v11 =	vbroadcast v17, $0x0;
	v14 =	vshll.u32 v61, $0x10;
	v17 =	vand.u32 $0xFFFF0000, v61  }
0x1ad: {  	[tilespmem:s16+$0xFFFFFE60] =	vst v16;
	v63 =	vmul.f32 v14, v3;
	v14 =	vmul.f32 v17, v3;
	v17 =	vand.u32 $0xFFFF0000, v22  }
0x1ae: {  	v20 =	vadd.s32 $0x54, v62;
	v16 =	vmul.f32 v15, v9;
	[tilespmem:s16+$0xFFFFFED0] =	vst v13;
	v15 =	vmul.f32 v17, v9;
	v9 =	vld [tilespmem:s17+$0xFFFFFF40]  }
0x1af: {  	s26 =	simm.s32 $0xF;
	v13 =	vbroadcast v20, $0x0;
	[tilespmem:s16+$0xFFFFFEE0] =	vst v23;
	v17 =	vshll.u32 v18, $0x10;
	v18 =	vand.u32 $0xFFFF0000, v18  }
0x1b0: {  	v22 =	vmov s26;
	[tilespmem:s16+$0xFFFFFF50] =	vst v19;
	v20 =	vmul.f32 v17, v8;
	v17 =	vmul.f32 v18, v8;
	v8 =	vld [tilespmem:s17+$0xFFFFFF80]  }
0x1b1: {  	v19 =	vshll.u32 v26, $0x10;
	v23 =	vand.u32 $0xFFFF0000, v26;
	[tilespmem:s16+$0xFFFFFF60] =	vst v21;
	v18 =	vshrl.u32 v22, $0x3  }
0x1b2: {  	s13 =	simm.s32 $0x1CB70;
	s20 =	simm.s32 $0x8;
	s24 =	simm.s32 $0x10;
	[tilespmem:s16+$0xFFFFFC50] =	vst v63;
	v21 =	vmul.f32 v19, v7;
	v19 =	vld [tilespmem:s17+$0xFFFFFFC0];
	v22 =	vshll.u32 v18, v1;
	v18 =	vmul.f32 v23, v7  }
.LBB2_8:
0x1b3: {  	p0 =	slt.u32 s24, $0x48;
	v7 =	vadd.s32 $0x57, v22;
	[tilespmem:s16+$0xFFFFFC60] =	vst v14;
	v14 =	vshll.u32 v9, $0x10;
	v22 =	vand.u32 $0xFFFF0000, v9  }
0x1b4: {  	v23 =	vbroadcast v7, $0x0;
	v24 =	vld [tilespmem:s17+$0xFFFFFE40];
	[tilespmem:s16+$0xFFFFFCF0] =	vst v16;
	v14 =	vmul.f32 v14, v2  }
0x1b5: {  	s9 =	sadd.s32 $0x5, s20;
	v9 =	vld.idx.msk [tilespmem:v10+s28+$0x0], $0xffff;
	[tilespmem:s16+$0xFFFFFD00] =	vst v15;
	v15 =	vmul.f32 v22, v2;
	v2 =	vshll.u32 v8, $0x10;
	v7 =	vand.u32 $0xFFFF0000, v8  }
0x1b6: {  	v10 =	vmov s9;
	s9 =	sadd.s32 $0x6, s20;
	v8 =	vld.idx.msk [tilespmem:v11+s28+$0x0], $0xffff;
	[tilespmem:s16+$0xFFFFFD70] =	vst v20;
	v11 =	vmul.f32 v2, v5;
	v5 =	vmul.f32 v7, v5  }
0x1b7: {  	v7 =	vld.idx.msk [tilespmem:v12+s28+$0x0], $0xffff;
	v12 =	vmov s9;
	[tilespmem:s16+$0xFFFFFD80] =	vst v17;
	v16 =	vshll.u32 v19, $0x10;
	v17 =	vand.u32 $0xFFFF0000, v19  }
0x1b8: {  	s17 =	sadd.s32 $0x200, s17;
	v10 =	vshrl.u32 v10, $0x3;
	v2 =	vld.idx.msk [tilespmem:v13+s28+$0x0], $0xffff;
	[tilespmem:s16+$0xFFFFFDF0] =	vst v21;
	v13 =	vmul.f32 v16, v4;
	v4 =	vmul.f32 v17, v4  }
0x1b9: {  	v16 =	vshll.u32 v10, v1;
	v17 =	vld [tilespmem:s17+$0xFFFFFFD0];
	v19 =	vshll.u32 v24, $0x10;
	v20 =	vand.u32 $0xFFFF0000, v24;
	[tilespmem:s16+$0xFFFFFE00] =	vst v18  }
0x1ba: {  	v12 =	vshrl.u32 v12, $0x3;
	v10 =	vld.idx.msk [tilespmem:v23+s28+$0x0], $0xffff;
	v18 =	vmul.f32 v19, v3;
	v3 =	vmul.f32 v20, v3;
	[tilespmem:s16+$0xFFFFFE70] =	vst v14  }
0x1bb: {  	v16 =	vadd.s32 $0x55, v16;
	v12 =	vshll.u32 v12, v1;
	v14 =	vmov s20;
	s20 =	smov.u32 s24;
	v19 =	vld [tilespmem:s17+$0xFFFFFE10];
	[tilespmem:s16+$0xFFFFFE80] =	vst v15  }
0x1bc: {  	v16 =	vbroadcast v16, $0x0;
	v12 =	vadd.s32 $0x56, v12;
	v14 =	vshrl.u32 v14, $0x3;
	v15 =	vld [tilespmem:s17+$0xFFFFFE50];
	[tilespmem:s16+$0xFFFFFEF0] =	vst v11  }
0x1bd: {  	v12 =	vbroadcast v12, $0x0;
	v11 =	vshll.u32 v14, v1;
	v14 =	vld [tilespmem:s17+$0xFFFFFE90];
	[tilespmem:s16+$0xFFFFFF00] =	vst v5  }
0x1be: {  	v5 =	vadd.s32 $0x50, v11;
	v11 =	vld [tilespmem:s17+$0xFFFFFED0];
	[tilespmem:s16+$0xFFFFFF70] =	vst v13  }
0x1bf: {  	v13 =	vbroadcast v5, $0x0;
	v5 =	vshll.u32 v17, $0x10;
	v20 =	vld [tilespmem:s17+$0xFFFFFF10];
	[tilespmem:s16+$0xFFFFFF80] =	vst v4  }
0x1c0: {  	v4 =	vmul.f32 v5, v10;
	v5 =	vand.u32 $0xFFFF0000, v17;
	v21 =	vshll.u32 v19, $0x10;
	v22 =	vld [tilespmem:s17+$0xFFFFFF50];
	[tilespmem:s16+$0xFFFFFFF0] =	vst v6  }
0x1c1: {  	v6 =	vand.u32 $0xFFFF0000, v19;
	v23 =	vmul.f32 v5, v10;
	s16 =	sadd.s32 $0x400, s16;
	v17 =	vshll.u32 v15, $0x10;
	v19 =	vld [tilespmem:s17+$0xFFFFFF90];
	[tilespmem:s13+$0xFFFFFC70] =	vst v18  }
0x1c2: {  	v15 =	vand.u32 $0xFFFF0000, v15;
	v18 =	vshll.u32 v14, $0x10;
	v14 =	vand.u32 $0xFFFF0000, v14;
	v5 =	vld.idx.msk [tilespmem:v16+s28+$0x0], $0xffff;
	[tilespmem:s16+$0xFFFFFF90] =	vst v4  }
0x1c3: {  	v16 =	vmul.f32 v17, v9;
	v17 =	vshll.u32 v11, $0x10;
	v11 =	vand.u32 $0xFFFF0000, v11;
	v4 =	vld.idx.msk [tilespmem:v12+s28+$0x0], $0xffff;
	[tilespmem:s16+$0xFFFFFFA0] =	vst v23  }
0x1c4: {  	v12 =	vmul.f32 v15, v9;
	v15 =	vshll.u32 v20, $0x10;
	v20 =	vand.u32 $0xFFFF0000, v20;
	v23 =	vld [tilespmem:s17+$0xFFFFFFE0];
	[tilespmem:s13+$0xFFFFFC80] =	vst v3;
	s13 =	smov.u32 s16  }
0x1c5: {  	[tilespmem:s16+$0xFFFFFC90] =	vst v16;
	v16 =	vmul.f32 v18, v8;
	v18 =	vshll.u32 v22, $0x10;
	v22 =	vand.u32 $0xFFFF0000, v22  }
0x1c6: {  	v3 =	vld.idx.msk [tilespmem:v13+s28+$0x0], $0xffff;
	[tilespmem:s16+$0xFFFFFCA0] =	vst v12;
	v12 =	vmul.f32 v14, v8;
	v13 =	vshll.u32 v19, $0x10;
	v14 =	vand.u32 $0xFFFF0000, v19  }
0x1c7: {  	v11 =	vmul.f32 v11, v7;
	v19 =	vld [tilespmem:s17+$0xFFFFFE60];
	[tilespmem:s16+$0xFFFFFD10] =	vst v16;
	v16 =	vmul.f32 v17, v7  }
0x1c8: {  	[tilespmem:s16+$0xFFFFFD20] =	vst v12;
	v12 =	vmul.f32 v15, v2;
	v15 =	vmul.f32 v20, v2  }
0x1c9: {  	v17 =	vld [tilespmem:s17+$0xFFFFFEA0];
	[tilespmem:s16+$0xFFFFFD90] =	vst v16;
	v16 =	vmul.f32 v18, v5;
	v18 =	vmul.f32 v22, v5;
	v20 =	vshll.u32 v23, $0x10  }
0x1ca: {  	[tilespmem:s16+$0xFFFFFDA0] =	vst v11;
	v11 =	vmul.f32 v13, v4;
	v13 =	vmul.f32 v20, v10;
	v20 =	vand.u32 $0xFFFF0000, v23  }
0x1cb: {  	v22 =	vld [tilespmem:s17+$0xFFFFFEE0];
	[tilespmem:s16+$0xFFFFFE10] =	vst v12;
	v12 =	vmul.f32 v14, v4;
	v14 =	vmul.f32 v20, v10  }
0x1cc: {  	v20 =	vmul.f32 v21, v3;
	v6 =	vmul.f32 v6, v3;
	v21 =	vshll.u32 v19, $0x10;
	[tilespmem:s16+$0xFFFFFFB0] =	vst v13  }
0x1cd: {  	v19 =	vand.u32 $0xFFFF0000, v19;
	v13 =	vmul.f32 v21, v9;
	[tilespmem:s16+$0xFFFFFFC0] =	vst v14  }
0x1ce: {  	v14 =	vmul.f32 v19, v9;
	v19 =	vshll.u32 v17, $0x10;
	v17 =	vand.u32 $0xFFFF0000, v17;
	[tilespmem:s16+$0xFFFFFE20] =	vst v15;
	v15 =	vld [tilespmem:s17+$0xFFFFFFF0]  }
0x1cf: {  	v19 =	vmul.f32 v19, v8;
	v17 =	vmul.f32 v17, v8;
	v21 =	vld [tilespmem:s17+$0xFFFFFF20];
	[tilespmem:s16+$0xFFFFFE90] =	vst v16  }
0x1d0: {  	v16 =	vshll.u32 v22, $0x10;
	v22 =	vand.u32 $0xFFFF0000, v22;
	[tilespmem:s16+$0xFFFFFEA0] =	vst v18  }
0x1d1: {  	v16 =	vmul.f32 v16, v7;
	v18 =	vmul.f32 v22, v7;
	v22 =	vld [tilespmem:s17+$0xFFFFFF60];
	[tilespmem:s16+$0xFFFFFF10] =	vst v11  }
0x1d2: {  	[tilespmem:s16+$0xFFFFFF20] =	vst v12  }
0x1d3: {  	[tilespmem:s16+$0xFFFFFC10] =	vst v20;
	v11 =	vld [tilespmem:s17+$0xFFFFFFA0];
	v12 =	vshll.u32 v15, $0x10  }
0x1d4: {  	v15 =	vand.u32 $0xFFFF0000, v15;
	[tilespmem:s16+$0xFFFFFC20] =	vst v6;
	v6 =	vshll.u32 v21, $0x10;
	v12 =	vmul.f32 v12, v10  }
0x1d5: {  	v15 =	vmul.f32 v15, v10;
	v20 =	vld [tilespmem:s17+$0xFFFFFE20];
	[tilespmem:s16+$0xFFFFFCB0] =	vst v13;
	v6 =	vmul.f32 v6, v2;
	v13 =	vand.u32 $0xFFFF0000, v21  }
0x1d6: {  	v13 =	vmul.f32 v13, v2;
	v21 =	vshll.u32 v22, $0x10;
	v22 =	vand.u32 $0xFFFF0000, v22;
	[tilespmem:s16+$0xFFFFFFD0] =	vst v12  }
0x1d7: {  	v12 =	vmul.f32 v21, v5;
	v21 =	vmul.f32 v22, v5;
	[tilespmem:s16+$0xFFFFFFE0] =	vst v15  }
0x1d8: {  	[tilespmem:s16+$0xFFFFFCC0] =	vst v14;
	v14 =	vshll.u32 v11, $0x10;
	v11 =	vand.u32 $0xFFFF0000, v11;
	v15 =	vld [tilespmem:s17+$0x0]  }
0x1d9: {  	v22 =	vld [tilespmem:s17+$0xFFFFFE70];
	[tilespmem:s16+$0xFFFFFD30] =	vst v19;
	v14 =	vmul.f32 v14, v4;
	v11 =	vmul.f32 v11, v4  }
0x1da: {  	v19 =	vshll.u32 v20, $0x10;
	v20 =	vand.u32 $0xFFFF0000, v20;
	[tilespmem:s16+$0xFFFFFD40] =	vst v17  }
0x1db: {  	s9 =	sadd.s32 $0x1, s24;
	v17 =	vmul.f32 v19, v3;
	v19 =	vmul.f32 v20, v3;
	v20 =	vld [tilespmem:s17+$0xFFFFFEB0];
	[tilespmem:s16+$0xFFFFFDB0] =	vst v16  }
0x1dc: {  	v16 =	vmov s9;
	s9 =	sadd.s32 $0x2, s24;
	[tilespmem:s16+$0xFFFFFDC0] =	vst v18  }
0x1dd: {  	v18 =	vmov s9;
	v23 =	vld [tilespmem:s17+$0xFFFFFEF0];
	[tilespmem:s16+$0xFFFFFE30] =	vst v6;
	v6 =	vshll.u32 v15, $0x10;
	v15 =	vand.u32 $0xFFFF0000, v15  }
0x1de: {  	s9 =	sadd.s32 $0x3, s24;
	v24 =	vshll.u32 v22, $0x10;
	v22 =	vand.u32 $0xFFFF0000, v22;
	[tilespmem:s16+$0xFFFFFE40] =	vst v13;
	v13 =	vmul.f32 v15, v10  }
0x1df: {  	v15 =	vmov s9;
	v24 =	vmul.f32 v24, v9;
	v22 =	vmul.f32 v22, v9;
	v25 =	vld [tilespmem:s17+$0xFFFFFF30];
	[tilespmem:s16+$0xFFFFFEB0] =	vst v12  }
0x1e0: {  	s9 =	sadd.s32 $0x4, s24;
	v6 =	vmul.f32 v6, v10;
	v12 =	vshll.u32 v20, $0x10;
	v20 =	vand.u32 $0xFFFF0000, v20;
	[tilespmem:s16+$0x0] =	vst v13  }
0x1e1: {  	v10 =	vmov s9;
	v12 =	vmul.f32 v12, v8;
	v13 =	vmul.f32 v20, v8;
	[tilespmem:s16+$0xFFFFFEC0] =	vst v21  }
0x1e2: {  	v16 =	vshrl.u32 v16, $0x3;
	v20 =	vshll.u32 v23, $0x10;
	v21 =	vand.u32 $0xFFFF0000, v23;
	v23 =	vld [tilespmem:s17+$0xFFFFFF70];
	[tilespmem:s16+$0xFFFFFF30] =	vst v14  }
0x1e3: {  	v14 =	vshrl.u32 v18, $0x3;
	v18 =	vmul.f32 v20, v7;
	v20 =	vmul.f32 v21, v7;
	[tilespmem:s16+$0xFFFFFF40] =	vst v11  }
0x1e4: {  	v11 =	vshrl.u32 v15, $0x3;
	[tilespmem:s16+$0xFFFFFC30] =	vst v17;
	v15 =	vshll.u32 v25, $0x10;
	v17 =	vand.u32 $0xFFFF0000, v25;
	v21 =	vld [tilespmem:s17+$0xFFFFFFB0]  }
0x1e5: {  	v10 =	vshrl.u32 v10, $0x3;
	[tilespmem:s16+$0xFFFFFC40] =	vst v19;
	v15 =	vmul.f32 v15, v2;
	v17 =	vmul.f32 v17, v2  }
0x1e6: {  	v16 =	vshll.u32 v16, v1;
	v14 =	vshll.u32 v14, v1;
	v19 =	vshll.u32 v11, v1;
	v25 =	vld [tilespmem:s17+$0xFFFFFE30];
	[tilespmem:s16+$0xFFFFFCD0] =	vst v24  }
0x1e7: {  	v24 =	vshll.u32 v10, v1;
	[tilespmem:s16+$0xFFFFFCE0] =	vst v22;
	v10 =	vshll.u32 v23, $0x10;
	v11 =	vand.u32 $0xFFFF0000, v23  }
0x1e8: {  	v16 =	vadd.s32 $0x51, v16;
	v22 =	vld [tilespmem:s17+$0xFFFFFE80];
	[tilespmem:s16+$0xFFFFFD50] =	vst v12;
	v23 =	vmul.f32 v10, v5;
	v26 =	vmul.f32 v11, v5  }
0x1e9: {  	v10 =	vbroadcast v16, $0x0;
	[tilespmem:s16+$0xFFFFFD60] =	vst v13;
	v11 =	vshll.u32 v21, $0x10;
	v12 =	vand.u32 $0xFFFF0000, v21  }
0x1ea: {  	v13 =	vadd.s32 $0x52, v14;
	v21 =	vld [tilespmem:s17+$0xFFFFFEC0];
	[tilespmem:s16+$0xFFFFFDD0] =	vst v18;
	v18 =	vmul.f32 v11, v4;
	v27 =	vmul.f32 v12, v4  }
0x1eb: {  	v11 =	vbroadcast v13, $0x0;
	v12 =	vshll.u32 v25, $0x10;
	v13 =	vand.u32 $0xFFFF0000, v25;
	[tilespmem:s16+$0xFFFFFDE0] =	vst v20  }
0x1ec: {  	v16 =	vadd.s32 $0x53, v19;
	v19 =	vmul.f32 v12, v3;
	v14 =	vmul.f32 v13, v3;
	v25 =	vld [tilespmem:s17+$0xFFFFFF00];
	[tilespmem:s16+$0xFFFFFE50] =	vst v15  }
0x1ed: {  	v12 =	vbroadcast v16, $0x0;
	v13 =	vshll.u32 v22, $0x10;
	v15 =	vand.u32 $0xFFFF0000, v22;
	[tilespmem:s16+$0xFFFFFE60] =	vst v17  }
.Ltmp2:
0x1ee: {  	v17 =	vadd.s32 $0x54, v24;
	v16 =	vmul.f32 v13, v9;
	v15 =	vmul.f32 v15, v9;
	v9 =	vld [tilespmem:s17+$0xFFFFFF40];
	[tilespmem:s16+$0xFFFFFED0] =	vst v23;
	(pc) =	sbr.rel @p0 .LBB2_8-.Ltmp2, $4  }
0x1ef: {  	s9 =	sadd.s32 $0x7, s24;
	v13 =	vbroadcast v17, $0x0;
	v17 =	vshll.u32 v21, $0x10;
	v21 =	vand.u32 $0xFFFF0000, v21;
	[tilespmem:s16+$0xFFFFFEE0] =	vst v26  }
0x1f0: {  	v22 =	vmov s9;
	v20 =	vmul.f32 v17, v8;
	v17 =	vmul.f32 v21, v8;
	v8 =	vld [tilespmem:s17+$0xFFFFFF80];
	[tilespmem:s16+$0xFFFFFF50] =	vst v18  }
0x1f1: {  	v18 =	vshrl.u32 v22, $0x3;
	v21 =	vshll.u32 v25, $0x10;
	v23 =	vand.u32 $0xFFFF0000, v25;
	[tilespmem:s16+$0xFFFFFF60] =	vst v27  }
0x1f2: {  	s24 =	sadd.s32 $0x8, s24;
	v22 =	vshll.u32 v18, v1;
	[tilespmem:s16+$0xFFFFFC50] =	vst v19;
	v21 =	vmul.f32 v21, v7;
	v18 =	vmul.f32 v23, v7;
	v19 =	vld [tilespmem:s17+$0xFFFFFFC0]  }
0x1f3: {  	[tilespmem:s16+$0xFFFFFC60] =	vst v14  }
0x1f4: {  	[tilespmem:s16+$0xFFFFFCF0] =	vst v16  }
0x1f5: {  	[tilespmem:s16+$0xFFFFFD00] =	vst v15  }
0x1f6: {  	[tilespmem:s16+$0xFFFFFD70] =	vst v20  }
0x1f7: {  	v7 =	vadd.s32 $0x57, v22;
	v34 =	vshll.u32 v9, $0x10;
	[tilespmem:s16+$0xFFFFFD80] =	vst v17;
	v35 =	vand.u32 $0xFFFF0000, v9  }
0x1f8: {  	s9 =	sadd.s32 $0x5, s20;
	s24 =	sadd.s32 $0x6, s20;
	v51 =	vmov s20;
	[tilespmem:s16+$0xFFFFFFF0] =	vst v6;
	v6 =	vld.idx.msk [tilespmem:v13+s28+$0x0], $0xffff;
	v7 =	vbroadcast v7, $0x0;
	v14 =	vmul.f32 v34, v2  }
0x1f9: {  	v36 =	vld [tilespmem:s17+$0xFFFFFE40];
	[tilespmem:s16+$0xFFFFFDF0] =	vst v21;
	v9 =	vmul.f32 v35, v2;
	s17 =	sadd.s32 $0x200, s17;
	v38 =	vmov s9;
	v41 =	vmov s24  }
0x1fa: {  	[tilespmem:s16+$0xFFFFFE00] =	vst v18;
	v2 =	vshll.u32 v8, $0x10;
	v37 =	vand.u32 $0xFFFF0000, v8;
	v44 =	vshrl.u32 v38, $0x3;
	v47 =	vld [tilespmem:s17+$0xFFFFFE50]  }
0x1fb: {  	v49 =	vshrl.u32 v41, $0x3;
	v39 =	vmul.f32 v2, v5;
	[tilespmem:s16+$0xFFFFFE70] =	vst v14;
	v8 =	vmul.f32 v37, v5;
	v5 =	vld.idx.msk [tilespmem:v10+s28+$0x0], $0xffff  }
0x1fc: {  	v60 =	vld [tilespmem:s17+$0xFFFFFF10];
	[tilespmem:s16+$0xFFFFFE80] =	vst v9;
	v9 =	vshll.u32 v44, v1;
	v10 =	vshrl.u32 v51, $0x3;
	v42 =	vshll.u32 v19, $0x10  }
0x1fd: {  	v40 =	vld [tilespmem:s17+$0xFFFFFFD0];
	v43 =	vand.u32 $0xFFFF0000, v19;
	v54 =	vadd.s32 $0x55, v9;
	v45 =	vmul.f32 v42, v4;
	[tilespmem:s16+$0xFFFFFEF0] =	vst v39  }
0x1fe: {  	v59 =	vshll.u32 v10, v1;
	[tilespmem:s16+$0xFFFFFF00] =	vst v8;
	v46 =	vshll.u32 v36, $0x10;
	v2 =	vld.idx.msk [tilespmem:v7+s28+$0x0], $0xffff;
	v7 =	vmul.f32 v43, v4  }
0x1ff: {  	v52 =	vld [tilespmem:s17+$0xFFFFFE90];
	v19 =	vadd.s32 $0x50, v59;
	v50 =	vmul.f32 v46, v3;
	[tilespmem:s16+$0xFFFFFF70] =	vst v45;
	v58 =	vshll.u32 v47, $0x10  }
0x200: {  	v57 =	vld [tilespmem:s17+$0xFFFFFED0];
	v48 =	vand.u32 $0xFFFF0000, v36;
	v61 =	vand.u32 $0xFFFF0000, v47;
	v13 =	vmul.f32 v58, v5;
	[tilespmem:s16+$0xFFFFFF80] =	vst v7  }
0x201: {  	s26 =	sadd.s32 $0x400, s16;
	v21 =	vbroadcast v19, $0x0;
	v4 =	vld.idx.msk [tilespmem:v11+s28+$0x0], $0xffff;
	v25 =	vshll.u32 v60, $0x10;
	v14 =	vmul.f32 v61, v5;
	[tilespmem:s13+$0xFFFFFC70] =	vst v50  }
0x202: {  	v23 =	vld [tilespmem:s17+$0xFFFFFF50];
	v8 =	vmul.f32 v48, v3;
	v10 =	vand.u32 $0xFFFF0000, v60;
	v27 =	vmul.f32 v25, v6;
	[tilespmem:s26+$0xFFFFFC90] =	vst v13  }
0x203: {  	v3 =	vld.idx.msk [tilespmem:v12+s28+$0x0], $0xffff;
	v11 =	vshll.u32 v49, v1;
	v10 =	vmul.f32 v10, v6;
	v7 =	vbroadcast v54, $0x0;
	[tilespmem:s26+$0xFFFFFCA0] =	vst v14  }
0x204: {  	v26 =	vld [tilespmem:s17+$0xFFFFFF90];
	v53 =	vshll.u32 v40, $0x10;
	v11 =	vadd.s32 $0x56, v11;
	[tilespmem:s26+$0xFFFFFE10] =	vst v27  }
0x205: {  	v20 =	vand.u32 $0xFFFF0000, v52;
	v11 =	vbroadcast v11, $0x0;
	[tilespmem:s26+$0xFFFFFE20] =	vst v10;
	v34 =	vld [tilespmem:s17+$0xFFFFFE60];
	v55 =	vmul.f32 v53, v2  }
0x206: {  	v56 =	vand.u32 $0xFFFF0000, v40;
	[tilespmem:s13+$0xFFFFFC80] =	vst v8;
	v45 =	vld [tilespmem:s17+$0xFFFFFF20];
	v9 =	vmul.f32 v20, v4  }
0x207: {  	v31 =	vld [tilespmem:s17+$0xFFFFFE10];
	v22 =	vshll.u32 v57, $0x10;
	v12 =	vmul.f32 v56, v2;
	[tilespmem:s26+$0xFFFFFF90] =	vst v55  }
0x208: {  	v24 =	vand.u32 $0xFFFF0000, v57;
	v8 =	vmul.f32 v22, v3;
	[tilespmem:s26+$0xFFFFFD20] =	vst v9;
	v9 =	vld.idx.msk [tilespmem:v21+s28+$0x0], $0xffff  }
0x209: {  	v62 =	vshll.u32 v52, $0x10;
	v15 =	vmul.f32 v24, v3;
	[tilespmem:s26+$0xFFFFFFA0] =	vst v12;
	v7 =	vld.idx.msk [tilespmem:v7+s28+$0x0], $0xffff  }
0x20a: {  	v12 =	vmul.f32 v62, v4;
	[tilespmem:s26+$0xFFFFFD90] =	vst v8;
	v63 =	vld [tilespmem:s17+$0xFFFFFFE0];
	v13 =	vand.u32 $0xFFFF0000, v34  }
0x20b: {  	[tilespmem:s26+$0xFFFFFDA0] =	vst v15;
	v8 =	vld.idx.msk [tilespmem:v11+s28+$0x0], $0xffff;
	v54 =	vshll.u32 v45, $0x10;
	v46 =	vmul.f32 v13, v5  }
0x20c: {  	v38 =	vshll.u32 v31, $0x10;
	[tilespmem:s26+$0xFFFFFD10] =	vst v12;
	v55 =	vmul.f32 v54, v6  }
0x20d: {  	v32 =	vshll.u32 v23, $0x10;
	v14 =	vmul.f32 v38, v9;
	[tilespmem:s26+$0xFFFFFCC0] =	vst v46  }
0x20e: {  	v33 =	vand.u32 $0xFFFF0000, v23;
	[tilespmem:s26+$0xFFFFFE30] =	vst v55;
	v35 =	vmul.f32 v32, v7  }
0x20f: {  	v16 =	vand.u32 $0xFFFF0000, v26;
	v11 =	vmul.f32 v33, v7;
	[tilespmem:s26+$0xFFFFFC10] =	vst v14  }
0x210: {  	v40 =	vld [tilespmem:s17+$0xFFFFFEA0];
	v28 =	vshll.u32 v63, $0x10;
	v16 =	vmul.f32 v16, v8;
	[tilespmem:s26+$0xFFFFFE90] =	vst v35  }
0x211: {  	v30 =	vand.u32 $0xFFFF0000, v63;
	v29 =	vmul.f32 v28, v2;
	[tilespmem:s26+$0xFFFFFEA0] =	vst v11  }
0x212: {  	v39 =	vand.u32 $0xFFFF0000, v31;
	v42 =	vld [tilespmem:s17+$0xFFFFFEE0];
	v12 =	vmul.f32 v30, v2;
	[tilespmem:s26+$0xFFFFFF20] =	vst v16  }
0x213: {  	v14 =	vand.u32 $0xFFFF0000, v45;
	v11 =	vmul.f32 v39, v9;
	[tilespmem:s26+$0xFFFFFFB0] =	vst v29  }
0x214: {  	v36 =	vshll.u32 v26, $0x10;
	v14 =	vmul.f32 v14, v6;
	[tilespmem:s26+$0xFFFFFFC0] =	vst v12  }
0x215: {  	v47 =	vshll.u32 v40, $0x10;
	v12 =	vmul.f32 v36, v8;
	v49 =	vld [tilespmem:s17+$0xFFFFFF60];
	[tilespmem:s26+$0xFFFFFC20] =	vst v11  }
0x216: {  	v48 =	vand.u32 $0xFFFF0000, v40;
	v13 =	vmul.f32 v47, v4;
	[tilespmem:s26+$0xFFFFFE40] =	vst v14  }
0x217: {  	v16 =	vand.u32 $0xFFFF0000, v42;
	v50 =	vmul.f32 v48, v4;
	v37 =	vld [tilespmem:s17+$0xFFFFFFF0];
	[tilespmem:s26+$0xFFFFFF10] =	vst v12  }
0x218: {  	v51 =	vshll.u32 v42, $0x10;
	v52 =	vmul.f32 v16, v3;
	[tilespmem:s26+$0xFFFFFD30] =	vst v13  }
0x219: {  	v41 =	vshll.u32 v34, $0x10;
	v11 =	vmul.f32 v51, v3;
	[tilespmem:s26+$0xFFFFFD40] =	vst v50;
	v56 =	vld [tilespmem:s17+$0xFFFFFE20]  }
0x21a: {  	v12 =	vmul.f32 v41, v5;
	[tilespmem:s26+$0xFFFFFDC0] =	vst v52;
	v57 =	vshll.u32 v49, $0x10  }
0x21b: {  	v53 =	vld [tilespmem:s17+$0xFFFFFFA0];
	[tilespmem:s26+$0xFFFFFDB0] =	vst v11;
	v15 =	vand.u32 $0xFFFF0000, v49;
	v58 =	vmul.f32 v57, v7  }
0x21c: {  	[tilespmem:s26+$0xFFFFFCB0] =	vst v12;
	v43 =	vshll.u32 v37, $0x10;
	v61 =	vmul.f32 v15, v7  }
0x21d: {  	v20 =	vld [tilespmem:s17+$0xFFFFFEB0];
	v10 =	vand.u32 $0xFFFF0000, v37;
	v44 =	vmul.f32 v43, v2;
	[tilespmem:s26+$0xFFFFFEB0] =	vst v58  }
0x21e: {  	v10 =	vmul.f32 v10, v2;
	v22 =	vshll.u32 v56, $0x10;
	[tilespmem:s26+$0xFFFFFEC0] =	vst v61  }
0x21f: {  	v23 =	vld [tilespmem:s17+$0xFFFFFEF0];
	v11 =	vand.u32 $0xFFFF0000, v56;
	v13 =	vmul.f32 v22, v9;
	[tilespmem:s26+$0xFFFFFFD0] =	vst v44  }
0x220: {  	v60 =	vld [tilespmem:s17+$0xFFFFFE70];
	v62 =	vshll.u32 v53, $0x10;
	v11 =	vmul.f32 v11, v9;
	[tilespmem:s26+$0xFFFFFFE0] =	vst v10  }
0x221: {  	v26 =	vld [tilespmem:s17+$0xFFFFFF30];
	v63 =	vand.u32 $0xFFFF0000, v53;
	v15 =	vmul.f32 v62, v8;
	[tilespmem:s26+$0xFFFFFC30] =	vst v13  }
0x222: {  	v27 =	vshll.u32 v20, $0x10;
	v21 =	vmul.f32 v63, v8;
	[tilespmem:s26+$0xFFFFFC40] =	vst v11  }
0x223: {  	v28 =	vand.u32 $0xFFFF0000, v20;
	v29 =	vld [tilespmem:s17+$0xFFFFFF70];
	v13 =	vmul.f32 v27, v4;
	[tilespmem:s26+$0xFFFFFF30] =	vst v15  }
0x224: {  	v30 =	vshll.u32 v23, $0x10;
	v12 =	vld [tilespmem:s17+$0x0];
	v11 =	vmul.f32 v28, v4;
	[tilespmem:s26+$0xFFFFFF40] =	vst v21  }
0x225: {  	v24 =	vshll.u32 v60, $0x10;
	v32 =	vmul.f32 v30, v3;
	[tilespmem:s26+$0xFFFFFD50] =	vst v13  }
0x226: {  	v34 =	vshll.u32 v26, $0x10;
	v15 =	vmul.f32 v24, v5;
	v36 =	vld [tilespmem:s17+$0xFFFFFE30];
	[tilespmem:s26+$0xFFFFFD60] =	vst v11  }
0x227: {  	v35 =	vand.u32 $0xFFFF0000, v26;
	v13 =	vmul.f32 v34, v6;
	[tilespmem:s26+$0xFFFFFDD0] =	vst v32  }
0x228: {  	v33 =	vld [tilespmem:s17+$0xFFFFFFB0];
	v11 =	vmul.f32 v35, v6;
	[tilespmem:s26+$0xFFFFFCD0] =	vst v15;
	v37 =	vshll.u32 v29, $0x10  }
0x229: {  	[tilespmem:s26+$0xFFFFFE50] =	vst v13;
	v59 =	vand.u32 $0xFFFF0000, v12;
	v14 =	vmul.f32 v37, v7  }
0x22a: {  	[tilespmem:s26+$0xFFFFFE60] =	vst v11;
	v61 =	vshll.u32 v12, $0x10;
	v10 =	vmul.f32 v59, v2  }
0x22b: {  	v42 =	vld [tilespmem:s17+$0xFFFFFEC0];
	v43 =	vshll.u32 v36, $0x10;
	v2 =	vmul.f32 v61, v2;
	[tilespmem:s26+$0xFFFFFED0] =	vst v14  }
0x22c: {  	v25 =	vand.u32 $0xFFFF0000, v60;
	v14 =	vmul.f32 v43, v9;
	[tilespmem:s26+$0x0] =	vst v10  }
0x22d: {  	v40 =	vshll.u32 v33, $0x10;
	v10 =	vmul.f32 v25, v5;
	[tilespmem:s26+$0xFFFFFFF0] =	vst v2  }
0x22e: {  	v48 =	vld [tilespmem:s17+$0xFFFFFF40];
	v41 =	vand.u32 $0xFFFF0000, v33;
	v13 =	vmul.f32 v40, v8;
	[tilespmem:s26+$0xFFFFFC50] =	vst v14  }
0x22f: {  	v31 =	vand.u32 $0xFFFF0000, v23;
	v11 =	vmul.f32 v41, v8;
	[tilespmem:s26+$0xFFFFFCE0] =	vst v10  }
0x230: {  	v49 =	vshll.u32 v42, $0x10;
	v10 =	vmul.f32 v31, v3;
	[tilespmem:s26+$0xFFFFFF50] =	vst v13;
	v39 =	vld [tilespmem:s17+$0xFFFFFE80]  }
0x231: {  	v50 =	vand.u32 $0xFFFF0000, v42;
	[tilespmem:s26+$0xFFFFFF60] =	vst v11;
	v11 =	vmul.f32 v49, v4  }
0x232: {  	v38 =	vand.u32 $0xFFFF0000, v29;
	v4 =	vmul.f32 v50, v4;
	v54 =	vld [tilespmem:s17+$0xFFFFFFC0];
	[tilespmem:s26+$0xFFFFFDE0] =	vst v10  }
0x233: {  	v56 =	vand.u32 $0xFFFF0000, v48;
	v10 =	vmul.f32 v38, v7;
	[tilespmem:s26+$0xFFFFFD70] =	vst v11;
	v45 =	vld [tilespmem:s17+$0xFFFFFF00]  }
0x234: {  	v44 =	vand.u32 $0xFFFF0000, v36;
	[tilespmem:s26+$0xFFFFFD80] =	vst v4;
	v4 =	vmul.f32 v56, v6  }
0x235: {  	[tilespmem:s26+$0xFFFFFEE0] =	vst v10;
	v10 =	vmul.f32 v44, v9;
	v46 =	vshll.u32 v39, $0x10  }
0x236: {  	[tilespmem:s26+$0xFFFFFE80] =	vst v4;
	v51 =	vld [tilespmem:s17+$0xFFFFFF80];
	v47 =	vand.u32 $0xFFFF0000, v39;
	v13 =	vmul.f32 v46, v5  }
0x237: {  	[tilespmem:s26+$0xFFFFFC60] =	vst v10;
	v60 =	vand.u32 $0xFFFF0000, v54;
	v5 =	vmul.f32 v47, v5  }
0x238: {  	v4 =	vmul.f32 v60, v8;
	v52 =	vshll.u32 v45, $0x10;
	[tilespmem:s26+$0xFFFFFCF0] =	vst v13  }
0x239: {  	v57 =	vld [tilespmem:s17+$0xFFFFFE40];
	v53 =	vand.u32 $0xFFFF0000, v45;
	[tilespmem:s26+$0xFFFFFD00] =	vst v5;
	v10 =	vmul.f32 v52, v3  }
0x23a: {  	v55 =	vshll.u32 v48, $0x10;
	v3 =	vmul.f32 v53, v3;
	[tilespmem:s26+$0xFFFFFF80] =	vst v4  }
0x23b: {  	v5 =	vmul.f32 v55, v6;
	v58 =	vshll.u32 v51, $0x10;
	[tilespmem:s26+$0xFFFFFDF0] =	vst v10  }
0x23c: {  	[tilespmem:s26+$0xFFFFFE00] =	vst v3;
	v3 =	vand.u32 $0xFFFF0000, v51;
	v6 =	vmul.f32 v58, v7  }
0x23d: {  	s15 =	sadd.s32 $0x1, s15;
	v59 =	vshll.u32 v54, $0x10;
	[tilespmem:s26+$0xFFFFFE70] =	vst v5;
	v3 =	vmul.f32 v3, v7  }
0x23e: {  	p0 =	sne.s32 s15, $0x81;
	v5 =	vmul.f32 v59, v8;
	v62 =	vand.u32 $0xFFFF0000, v57;
	[tilespmem:s26+$0xFFFFFEF0] =	vst v6  }
.Ltmp3:
0x23f: {  	v63 =	vmul.f32 v62, v9;
	[tilespmem:s26+$0xFFFFFF00] =	vst v3;
	v3 =	vshll.u32 v57, $0x10;
	(pc) =	sbr.rel @p0 .LBB2_5-.Ltmp3, $4  }
0x240: {  	[tilespmem:s26+$0xFFFFFF70] =	vst v5;
	v3 =	vmul.f32 v3, v9  }
0x241: {  	[tilespmem:s26+$0xFFFFFC80] =	vst v63  }
0x242: {  	[tilespmem:s26+$0xFFFFFC70] =	vst v3  }
0x243: {  	[spmem:s4] =	stream.indirect.scatter.add.f32 [tilespmem:s12], [sflag:$0x4], $0x80, s28, s25, $0xb8;
	[tilespmem:$0x1F160] =	vst v63  }
0x244: {  	s9 =	simm.s32 $0x4  }
0x245: {  	_ =	swait.ge [sflag:s9], $0x2800  }
0x246: {  	[sflag:s9] =	ssyncset.done $0x0  }
0x247: {  	s26 =	rddreg [dreg:$0xf];
	[sflag:s9] =	ssyncadd.s32 $0xFFFFD800  }
0x248: {  	s10 =	simm.s32 $0x0;
	s9 =	smul.u32 $0x2710, s26;
	[bflag:$0x0] =	sbarrier.arrive $0xFFFF  }
.LBB2_11:
0x249: {  	s13 =	smul.u32 $0x7D, s10;
	_ =	sdelay $0x1  }
0x24a: {  	s14 =	sadd.s32 s7, s13  }
0x24b: {  	s13 =	sshll.u32 s14, $0x7  }
0x24c: {  	s13 =	sand.u32 $0x3FFFFF80, s13  }
0x24d: {  	s13 =	sadd.s32 s13, s4  }
0x24e: {  	[tilespmem:s23], [sflag:$0x9] =	stream.linear.gather [spmem:s13], $0x3E80, $0x38;
	[tilespmem:$0x1F160] =	vst v63  }
0x24f: {  	_ =	swait.ge [sflag:s19], $0x3E80  }
0x250: {  	[sflag:s19] =	ssyncset.done $0x0  }
0x251: {  	[sflag:s19] =	ssyncadd.s32 $0xFFFFC180  }
0x252: {  	s13 =	simm.s32 $0x13A00;
	v2 =	vld [tilespmem:$0x13880]  }
0x253: {  	v3 =	vld [tilespmem:s13+$0x80];
	_ =	sdelay $0x3  }
0x254: {  	v4 =	vld [tilespmem:s13+$0xFFFFFF80]  }
0x255: {  	v5 =	vld [tilespmem:s13+$0x0];
	v3 =	vadd.f32 v3, v2  }
0x256: {  	v6 =	vld [tilespmem:s13+$0xFFFFFF00]  }
0x257: {  	v3 =	vmax.f32 v3, $0.0e+00  }
0x258: {  	[tilespmem:s13+$0x80] =	vst v3;
	v3 =	vld [tilespmem:s13+$0x90]  }
0x259: {  	v4 =	vadd.f32 v4, v2;
	v7 =	vld [tilespmem:$0x13890]  }
0x25a: {  	v8 =	vld [tilespmem:s13+$0xFFFFFF10];
	v5 =	vadd.f32 v5, v2  }
0x25b: {  	v9 =	vld [tilespmem:s13+$0xFFFFFF90];
	v2 =	vadd.f32 v2, v6;
	v4 =	vmax.f32 v4, $0.0e+00  }
0x25c: {  	v6 =	vld [tilespmem:s13+$0x10];
	[tilespmem:s13+$0xFFFFFF80] =	vst v4;
	v4 =	vmax.f32 v5, $0.0e+00  }
0x25d: {  	v2 =	vmax.f32 v2, $0.0e+00;
	v5 =	vld [tilespmem:$0x13890];
	[tilespmem:s13+$0x0] =	vst v4  }
0x25e: {  	[tilespmem:s13+$0xFFFFFF00] =	vst v2;
	v2 =	vld [tilespmem:$0x13890];
	v3 =	vadd.f32 v7, v3  }
0x25f: {  	v4 =	vld [tilespmem:$0x13890]  }
0x260: {  	v3 =	vmax.f32 v3, $0.0e+00  }
0x261: {  	[tilespmem:s13+$0x90] =	vst v3;
	v3 =	vld [tilespmem:s13+$0xA0]  }
0x262: {  	v5 =	vadd.f32 v5, v9;
	v7 =	vld [tilespmem:$0x138A0]  }
0x263: {  	v10 =	vld [tilespmem:s13+$0xFFFFFF20];
	v2 =	vadd.f32 v2, v6  }
0x264: {  	v9 =	vld [tilespmem:s13+$0xFFFFFFA0];
	v4 =	vadd.f32 v4, v8;
	v5 =	vmax.f32 v5, $0.0e+00  }
0x265: {  	v6 =	vld [tilespmem:s13+$0x20];
	[tilespmem:s13+$0xFFFFFF90] =	vst v5;
	v2 =	vmax.f32 v2, $0.0e+00  }
0x266: {  	v4 =	vmax.f32 v4, $0.0e+00;
	v5 =	vld [tilespmem:$0x138A0];
	[tilespmem:s13+$0x10] =	vst v2  }
0x267: {  	[tilespmem:s13+$0xFFFFFF10] =	vst v4;
	v2 =	vld [tilespmem:$0x138A0];
	v3 =	vadd.f32 v7, v3  }
0x268: {  	v4 =	vld [tilespmem:$0x138A0]  }
0x269: {  	v3 =	vmax.f32 v3, $0.0e+00  }
0x26a: {  	[tilespmem:s13+$0xA0] =	vst v3;
	v3 =	vld [tilespmem:s13+$0xB0]  }
0x26b: {  	v5 =	vadd.f32 v5, v9;
	v7 =	vld [tilespmem:$0x138B0]  }
0x26c: {  	v11 =	vld [tilespmem:s13+$0xFFFFFFB0];
	v2 =	vadd.f32 v2, v6  }
0x26d: {  	v12 =	vld [tilespmem:s13+$0x30];
	v4 =	vadd.f32 v4, v10;
	v5 =	vmax.f32 v5, $0.0e+00  }
0x26e: {  	v8 =	vld [tilespmem:s13+$0xFFFFFF30];
	[tilespmem:s13+$0xFFFFFFA0] =	vst v5;
	v2 =	vmax.f32 v2, $0.0e+00  }
0x26f: {  	v4 =	vmax.f32 v4, $0.0e+00;
	v5 =	vld [tilespmem:$0x138B0];
	[tilespmem:s13+$0x20] =	vst v2  }
0x270: {  	[tilespmem:s13+$0xFFFFFF20] =	vst v4;
	v2 =	vld [tilespmem:$0x138B0];
	v3 =	vadd.f32 v7, v3  }
0x271: {  	v4 =	vld [tilespmem:$0x138B0]  }
0x272: {  	v13 =	vld [tilespmem:s13+$0xFFFFFF50];
	v3 =	vmax.f32 v3, $0.0e+00  }
0x273: {  	[tilespmem:s13+$0xB0] =	vst v3;
	v3 =	vld [tilespmem:s13+$0xC0]  }
0x274: {  	v5 =	vadd.f32 v5, v11;
	v7 =	vld [tilespmem:$0x138C0]  }
0x275: {  	v9 =	vld [tilespmem:s13+$0xFFFFFF40];
	v2 =	vadd.f32 v2, v12  }
0x276: {  	v10 =	vld [tilespmem:s13+$0x40];
	v4 =	vadd.f32 v4, v8;
	v8 =	vmax.f32 v5, $0.0e+00  }
0x277: {  	v6 =	vld [tilespmem:s13+$0xFFFFFFC0];
	[tilespmem:s13+$0xFFFFFFB0] =	vst v8;
	v2 =	vmax.f32 v2, $0.0e+00  }
0x278: {  	v4 =	vmax.f32 v4, $0.0e+00;
	v8 =	vld [tilespmem:$0x138C0];
	[tilespmem:s13+$0x30] =	vst v2  }
0x279: {  	[tilespmem:s13+$0xFFFFFF30] =	vst v4;
	v2 =	vadd.f32 v7, v3;
	v3 =	vld [tilespmem:$0x138C0]  }
0x27a: {  	v4 =	vld [tilespmem:$0x138C0]  }
0x27b: {  	v62 =	vld [tilespmem:s13+$0x50]  }
0x27c: {  	v11 =	vld [tilespmem:s13+$0xFFFFFFD0];
	v2 =	vmax.f32 v2, $0.0e+00  }
0x27d: {  	v6 =	vadd.f32 v8, v6;
	[tilespmem:s13+$0xC0] =	vst v2;
	v2 =	vld [tilespmem:s13+$0xD0]  }
0x27e: {  	v8 =	vld [tilespmem:$0x138D0];
	v3 =	vadd.f32 v3, v10  }
0x27f: {  	v5 =	vld [tilespmem:s13+$0xFFFFFF60];
	v4 =	vadd.f32 v4, v9;
	v9 =	vmax.f32 v6, $0.0e+00  }
0x280: {  	v7 =	vld [tilespmem:s13+$0xFFFFFFE0];
	[tilespmem:s13+$0xFFFFFFC0] =	vst v9;
	v3 =	vmax.f32 v3, $0.0e+00  }
0x281: {  	v4 =	vmax.f32 v4, $0.0e+00;
	v9 =	vld [tilespmem:$0x138D0];
	[tilespmem:s13+$0x40] =	vst v3  }
0x282: {  	[tilespmem:s13+$0xFFFFFF40] =	vst v4;
	v3 =	vld [tilespmem:$0x138D0]  }
0x283: {  	v4 =	vld [tilespmem:$0x138D0];
	v2 =	vadd.f32 v8, v2  }
0x284: {  	v6 =	vld [tilespmem:s13+$0x60]  }
0x285: {  	v8 =	vmax.f32 v2, $0.0e+00;
	v2 =	vld [tilespmem:s13+$0xFFFFFF70]  }
0x286: {  	[tilespmem:s13+$0xD0] =	vst v8;
	v8 =	vadd.f32 v9, v11;
	v11 =	vld [tilespmem:s13+$0xE0]  }
0x287: {  	v63 =	vld [tilespmem:$0x138E0];
	v3 =	vadd.f32 v3, v62  }
0x288: {  	v9 =	vadd.f32 v4, v13;
	v4 =	vld [tilespmem:s13+$0xFFFFFFF0];
	v8 =	vmax.f32 v8, $0.0e+00  }
0x289: {  	[tilespmem:s13+$0xFFFFFFD0] =	vst v8;
	v10 =	vmax.f32 v3, $0.0e+00;
	v3 =	vld [tilespmem:s13+$0x70]  }
0x28a: {  	v9 =	vmax.f32 v9, $0.0e+00;
	v8 =	vld [tilespmem:$0x138E0];
	[tilespmem:s13+$0x50] =	vst v10  }
0x28b: {  	[tilespmem:s13+$0xFFFFFF50] =	vst v9;
	v9 =	vld [tilespmem:$0x138E0]  }
0x28c: {  	s16 =	simm.s32 $0x0;
	s15 =	simm.s32 $0x13A00;
	v10 =	vld [tilespmem:$0x138E0];
	v11 =	vadd.f32 v63, v11  }
.LBB2_12:
0x28d: {  	v12 =	vld [tilespmem:$0x13880];
	s13 =	sadd.s32 $0x200, s13  }
0x28e: {  	s16 =	sadd.s32 $0x4, s16;
	v13 =	vld [tilespmem:s13+$0x80];
	v11 =	vmax.f32 v11, $0.0e+00  }
0x28f: {  	p0 =	slt.u32 s16, $0x78;
	v7 =	vadd.f32 v8, v7;
	[tilespmem:s15+$0xE0] =	vst v11;
	v8 =	vld [tilespmem:s15+$0xF0]  }
0x290: {  	v6 =	vadd.f32 v9, v6;
	v9 =	vld [tilespmem:$0x138F0]  }
0x291: {  	v11 =	vld [tilespmem:s13+$0xFFFFFF80];
	v5 =	vadd.f32 v10, v5;
	v7 =	vmax.f32 v7, $0.0e+00  }
0x292: {  	v10 =	vld [tilespmem:s13+$0x0];
	[tilespmem:s15+$0xFFFFFFE0] =	vst v7;
	v6 =	vmax.f32 v6, $0.0e+00  }
0x293: {  	v7 =	vld [tilespmem:s13+$0xFFFFFF00];
	v13 =	vadd.f32 v13, v12;
	v5 =	vmax.f32 v5, $0.0e+00;
	[tilespmem:s15+$0x60] =	vst v6  }
0x294: {  	v6 =	vld [tilespmem:s13+$0xFFFFFF10];
	[tilespmem:s15+$0xFFFFFF60] =	vst v5  }
0x295: {  	v5 =	vld [tilespmem:s13+$0xFFFFFF90];
	v13 =	vmax.f32 v13, $0.0e+00;
	v8 =	vadd.f32 v9, v8  }
0x296: {  	v9 =	vadd.f32 v11, v12;
	[tilespmem:s13+$0x80] =	vst v13;
	v11 =	vld [tilespmem:s13+$0x90]  }
0x297: {  	v10 =	vadd.f32 v10, v12;
	v13 =	vld [tilespmem:$0x13890];
	v8 =	vmax.f32 v8, $0.0e+00  }
0x298: {  	v7 =	vadd.f32 v12, v7;
	v9 =	vmax.f32 v9, $0.0e+00;
	v12 =	vld [tilespmem:s13+$0x10];
	[tilespmem:s15+$0xF0] =	vst v8  }
0x299: {  	v8 =	vld [tilespmem:s13+$0xFFFFFF20];
	[tilespmem:s13+$0xFFFFFF80] =	vst v9;
	v9 =	vmax.f32 v10, $0.0e+00  }
0x29a: {  	v7 =	vmax.f32 v7, $0.0e+00;
	v10 =	vld [tilespmem:$0x13890];
	[tilespmem:s13+$0x0] =	vst v9  }
0x29b: {  	[tilespmem:s13+$0xFFFFFF00] =	vst v7;
	v7 =	vld [tilespmem:$0x13890]  }
0x29c: {  	v9 =	vld [tilespmem:$0x13890];
	v11 =	vadd.f32 v13, v11  }
0x29d: {  	v13 =	vld [tilespmem:s13+$0xFFFFFFA0]  }
0x29e: {  	v14 =	vld [tilespmem:s13+$0x20];
	v11 =	vmax.f32 v11, $0.0e+00  }
0x29f: {  	v5 =	vadd.f32 v10, v5;
	[tilespmem:s13+$0x90] =	vst v11;
	v10 =	vld [tilespmem:s13+$0xA0]  }
0x2a0: {  	v7 =	vadd.f32 v7, v12;
	v11 =	vld [tilespmem:$0x138A0]  }
0x2a1: {  	v6 =	vadd.f32 v9, v6;
	v9 =	vld [tilespmem:s13+$0xFFFFFF30];
	v5 =	vmax.f32 v5, $0.0e+00  }
0x2a2: {  	[tilespmem:s13+$0xFFFFFF90] =	vst v5;
	v5 =	vld [tilespmem:s13+$0xFFFFFFB0];
	v7 =	vmax.f32 v7, $0.0e+00  }
0x2a3: {  	v6 =	vmax.f32 v6, $0.0e+00;
	v12 =	vld [tilespmem:$0x138A0];
	[tilespmem:s13+$0x10] =	vst v7  }
0x2a4: {  	[tilespmem:s13+$0xFFFFFF10] =	vst v6;
	v6 =	vld [tilespmem:$0x138A0]  }
0x2a5: {  	v7 =	vld [tilespmem:$0x138A0];
	v10 =	vadd.f32 v11, v10  }
0x2a6: {  	v11 =	vld [tilespmem:s13+$0x30]  }
0x2a7: {  	v15 =	vld [tilespmem:s13+$0xFFFFFF40];
	v10 =	vmax.f32 v10, $0.0e+00  }
0x2a8: {  	v12 =	vadd.f32 v12, v13;
	[tilespmem:s13+$0xA0] =	vst v10;
	v10 =	vld [tilespmem:s13+$0xB0]  }
0x2a9: {  	v6 =	vadd.f32 v6, v14;
	v13 =	vld [tilespmem:$0x138B0]  }
0x2aa: {  	v7 =	vadd.f32 v7, v8;
	v8 =	vmax.f32 v12, $0.0e+00;
	v12 =	vld [tilespmem:s13+$0xFFFFFFC0]  }
0x2ab: {  	[tilespmem:s13+$0xFFFFFFA0] =	vst v8;
	v6 =	vmax.f32 v6, $0.0e+00;
	v8 =	vld [tilespmem:s13+$0x40]  }
0x2ac: {  	v7 =	vmax.f32 v7, $0.0e+00;
	v14 =	vld [tilespmem:$0x138B0];
	[tilespmem:s13+$0x20] =	vst v6  }
0x2ad: {  	[tilespmem:s13+$0xFFFFFF20] =	vst v7;
	v6 =	vld [tilespmem:$0x138B0]  }
0x2ae: {  	v7 =	vld [tilespmem:$0x138B0];
	v10 =	vadd.f32 v13, v10  }
0x2af: {  	v13 =	vld [tilespmem:s13+$0xFFFFFF50]  }
0x2b0: {  	v16 =	vld [tilespmem:s13+$0xFFFFFFD0];
	v10 =	vmax.f32 v10, $0.0e+00  }
0x2b1: {  	v5 =	vadd.f32 v14, v5;
	[tilespmem:s13+$0xB0] =	vst v10;
	v10 =	vld [tilespmem:s13+$0xC0]  }
0x2b2: {  	v6 =	vadd.f32 v6, v11;
	v11 =	vld [tilespmem:$0x138C0]  }
0x2b3: {  	v7 =	vadd.f32 v7, v9;
	v9 =	vmax.f32 v5, $0.0e+00;
	v14 =	vld [tilespmem:s13+$0x50]  }
0x2b4: {  	v5 =	vld [tilespmem:s13+$0xFFFFFF60];
	[tilespmem:s13+$0xFFFFFFB0] =	vst v9;
	v6 =	vmax.f32 v6, $0.0e+00  }
0x2b5: {  	v7 =	vmax.f32 v7, $0.0e+00;
	v9 =	vld [tilespmem:$0x138C0];
	[tilespmem:s13+$0x30] =	vst v6  }
0x2b6: {  	[tilespmem:s13+$0xFFFFFF30] =	vst v7;
	v17 =	vld [tilespmem:$0x138C0]  }
0x2b7: {  	v18 =	vld [tilespmem:$0x138C0];
	v10 =	vadd.f32 v11, v10  }
0x2b8: {  	v7 =	vld [tilespmem:s13+$0xFFFFFFE0]  }
0x2b9: {  	v6 =	vld [tilespmem:s13+$0x60];
	v10 =	vmax.f32 v10, $0.0e+00  }
0x2ba: {  	v9 =	vadd.f32 v9, v12;
	[tilespmem:s13+$0xC0] =	vst v10;
	v10 =	vld [tilespmem:s13+$0xD0]  }
0x2bb: {  	v8 =	vadd.f32 v17, v8;
	v11 =	vld [tilespmem:$0x138D0]  }
0x2bc: {  	v12 =	vadd.f32 v18, v15;
	v9 =	vmax.f32 v9, $0.0e+00;
	v15 =	vld [tilespmem:$0x138F0]  }
0x2bd: {  	[tilespmem:s13+$0xFFFFFFC0] =	vst v9;
	v8 =	vmax.f32 v8, $0.0e+00;
	v9 =	vld [tilespmem:$0x138F0]  }
0x2be: {  	v12 =	vmax.f32 v12, $0.0e+00;
	v17 =	vld [tilespmem:$0x138D0];
	[tilespmem:s13+$0x40] =	vst v8  }
0x2bf: {  	[tilespmem:s13+$0xFFFFFF40] =	vst v12;
	v8 =	vld [tilespmem:$0x138D0]  }
0x2c0: {  	v12 =	vld [tilespmem:$0x138D0];
	v10 =	vadd.f32 v11, v10  }
0x2c1: {  	v11 =	vadd.f32 v15, v2;
	v15 =	vld [tilespmem:$0x138F0]  }
0x2c2: {  	v2 =	vld [tilespmem:s13+$0xFFFFFF70];
	v10 =	vmax.f32 v10, $0.0e+00;
	v4 =	vadd.f32 v9, v4  }
0x2c3: {  	v9 =	vadd.f32 v17, v16;
	[tilespmem:s13+$0xD0] =	vst v10;
	v16 =	vld [tilespmem:s13+$0xE0];
	v10 =	vmax.f32 v11, $0.0e+00  }
0x2c4: {  	v8 =	vadd.f32 v8, v14;
	v11 =	vld [tilespmem:$0x138E0];
	[tilespmem:s15+$0xFFFFFF70] =	vst v10;
	v10 =	vmax.f32 v4, $0.0e+00  }
.Ltmp4:
0x2c5: {  	v12 =	vadd.f32 v12, v13;
	v9 =	vmax.f32 v9, $0.0e+00;
	v4 =	vld [tilespmem:s13+$0xFFFFFFF0];
	[tilespmem:s15+$0xFFFFFFF0] =	vst v10;
	(pc) =	sbr.rel @p0 .LBB2_12-.Ltmp4, $4  }
0x2c6: {  	[tilespmem:s13+$0xFFFFFFD0] =	vst v9;
	v9 =	vmax.f32 v8, $0.0e+00;
	v10 =	vadd.f32 v15, v3;
	v3 =	vld [tilespmem:s13+$0x70]  }
0x2c7: {  	v12 =	vmax.f32 v12, $0.0e+00;
	v8 =	vld [tilespmem:$0x138E0];
	[tilespmem:s13+$0x50] =	vst v9  }
0x2c8: {  	[tilespmem:s13+$0xFFFFFF50] =	vst v12;
	v9 =	vld [tilespmem:$0x138E0];
	v12 =	vmax.f32 v10, $0.0e+00  }
0x2c9: {  	v10 =	vld [tilespmem:$0x138E0];
	v11 =	vadd.f32 v11, v16;
	[tilespmem:s15+$0x70] =	vst v12;
	s15 =	smov.u32 s13  }
0x2ca: {  	_ =	sdelay $0x3  }
0x2cb: {  	v5 =	vadd.f32 v10, v5  }
0x2cc: {  	v11 =	vmax.f32 v11, $0.0e+00;
	v7 =	vadd.f32 v8, v7  }
0x2cd: {  	v45 =	vld [tilespmem:s15+$0xF0];
	[tilespmem:s15+$0xE0] =	vst v11;
	v6 =	vadd.f32 v9, v6;
	v5 =	vmax.f32 v5, $0.0e+00  }
0x2ce: {  	v46 =	vld [tilespmem:$0x138F0];
	v7 =	vmax.f32 v7, $0.0e+00;
	[tilespmem:s15+$0xFFFFFF60] =	vst v5  }
0x2cf: {  	[tilespmem:s15+$0xFFFFFFE0] =	vst v7;
	v47 =	vmax.f32 v6, $0.0e+00;
	v48 =	vld [tilespmem:$0x138F0]  }
0x2d0: {  	[tilespmem:s15+$0x60] =	vst v47;
	v49 =	vld [tilespmem:$0x138F0]  }
0x2d1: {  	v50 =	vld [tilespmem:$0x138F0];
	_ =	sdelay $0x1  }
0x2d2: {  	v8 =	vadd.f32 v46, v45  }
0x2d3: {  	v2 =	vadd.f32 v48, v2  }
0x2d4: {  	v51 =	vmax.f32 v8, $0.0e+00;
	v4 =	vadd.f32 v49, v4  }
0x2d5: {  	[tilespmem:s15+$0xF0] =	vst v51;
	v3 =	vadd.f32 v50, v3;
	v2 =	vmax.f32 v2, $0.0e+00  }
0x2d6: {  	[tilespmem:s15+$0xFFFFFF70] =	vst v2;
	v2 =	vmax.f32 v4, $0.0e+00  }
0x2d7: {  	[tilespmem:s15+$0xFFFFFFF0] =	vst v2;
	v2 =	vmax.f32 v3, $0.0e+00  }
0x2d8: {  	[tilespmem:s15+$0x70] =	vst v2  }
0x2d9: {  	v2 =	vld [tilespmem:$0x17700]  }
0x2da: {  	v3 =	vld [tilespmem:$0x13880]  }
0x2db: {  	v52 =	vld [tilespmem:$0x17710]  }
0x2dc: {  	v53 =	vld [tilespmem:$0x13890]  }
0x2dd: {  	v6 =	vld [tilespmem:$0x17720]  }
0x2de: {  	v54 =	vld [tilespmem:$0x138A0]  }
0x2df: {  	v55 =	vld [tilespmem:$0x17730]  }
0x2e0: {  	v56 =	vld [tilespmem:$0x138B0]  }
0x2e1: {  	v57 =	vld [tilespmem:$0x17740]  }
0x2e2: {  	v11 =	vld [tilespmem:$0x138C0]  }
0x2e3: {  	v12 =	vld [tilespmem:$0x17750]  }
0x2e4: {  	v13 =	vld [tilespmem:$0x138D0]  }
0x2e5: {  	v14 =	vld [tilespmem:$0x17760]  }
0x2e6: {  	v58 =	vld [tilespmem:$0x17770];
	v2 =	vadd.f32 v3, v2  }
0x2e7: {  	v3 =	vld [tilespmem:$0x138E0];
	v4 =	vadd.f32 v53, v52  }
0x2e8: {  	v59 =	vld [tilespmem:$0x138F0];
	v6 =	vadd.f32 v54, v6;
	v2 =	vmax.f32 v2, $0.0e+00  }
0x2e9: {  	v4 =	vmax.f32 v4, $0.0e+00;
	[tilespmem:$0x17700] =	vst v2;
	v2 =	vadd.f32 v56, v55  }
0x2ea: {  	v61 =	vadd.f32 v11, v57;
	v60 =	vmax.f32 v6, $0.0e+00;
	[tilespmem:$0x17710] =	vst v4  }
0x2eb: {  	v62 =	vadd.f32 v13, v12;
	[tilespmem:$0x17720] =	vst v60;
	v2 =	vmax.f32 v2, $0.0e+00  }
0x2ec: {  	v3 =	vadd.f32 v3, v14;
	[tilespmem:$0x17730] =	vst v2;
	v2 =	vmax.f32 v61, $0.0e+00  }
0x2ed: {  	v63 =	vadd.f32 v59, v58;
	[tilespmem:$0x17740] =	vst v2;
	v2 =	vmax.f32 v62, $0.0e+00  }
0x2ee: {  	s13 =	sadd.s32 s9, s14;
	s10 =	sadd.s32 $0x1, s10;
	[tilespmem:$0x17750] =	vst v2;
	v2 =	vmax.f32 v3, $0.0e+00  }
0x2ef: {  	s13 =	sshll.u32 s13, $0x4;
	p0 =	sne.s32 s10, $0x5;
	[tilespmem:$0x17760] =	vst v2;
	v2 =	vmax.f32 v63, $0.0e+00  }
.Ltmp5:
0x2f0: {  	s13 =	sadd.s32 s2, s13;
	[tilespmem:$0x17770] =	vst v2;
	(pc) =	sbr.rel @p0 .LBB2_11-.Ltmp5, $4  }
0x2f1: {  	[hbm4b:s13+s5] =	stream.linear.scatter [tilespmem:s23], [sflag:$0x9], $0x3E80, $0x38;
	[tilespmem:$0x1F160] =	vst v63  }
0x2f2: {  	_ =	swait.ge [sflag:s19], $0x3E80  }
0x2f3: {  	[sflag:s19] =	ssyncset.done $0x0  }
0x2f4: {  	[sflag:s19] =	ssyncadd.s32 $0xFFFFC180  }
0x2f5: {  	s8 =	sadd.s32 $0x1, s8  }
0x2f6: {  	p0 =	sne.s32 s8, $0x6  }
.Ltmp6:
0x2f7: {  	_ = 	snop;
	(pc) =	sbr.rel @p0 .LBB2_2-.Ltmp6, $3  }
0x2f8: {  	_ =	sdelay $0x1  }
0x2f9: {  	[bflag:$0x0] =	sbarrier.arrive $0xFFFF  }
0x2fa: {  	s15 =	simm.s32 $0x1F0C0  }
0x2fb: {  	s9 =	rddreg [dreg:$0xe]  }
0x2fc: {  	s8 =	rddreg [dreg:$0x8];
	s9 =	sadd.s32 $0x1, s9  }
0x2fd: {  	p0 =	sne.s32 s9, s8  }
.Ltmp7:
0x2fe: {  	_ = 	snop;
	(pc) =	sbr.rel @p0 .LBB2_1-.Ltmp7, $1  }
0x2ff: {  	_ =	sdelay $0x3  }
0x300: {  	_ =	sfence.sel $0x180000  }
0x301: {  	[bflag:$0x0] =	sbarrier.arrive $0xFFFF  }
0x302: {  	_ =	strace $0x9000004D  }
0x303: {  	s0 =	stileid.u32;
	[bflag:$0x2] =	sbarrier.arrive $0xFFFF  }
0x304: {  	p0 =	sne.s32 s0, $0x0;
	s0 =	rddreg [dreg:$0x4]  }
0x305: {  	s0 =	sadd.s32 @!p0 $0x100000, s0  }
0x306: {  	[sflag:s0] =	ssyncadd.tile.s32 @!p0 $0x1;
	_ =	shalt  }
.Lfunc_end2:
_tile_overlayer_lowered:
.L_overlay_start_2:
0x307: {  	(tag) =	ssettag $0x2  }
0x308: {  	s0 =	rddreg [dreg:$0x0];
	s2 =	stileid.u32  }
0x309: {  	s1 =	rddreg [dreg:$0x1];
	p0 =	sne.s32 s2, $0x0  }
0x30a: {  	s3 =	rddreg [dreg:$0x2];
	[bflag:$0x3] =	sbarrier.arrive $0xFFFF;
	s2 =	simm.s32 @!p0 $0x1C09  }
0x30b: {  	[timem:s3], [sflag:s2] =	dma.local @!p0 [hbm:s0], s1  }
0x30c: {  	s0 =	simm.s32 @!p0 $0x9  }
0x30d: {  	_ =	swait.ge @!p0 [sflag:s0], s1  }
0x30e: {  	s1 =	ssub.s32 @!p0 $0x0, s1;
	[sflag:s0] =	ssyncset.done @!p0 $0x0  }
0x30f: {  	[sflag:s0] =	ssyncadd.s32 @!p0 s1  }
0x310: {  	[bflag:$0x3] =	sbarrier.arrive $0xFFFF  }
0x311: {  	_ =	shalt  }

// kernel: kernel.7.cloned.1.call-start
scs
__scs_entry_jumppad:
0x0: {  	(pc) =	sbr.rel $0x88, $3  }
0x1: {  	(tag) =	ssettag $0x0;
	lr =	simm.s32 $0x1  }
0x2: {  	[smem:$0x3F9C] =	sst lr;
	_ =	strace $0xD0000000  }
0x3: {  	_ = 	snop  }
0x4: {  	_ = 	snop  }
0x5: {  	_ = 	snop  }
0x6: {  	_ = 	snop  }
0x7: {  	_ = 	snop  }
__scs_overlays_trampoline_lowered:
0x8: {  	[smem:$0x3FAB] =	sst s0  }
0x9: {  	[smem:$0x3FAC] =	sst s1  }
0xa: {  	[smem:$0x3FAD] =	sst s2  }
0xb: {  	[smem:$0x3FAE] =	sst s3  }
0xc: {  	[smem:$0x3FAF] =	sst s4  }
0xd: {  	[smem:$0x3FB0] =	sst s5  }
0xe: {  	[smem:$0x3FB1] =	sst s6  }
0xf: {  	[smem:$0x3FB2] =	sst s7  }
0x10: {  	[smem:$0x3FB3] =	sst s8  }
0x11: {  	[smem:$0x3FB4] =	sst s9;
	s0 =	simm.s32 @!p0 $0x0  }
0x12: {  	s1 =	sld [smem:$0x3F9A];
	s0 =	simm.s32 @p0 $0x1  }
0x13: {  	[smem:$0x3FB5] =	sst s0;
	s0 =	simm.s32 @!p1 $0x0  }
0x14: {  	s2 =	sld [smem:$0x3F99];
	s0 =	simm.s32 @p1 $0x1  }
0x15: {  	[smem:$0x3FB6] =	sst s0;
	s0 =	simm.s32 @!p2 $0x0  }
0x16: {  	s3 =	sld [smem:$0x3FDB];
	s0 =	simm.s32 @p2 $0x1  }
0x17: {  	s4 =	simm.s32 $0x1BF5;
	[smem:$0x3FB8] =	sst s0  }
0x18: {  	s0 =	sld [smem:$0x3F9B];
	_ =	swait.ge [sflag:s4], $0x0  }
0x19: {  	s7 =	sld [smem:$0x3F9C]  }
0x1a: {  	s8 =	sadd.s32 $0xFFFFE003, lr  }
0x1b: {  	s9 =	sadd.s32 $0xFFFFFEF7, lr;
	s5 =	simm.s32 $0xFFFFFFFF;
	p2 =	slt.u32 s8, $0xFFFFF086  }
0x1c: {  	p1 =	slt.u32 s9, $0xF7A;
	s5 =	simm.s32 @!p2 $0x0  }
0x1d: {  	s5 =	simm.s32 @p1 $0x1;
	p0 =	seq.s32 s7, s2  }
0x1e: {  	s7 =	smul.u32 @!p0 $0xF7A, s2;
	p2 =	seq.s32 @!p0 s5, $0x0  }
0x1f: {  	s9 =	smul.u32 $0xF7A, s1;
	s8 =	simm.s32 @!p0 $0x1BF5;
	p2 =	por !p2, p0  }
0x20: {  	[sflag:s8] =	ssyncset.s32 @!p0 $0xFFFFF086;
	s6 =	sadd.s32 @!p0 s3, s7;
	s7 =	simm.s32 @!p0 $0x108  }
0x21: {  	s3 =	sadd.s32 s3, s9;
	s6 =	sadd.s32 @!p0 $0x88, s6;
	s7 =	simm.s32 @p2 $0x1082  }
0x22: {  	[simem:s7], [sflag:s8] =	dma.local @!p0 [hbm:s6], $0xF7A  }
0x23: {  	s9 =	sor.u32 $0xD0000000, s2;
	s6 =	simm.s32 $0x108;
	_ =	swait.ge @!p0 [sflag:s8], $0x0  }
0x24: {  	s3 =	sadd.s32 $0x88, s3;
	s6 =	simm.s32 @!p1 $0x1082;
	[sflag:s4] =	ssyncset.s32 $0xFFFFF086  }
0x25: {  	[simem:s6], [sflag:s4] =	dma.local [hbm:s3], $0xF7A  }
0x26: {  	[smem:$0x3F9C] =	sst s1;
	(tag) =	ssettag s2;
	_ =	strace s9  }
0x27: {  	s1 =	sld [smem:$0x3FAC]  }
0x28: {  	s2 =	sld [smem:$0x3FAD]  }
0x29: {  	s4 =	sld [smem:$0x3FAF]  }
0x2a: {  	p0 =	seq.s32 s5, $0x0;
	s5 =	sld [smem:$0x3FB0]  }
0x2b: {  	s6 =	sld [smem:$0x3FB1]  }
0x2c: {  	s7 =	sld [smem:$0x3FB2]  }
0x2d: {  	s3 =	simm.s32 $0x108;
	s8 =	sld [smem:$0x3FB3]  }
0x2e: {  	s3 =	simm.s32 @!p0 $0x1082;
	s9 =	sld [smem:$0x3FB4]  }
0x2f: {  	lr =	sadd.s32 s0, s3;
	s0 =	sld [smem:$0x3FAB]  }
0x30: {  	s3 =	sld [smem:$0x3FAE]  }
0x31: {  	[smem:$0x3FB7] =	sst s10  }
0x32: {  	s10 =	sld [smem:$0x3FB5];
	_ =	sdelay $0x3  }
0x33: {  	p0 =	seq.s32 s10, $0x1;
	s10 =	sld [smem:$0x3FB7];
	_ =	sdelay $0x3  }
0x34: {  	[smem:$0x3FB7] =	sst s10  }
0x35: {  	s10 =	sld [smem:$0x3FB6];
	_ =	sdelay $0x3  }
0x36: {  	p1 =	seq.s32 s10, $0x1;
	s10 =	sld [smem:$0x3FB7];
	_ =	sdelay $0x3  }
0x37: {  	[smem:$0x3FB7] =	sst s10  }
0x38: {  	s10 =	sld [smem:$0x3FB8]  }
0x39: {  	_ = 	snop;
	(pc) =	sbr.ind lr, $3  }
0x3a: {  	_ = 	snop  }
0x3b: {  	_ = 	snop  }
0x3c: {  	p2 =	seq.s32 s10, $0x1;
	s10 =	sld [smem:$0x3FB7]  }
0x3d: {  	_ =	shalt  }
0x3e: {  	_ =	shalt  }
0x3f: {  	_ =	shalt  }
0x40: {  	_ =	shalt  }
0x41: {  	_ =	shalt  }
0x42: {  	_ =	shalt  }
0x43: {  	_ =	shalt  }
0x44: {  	_ =	shalt  }
0x45: {  	_ =	shalt  }
0x46: {  	_ =	shalt  }
0x47: {  	_ =	shalt  }
0x48: {  	_ =	shalt  }
0x49: {  	_ =	shalt  }
0x4a: {  	_ =	shalt  }
0x4b: {  	_ =	shalt  }
0x4c: {  	_ =	shalt  }
0x4d: {  	_ =	shalt  }
0x4e: {  	_ =	shalt  }
0x4f: {  	_ =	shalt  }
0x50: {  	_ =	shalt  }
0x51: {  	_ =	shalt  }
0x52: {  	_ =	shalt  }
0x53: {  	_ =	shalt  }
0x54: {  	_ =	shalt  }
0x55: {  	_ =	shalt  }
0x56: {  	_ =	shalt  }
0x57: {  	_ =	shalt  }
0x58: {  	_ =	shalt  }
0x59: {  	_ =	shalt  }
0x5a: {  	_ =	shalt  }
0x5b: {  	_ =	shalt  }
0x5c: {  	_ =	shalt  }
0x5d: {  	_ =	shalt  }
0x5e: {  	_ =	shalt  }
0x5f: {  	_ =	shalt  }
0x60: {  	_ =	shalt  }
0x61: {  	_ =	shalt  }
0x62: {  	_ =	shalt  }
0x63: {  	_ =	shalt  }
0x64: {  	_ =	shalt  }
0x65: {  	_ =	shalt  }
0x66: {  	_ =	shalt  }
0x67: {  	_ =	shalt  }
0x68: {  	_ =	shalt  }
0x69: {  	_ =	shalt  }
0x6a: {  	_ =	shalt  }
0x6b: {  	_ =	shalt  }
0x6c: {  	_ =	shalt  }
0x6d: {  	_ =	shalt  }
0x6e: {  	_ =	shalt  }
0x6f: {  	_ =	shalt  }
0x70: {  	_ =	shalt  }
0x71: {  	_ =	shalt  }
0x72: {  	_ =	shalt  }
0x73: {  	_ =	shalt  }
0x74: {  	_ =	shalt  }
0x75: {  	_ =	shalt  }
0x76: {  	_ =	shalt  }
0x77: {  	_ =	shalt  }
0x78: {  	_ =	shalt  }
0x79: {  	_ =	shalt  }
0x7a: {  	_ =	shalt  }
0x7b: {  	_ =	shalt  }
0x7c: {  	_ =	shalt  }
0x7d: {  	_ =	shalt  }
0x7e: {  	_ =	shalt  }
0x7f: {  	_ =	shalt  }
0x80: {  	_ =	shalt  }
0x81: {  	_ =	shalt  }
0x82: {  	_ =	shalt  }
0x83: {  	_ =	shalt  }
0x84: {  	_ =	shalt  }
0x85: {  	_ =	shalt  }
0x86: {  	_ =	shalt  }
0x87: {  	_ =	shalt  }
.Lfunc_end0:
.L_simem_size_0:
called_computation_lowered:
.L_overlay_start_0:
0x88: {  	s2 =	sld [smem:$0x3FD9]  }
0x89: {  	s3 =	sld [smem:$0x3FFE];
	_ =	sdelay $0x1  }
0x8a: {  	s1 =	srdreg.scid  }
0x8b: {  	s0 =	sand.u32 $0x1, s1  }
0x8c: {  	s17 =	sshll.u32 s0, $0xA;
	s2 =	sadd.s32 s3, s2  }
0x8d: {  	s2 =	sadd.s32 s2, s17  }
0x8e: {  	[smem:$0x3FC3] =	sst s2  }
0x8f: {  	_ = 	snop  }
0x90: {  	s2 =	sld [smem:$0x3FC7]  }
0x91: {  	s18 =	sld [smem:$0x3FD0];
	(tm) =	ssettm $0x1  }
0x92: {  	s4 =	sld [smem:$0x3FFB];
	_ =	sdelay $0x3  }
0x93: {  	_ =	strace s4  }
0x94: {  	s4 =	sld [smem:$0x3FFC];
	_ =	sdelay $0x3  }
0x95: {  	_ =	strace s4  }
0x96: {  	s4 =	sld [smem:$0x3FFD];
	_ =	sdelay $0x3  }
0x97: {  	_ =	strace s4  }
0x98: {  	_ =	strace $0x8FFFFFFF  }
0x99: {  	s19 =	sld [smem:$0x3FDB];
	_ =	sdelay $0x1  }
0x9a: {  	s5 =	simm.s32 $_scs_section_size  }
0x9b: {  	s6 =	simm.s32 $_size__tile_overlayer_lowered;
	s7 =	simm.s32 $_tile_overlayer_lowered  }
0x9c: {  	s22 =	simm.s32 $0x1BFF;
	s21 =	sshll.u32 s7, $0x1;
	s4 =	sadd.s32 s5, s19  }
0x9d: {  	s8 =	simm.s32 $0x0;
	s20 =	sshll.u32 s6, $0x1;
	s6 =	sadd.s32 s21, s4  }
0x9e: {  	[timem:s8], [sflag:s22] =	dma.local [hbm:s6], s20  }
0x9f: {  	_ =	swait.ge [sflag:s22], s20  }
0xa0: {  	s5 =	ssub.s32 $0x0, s20;
	[sflag:s22] =	ssyncset.done $0x0  }
0xa1: {  	[sflag:s22] =	ssyncadd.s32 s5;
	_ =	sdelay $0x1  }
0xa2: {  	s23 =	simm.s32 $0x1B8B  }
0xa3: {  	_ =	swait.ge [sflag:s23], $0x1  }
0xa4: {  	[sflag:s23] =	ssyncset.done $0x0  }
0xa5: {  	s25 =	simm.s32 $0x1B8E;
	s24 =	sld [smem:$0x3FFE];
	[sflag:s23] =	ssyncadd.s32 $0xFFFFFFFF  }
0xa6: {  	s26 =	simm.s32 $execute0_lowered;
	[smem:$0x3FD2] =	sst s25  }
0xa7: {  	s6 =	sshll.u32 s26, $0x1;
	_ =	strace $0x80000046;
	[dreg:$0x1] =	wrdreg $0xFFFFFFFF  }
0xa8: {  	s28 =	simm.s32 $_size_execute0_lowered;
	s4 =	sadd.s32 s4, s6;
	[dreg:$0x0] =	wrdreg $0x0  }
0xa9: {  	s6 =	sshll.u32 s28, $0x1;
	[dreg:$0x2] =	wrdreg s4  }
0xaa: {  	[dreg:$0x3] =	wrdreg s6  }
0xab: {  	[dreg:$0x4] =	wrdreg $0xC0  }
0xac: {  	_ =	task [dreg:s8], $0x5FFFF  }
0xad: {  	[dreg:$0x1] =	wrdreg $0xFFFFFFFF  }
0xae: {  	[dreg:$0x0] =	wrdreg $0x60  }
0xaf: {  	[dreg:$0x2] =	wrdreg s18  }
0xb0: {  	[dreg:$0x3] =	wrdreg s2  }
0xb1: {  	[dreg:$0x4] =	wrdreg s24  }
0xb2: {  	[dreg:$0x5] =	wrdreg $0x0  }
0xb3: {  	[dreg:$0x6] =	wrdreg $0x9  }
0xb4: {  	_ =	task.clear_ibuf [dreg:s8], $0x7FFFF;
	_ =	strace $0x90000046  }
0xb5: {  	s29 =	simm.s32 $0x9;
	_ =	strace $0x80000048  }
0xb6: {  	_ =	swait.ge [sflag:s29], $0x1  }
0xb7: {  	[sflag:s29] =	ssyncadd.s32 $0xFFFFFFFF  }
0xb8: {  	_ =	strace $0x90000048  }
0xb9: {  	_ =	sfence  }
0xba: {  	s30 =	sld [smem:$0x0];
	_ =	sdelay $0x2  }
0xbb: {  	s31 =	sshll.u32 s1, $0xD;
	s1 =	sshrl.u32 s1, $0x2  }
0xbc: {  	s3 =	sand.u32 $0x4000, s31;
	s1 =	sadd.s32 s1, s30  }
0xbd: {  	s0 =	sor.u32 s3, s0;
	s1 =	sshll.u32 s1, $0x11  }
0xbe: {  	s0 =	sor.u32 s1, s0  }
0xbf: {  	s0 =	sadd.s32 $0x8F2B, s0  }
0xc0: {  	[sflag:s0] =	ssyncadd.remote.s32 $0x1  }
0xc1: {  	_ =	sfence.sel $0xFFFF  }
0xc2: {  	[dreg:$0x0] =	wrdreg $0xFFFFFFFF;
	(pc) =	sbr.abs _section_cstart, $3  }
0xc3: {  	[dreg:$0x1] =	wrdreg $0xFFFFFFFF  }
0xc4: {  	_ =	task.clear_ibuf [dreg:s8], $0x2FFFF;
	_ =	strace $0x9FFFFFFF  }
0xc5: {  	(tm) =	ssettm $0x7FFFFFFF  }
tec
execute0_lowered:
.L_overlay_start_1:
0x0: {  	(tag) =	ssettag $0x1  }
0x1: {  	s8 =	rddreg [dreg:$0x0]  }
0x2: {  	s7 =	rddreg [dreg:$0x1]  }
0x3: {  	s3 =	rddreg [dreg:$0x2]  }
0x4: {  	s1 =	rddreg [dreg:$0x3]  }
0x5: {  	s0 =	rddreg [dreg:$0x4];
	s2 =	simm.s32 $0x0;
	s4 =	srdreg.scid  }
0x6: {  	s11 =	stileid.u32;
	s13 =	simm.s32 $0xA48;
	s14 =	simm.s32 $0x3158  }
0x7: {  	s15 =	simm.s32 $0x50;
	[smem:$0x7FF] =	sst s2;
	s4 =	sand.u32 $0x1, s4  }
0x8: {  	s9 =	sshll.u32 s11, $0x1;
	p0 =	sne.s32 s11, $0x0;
	s11 =	simm.s32 $0x278  }
0x9: {  	s5 =	smul.u32 $0x4E2, s4;
	s6 =	ssub.s32 $0x2, s4;
	_ =	strace $0x80000047  }
0xa: {  	s4 =	sor.u32 s4, s9;
	s16 =	sshrl.u32 @!p0 s1, $0x3;
	s10 =	sshrl.u32 s6, $0x1  }
0xb: {  	s12 =	smul.u32 $0x4E2, s4;
	s4 =	sadd.s32 $0xFA0, s1;
	s31 =	sadd.s32 s5, s3  }
0xc: {  	s10 =	ssub.s32 s6, s10;
	s3 =	sadd.s32 $0x7D0, s1;
	s5 =	sadd.s32 $0x1770, s1  }
0xd: {  	s6 =	sadd.s32 $0x1F40, s1;
	s7 =	sadd.s32 s7, s12;
	s8 =	sadd.s32 s8, s12  }
0xe: {  	v0 =	vimm.f32 $0.0e+00;
	s9 =	sadd.s32 $0x1400, s31;
	s10 =	smax.u32 s10, $0x1;
	s12 =	simm.s32 $0x1  }
.LBB2_1:
.Ltmp0:
0xf: {  	(pc) =	sbr.rel @p0 .LBB2_5-.Ltmp0, $1  }
0x10: {  	_ =	sdelay $0x3  }
0x11: {  	s17 =	simm.s32 $0x40;
	s18 =	simm.s32 $0x0  }
.LBB2_3:
0x12: {  	p1 =	sne.s32 s17, $0x1F00;
	[tilespmem:s18+$0x278] =	vst v0;
	s18 =	smov.u32 s17;
	s17 =	sadd.s32 $0x40, s17  }
.Ltmp1:
0x13: {  	(pc) =	sbr.rel @p1 .LBB2_3-.Ltmp1, $2  }
0x14: {  	_ =	sdelay $0x2  }
0x15: {  	s18 =	sshra.s32 s18, $0x2  }
0x16: {  	[tilespmem:s18+$0x278] =	vst v0  }
0x17: {  	[spmem:s1] =	stream.linear.scatter [tilespmem:s11], [sflag:$0x1], $0x7D0, $0x38;
	[tilespmem:$0x5868] =	vst v63  }
0x18: {  	_ =	swait.ge [sflag:s12], $0x7D0  }
0x19: {  	[sflag:s12] =	ssyncset.done $0x0  }
0x1a: {  	[sflag:s12] =	ssyncadd.s32 $0xFFFFF830  }
0x1b: {  	[spmem:s3] =	stream.linear.scatter [tilespmem:s11], [sflag:$0x1], $0x7D0, $0x38;
	[tilespmem:$0x5868] =	vst v63  }
0x1c: {  	_ =	swait.ge [sflag:s12], $0x7D0  }
0x1d: {  	[sflag:s12] =	ssyncset.done $0x0  }
0x1e: {  	[sflag:s12] =	ssyncadd.s32 $0xFFFFF830  }
0x1f: {  	[spmem:s4] =	stream.linear.scatter [tilespmem:s11], [sflag:$0x1], $0x7D0, $0x38;
	[tilespmem:$0x5868] =	vst v63  }
0x20: {  	_ =	swait.ge [sflag:s12], $0x7D0  }
0x21: {  	[sflag:s12] =	ssyncset.done $0x0  }
0x22: {  	[sflag:s12] =	ssyncadd.s32 $0xFFFFF830  }
0x23: {  	[spmem:s5] =	stream.linear.scatter [tilespmem:s11], [sflag:$0x1], $0x7D0, $0x38;
	[tilespmem:$0x5868] =	vst v63  }
0x24: {  	_ =	swait.ge [sflag:s12], $0x7D0  }
0x25: {  	[sflag:s12] =	ssyncset.done $0x0  }
0x26: {  	[sflag:s12] =	ssyncadd.s32 $0xFFFFF830  }
0x27: {  	[spmem:s6] =	stream.linear.scatter [tilespmem:s11], [sflag:$0x1], $0x7D0, $0x38;
	[tilespmem:$0x5868] =	vst v63  }
0x28: {  	_ =	swait.ge [sflag:s12], $0x7D0  }
0x29: {  	[sflag:s12] =	ssyncset.done $0x0  }
0x2a: {  	[sflag:s12] =	ssyncadd.s32 $0xFFFFF830  }
.LBB2_5:
0x2b: {  	[bflag:$0x0] =	sbarrier.arrive $0xFFFF;
	s17 =	simm.s32 $0x0  }
0x2c: {  	[tilespmem:s13], [sflag:$0x1] =	stream.linear.gather [hbm4b:s7+s17], $0x2710, $0x38;
	[tilespmem:$0x5868] =	vst v63  }
0x2d: {  	_ =	swait.ge [sflag:s12], $0x2710  }
0x2e: {  	[sflag:s12] =	ssyncset.done $0x0  }
0x2f: {  	[sflag:s12] =	ssyncadd.s32 $0xFFFFD8F0  }
0x30: {  	[tilespmem:s14], [sflag:$0x1] =	stream.linear.gather [hbm4b:s8+s17], $0x2710, $0x38;
	[tilespmem:$0x5868] =	vst v63  }
0x31: {  	_ =	swait.ge [sflag:s12], $0x2710  }
0x32: {  	[sflag:s12] =	ssyncset.done $0x0  }
0x33: {  	s31 =	simm.s32 $0xA48;
	s18 =	simm.s32 $0x3158;
	[sflag:s12] =	ssyncadd.s32 $0xFFFFD8F0  }
0x34: {  	[spmem:s1] =	stream.indirect.scatter.add.f32 [tilespmem:s31], [sflag:$0x1], $0x1, s18, s15, $0xb8;
	[tilespmem:$0x5868] =	vst v63  }
0x35: {  	s17 =	simm.s32 $0x140;
	_ =	swait.ge [sflag:s12], $0x50  }
.LBB2_6:
0x36: {  	s18 =	sshra.s32 s17, $0x2  }
0x37: {  	[sflag:s12] =	ssyncset.done $0x0;
	p1 =	sne.s32 s17, $0x9B00;
	s19 =	sadd.s32 $0xA48, s18  }
.Ltmp2:
0x38: {  	s18 =	sadd.s32 $0x3158, s18;
	[sflag:s12] =	ssyncadd.s32 $0xFFFFFFB0;
	(pc) =	sbr.rel @p1 .LBB2_6-.Ltmp2, $3  }
0x39: {  	[spmem:s1] =	stream.indirect.scatter.add.f32 [tilespmem:s19], [sflag:$0x1], $0x1, s18, s15, $0xb8;
	[tilespmem:$0x5868] =	vst v63  }
0x3a: {  	s17 =	sadd.s32 $0x140, s17;
	_ =	sdelay $0x1  }
0x3b: {  	_ =	swait.ge [sflag:s12], $0x50  }
0x3c: {  	[sflag:s12] =	ssyncset.done $0x0  }
0x3d: {  	s2 =	sadd.s32 $0x1, s2;
	[sflag:s12] =	ssyncadd.s32 $0xFFFFFFB0  }
0x3e: {  	s17 =	simm.s32 @!p0 $0x1C01;
	p1 =	sne.s32 s2, s10;
	[bflag:$0x0] =	sbarrier.arrive $0xFFFF  }
0x3f: {  	[hbm:s9], [sflag:s17] =	dma.local @!p0 [spmem:s16], $0x4E2  }
.Ltmp3:
0x40: {  	_ = 	snop;
	(pc) =	sbr.rel @p1 .LBB2_1-.Ltmp3, $4  }
0x41: {  	s17 =	simm.s32 @!p0 $0x1  }
0x42: {  	_ =	swait.ge @!p0 [sflag:s17], $0x4E2  }
0x43: {  	[sflag:s17] =	ssyncset.done @!p0 $0x0  }
0x44: {  	[sflag:s17] =	ssyncadd.s32 @!p0 $0xFFFFFB1E  }
0x45: {  	_ =	sfence.sel $0x180000  }
0x46: {  	[bflag:$0x0] =	sbarrier.arrive $0xFFFF  }
0x47: {  	_ =	strace $0x90000047  }
0x48: {  	s0 =	sadd.s32 @!p0 $0x100000, s0;
	[bflag:$0x2] =	sbarrier.arrive $0xFFFF  }
0x49: {  	[sflag:s0] =	ssyncadd.tile.s32 @!p0 $0x1;
	_ =	shalt  }
.Lfunc_end2:
_tile_overlayer_lowered:
.L_overlay_start_2:
0x4a: {  	(tag) =	ssettag $0x2  }
0x4b: {  	s0 =	rddreg [dreg:$0x0];
	s2 =	stileid.u32  }
0x4c: {  	s1 =	rddreg [dreg:$0x1];
	p0 =	sne.s32 s2, $0x0  }
0x4d: {  	s3 =	rddreg [dreg:$0x2];
	[bflag:$0x3] =	sbarrier.arrive $0xFFFF;
	s2 =	simm.s32 @!p0 $0x1C01  }
0x4e: {  	[timem:s3], [sflag:s2] =	dma.local @!p0 [hbm:s0], s1  }
0x4f: {  	s0 =	simm.s32 @!p0 $0x1  }
0x50: {  	_ =	swait.ge @!p0 [sflag:s0], s1  }
0x51: {  	s1 =	ssub.s32 @!p0 $0x0, s1;
	[sflag:s0] =	ssyncset.done @!p0 $0x0  }
0x52: {  	[sflag:s0] =	ssyncadd.s32 @!p0 s1  }
0x53: {  	[bflag:$0x3] =	sbarrier.arrive $0xFFFF  }
0x54: {  	_ =	shalt  }

</sc_bundles>
